<compile_context>
chip_gen: v7x
topology: tpu7x:2x2x1
jax: 0.10.2.dev20260603
libtpu: 0.0.44.dev20260713+nightly
codegen_flags: <defaults>
</compile_context>

<pallas_src>
import dataclasses
import functools
import math

import jax
import jax.numpy as jnp
from jax import lax
from jax.experimental import pallas as pl
from jax.experimental.pallas import tpu as pltpu
from jax.experimental.pallas import tpu_sc as plsc

N = 10000
E = 320000
D = 128
DC = 64
NLAYERS = 4
ALPHA_C = 0.5
LAMB_C = 1.0

NC = 2
NS = 16
NW = NC * NS
CH = 128
CPT = 80
WIN = 40
EP = NW * CPT * CH
PAD = EP - E
AGG_ROWS = 10112
ZPT = AGG_ROWS // NS

DEG_ROWS_TOTAL = EP // CH
DEG_RPT = DEG_ROWS_TOTAL // NS
DEGN = 10240
DEG_SEG = DEGN // NS

BM = 1000
GRID = N // BM


def _sc_mesh():
    return plsc.VectorSubcoreMesh(core_axis_name="c", subcore_axis_name="s")


def _sc_params():
    cp = pltpu.CompilerParams()
    if "needs_layout_passes" in pltpu.CompilerParams.__dataclass_fields__:
        cp = dataclasses.replace(cp, needs_layout_passes=False)
    return cp


def _sc_degrees(ei_flat):
    @functools.partial(
        pl.kernel,
        out_type=jax.ShapeDtypeStruct((NC * DEGN,), jnp.float32),
        mesh=_sc_mesh(),
        compiler_params=_sc_params(),
        scratch_types=[
            pltpu.VMEM((DEG_RPT, CH), jnp.int32),
            pltpu.VMEM((DEGN,), jnp.float32),
            pltpu.VMEM((DEG_SEG,), jnp.float32),
            pltpu.VMEM((DEG_SEG,), jnp.float32),
            pltpu.VMEM_SHARED((NS, DEGN), jnp.float32),
        ],
    )
    def k(ei_hbm, out_hbm, idx_v, hist, acc, stg, sh):
        c = lax.axis_index("c")
        s = lax.axis_index("s")

        @pl.loop(0, DEGN, step=16)
        def _(i):
            hist[pl.ds(i, 16)] = jnp.zeros((16,), jnp.float32)

        pltpu.sync_copy(
            ei_hbm.at[pl.ds(c * DEG_ROWS_TOTAL + s * DEG_RPT, DEG_RPT)], idx_v)
        ones = jnp.ones((16,), jnp.float32)

        @pl.loop(0, DEG_RPT)
        def _(r):
            for kk in range(CH // 16):
                iv = idx_v[r, pl.ds(kk * 16, 16)]
                plsc.addupdate_scatter(hist, [iv], ones)

        pltpu.sync_copy(hist, sh.at[s])
        plsc.subcore_barrier()

        @pl.loop(0, DEG_SEG, step=16)
        def _(i):
            acc[pl.ds(i, 16)] = jnp.zeros((16,), jnp.float32)

        for r in range(NS):
            pltpu.sync_copy(sh.at[r, pl.ds(s * DEG_SEG, DEG_SEG)], stg)

            @pl.loop(0, DEG_SEG, step=16)
            def _(i):
                acc[pl.ds(i, 16)] = acc[pl.ds(i, 16)] + stg[pl.ds(i, 16)]

        pltpu.sync_copy(acc, out_hbm.at[pl.ds(c * DEGN + s * DEG_SEG, DEG_SEG)])

    return k(ei_flat)


def _sc_propagate(hs, src2d, dst2d):
    @functools.partial(
        pl.kernel,
        out_type=jax.ShapeDtypeStruct((NC * AGG_ROWS, D), jnp.float32),
        mesh=_sc_mesh(),
        scratch_types=[
            pltpu.VMEM((WIN, CH), jnp.int32),
            pltpu.VMEM((WIN, CH), jnp.int32),
            pltpu.VMEM((CH, D), jnp.float32),
            pltpu.VMEM((CH, D), jnp.float32),
            pltpu.VMEM_SHARED((AGG_ROWS, D), jnp.float32),
            pltpu.SemaphoreType.DMA,
            pltpu.SemaphoreType.DMA,
        ],
    )
    def k(hs_hbm, src_hbm, dst_hbm, out_hbm, src_v, dst_v, bufa, bufb,
          agg_sh, sema, semb):
        c = lax.axis_index("c")
        s = lax.axis_index("s")
        wid = c * NS + s

        @pl.loop(0, CH)
        def _(i):
            for kk in range(D // 16):
                bufa[i, pl.ds(kk * 16, 16)] = jnp.zeros((16,), jnp.float32)

        zbase = s * ZPT
        for kk in range(ZPT // CH):
            pltpu.sync_copy(bufa, agg_sh.at[pl.ds(zbase + kk * CH, CH)])
        rem = ZPT % CH
        pltpu.sync_copy(bufa.at[pl.ds(0, rem)],
                        agg_sh.at[pl.ds(zbase + (ZPT // CH) * CH, rem)])

        row0 = wid * CPT
        pltpu.sync_copy(src_hbm.at[pl.ds(row0, WIN)], src_v)
        pltpu.sync_copy(dst_hbm.at[pl.ds(row0, WIN)], dst_v)
        plsc.subcore_barrier()

        def wrow(k):
            return k - jnp.where(k >= WIN, WIN, 0)

        def start_g(k, buf, sem):
            pltpu.async_copy(hs_hbm.at[src_v.at[wrow(k)]], buf, sem)

        def wait_g(buf, sem):
            pltpu.make_async_copy(hs_hbm.at[src_v.at[0]], buf, sem).wait()

        def scat(k, buf):
            pltpu.sync_copy(buf, agg_sh.at[dst_v.at[wrow(k)]], add=True)

        start_g(0, bufa, sema)

        @pl.loop(0, CPT - 2, step=2)
        def _(j):
            wait_g(bufa, sema)
            start_g(j + 1, bufb, semb)
            scat(j, bufa)
            wait_g(bufb, semb)

            @pl.when(j == WIN - 2)
            def _():
                pltpu.sync_copy(src_hbm.at[pl.ds(row0 + WIN, WIN)], src_v)

            start_g(j + 2, bufa, sema)
            scat(j + 1, bufb)

            @pl.when(j == WIN - 2)
            def _():
                pltpu.sync_copy(dst_hbm.at[pl.ds(row0 + WIN, WIN)], dst_v)

        wait_g(bufa, sema)
        start_g(CPT - 1, bufb, semb)
        scat(CPT - 2, bufa)
        wait_g(bufb, semb)
        scat(CPT - 1, bufb)

        plsc.subcore_barrier()
        pltpu.sync_copy(agg_sh.at[pl.ds(zbase, ZPT)],
                        out_hbm.at[pl.ds(c * AGG_ROWS + zbase, ZPT)])

    return k(hs, src2d, dst2d)


def _fc1_body(x_ref, w_ref, b_ref, dout_ref, h0_ref, hs0_ref):
    acc = jnp.dot(x_ref[...], w_ref[...], preferred_element_type=jnp.float32)
    h0 = jnp.maximum(acc + b_ref[0][None, :], 0.0)
    ns = lax.rsqrt(jnp.maximum(dout_ref[...], 1.0))
    h0_ref[...] = h0
    hs0_ref[...] = h0 * ns


def _tc_fc1(x, fc1_w, fc1_b, deg_out):
    return pl.pallas_call(
        _fc1_body,
        grid=(GRID,),
        in_specs=[
            pl.BlockSpec((BM, D), lambda i: (i, 0)),
            pl.BlockSpec((D, D), lambda i: (0, 0)),
            pl.BlockSpec((1, D), lambda i: (0, 0)),
            pl.BlockSpec((BM, 1), lambda i: (i, 0)),
        ],
        out_specs=[
            pl.BlockSpec((BM, D), lambda i: (i, 0)),
            pl.BlockSpec((BM, D), lambda i: (i, 0)),
        ],
        out_shape=[
            jax.ShapeDtypeStruct((N, D), jnp.float32),
            jax.ShapeDtypeStruct((N, D), jnp.float32),
        ],
    )(x, fc1_w, fc1_b, deg_out)


def _layer_body(beta, p0_ref, p1_ref, h0_ref, h_ref, din_ref, dout_ref, w_ref,
                hn_ref, hsn_ref):
    nd = lax.rsqrt(jnp.maximum(din_ref[...], 1.0))
    feat = (p0_ref[...] + p1_ref[...]) * nd
    feat = (1.0 - ALPHA_C) * feat + ALPHA_C * h0_ref[...]
    mm = jnp.dot(feat, w_ref[...], preferred_element_type=jnp.float32)
    rst = (1.0 - beta) * feat + beta * mm
    hn = jnp.maximum(rst + h_ref[...], 0.0)
    ns = lax.rsqrt(jnp.maximum(dout_ref[...], 1.0))
    hn_ref[...] = hn
    hsn_ref[...] = hn * ns


def _tc_layer(beta, p0, p1, h0, h, deg_in, deg_out, w):
    return pl.pallas_call(
        functools.partial(_layer_body, beta),
        grid=(GRID,),
        in_specs=[
            pl.BlockSpec((BM, D), lambda i: (i, 0)),
            pl.BlockSpec((BM, D), lambda i: (i, 0)),
            pl.BlockSpec((BM, D), lambda i: (i, 0)),
            pl.BlockSpec((BM, D), lambda i: (i, 0)),
            pl.BlockSpec((BM, 1), lambda i: (i, 0)),
            pl.BlockSpec((BM, 1), lambda i: (i, 0)),
            pl.BlockSpec((D, D), lambda i: (0, 0)),
        ],
        out_specs=[
            pl.BlockSpec((BM, D), lambda i: (i, 0)),
            pl.BlockSpec((BM, D), lambda i: (i, 0)),
        ],
        out_shape=[
            jax.ShapeDtypeStruct((N, D), jnp.float32),
            jax.ShapeDtypeStruct((N, D), jnp.float32),
        ],
    )(p0, p1, h0, h, deg_in, deg_out, w)


def _fc2_body(h_ref, w_ref, b_ref, o_ref):
    acc = jnp.dot(h_ref[...], w_ref[...], preferred_element_type=jnp.float32)
    o_ref[...] = acc + b_ref[0][None, :]


def _tc_fc2(h, fc2_w, fc2_b):
    return pl.pallas_call(
        _fc2_body,
        grid=(GRID,),
        in_specs=[
            pl.BlockSpec((BM, D), lambda i: (i, 0)),
            pl.BlockSpec((D, DC), lambda i: (0, 0)),
            pl.BlockSpec((1, DC), lambda i: (0, 0)),
        ],
        out_specs=pl.BlockSpec((BM, DC), lambda i: (i, 0)),
        out_shape=jax.ShapeDtypeStruct((N, DC), jnp.float32),
    )(h, fc2_w, fc2_b)


def kernel(x, edge_index, fc1_w, fc1_b, Ws, fc2_w, fc2_b):
    src = edge_index[0]
    dst = edge_index[1]

    pad_src = jnp.arange(PAD, dtype=jnp.int32) % N
    pad_dst = N + jnp.arange(PAD, dtype=jnp.int32) % (AGG_ROWS - N)
    src_p = jnp.concatenate([src, pad_src]).reshape(NW * CPT, CH)
    dst_p = jnp.concatenate([dst, pad_dst]).reshape(NW * CPT, CH)
    pad_deg = N + jnp.arange(PAD, dtype=jnp.int32) % (DEGN - N)
    ei_deg = jnp.concatenate(
        [edge_index, jnp.stack([pad_deg, pad_deg])], axis=1).reshape(
        2 * DEG_ROWS_TOTAL, CH)

    degs = _sc_degrees(ei_deg)
    deg_out = degs[:N, None]
    deg_in = degs[DEGN:DEGN + N, None]

    h0, hs = _tc_fc1(x, fc1_w, fc1_b.reshape(1, D), deg_out)
    h = h0
    for l in range(NLAYERS):
        part = _sc_propagate(hs, src_p, dst_p)
        beta = math.log(LAMB_C / (l + 1) + 1.0)
        h, hs = _tc_layer(beta, part[:N], part[AGG_ROWS:AGG_ROWS + N], h0, h,
                          deg_in, deg_out, Ws[l])
    return _tc_fc2(h, fc2_w, fc2_b.reshape(1, DC))

# --- scband reference (transcript-rebuilt; emitter-appended) ---
"""Pipeline reference for scband-gcn2-23742579212601 (READ-ONLY COPY).

The authoritative reference and input builder live on the scoring server;
editing this copy changes nothing except your own understanding.
"""

import jax, jax.numpy as jnp
import numpy as np
import math

N_NODES = 10000
N_EDGES = 320000
IN_FEATS = 128
N_HIDDEN = 128
N_CLASSES = 64
N_LAYERS = 4
ALPHA = 0.5
LAMB = 1.0


def setup_inputs(seed: int = 0) -> dict:
    key = jax.random.key(seed)
    ks = jax.random.split(key, 8)
    x = jax.random.normal(ks[0], (N_NODES, IN_FEATS), dtype=jnp.float32)
    edge_index = jax.random.randint(ks[1], (2, N_EDGES), 0, N_NODES, dtype=jnp.int32)
    fc1_w = jax.random.normal(ks[2], (IN_FEATS, N_HIDDEN), dtype=jnp.float32) * (1.0 / math.sqrt(IN_FEATS))
    fc1_b = jnp.zeros((N_HIDDEN,), dtype=jnp.float32)
    Ws = jax.random.normal(ks[3], (N_LAYERS, N_HIDDEN, N_HIDDEN), dtype=jnp.float32) * (1.0 / math.sqrt(N_HIDDEN))
    fc2_w = jax.random.normal(ks[4], (N_HIDDEN, N_CLASSES), dtype=jnp.float32) * (1.0 / math.sqrt(N_HIDDEN))
    fc2_b = jnp.zeros((N_CLASSES,), dtype=jnp.float32)
    return {"x": x, "edge_index": edge_index, "fc1_w": fc1_w, "fc1_b": fc1_b, "Ws": Ws, "fc2_w": fc2_w, "fc2_b": fc2_b}


def reference(x, edge_index, fc1_w, fc1_b, Ws, fc2_w, fc2_b):
    # Faithful GCNII (GCN2Conv, norm='both', shared weight) forward in eval mode
    # (dropout = identity). saint_normalize defaults to False.
    src = edge_index[0]
    dst = edge_index[1]
    deg_out = jnp.maximum(jnp.bincount(src, length=N_NODES), 1).astype(jnp.float32)
    deg_in = jnp.maximum(jnp.bincount(dst, length=N_NODES), 1).astype(jnp.float32)
    norm_src = deg_out ** -0.5
    norm_dst = deg_in ** -0.5

    # feature_preprocess: dropout (identity in eval) -> fc1 -> relu
    h0 = jax.nn.relu(x @ fc1_w + fc1_b)
    h = h0
    for l in range(N_LAYERS):
        identity = h
        # symmetric-normalized propagation: D_in^{-1/2} A D_out^{-1/2} h
        m = (h * norm_src[:, None])[src]
        agg = jax.ops.segment_sum(m, dst, num_segments=N_NODES)
        feat = agg * norm_dst[:, None]
        # initial residual
        feat = (1.0 - ALPHA) * feat + ALPHA * h0
        # identity mapping with beta = log(lambda/layer + 1), layer index starts at 1
        beta = math.log(LAMB / (l + 1) + 1.0)
        rst = (1.0 - beta) * feat + beta * (feat @ Ws[l])
        h = jax.nn.relu(rst + identity)
    return h @ fc2_w + fc2_b

if __name__ == "__main__":
    import jax
    _d = setup_inputs()
    print(jax.jit(kernel)(*tuple(_d.values())))

</pallas_src>

<mosaic_0001>
#map = affine_map<(d0, d1) -> (0, 0)>
#map1 = affine_map<(d0, d1) -> (0)>
module attributes {stable_mosaic.version = 14 : i64} {
  func.func @k(%arg0: i32, %arg1: i32, %arg2: memref<5120x128xi32, #tpu.memory_space<hbm>>, %arg3: memref<20480xf32, #tpu.memory_space<hbm>>, %arg4: memref<160x128xi32, #tpu.memory_space<vmem>>, %arg5: memref<10240xf32, #tpu.memory_space<vmem>>, %arg6: memref<640xf32, #tpu.memory_space<vmem>>, %arg7: memref<640xf32, #tpu.memory_space<vmem>>, %arg8: memref<16x10240xf32, #tpu.memory_space<vmem_shared>>) attributes {dimension_semantics = [#tpu.dimension_semantics<core_parallel>, #tpu.dimension_semantics<subcore_parallel>], iteration_bounds = array<i64: 2, 16>, scalar_prefetch = 0 : i64, scratch_operands = 5 : i64, tpu.core_type = #tpu.core_type<sc_vector_subcore>, window_params = [{transform_indices = #map}, {transform_indices = #map1}]} {
    %scan3A = arith.constant 0 : i32
    %scan3A_0 = arith.constant 640 : i32
    %scan3A_1 = arith.addi %scan3A, %scan3A_0 : i32
    %scan3A_2 = arith.constant 1 : i32
    scf.for %scan3A_150 = %scan3A to %scan3A_1 step %scan3A_2  : i32 {
      %mul3A_151 = arith.constant 16 : i32
      %mul3A_152 = arith.muli %scan3A_150, %mul3A_151 : i32
      %add3A_153 = arith.constant 0 : i32
      %add3A_154 = arith.addi %add3A_153, %mul3A_152 : i32
      %broadcast_in_dim3A_155 = arith.constant 0.000000e+00 : f32
      %broadcast_in_dim3A_156 = vector.broadcast %broadcast_in_dim3A_155 : f32 to vector<16xf32>
      %swap3A = arith.index_cast %add3A_154 : i32 to index
      %swap3A_157 = tpu.vector_load %arg5[%swap3A] {strides = array<i32>} : memref<10240xf32, #tpu.memory_space<vmem>>, vector<16xf32>,
      tpu.vector_store %arg5[%swap3A], %broadcast_in_dim3A_156 {strides = array<i32>} : memref<10240xf32, #tpu.memory_space<vmem>>, vector<16xf32>,
    }
    %scan3A_3 = arith.constant 640 : i32
    %mul3A = arith.constant 2560 : i32
    %mul3A_4 = arith.muli %arg0, %mul3A : i32
    %mul3A_5 = arith.constant 160 : i32
    %mul3A_6 = arith.muli %arg1, %mul3A_5 : i32
    %add3A = arith.addi %mul3A_4, %mul3A_6 : i32
    "tpu.region"() ({
      %run_scoped3A_150 = tpu.sem_alloc : memref<!tpu.dma_semaphore, #tpu.memory_space<semaphore_mem>>
      %dma_start3A = arith.constant 0 : i32
      %dma_start3A_151 = tpu.memref_slice %arg2[%add3A, %dma_start3A] : memref<5120x128xi32, #tpu.memory_space<hbm>> -> memref<160x128xi32, #tpu.memory_space<hbm>>
      %dma_start3A_152 = arith.constant 0 : i32
      %dma_start3A_153 = tpu.memref_slice %arg2[%add3A, %dma_start3A_152] : memref<5120x128xi32, #tpu.memory_space<hbm>> -> memref<160x128xi32, #tpu.memory_space<hbm>>
      tpu.enqueue_dma source(%dma_start3A_153 : memref<160x128xi32, #tpu.memory_space<hbm>>) target(%arg4 : memref<160x128xi32, #tpu.memory_space<vmem>>) target_semaphore(%run_scoped3A_150 : memref<!tpu.dma_semaphore, #tpu.memory_space<semaphore_mem>>)
      %dma_wait3A = arith.constant 0 : i32
      %dma_wait3A_154 = tpu.memref_slice %arg2[%add3A, %dma_wait3A] : memref<5120x128xi32, #tpu.memory_space<hbm>> -> memref<160x128xi32, #tpu.memory_space<hbm>>
      %dma_wait3A_155 = arith.constant 0 : i32
      %dma_wait3A_156 = tpu.memref_slice %arg2[%add3A, %dma_wait3A_155] : memref<5120x128xi32, #tpu.memory_space<hbm>> -> memref<160x128xi32, #tpu.memory_space<hbm>>
      tpu.wait_dma2 semaphore(%run_scoped3A_150 : memref<!tpu.dma_semaphore, #tpu.memory_space<semaphore_mem>>) src(%dma_wait3A_156 : memref<160x128xi32, #tpu.memory_space<hbm>>) dst(%arg4 : memref<160x128xi32, #tpu.memory_space<vmem>>)
      tpu.yield
    }) : () -> ()
    %broadcast_in_dim3A = arith.constant 1.000000e+00 : f32
    %broadcast_in_dim3A_7 = vector.broadcast %broadcast_in_dim3A : f32 to vector<16xf32>
    %scan3A_8 = arith.constant 0 : i32
    %scan3A_9 = arith.constant 160 : i32
    %scan3A_10 = arith.addi %scan3A_8, %scan3A_9 : i32
    %scan3A_11 = arith.constant 1 : i32
    scf.for %scan3A_150 = %scan3A_8 to %scan3A_10 step %scan3A_11  : i32 {
      %mul3A_151 = arith.constant 1 : i32
      %mul3A_152 = arith.muli %scan3A_150, %mul3A_151 : i32
      %add3A_153 = arith.constant 0 : i32
      %add3A_154 = arith.addi %add3A_153, %mul3A_152 : i32
      %get3A = arith.index_cast %add3A_154 : i32 to index
      %get3A_155 = arith.constant 0 : index
      %get3A_156 = tpu.vector_load %arg4[%get3A, %get3A_155] {strides = array<i32>} : memref<160x128xi32, #tpu.memory_space<vmem>>, vector<16xi32>,
      tpu.vector_store_idx %arg5[%get3A_156], %broadcast_in_dim3A_7 {add = true} : memref<10240xf32, #tpu.memory_space<vmem>>[vector<16xi32>], vector<16xf32>,
      %get3A_157 = arith.index_cast %add3A_154 : i32 to index
      %get3A_158 = arith.constant 16 : index
      %get3A_159 = tpu.vector_load %arg4[%get3A_157, %get3A_158] {strides = array<i32>} : memref<160x128xi32, #tpu.memory_space<vmem>>, vector<16xi32>,
      tpu.vector_store_idx %arg5[%get3A_159], %broadcast_in_dim3A_7 {add = true} : memref<10240xf32, #tpu.memory_space<vmem>>[vector<16xi32>], vector<16xf32>,
      %get3A_160 = arith.index_cast %add3A_154 : i32 to index
      %get3A_161 = arith.constant 32 : index
      %get3A_162 = tpu.vector_load %arg4[%get3A_160, %get3A_161] {strides = array<i32>} : memref<160x128xi32, #tpu.memory_space<vmem>>, vector<16xi32>,
      tpu.vector_store_idx %arg5[%get3A_162], %broadcast_in_dim3A_7 {add = true} : memref<10240xf32, #tpu.memory_space<vmem>>[vector<16xi32>], vector<16xf32>,
      %get3A_163 = arith.index_cast %add3A_154 : i32 to index
      %get3A_164 = arith.constant 48 : index
      %get3A_165 = tpu.vector_load %arg4[%get3A_163, %get3A_164] {strides = array<i32>} : memref<160x128xi32, #tpu.memory_space<vmem>>, vector<16xi32>,
      tpu.vector_store_idx %arg5[%get3A_165], %broadcast_in_dim3A_7 {add = true} : memref<10240xf32, #tpu.memory_space<vmem>>[vector<16xi32>], vector<16xf32>,
      %get3A_166 = arith.index_cast %add3A_154 : i32 to index
      %get3A_167 = arith.constant 64 : index
      %get3A_168 = tpu.vector_load %arg4[%get3A_166, %get3A_167] {strides = array<i32>} : memref<160x128xi32, #tpu.memory_space<vmem>>, vector<16xi32>,
      tpu.vector_store_idx %arg5[%get3A_168], %broadcast_in_dim3A_7 {add = true} : memref<10240xf32, #tpu.memory_space<vmem>>[vector<16xi32>], vector<16xf32>,
      %get3A_169 = arith.index_cast %add3A_154 : i32 to index
      %get3A_170 = arith.constant 80 : index
      %get3A_171 = tpu.vector_load %arg4[%get3A_169, %get3A_170] {strides = array<i32>} : memref<160x128xi32, #tpu.memory_space<vmem>>, vector<16xi32>,
      tpu.vector_store_idx %arg5[%get3A_171], %broadcast_in_dim3A_7 {add = true} : memref<10240xf32, #tpu.memory_space<vmem>>[vector<16xi32>], vector<16xf32>,
      %get3A_172 = arith.index_cast %add3A_154 : i32 to index
      %get3A_173 = arith.constant 96 : index
      %get3A_174 = tpu.vector_load %arg4[%get3A_172, %get3A_173] {strides = array<i32>} : memref<160x128xi32, #tpu.memory_space<vmem>>, vector<16xi32>,
      tpu.vector_store_idx %arg5[%get3A_174], %broadcast_in_dim3A_7 {add = true} : memref<10240xf32, #tpu.memory_space<vmem>>[vector<16xi32>], vector<16xf32>,
      %get3A_175 = arith.index_cast %add3A_154 : i32 to index
      %get3A_176 = arith.constant 112 : index
      %get3A_177 = tpu.vector_load %arg4[%get3A_175, %get3A_176] {strides = array<i32>} : memref<160x128xi32, #tpu.memory_space<vmem>>, vector<16xi32>,
      tpu.vector_store_idx %arg5[%get3A_177], %broadcast_in_dim3A_7 {add = true} : memref<10240xf32, #tpu.memory_space<vmem>>[vector<16xi32>], vector<16xf32>,
    }
    %scan3A_12 = arith.constant 160 : i32
    "tpu.region"() ({
      %run_scoped3A_150 = tpu.sem_alloc : memref<!tpu.dma_semaphore, #tpu.memory_space<semaphore_mem>>
      %dma_start3A = arith.constant 0 : i32
      %dma_start3A_151 = tpu.memref_slice %arg8[%arg1, %dma_start3A] : memref<16x10240xf32, #tpu.memory_space<vmem_shared>> -> memref<1x10240xf32, #tpu.memory_space<vmem_shared>>
      %dma_start3A_152 = tpu.memref_squeeze %dma_start3A_151 : memref<1x10240xf32, #tpu.memory_space<vmem_shared>> -> memref<10240xf32, #tpu.memory_space<vmem_shared>>
      %dma_start3A_153 = arith.constant 0 : i32
      %dma_start3A_154 = tpu.memref_slice %arg8[%arg1, %dma_start3A_153] : memref<16x10240xf32, #tpu.memory_space<vmem_shared>> -> memref<1x10240xf32, #tpu.memory_space<vmem_shared>>
      %dma_start3A_155 = tpu.memref_squeeze %dma_start3A_154 : memref<1x10240xf32, #tpu.memory_space<vmem_shared>> -> memref<10240xf32, #tpu.memory_space<vmem_shared>>
      tpu.enqueue_dma source(%arg5 : memref<10240xf32, #tpu.memory_space<vmem>>) target(%dma_start3A_155 : memref<10240xf32, #tpu.memory_space<vmem_shared>>) target_semaphore(%run_scoped3A_150 : memref<!tpu.dma_semaphore, #tpu.memory_space<semaphore_mem>>)
      %dma_wait3A = arith.constant 0 : i32
      %dma_wait3A_156 = tpu.memref_slice %arg8[%arg1, %dma_wait3A] : memref<16x10240xf32, #tpu.memory_space<vmem_shared>> -> memref<1x10240xf32, #tpu.memory_space<vmem_shared>>
      %dma_wait3A_157 = tpu.memref_squeeze %dma_wait3A_156 : memref<1x10240xf32, #tpu.memory_space<vmem_shared>> -> memref<10240xf32, #tpu.memory_space<vmem_shared>>
      %dma_wait3A_158 = arith.constant 0 : i32
      %dma_wait3A_159 = tpu.memref_slice %arg8[%arg1, %dma_wait3A_158] : memref<16x10240xf32, #tpu.memory_space<vmem_shared>> -> memref<1x10240xf32, #tpu.memory_space<vmem_shared>>
      %dma_wait3A_160 = tpu.memref_squeeze %dma_wait3A_159 : memref<1x10240xf32, #tpu.memory_space<vmem_shared>> -> memref<10240xf32, #tpu.memory_space<vmem_shared>>
      tpu.wait_dma2 semaphore(%run_scoped3A_150 : memref<!tpu.dma_semaphore, #tpu.memory_space<semaphore_mem>>) src(%arg5 : memref<10240xf32, #tpu.memory_space<vmem>>) dst(%dma_wait3A_160 : memref<10240xf32, #tpu.memory_space<vmem_shared>>)
      tpu.yield
    }) : () -> ()
    %barrier3A = arith.constant 0 : index
    tpu.barrier barrier_id(%barrier3A)
    %scan3A_13 = arith.constant 0 : i32
    %scan3A_14 = arith.constant 40 : i32
    %scan3A_15 = arith.addi %scan3A_13, %scan3A_14 : i32
    %scan3A_16 = arith.constant 1 : i32
    scf.for %scan3A_150 = %scan3A_13 to %scan3A_15 step %scan3A_16  : i32 {
      %mul3A_151 = arith.constant 16 : i32
      %mul3A_152 = arith.muli %scan3A_150, %mul3A_151 : i32
      %add3A_153 = arith.constant 0 : i32
      %add3A_154 = arith.addi %add3A_153, %mul3A_152 : i32
      %broadcast_in_dim3A_155 = arith.constant 0.000000e+00 : f32
      %broadcast_in_dim3A_156 = vector.broadcast %broadcast_in_dim3A_155 : f32 to vector<16xf32>
      %swap3A = arith.index_cast %add3A_154 : i32 to index
      %swap3A_157 = tpu.vector_load %arg6[%swap3A] {strides = array<i32>} : memref<640xf32, #tpu.memory_space<vmem>>, vector<16xf32>,
      tpu.vector_store %arg6[%swap3A], %broadcast_in_dim3A_156 {strides = array<i32>} : memref<640xf32, #tpu.memory_space<vmem>>, vector<16xf32>,
    }
    %scan3A_17 = arith.constant 40 : i32
    %mul3A_18 = arith.constant 640 : i32
    %mul3A_19 = arith.muli %arg1, %mul3A_18 : i32
    %run_scoped3A = arith.constant 0 : i32
    "tpu.region"() ({
      %run_scoped3A_150 = tpu.sem_alloc : memref<!tpu.dma_semaphore, #tpu.memory_space<semaphore_mem>>
      %dma_start3A = tpu.memref_slice %arg8[%run_scoped3A, %mul3A_19] : memref<16x10240xf32, #tpu.memory_space<vmem_shared>> -> memref<1x640xf32, #tpu.memory_space<vmem_shared>>
      %dma_start3A_151 = tpu.memref_squeeze %dma_start3A : memref<1x640xf32, #tpu.memory_space<vmem_shared>> -> memref<640xf32, #tpu.memory_space<vmem_shared>>
      %dma_start3A_152 = tpu.memref_slice %arg8[%run_scoped3A, %mul3A_19] : memref<16x10240xf32, #tpu.memory_space<vmem_shared>> -> memref<1x640xf32, #tpu.memory_space<vmem_shared>>
      %dma_start3A_153 = tpu.memref_squeeze %dma_start3A_152 : memref<1x640xf32, #tpu.memory_space<vmem_shared>> -> memref<640xf32, #tpu.memory_space<vmem_shared>>
      tpu.enqueue_dma source(%dma_start3A_153 : memref<640xf32, #tpu.memory_space<vmem_shared>>) target(%arg7 : memref<640xf32, #tpu.memory_space<vmem>>) target_semaphore(%run_scoped3A_150 : memref<!tpu.dma_semaphore, #tpu.memory_space<semaphore_mem>>)
      %dma_wait3A = tpu.memref_slice %arg8[%run_scoped3A, %mul3A_19] : memref<16x10240xf32, #tpu.memory_space<vmem_shared>> -> memref<1x640xf32, #tpu.memory_space<vmem_shared>>
      %dma_wait3A_154 = tpu.memref_squeeze %dma_wait3A : memref<1x640xf32, #tpu.memory_space<vmem_shared>> -> memref<640xf32, #tpu.memory_space<vmem_shared>>
      %dma_wait3A_155 = tpu.memref_slice %arg8[%run_scoped3A, %mul3A_19] : memref<16x10240xf32, #tpu.memory_space<vmem_shared>> -> memref<1x640xf32, #tpu.memory_space<vmem_shared>>
      %dma_wait3A_156 = tpu.memref_squeeze %dma_wait3A_155 : memref<1x640xf32, #tpu.memory_space<vmem_shared>> -> memref<640xf32, #tpu.memory_space<vmem_shared>>
      tpu.wait_dma2 semaphore(%run_scoped3A_150 : memref<!tpu.dma_semaphore, #tpu.memory_space<semaphore_mem>>) src(%dma_wait3A_156 : memref<640xf32, #tpu.memory_space<vmem_shared>>) dst(%arg7 : memref<640xf32, #tpu.memory_space<vmem>>)
      tpu.yield
    }) : () -> ()
    %scan3A_20 = arith.constant 0 : i32
    %scan3A_21 = arith.constant 40 : i32
    %scan3A_22 = arith.addi %scan3A_20, %scan3A_21 : i32
    %scan3A_23 = arith.constant 1 : i32
    scf.for %scan3A_150 = %scan3A_20 to %scan3A_22 step %scan3A_23  : i32 {
      %mul3A_151 = arith.constant 16 : i32
      %mul3A_152 = arith.muli %scan3A_150, %mul3A_151 : i32
      %add3A_153 = arith.constant 0 : i32
      %add3A_154 = arith.addi %add3A_153, %mul3A_152 : i32
      %get3A = arith.index_cast %add3A_154 : i32 to index
      %get3A_155 = tpu.vector_load %arg6[%get3A] {strides = array<i32>} : memref<640xf32, #tpu.memory_space<vmem>>, vector<16xf32>,
      %get3A_156 = arith.index_cast %add3A_154 : i32 to index
      %get3A_157 = tpu.vector_load %arg7[%get3A_156] {strides = array<i32>} : memref<640xf32, #tpu.memory_space<vmem>>, vector<16xf32>,
      %add3A_158 = arith.addf %get3A_155, %get3A_157 : vector<16xf32>
      %swap3A = arith.index_cast %add3A_154 : i32 to index
      %swap3A_159 = tpu.vector_load %arg6[%swap3A] {strides = array<i32>} : memref<640xf32, #tpu.memory_space<vmem>>, vector<16xf32>,
      tpu.vector_store %arg6[%swap3A], %add3A_158 {strides = array<i32>} : memref<640xf32, #tpu.memory_space<vmem>>, vector<16xf32>,
    }
    %scan3A_24 = arith.constant 40 : i32
    %mul3A_25 = arith.constant 640 : i32
    %mul3A_26 = arith.muli %arg1, %mul3A_25 : i32
    %run_scoped3A_27 = arith.constant 1 : i32
    "tpu.region"() ({
      %run_scoped3A_150 = tpu.sem_alloc : memref<!tpu.dma_semaphore, #tpu.memory_space<semaphore_mem>>
      %dma_start3A = tpu.memref_slice %arg8[%run_scoped3A_27, %mul3A_26] : memref<16x10240xf32, #tpu.memory_space<vmem_shared>> -> memref<1x640xf32, #tpu.memory_space<vmem_shared>>
      %dma_start3A_151 = tpu.memref_squeeze %dma_start3A : memref<1x640xf32, #tpu.memory_space<vmem_shared>> -> memref<640xf32, #tpu.memory_space<vmem_shared>>
      %dma_start3A_152 = tpu.memref_slice %arg8[%run_scoped3A_27, %mul3A_26] : memref<16x10240xf32, #tpu.memory_space<vmem_shared>> -> memref<1x640xf32, #tpu.memory_space<vmem_shared>>
      %dma_start3A_153 = tpu.memref_squeeze %dma_start3A_152 : memref<1x640xf32, #tpu.memory_space<vmem_shared>> -> memref<640xf32, #tpu.memory_space<vmem_shared>>
      tpu.enqueue_dma source(%dma_start3A_153 : memref<640xf32, #tpu.memory_space<vmem_shared>>) target(%arg7 : memref<640xf32, #tpu.memory_space<vmem>>) target_semaphore(%run_scoped3A_150 : memref<!tpu.dma_semaphore, #tpu.memory_space<semaphore_mem>>)
      %dma_wait3A = tpu.memref_slice %arg8[%run_scoped3A_27, %mul3A_26] : memref<16x10240xf32, #tpu.memory_space<vmem_shared>> -> memref<1x640xf32, #tpu.memory_space<vmem_shared>>
      %dma_wait3A_154 = tpu.memref_squeeze %dma_wait3A : memref<1x640xf32, #tpu.memory_space<vmem_shared>> -> memref<640xf32, #tpu.memory_space<vmem_shared>>
      %dma_wait3A_155 = tpu.memref_slice %arg8[%run_scoped3A_27, %mul3A_26] : memref<16x10240xf32, #tpu.memory_space<vmem_shared>> -> memref<1x640xf32, #tpu.memory_space<vmem_shared>>
      %dma_wait3A_156 = tpu.memref_squeeze %dma_wait3A_155 : memref<1x640xf32, #tpu.memory_space<vmem_shared>> -> memref<640xf32, #tpu.memory_space<vmem_shared>>
      tpu.wait_dma2 semaphore(%run_scoped3A_150 : memref<!tpu.dma_semaphore, #tpu.memory_space<semaphore_mem>>) src(%dma_wait3A_156 : memref<640xf32, #tpu.memory_space<vmem_shared>>) dst(%arg7 : memref<640xf32, #tpu.memory_space<vmem>>)
      tpu.yield
    }) : () -> ()
    %scan3A_28 = arith.constant 0 : i32
    %scan3A_29 = arith.constant 40 : i32
    %scan3A_30 = arith.addi %scan3A_28, %scan3A_29 : i32
    %scan3A_31 = arith.constant 1 : i32
    scf.for %scan3A_150 = %scan3A_28 to %scan3A_30 step %scan3A_31  : i32 {
      %mul3A_151 = arith.constant 16 : i32
      %mul3A_152 = arith.muli %scan3A_150, %mul3A_151 : i32
      %add3A_153 = arith.constant 0 : i32
      %add3A_154 = arith.addi %add3A_153, %mul3A_152 : i32
      %get3A = arith.index_cast %add3A_154 : i32 to index
      %get3A_155 = tpu.vector_load %arg6[%get3A] {strides = array<i32>} : memref<640xf32, #tpu.memory_space<vmem>>, vector<16xf32>,
      %get3A_156 = arith.index_cast %add3A_154 : i32 to index
      %get3A_157 = tpu.vector_load %arg7[%get3A_156] {strides = array<i32>} : memref<640xf32, #tpu.memory_space<vmem>>, vector<16xf32>,
      %add3A_158 = arith.addf %get3A_155, %get3A_157 : vector<16xf32>
      %swap3A = arith.index_cast %add3A_154 : i32 to index
      %swap3A_159 = tpu.vector_load %arg6[%swap3A] {strides = array<i32>} : memref<640xf32, #tpu.memory_space<vmem>>, vector<16xf32>,
      tpu.vector_store %arg6[%swap3A], %add3A_158 {strides = array<i32>} : memref<640xf32, #tpu.memory_space<vmem>>, vector<16xf32>,
    }
    %scan3A_32 = arith.constant 40 : i32
    %mul3A_33 = arith.constant 640 : i32
    %mul3A_34 = arith.muli %arg1, %mul3A_33 : i32
    %run_scoped3A_35 = arith.constant 2 : i32
    "tpu.region"() ({
      %run_scoped3A_150 = tpu.sem_alloc : memref<!tpu.dma_semaphore, #tpu.memory_space<semaphore_mem>>
      %dma_start3A = tpu.memref_slice %arg8[%run_scoped3A_35, %mul3A_34] : memref<16x10240xf32, #tpu.memory_space<vmem_shared>> -> memref<1x640xf32, #tpu.memory_space<vmem_shared>>
      %dma_start3A_151 = tpu.memref_squeeze %dma_start3A : memref<1x640xf32, #tpu.memory_space<vmem_shared>> -> memref<640xf32, #tpu.memory_space<vmem_shared>>
      %dma_start3A_152 = tpu.memref_slice %arg8[%run_scoped3A_35, %mul3A_34] : memref<16x10240xf32, #tpu.memory_space<vmem_shared>> -> memref<1x640xf32, #tpu.memory_space<vmem_shared>>
      %dma_start3A_153 = tpu.memref_squeeze %dma_start3A_152 : memref<1x640xf32, #tpu.memory_space<vmem_shared>> -> memref<640xf32, #tpu.memory_space<vmem_shared>>
      tpu.enqueue_dma source(%dma_start3A_153 : memref<640xf32, #tpu.memory_space<vmem_shared>>) target(%arg7 : memref<640xf32, #tpu.memory_space<vmem>>) target_semaphore(%run_scoped3A_150 : memref<!tpu.dma_semaphore, #tpu.memory_space<semaphore_mem>>)
      %dma_wait3A = tpu.memref_slice %arg8[%run_scoped3A_35, %mul3A_34] : memref<16x10240xf32, #tpu.memory_space<vmem_shared>> -> memref<1x640xf32, #tpu.memory_space<vmem_shared>>
      %dma_wait3A_154 = tpu.memref_squeeze %dma_wait3A : memref<1x640xf32, #tpu.memory_space<vmem_shared>> -> memref<640xf32, #tpu.memory_space<vmem_shared>>
      %dma_wait3A_155 = tpu.memref_slice %arg8[%run_scoped3A_35, %mul3A_34] : memref<16x10240xf32, #tpu.memory_space<vmem_shared>> -> memref<1x640xf32, #tpu.memory_space<vmem_shared>>
      %dma_wait3A_156 = tpu.memref_squeeze %dma_wait3A_155 : memref<1x640xf32, #tpu.memory_space<vmem_shared>> -> memref<640xf32, #tpu.memory_space<vmem_shared>>
      tpu.wait_dma2 semaphore(%run_scoped3A_150 : memref<!tpu.dma_semaphore, #tpu.memory_space<semaphore_mem>>) src(%dma_wait3A_156 : memref<640xf32, #tpu.memory_space<vmem_shared>>) dst(%arg7 : memref<640xf32, #tpu.memory_space<vmem>>)
      tpu.yield
    }) : () -> ()
    %scan3A_36 = arith.constant 0 : i32
    %scan3A_37 = arith.constant 40 : i32
    %scan3A_38 = arith.addi %scan3A_36, %scan3A_37 : i32
    %scan3A_39 = arith.constant 1 : i32
    scf.for %scan3A_150 = %scan3A_36 to %scan3A_38 step %scan3A_39  : i32 {
      %mul3A_151 = arith.constant 16 : i32
      %mul3A_152 = arith.muli %scan3A_150, %mul3A_151 : i32
      %add3A_153 = arith.constant 0 : i32
      %add3A_154 = arith.addi %add3A_153, %mul3A_152 : i32
      %get3A = arith.index_cast %add3A_154 : i32 to index
      %get3A_155 = tpu.vector_load %arg6[%get3A] {strides = array<i32>} : memref<640xf32, #tpu.memory_space<vmem>>, vector<16xf32>,
      %get3A_156 = arith.index_cast %add3A_154 : i32 to index
      %get3A_157 = tpu.vector_load %arg7[%get3A_156] {strides = array<i32>} : memref<640xf32, #tpu.memory_space<vmem>>, vector<16xf32>,
      %add3A_158 = arith.addf %get3A_155, %get3A_157 : vector<16xf32>
      %swap3A = arith.index_cast %add3A_154 : i32 to index
      %swap3A_159 = tpu.vector_load %arg6[%swap3A] {strides = array<i32>} : memref<640xf32, #tpu.memory_space<vmem>>, vector<16xf32>,
      tpu.vector_store %arg6[%swap3A], %add3A_158 {strides = array<i32>} : memref<640xf32, #tpu.memory_space<vmem>>, vector<16xf32>,
    }
    %scan3A_40 = arith.constant 40 : i32
    %mul3A_41 = arith.constant 640 : i32
    %mul3A_42 = arith.muli %arg1, %mul3A_41 : i32
    %run_scoped3A_43 = arith.constant 3 : i32
    "tpu.region"() ({
      %run_scoped3A_150 = tpu.sem_alloc : memref<!tpu.dma_semaphore, #tpu.memory_space<semaphore_mem>>
      %dma_start3A = tpu.memref_slice %arg8[%run_scoped3A_43, %mul3A_42] : memref<16x10240xf32, #tpu.memory_space<vmem_shared>> -> memref<1x640xf32, #tpu.memory_space<vmem_shared>>
      %dma_start3A_151 = tpu.memref_squeeze %dma_start3A : memref<1x640xf32, #tpu.memory_space<vmem_shared>> -> memref<640xf32, #tpu.memory_space<vmem_shared>>
      %dma_start3A_152 = tpu.memref_slice %arg8[%run_scoped3A_43, %mul3A_42] : memref<16x10240xf32, #tpu.memory_space<vmem_shared>> -> memref<1x640xf32, #tpu.memory_space<vmem_shared>>
      %dma_start3A_153 = tpu.memref_squeeze %dma_start3A_152 : memref<1x640xf32, #tpu.memory_space<vmem_shared>> -> memref<640xf32, #tpu.memory_space<vmem_shared>>
      tpu.enqueue_dma source(%dma_start3A_153 : memref<640xf32, #tpu.memory_space<vmem_shared>>) target(%arg7 : memref<640xf32, #tpu.memory_space<vmem>>) target_semaphore(%run_scoped3A_150 : memref<!tpu.dma_semaphore, #tpu.memory_space<semaphore_mem>>)
      %dma_wait3A = tpu.memref_slice %arg8[%run_scoped3A_43, %mul3A_42] : memref<16x10240xf32, #tpu.memory_space<vmem_shared>> -> memref<1x640xf32, #tpu.memory_space<vmem_shared>>
      %dma_wait3A_154 = tpu.memref_squeeze %dma_wait3A : memref<1x640xf32, #tpu.memory_space<vmem_shared>> -> memref<640xf32, #tpu.memory_space<vmem_shared>>
      %dma_wait3A_155 = tpu.memref_slice %arg8[%run_scoped3A_43, %mul3A_42] : memref<16x10240xf32, #tpu.memory_space<vmem_shared>> -> memref<1x640xf32, #tpu.memory_space<vmem_shared>>
      %dma_wait3A_156 = tpu.memref_squeeze %dma_wait3A_155 : memref<1x640xf32, #tpu.memory_space<vmem_shared>> -> memref<640xf32, #tpu.memory_space<vmem_shared>>
      tpu.wait_dma2 semaphore(%run_scoped3A_150 : memref<!tpu.dma_semaphore, #tpu.memory_space<semaphore_mem>>) src(%dma_wait3A_156 : memref<640xf32, #tpu.memory_space<vmem_shared>>) dst(%arg7 : memref<640xf32, #tpu.memory_space<vmem>>)
      tpu.yield
    }) : () -> ()
    %scan3A_44 = arith.constant 0 : i32
    %scan3A_45 = arith.constant 40 : i32
    %scan3A_46 = arith.addi %scan3A_44, %scan3A_45 : i32
    %scan3A_47 = arith.constant 1 : i32
    scf.for %scan3A_150 = %scan3A_44 to %scan3A_46 step %scan3A_47  : i32 {
      %mul3A_151 = arith.constant 16 : i32
      %mul3A_152 = arith.muli %scan3A_150, %mul3A_151 : i32
      %add3A_153 = arith.constant 0 : i32
      %add3A_154 = arith.addi %add3A_153, %mul3A_152 : i32
      %get3A = arith.index_cast %add3A_154 : i32 to index
      %get3A_155 = tpu.vector_load %arg6[%get3A] {strides = array<i32>} : memref<640xf32, #tpu.memory_space<vmem>>, vector<16xf32>,
      %get3A_156 = arith.index_cast %add3A_154 : i32 to index
      %get3A_157 = tpu.vector_load %arg7[%get3A_156] {strides = array<i32>} : memref<640xf32, #tpu.memory_space<vmem>>, vector<16xf32>,
      %add3A_158 = arith.addf %get3A_155, %get3A_157 : vector<16xf32>
      %swap3A = arith.index_cast %add3A_154 : i32 to index
      %swap3A_159 = tpu.vector_load %arg6[%swap3A] {strides = array<i32>} : memref<640xf32, #tpu.memory_space<vmem>>, vector<16xf32>,
      tpu.vector_store %arg6[%swap3A], %add3A_158 {strides = array<i32>} : memref<640xf32, #tpu.memory_space<vmem>>, vector<16xf32>,
    }
    %scan3A_48 = arith.constant 40 : i32
    %mul3A_49 = arith.constant 640 : i32
    %mul3A_50 = arith.muli %arg1, %mul3A_49 : i32
    %run_scoped3A_51 = arith.constant 4 : i32
    "tpu.region"() ({
      %run_scoped3A_150 = tpu.sem_alloc : memref<!tpu.dma_semaphore, #tpu.memory_space<semaphore_mem>>
      %dma_start3A = tpu.memref_slice %arg8[%run_scoped3A_51, %mul3A_50] : memref<16x10240xf32, #tpu.memory_space<vmem_shared>> -> memref<1x640xf32, #tpu.memory_space<vmem_shared>>
      %dma_start3A_151 = tpu.memref_squeeze %dma_start3A : memref<1x640xf32, #tpu.memory_space<vmem_shared>> -> memref<640xf32, #tpu.memory_space<vmem_shared>>
      %dma_start3A_152 = tpu.memref_slice %arg8[%run_scoped3A_51, %mul3A_50] : memref<16x10240xf32, #tpu.memory_space<vmem_shared>> -> memref<1x640xf32, #tpu.memory_space<vmem_shared>>
      %dma_start3A_153 = tpu.memref_squeeze %dma_start3A_152 : memref<1x640xf32, #tpu.memory_space<vmem_shared>> -> memref<640xf32, #tpu.memory_space<vmem_shared>>
      tpu.enqueue_dma source(%dma_start3A_153 : memref<640xf32, #tpu.memory_space<vmem_shared>>) target(%arg7 : memref<640xf32, #tpu.memory_space<vmem>>) target_semaphore(%run_scoped3A_150 : memref<!tpu.dma_semaphore, #tpu.memory_space<semaphore_mem>>)
      %dma_wait3A = tpu.memref_slice %arg8[%run_scoped3A_51, %mul3A_50] : memref<16x10240xf32, #tpu.memory_space<vmem_shared>> -> memref<1x640xf32, #tpu.memory_space<vmem_shared>>
      %dma_wait3A_154 = tpu.memref_squeeze %dma_wait3A : memref<1x640xf32, #tpu.memory_space<vmem_shared>> -> memref<640xf32, #tpu.memory_space<vmem_shared>>
      %dma_wait3A_155 = tpu.memref_slice %arg8[%run_scoped3A_51, %mul3A_50] : memref<16x10240xf32, #tpu.memory_space<vmem_shared>> -> memref<1x640xf32, #tpu.memory_space<vmem_shared>>
      %dma_wait3A_156 = tpu.memref_squeeze %dma_wait3A_155 : memref<1x640xf32, #tpu.memory_space<vmem_shared>> -> memref<640xf32, #tpu.memory_space<vmem_shared>>
      tpu.wait_dma2 semaphore(%run_scoped3A_150 : memref<!tpu.dma_semaphore, #tpu.memory_space<semaphore_mem>>) src(%dma_wait3A_156 : memref<640xf32, #tpu.memory_space<vmem_shared>>) dst(%arg7 : memref<640xf32, #tpu.memory_space<vmem>>)
      tpu.yield
    }) : () -> ()
    %scan3A_52 = arith.constant 0 : i32
    %scan3A_53 = arith.constant 40 : i32
    %scan3A_54 = arith.addi %scan3A_52, %scan3A_53 : i32
    %scan3A_55 = arith.constant 1 : i32
    scf.for %scan3A_150 = %scan3A_52 to %scan3A_54 step %scan3A_55  : i32 {
      %mul3A_151 = arith.constant 16 : i32
      %mul3A_152 = arith.muli %scan3A_150, %mul3A_151 : i32
      %add3A_153 = arith.constant 0 : i32
      %add3A_154 = arith.addi %add3A_153, %mul3A_152 : i32
      %get3A = arith.index_cast %add3A_154 : i32 to index
      %get3A_155 = tpu.vector_load %arg6[%get3A] {strides = array<i32>} : memref<640xf32, #tpu.memory_space<vmem>>, vector<16xf32>,
      %get3A_156 = arith.index_cast %add3A_154 : i32 to index
      %get3A_157 = tpu.vector_load %arg7[%get3A_156] {strides = array<i32>} : memref<640xf32, #tpu.memory_space<vmem>>, vector<16xf32>,
      %add3A_158 = arith.addf %get3A_155, %get3A_157 : vector<16xf32>
      %swap3A = arith.index_cast %add3A_154 : i32 to index
      %swap3A_159 = tpu.vector_load %arg6[%swap3A] {strides = array<i32>} : memref<640xf32, #tpu.memory_space<vmem>>, vector<16xf32>,
      tpu.vector_store %arg6[%swap3A], %add3A_158 {strides = array<i32>} : memref<640xf32, #tpu.memory_space<vmem>>, vector<16xf32>,
    }
    %scan3A_56 = arith.constant 40 : i32
    %mul3A_57 = arith.constant 640 : i32
    %mul3A_58 = arith.muli %arg1, %mul3A_57 : i32
    %run_scoped3A_59 = arith.constant 5 : i32
    "tpu.region"() ({
      %run_scoped3A_150 = tpu.sem_alloc : memref<!tpu.dma_semaphore, #tpu.memory_space<semaphore_mem>>
      %dma_start3A = tpu.memref_slice %arg8[%run_scoped3A_59, %mul3A_58] : memref<16x10240xf32, #tpu.memory_space<vmem_shared>> -> memref<1x640xf32, #tpu.memory_space<vmem_shared>>
      %dma_start3A_151 = tpu.memref_squeeze %dma_start3A : memref<1x640xf32, #tpu.memory_space<vmem_shared>> -> memref<640xf32, #tpu.memory_space<vmem_shared>>
      %dma_start3A_152 = tpu.memref_slice %arg8[%run_scoped3A_59, %mul3A_58] : memref<16x10240xf32, #tpu.memory_space<vmem_shared>> -> memref<1x640xf32, #tpu.memory_space<vmem_shared>>
      %dma_start3A_153 = tpu.memref_squeeze %dma_start3A_152 : memref<1x640xf32, #tpu.memory_space<vmem_shared>> -> memref<640xf32, #tpu.memory_space<vmem_shared>>
      tpu.enqueue_dma source(%dma_start3A_153 : memref<640xf32, #tpu.memory_space<vmem_shared>>) target(%arg7 : memref<640xf32, #tpu.memory_space<vmem>>) target_semaphore(%run_scoped3A_150 : memref<!tpu.dma_semaphore, #tpu.memory_space<semaphore_mem>>)
      %dma_wait3A = tpu.memref_slice %arg8[%run_scoped3A_59, %mul3A_58] : memref<16x10240xf32, #tpu.memory_space<vmem_shared>> -> memref<1x640xf32, #tpu.memory_space<vmem_shared>>
      %dma_wait3A_154 = tpu.memref_squeeze %dma_wait3A : memref<1x640xf32, #tpu.memory_space<vmem_shared>> -> memref<640xf32, #tpu.memory_space<vmem_shared>>
      %dma_wait3A_155 = tpu.memref_slice %arg8[%run_scoped3A_59, %mul3A_58] : memref<16x10240xf32, #tpu.memory_space<vmem_shared>> -> memref<1x640xf32, #tpu.memory_space<vmem_shared>>
      %dma_wait3A_156 = tpu.memref_squeeze %dma_wait3A_155 : memref<1x640xf32, #tpu.memory_space<vmem_shared>> -> memref<640xf32, #tpu.memory_space<vmem_shared>>
      tpu.wait_dma2 semaphore(%run_scoped3A_150 : memref<!tpu.dma_semaphore, #tpu.memory_space<semaphore_mem>>) src(%dma_wait3A_156 : memref<640xf32, #tpu.memory_space<vmem_shared>>) dst(%arg7 : memref<640xf32, #tpu.memory_space<vmem>>)
      tpu.yield
    }) : () -> ()
    %scan3A_60 = arith.constant 0 : i32
    %scan3A_61 = arith.constant 40 : i32
    %scan3A_62 = arith.addi %scan3A_60, %scan3A_61 : i32
    %scan3A_63 = arith.constant 1 : i32
    scf.for %scan3A_150 = %scan3A_60 to %scan3A_62 step %scan3A_63  : i32 {
      %mul3A_151 = arith.constant 16 : i32
      %mul3A_152 = arith.muli %scan3A_150, %mul3A_151 : i32
      %add3A_153 = arith.constant 0 : i32
      %add3A_154 = arith.addi %add3A_153, %mul3A_152 : i32
      %get3A = arith.index_cast %add3A_154 : i32 to index
      %get3A_155 = tpu.vector_load %arg6[%get3A] {strides = array<i32>} : memref<640xf32, #tpu.memory_space<vmem>>, vector<16xf32>,
      %get3A_156 = arith.index_cast %add3A_154 : i32 to index
      %get3A_157 = tpu.vector_load %arg7[%get3A_156] {strides = array<i32>} : memref<640xf32, #tpu.memory_space<vmem>>, vector<16xf32>,
      %add3A_158 = arith.addf %get3A_155, %get3A_157 : vector<16xf32>
      %swap3A = arith.index_cast %add3A_154 : i32 to index
      %swap3A_159 = tpu.vector_load %arg6[%swap3A] {strides = array<i32>} : memref<640xf32, #tpu.memory_space<vmem>>, vector<16xf32>,
      tpu.vector_store %arg6[%swap3A], %add3A_158 {strides = array<i32>} : memref<640xf32, #tpu.memory_space<vmem>>, vector<16xf32>,
    }
    %scan3A_64 = arith.constant 40 : i32
    %mul3A_65 = arith.constant 640 : i32
    %mul3A_66 = arith.muli %arg1, %mul3A_65 : i32
    %run_scoped3A_67 = arith.constant 6 : i32
    "tpu.region"() ({
      %run_scoped3A_150 = tpu.sem_alloc : memref<!tpu.dma_semaphore, #tpu.memory_space<semaphore_mem>>
      %dma_start3A = tpu.memref_slice %arg8[%run_scoped3A_67, %mul3A_66] : memref<16x10240xf32, #tpu.memory_space<vmem_shared>> -> memref<1x640xf32, #tpu.memory_space<vmem_shared>>
      %dma_start3A_151 = tpu.memref_squeeze %dma_start3A : memref<1x640xf32, #tpu.memory_space<vmem_shared>> -> memref<640xf32, #tpu.memory_space<vmem_shared>>
      %dma_start3A_152 = tpu.memref_slice %arg8[%run_scoped3A_67, %mul3A_66] : memref<16x10240xf32, #tpu.memory_space<vmem_shared>> -> memref<1x640xf32, #tpu.memory_space<vmem_shared>>
      %dma_start3A_153 = tpu.memref_squeeze %dma_start3A_152 : memref<1x640xf32, #tpu.memory_space<vmem_shared>> -> memref<640xf32, #tpu.memory_space<vmem_shared>>
      tpu.enqueue_dma source(%dma_start3A_153 : memref<640xf32, #tpu.memory_space<vmem_shared>>) target(%arg7 : memref<640xf32, #tpu.memory_space<vmem>>) target_semaphore(%run_scoped3A_150 : memref<!tpu.dma_semaphore, #tpu.memory_space<semaphore_mem>>)
      %dma_wait3A = tpu.memref_slice %arg8[%run_scoped3A_67, %mul3A_66] : memref<16x10240xf32, #tpu.memory_space<vmem_shared>> -> memref<1x640xf32, #tpu.memory_space<vmem_shared>>
      %dma_wait3A_154 = tpu.memref_squeeze %dma_wait3A : memref<1x640xf32, #tpu.memory_space<vmem_shared>> -> memref<640xf32, #tpu.memory_space<vmem_shared>>
      %dma_wait3A_155 = tpu.memref_slice %arg8[%run_scoped3A_67, %mul3A_66] : memref<16x10240xf32, #tpu.memory_space<vmem_shared>> -> memref<1x640xf32, #tpu.memory_space<vmem_shared>>
      %dma_wait3A_156 = tpu.memref_squeeze %dma_wait3A_155 : memref<1x640xf32, #tpu.memory_space<vmem_shared>> -> memref<640xf32, #tpu.memory_space<vmem_shared>>
      tpu.wait_dma2 semaphore(%run_scoped3A_150 : memref<!tpu.dma_semaphore, #tpu.memory_space<semaphore_mem>>) src(%dma_wait3A_156 : memref<640xf32, #tpu.memory_space<vmem_shared>>) dst(%arg7 : memref<640xf32, #tpu.memory_space<vmem>>)
      tpu.yield
    }) : () -> ()
    %scan3A_68 = arith.constant 0 : i32
    %scan3A_69 = arith.constant 40 : i32
    %scan3A_70 = arith.addi %scan3A_68, %scan3A_69 : i32
    %scan3A_71 = arith.constant 1 : i32
    scf.for %scan3A_150 = %scan3A_68 to %scan3A_70 step %scan3A_71  : i32 {
      %mul3A_151 = arith.constant 16 : i32
      %mul3A_152 = arith.muli %scan3A_150, %mul3A_151 : i32
      %add3A_153 = arith.constant 0 : i32
      %add3A_154 = arith.addi %add3A_153, %mul3A_152 : i32
      %get3A = arith.index_cast %add3A_154 : i32 to index
      %get3A_155 = tpu.vector_load %arg6[%get3A] {strides = array<i32>} : memref<640xf32, #tpu.memory_space<vmem>>, vector<16xf32>,
      %get3A_156 = arith.index_cast %add3A_154 : i32 to index
      %get3A_157 = tpu.vector_load %arg7[%get3A_156] {strides = array<i32>} : memref<640xf32, #tpu.memory_space<vmem>>, vector<16xf32>,
      %add3A_158 = arith.addf %get3A_155, %get3A_157 : vector<16xf32>
      %swap3A = arith.index_cast %add3A_154 : i32 to index
      %swap3A_159 = tpu.vector_load %arg6[%swap3A] {strides = array<i32>} : memref<640xf32, #tpu.memory_space<vmem>>, vector<16xf32>,
      tpu.vector_store %arg6[%swap3A], %add3A_158 {strides = array<i32>} : memref<640xf32, #tpu.memory_space<vmem>>, vector<16xf32>,
    }
    %scan3A_72 = arith.constant 40 : i32
    %mul3A_73 = arith.constant 640 : i32
    %mul3A_74 = arith.muli %arg1, %mul3A_73 : i32
    %run_scoped3A_75 = arith.constant 7 : i32
    "tpu.region"() ({
      %run_scoped3A_150 = tpu.sem_alloc : memref<!tpu.dma_semaphore, #tpu.memory_space<semaphore_mem>>
      %dma_start3A = tpu.memref_slice %arg8[%run_scoped3A_75, %mul3A_74] : memref<16x10240xf32, #tpu.memory_space<vmem_shared>> -> memref<1x640xf32, #tpu.memory_space<vmem_shared>>
      %dma_start3A_151 = tpu.memref_squeeze %dma_start3A : memref<1x640xf32, #tpu.memory_space<vmem_shared>> -> memref<640xf32, #tpu.memory_space<vmem_shared>>
      %dma_start3A_152 = tpu.memref_slice %arg8[%run_scoped3A_75, %mul3A_74] : memref<16x10240xf32, #tpu.memory_space<vmem_shared>> -> memref<1x640xf32, #tpu.memory_space<vmem_shared>>
      %dma_start3A_153 = tpu.memref_squeeze %dma_start3A_152 : memref<1x640xf32, #tpu.memory_space<vmem_shared>> -> memref<640xf32, #tpu.memory_space<vmem_shared>>
      tpu.enqueue_dma source(%dma_start3A_153 : memref<640xf32, #tpu.memory_space<vmem_shared>>) target(%arg7 : memref<640xf32, #tpu.memory_space<vmem>>) target_semaphore(%run_scoped3A_150 : memref<!tpu.dma_semaphore, #tpu.memory_space<semaphore_mem>>)
      %dma_wait3A = tpu.memref_slice %arg8[%run_scoped3A_75, %mul3A_74] : memref<16x10240xf32, #tpu.memory_space<vmem_shared>> -> memref<1x640xf32, #tpu.memory_space<vmem_shared>>
      %dma_wait3A_154 = tpu.memref_squeeze %dma_wait3A : memref<1x640xf32, #tpu.memory_space<vmem_shared>> -> memref<640xf32, #tpu.memory_space<vmem_shared>>
      %dma_wait3A_155 = tpu.memref_slice %arg8[%run_scoped3A_75, %mul3A_74] : memref<16x10240xf32, #tpu.memory_space<vmem_shared>> -> memref<1x640xf32, #tpu.memory_space<vmem_shared>>
      %dma_wait3A_156 = tpu.memref_squeeze %dma_wait3A_155 : memref<1x640xf32, #tpu.memory_space<vmem_shared>> -> memref<640xf32, #tpu.memory_space<vmem_shared>>
      tpu.wait_dma2 semaphore(%run_scoped3A_150 : memref<!tpu.dma_semaphore, #tpu.memory_space<semaphore_mem>>) src(%dma_wait3A_156 : memref<640xf32, #tpu.memory_space<vmem_shared>>) dst(%arg7 : memref<640xf32, #tpu.memory_space<vmem>>)
      tpu.yield
    }) : () -> ()
    %scan3A_76 = arith.constant 0 : i32
    %scan3A_77 = arith.constant 40 : i32
    %scan3A_78 = arith.addi %scan3A_76, %scan3A_77 : i32
    %scan3A_79 = arith.constant 1 : i32
    scf.for %scan3A_150 = %scan3A_76 to %scan3A_78 step %scan3A_79  : i32 {
      %mul3A_151 = arith.constant 16 : i32
      %mul3A_152 = arith.muli %scan3A_150, %mul3A_151 : i32
      %add3A_153 = arith.constant 0 : i32
      %add3A_154 = arith.addi %add3A_153, %mul3A_152 : i32
      %get3A = arith.index_cast %add3A_154 : i32 to index
      %get3A_155 = tpu.vector_load %arg6[%get3A] {strides = array<i32>} : memref<640xf32, #tpu.memory_space<vmem>>, vector<16xf32>,
      %get3A_156 = arith.index_cast %add3A_154 : i32 to index
      %get3A_157 = tpu.vector_load %arg7[%get3A_156] {strides = array<i32>} : memref<640xf32, #tpu.memory_space<vmem>>, vector<16xf32>,
      %add3A_158 = arith.addf %get3A_155, %get3A_157 : vector<16xf32>
      %swap3A = arith.index_cast %add3A_154 : i32 to index
      %swap3A_159 = tpu.vector_load %arg6[%swap3A] {strides = array<i32>} : memref<640xf32, #tpu.memory_space<vmem>>, vector<16xf32>,
      tpu.vector_store %arg6[%swap3A], %add3A_158 {strides = array<i32>} : memref<640xf32, #tpu.memory_space<vmem>>, vector<16xf32>,
    }
    %scan3A_80 = arith.constant 40 : i32
    %mul3A_81 = arith.constant 640 : i32
    %mul3A_82 = arith.muli %arg1, %mul3A_81 : i32
    %run_scoped3A_83 = arith.constant 8 : i32
    "tpu.region"() ({
      %run_scoped3A_150 = tpu.sem_alloc : memref<!tpu.dma_semaphore, #tpu.memory_space<semaphore_mem>>
      %dma_start3A = tpu.memref_slice %arg8[%run_scoped3A_83, %mul3A_82] : memref<16x10240xf32, #tpu.memory_space<vmem_shared>> -> memref<1x640xf32, #tpu.memory_space<vmem_shared>>
      %dma_start3A_151 = tpu.memref_squeeze %dma_start3A : memref<1x640xf32, #tpu.memory_space<vmem_shared>> -> memref<640xf32, #tpu.memory_space<vmem_shared>>
      %dma_start3A_152 = tpu.memref_slice %arg8[%run_scoped3A_83, %mul3A_82] : memref<16x10240xf32, #tpu.memory_space<vmem_shared>> -> memref<1x640xf32, #tpu.memory_space<vmem_shared>>
      %dma_start3A_153 = tpu.memref_squeeze %dma_start3A_152 : memref<1x640xf32, #tpu.memory_space<vmem_shared>> -> memref<640xf32, #tpu.memory_space<vmem_shared>>
      tpu.enqueue_dma source(%dma_start3A_153 : memref<640xf32, #tpu.memory_space<vmem_shared>>) target(%arg7 : memref<640xf32, #tpu.memory_space<vmem>>) target_semaphore(%run_scoped3A_150 : memref<!tpu.dma_semaphore, #tpu.memory_space<semaphore_mem>>)
      %dma_wait3A = tpu.memref_slice %arg8[%run_scoped3A_83, %mul3A_82] : memref<16x10240xf32, #tpu.memory_space<vmem_shared>> -> memref<1x640xf32, #tpu.memory_space<vmem_shared>>
      %dma_wait3A_154 = tpu.memref_squeeze %dma_wait3A : memref<1x640xf32, #tpu.memory_space<vmem_shared>> -> memref<640xf32, #tpu.memory_space<vmem_shared>>
      %dma_wait3A_155 = tpu.memref_slice %arg8[%run_scoped3A_83, %mul3A_82] : memref<16x10240xf32, #tpu.memory_space<vmem_shared>> -> memref<1x640xf32, #tpu.memory_space<vmem_shared>>
      %dma_wait3A_156 = tpu.memref_squeeze %dma_wait3A_155 : memref<1x640xf32, #tpu.memory_space<vmem_shared>> -> memref<640xf32, #tpu.memory_space<vmem_shared>>
      tpu.wait_dma2 semaphore(%run_scoped3A_150 : memref<!tpu.dma_semaphore, #tpu.memory_space<semaphore_mem>>) src(%dma_wait3A_156 : memref<640xf32, #tpu.memory_space<vmem_shared>>) dst(%arg7 : memref<640xf32, #tpu.memory_space<vmem>>)
      tpu.yield
    }) : () -> ()
    %scan3A_84 = arith.constant 0 : i32
    %scan3A_85 = arith.constant 40 : i32
    %scan3A_86 = arith.addi %scan3A_84, %scan3A_85 : i32
    %scan3A_87 = arith.constant 1 : i32
    scf.for %scan3A_150 = %scan3A_84 to %scan3A_86 step %scan3A_87  : i32 {
      %mul3A_151 = arith.constant 16 : i32
      %mul3A_152 = arith.muli %scan3A_150, %mul3A_151 : i32
      %add3A_153 = arith.constant 0 : i32
      %add3A_154 = arith.addi %add3A_153, %mul3A_152 : i32
      %get3A = arith.index_cast %add3A_154 : i32 to index
      %get3A_155 = tpu.vector_load %arg6[%get3A] {strides = array<i32>} : memref<640xf32, #tpu.memory_space<vmem>>, vector<16xf32>,
      %get3A_156 = arith.index_cast %add3A_154 : i32 to index
      %get3A_157 = tpu.vector_load %arg7[%get3A_156] {strides = array<i32>} : memref<640xf32, #tpu.memory_space<vmem>>, vector<16xf32>,
      %add3A_158 = arith.addf %get3A_155, %get3A_157 : vector<16xf32>
      %swap3A = arith.index_cast %add3A_154 : i32 to index
      %swap3A_159 = tpu.vector_load %arg6[%swap3A] {strides = array<i32>} : memref<640xf32, #tpu.memory_space<vmem>>, vector<16xf32>,
      tpu.vector_store %arg6[%swap3A], %add3A_158 {strides = array<i32>} : memref<640xf32, #tpu.memory_space<vmem>>, vector<16xf32>,
    }
    %scan3A_88 = arith.constant 40 : i32
    %mul3A_89 = arith.constant 640 : i32
    %mul3A_90 = arith.muli %arg1, %mul3A_89 : i32
    %run_scoped3A_91 = arith.constant 9 : i32
    "tpu.region"() ({
      %run_scoped3A_150 = tpu.sem_alloc : memref<!tpu.dma_semaphore, #tpu.memory_space<semaphore_mem>>
      %dma_start3A = tpu.memref_slice %arg8[%run_scoped3A_91, %mul3A_90] : memref<16x10240xf32, #tpu.memory_space<vmem_shared>> -> memref<1x640xf32, #tpu.memory_space<vmem_shared>>
      %dma_start3A_151 = tpu.memref_squeeze %dma_start3A : memref<1x640xf32, #tpu.memory_space<vmem_shared>> -> memref<640xf32, #tpu.memory_space<vmem_shared>>
      %dma_start3A_152 = tpu.memref_slice %arg8[%run_scoped3A_91, %mul3A_90] : memref<16x10240xf32, #tpu.memory_space<vmem_shared>> -> memref<1x640xf32, #tpu.memory_space<vmem_shared>>
      %dma_start3A_153 = tpu.memref_squeeze %dma_start3A_152 : memref<1x640xf32, #tpu.memory_space<vmem_shared>> -> memref<640xf32, #tpu.memory_space<vmem_shared>>
      tpu.enqueue_dma source(%dma_start3A_153 : memref<640xf32, #tpu.memory_space<vmem_shared>>) target(%arg7 : memref<640xf32, #tpu.memory_space<vmem>>) target_semaphore(%run_scoped3A_150 : memref<!tpu.dma_semaphore, #tpu.memory_space<semaphore_mem>>)
      %dma_wait3A = tpu.memref_slice %arg8[%run_scoped3A_91, %mul3A_90] : memref<16x10240xf32, #tpu.memory_space<vmem_shared>> -> memref<1x640xf32, #tpu.memory_space<vmem_shared>>
      %dma_wait3A_154 = tpu.memref_squeeze %dma_wait3A : memref<1x640xf32, #tpu.memory_space<vmem_shared>> -> memref<640xf32, #tpu.memory_space<vmem_shared>>
      %dma_wait3A_155 = tpu.memref_slice %arg8[%run_scoped3A_91, %mul3A_90] : memref<16x10240xf32, #tpu.memory_space<vmem_shared>> -> memref<1x640xf32, #tpu.memory_space<vmem_shared>>
      %dma_wait3A_156 = tpu.memref_squeeze %dma_wait3A_155 : memref<1x640xf32, #tpu.memory_space<vmem_shared>> -> memref<640xf32, #tpu.memory_space<vmem_shared>>
      tpu.wait_dma2 semaphore(%run_scoped3A_150 : memref<!tpu.dma_semaphore, #tpu.memory_space<semaphore_mem>>) src(%dma_wait3A_156 : memref<640xf32, #tpu.memory_space<vmem_shared>>) dst(%arg7 : memref<640xf32, #tpu.memory_space<vmem>>)
      tpu.yield
    }) : () -> ()
    %scan3A_92 = arith.constant 0 : i32
    %scan3A_93 = arith.constant 40 : i32
    %scan3A_94 = arith.addi %scan3A_92, %scan3A_93 : i32
    %scan3A_95 = arith.constant 1 : i32
    scf.for %scan3A_150 = %scan3A_92 to %scan3A_94 step %scan3A_95  : i32 {
      %mul3A_151 = arith.constant 16 : i32
      %mul3A_152 = arith.muli %scan3A_150, %mul3A_151 : i32
      %add3A_153 = arith.constant 0 : i32
      %add3A_154 = arith.addi %add3A_153, %mul3A_152 : i32
      %get3A = arith.index_cast %add3A_154 : i32 to index
      %get3A_155 = tpu.vector_load %arg6[%get3A] {strides = array<i32>} : memref<640xf32, #tpu.memory_space<vmem>>, vector<16xf32>,
      %get3A_156 = arith.index_cast %add3A_154 : i32 to index
      %get3A_157 = tpu.vector_load %arg7[%get3A_156] {strides = array<i32>} : memref<640xf32, #tpu.memory_space<vmem>>, vector<16xf32>,
      %add3A_158 = arith.addf %get3A_155, %get3A_157 : vector<16xf32>
      %swap3A = arith.index_cast %add3A_154 : i32 to index
      %swap3A_159 = tpu.vector_load %arg6[%swap3A] {strides = array<i32>} : memref<640xf32, #tpu.memory_space<vmem>>, vector<16xf32>,
      tpu.vector_store %arg6[%swap3A], %add3A_158 {strides = array<i32>} : memref<640xf32, #tpu.memory_space<vmem>>, vector<16xf32>,
    }
    %scan3A_96 = arith.constant 40 : i32
    %mul3A_97 = arith.constant 640 : i32
    %mul3A_98 = arith.muli %arg1, %mul3A_97 : i32
    %run_scoped3A_99 = arith.constant 10 : i32
    "tpu.region"() ({
      %run_scoped3A_150 = tpu.sem_alloc : memref<!tpu.dma_semaphore, #tpu.memory_space<semaphore_mem>>
      %dma_start3A = tpu.memref_slice %arg8[%run_scoped3A_99, %mul3A_98] : memref<16x10240xf32, #tpu.memory_space<vmem_shared>> -> memref<1x640xf32, #tpu.memory_space<vmem_shared>>
      %dma_start3A_151 = tpu.memref_squeeze %dma_start3A : memref<1x640xf32, #tpu.memory_space<vmem_shared>> -> memref<640xf32, #tpu.memory_space<vmem_shared>>
      %dma_start3A_152 = tpu.memref_slice %arg8[%run_scoped3A_99, %mul3A_98] : memref<16x10240xf32, #tpu.memory_space<vmem_shared>> -> memref<1x640xf32, #tpu.memory_space<vmem_shared>>
      %dma_start3A_153 = tpu.memref_squeeze %dma_start3A_152 : memref<1x640xf32, #tpu.memory_space<vmem_shared>> -> memref<640xf32, #tpu.memory_space<vmem_shared>>
      tpu.enqueue_dma source(%dma_start3A_153 : memref<640xf32, #tpu.memory_space<vmem_shared>>) target(%arg7 : memref<640xf32, #tpu.memory_space<vmem>>) target_semaphore(%run_scoped3A_150 : memref<!tpu.dma_semaphore, #tpu.memory_space<semaphore_mem>>)
      %dma_wait3A = tpu.memref_slice %arg8[%run_scoped3A_99, %mul3A_98] : memref<16x10240xf32, #tpu.memory_space<vmem_shared>> -> memref<1x640xf32, #tpu.memory_space<vmem_shared>>
      %dma_wait3A_154 = tpu.memref_squeeze %dma_wait3A : memref<1x640xf32, #tpu.memory_space<vmem_shared>> -> memref<640xf32, #tpu.memory_space<vmem_shared>>
      %dma_wait3A_155 = tpu.memref_slice %arg8[%run_scoped3A_99, %mul3A_98] : memref<16x10240xf32, #tpu.memory_space<vmem_shared>> -> memref<1x640xf32, #tpu.memory_space<vmem_shared>>
      %dma_wait3A_156 = tpu.memref_squeeze %dma_wait3A_155 : memref<1x640xf32, #tpu.memory_space<vmem_shared>> -> memref<640xf32, #tpu.memory_space<vmem_shared>>
      tpu.wait_dma2 semaphore(%run_scoped3A_150 : memref<!tpu.dma_semaphore, #tpu.memory_space<semaphore_mem>>) src(%dma_wait3A_156 : memref<640xf32, #tpu.memory_space<vmem_shared>>) dst(%arg7 : memref<640xf32, #tpu.memory_space<vmem>>)
      tpu.yield
    }) : () -> ()
    %scan3A_100 = arith.constant 0 : i32
    %scan3A_101 = arith.constant 40 : i32
    %scan3A_102 = arith.addi %scan3A_100, %scan3A_101 : i32
    %scan3A_103 = arith.constant 1 : i32
    scf.for %scan3A_150 = %scan3A_100 to %scan3A_102 step %scan3A_103  : i32 {
      %mul3A_151 = arith.constant 16 : i32
      %mul3A_152 = arith.muli %scan3A_150, %mul3A_151 : i32
      %add3A_153 = arith.constant 0 : i32
      %add3A_154 = arith.addi %add3A_153, %mul3A_152 : i32
      %get3A = arith.index_cast %add3A_154 : i32 to index
      %get3A_155 = tpu.vector_load %arg6[%get3A] {strides = array<i32>} : memref<640xf32, #tpu.memory_space<vmem>>, vector<16xf32>,
      %get3A_156 = arith.index_cast %add3A_154 : i32 to index
      %get3A_157 = tpu.vector_load %arg7[%get3A_156] {strides = array<i32>} : memref<640xf32, #tpu.memory_space<vmem>>, vector<16xf32>,
      %add3A_158 = arith.addf %get3A_155, %get3A_157 : vector<16xf32>
      %swap3A = arith.index_cast %add3A_154 : i32 to index
      %swap3A_159 = tpu.vector_load %arg6[%swap3A] {strides = array<i32>} : memref<640xf32, #tpu.memory_space<vmem>>, vector<16xf32>,
      tpu.vector_store %arg6[%swap3A], %add3A_158 {strides = array<i32>} : memref<640xf32, #tpu.memory_space<vmem>>, vector<16xf32>,
    }
    %scan3A_104 = arith.constant 40 : i32
    %mul3A_105 = arith.constant 640 : i32
    %mul3A_106 = arith.muli %arg1, %mul3A_105 : i32
    %run_scoped3A_107 = arith.constant 11 : i32
    "tpu.region"() ({
      %run_scoped3A_150 = tpu.sem_alloc : memref<!tpu.dma_semaphore, #tpu.memory_space<semaphore_mem>>
      %dma_start3A = tpu.memref_slice %arg8[%run_scoped3A_107, %mul3A_106] : memref<16x10240xf32, #tpu.memory_space<vmem_shared>> -> memref<1x640xf32, #tpu.memory_space<vmem_shared>>
      %dma_start3A_151 = tpu.memref_squeeze %dma_start3A : memref<1x640xf32, #tpu.memory_space<vmem_shared>> -> memref<640xf32, #tpu.memory_space<vmem_shared>>
      %dma_start3A_152 = tpu.memref_slice %arg8[%run_scoped3A_107, %mul3A_106] : memref<16x10240xf32, #tpu.memory_space<vmem_shared>> -> memref<1x640xf32, #tpu.memory_space<vmem_shared>>
      %dma_start3A_153 = tpu.memref_squeeze %dma_start3A_152 : memref<1x640xf32, #tpu.memory_space<vmem_shared>> -> memref<640xf32, #tpu.memory_space<vmem_shared>>
      tpu.enqueue_dma source(%dma_start3A_153 : memref<640xf32, #tpu.memory_space<vmem_shared>>) target(%arg7 : memref<640xf32, #tpu.memory_space<vmem>>) target_semaphore(%run_scoped3A_150 : memref<!tpu.dma_semaphore, #tpu.memory_space<semaphore_mem>>)
      %dma_wait3A = tpu.memref_slice %arg8[%run_scoped3A_107, %mul3A_106] : memref<16x10240xf32, #tpu.memory_space<vmem_shared>> -> memref<1x640xf32, #tpu.memory_space<vmem_shared>>
      %dma_wait3A_154 = tpu.memref_squeeze %dma_wait3A : memref<1x640xf32, #tpu.memory_space<vmem_shared>> -> memref<640xf32, #tpu.memory_space<vmem_shared>>
      %dma_wait3A_155 = tpu.memref_slice %arg8[%run_scoped3A_107, %mul3A_106] : memref<16x10240xf32, #tpu.memory_space<vmem_shared>> -> memref<1x640xf32, #tpu.memory_space<vmem_shared>>
      %dma_wait3A_156 = tpu.memref_squeeze %dma_wait3A_155 : memref<1x640xf32, #tpu.memory_space<vmem_shared>> -> memref<640xf32, #tpu.memory_space<vmem_shared>>
      tpu.wait_dma2 semaphore(%run_scoped3A_150 : memref<!tpu.dma_semaphore, #tpu.memory_space<semaphore_mem>>) src(%dma_wait3A_156 : memref<640xf32, #tpu.memory_space<vmem_shared>>) dst(%arg7 : memref<640xf32, #tpu.memory_space<vmem>>)
      tpu.yield
    }) : () -> ()
    %scan3A_108 = arith.constant 0 : i32
    %scan3A_109 = arith.constant 40 : i32
    %scan3A_110 = arith.addi %scan3A_108, %scan3A_109 : i32
    %scan3A_111 = arith.constant 1 : i32
    scf.for %scan3A_150 = %scan3A_108 to %scan3A_110 step %scan3A_111  : i32 {
      %mul3A_151 = arith.constant 16 : i32
      %mul3A_152 = arith.muli %scan3A_150, %mul3A_151 : i32
      %add3A_153 = arith.constant 0 : i32
      %add3A_154 = arith.addi %add3A_153, %mul3A_152 : i32
      %get3A = arith.index_cast %add3A_154 : i32 to index
      %get3A_155 = tpu.vector_load %arg6[%get3A] {strides = array<i32>} : memref<640xf32, #tpu.memory_space<vmem>>, vector<16xf32>,
      %get3A_156 = arith.index_cast %add3A_154 : i32 to index
      %get3A_157 = tpu.vector_load %arg7[%get3A_156] {strides = array<i32>} : memref<640xf32, #tpu.memory_space<vmem>>, vector<16xf32>,
      %add3A_158 = arith.addf %get3A_155, %get3A_157 : vector<16xf32>
      %swap3A = arith.index_cast %add3A_154 : i32 to index
      %swap3A_159 = tpu.vector_load %arg6[%swap3A] {strides = array<i32>} : memref<640xf32, #tpu.memory_space<vmem>>, vector<16xf32>,
      tpu.vector_store %arg6[%swap3A], %add3A_158 {strides = array<i32>} : memref<640xf32, #tpu.memory_space<vmem>>, vector<16xf32>,
    }
    %scan3A_112 = arith.constant 40 : i32
    %mul3A_113 = arith.constant 640 : i32
    %mul3A_114 = arith.muli %arg1, %mul3A_113 : i32
    %run_scoped3A_115 = arith.constant 12 : i32
    "tpu.region"() ({
      %run_scoped3A_150 = tpu.sem_alloc : memref<!tpu.dma_semaphore, #tpu.memory_space<semaphore_mem>>
      %dma_start3A = tpu.memref_slice %arg8[%run_scoped3A_115, %mul3A_114] : memref<16x10240xf32, #tpu.memory_space<vmem_shared>> -> memref<1x640xf32, #tpu.memory_space<vmem_shared>>
      %dma_start3A_151 = tpu.memref_squeeze %dma_start3A : memref<1x640xf32, #tpu.memory_space<vmem_shared>> -> memref<640xf32, #tpu.memory_space<vmem_shared>>
      %dma_start3A_152 = tpu.memref_slice %arg8[%run_scoped3A_115, %mul3A_114] : memref<16x10240xf32, #tpu.memory_space<vmem_shared>> -> memref<1x640xf32, #tpu.memory_space<vmem_shared>>
      %dma_start3A_153 = tpu.memref_squeeze %dma_start3A_152 : memref<1x640xf32, #tpu.memory_space<vmem_shared>> -> memref<640xf32, #tpu.memory_space<vmem_shared>>
      tpu.enqueue_dma source(%dma_start3A_153 : memref<640xf32, #tpu.memory_space<vmem_shared>>) target(%arg7 : memref<640xf32, #tpu.memory_space<vmem>>) target_semaphore(%run_scoped3A_150 : memref<!tpu.dma_semaphore, #tpu.memory_space<semaphore_mem>>)
      %dma_wait3A = tpu.memref_slice %arg8[%run_scoped3A_115, %mul3A_114] : memref<16x10240xf32, #tpu.memory_space<vmem_shared>> -> memref<1x640xf32, #tpu.memory_space<vmem_shared>>
      %dma_wait3A_154 = tpu.memref_squeeze %dma_wait3A : memref<1x640xf32, #tpu.memory_space<vmem_shared>> -> memref<640xf32, #tpu.memory_space<vmem_shared>>
      %dma_wait3A_155 = tpu.memref_slice %arg8[%run_scoped3A_115, %mul3A_114] : memref<16x10240xf32, #tpu.memory_space<vmem_shared>> -> memref<1x640xf32, #tpu.memory_space<vmem_shared>>
      %dma_wait3A_156 = tpu.memref_squeeze %dma_wait3A_155 : memref<1x640xf32, #tpu.memory_space<vmem_shared>> -> memref<640xf32, #tpu.memory_space<vmem_shared>>
      tpu.wait_dma2 semaphore(%run_scoped3A_150 : memref<!tpu.dma_semaphore, #tpu.memory_space<semaphore_mem>>) src(%dma_wait3A_156 : memref<640xf32, #tpu.memory_space<vmem_shared>>) dst(%arg7 : memref<640xf32, #tpu.memory_space<vmem>>)
      tpu.yield
    }) : () -> ()
    %scan3A_116 = arith.constant 0 : i32
    %scan3A_117 = arith.constant 40 : i32
    %scan3A_118 = arith.addi %scan3A_116, %scan3A_117 : i32
    %scan3A_119 = arith.constant 1 : i32
    scf.for %scan3A_150 = %scan3A_116 to %scan3A_118 step %scan3A_119  : i32 {
      %mul3A_151 = arith.constant 16 : i32
      %mul3A_152 = arith.muli %scan3A_150, %mul3A_151 : i32
      %add3A_153 = arith.constant 0 : i32
      %add3A_154 = arith.addi %add3A_153, %mul3A_152 : i32
      %get3A = arith.index_cast %add3A_154 : i32 to index
      %get3A_155 = tpu.vector_load %arg6[%get3A] {strides = array<i32>} : memref<640xf32, #tpu.memory_space<vmem>>, vector<16xf32>,
      %get3A_156 = arith.index_cast %add3A_154 : i32 to index
      %get3A_157 = tpu.vector_load %arg7[%get3A_156] {strides = array<i32>} : memref<640xf32, #tpu.memory_space<vmem>>, vector<16xf32>,
      %add3A_158 = arith.addf %get3A_155, %get3A_157 : vector<16xf32>
      %swap3A = arith.index_cast %add3A_154 : i32 to index
      %swap3A_159 = tpu.vector_load %arg6[%swap3A] {strides = array<i32>} : memref<640xf32, #tpu.memory_space<vmem>>, vector<16xf32>,
      tpu.vector_store %arg6[%swap3A], %add3A_158 {strides = array<i32>} : memref<640xf32, #tpu.memory_space<vmem>>, vector<16xf32>,
    }
    %scan3A_120 = arith.constant 40 : i32
    %mul3A_121 = arith.constant 640 : i32
    %mul3A_122 = arith.muli %arg1, %mul3A_121 : i32
    %run_scoped3A_123 = arith.constant 13 : i32
    "tpu.region"() ({
      %run_scoped3A_150 = tpu.sem_alloc : memref<!tpu.dma_semaphore, #tpu.memory_space<semaphore_mem>>
      %dma_start3A = tpu.memref_slice %arg8[%run_scoped3A_123, %mul3A_122] : memref<16x10240xf32, #tpu.memory_space<vmem_shared>> -> memref<1x640xf32, #tpu.memory_space<vmem_shared>>
      %dma_start3A_151 = tpu.memref_squeeze %dma_start3A : memref<1x640xf32, #tpu.memory_space<vmem_shared>> -> memref<640xf32, #tpu.memory_space<vmem_shared>>
      %dma_start3A_152 = tpu.memref_slice %arg8[%run_scoped3A_123, %mul3A_122] : memref<16x10240xf32, #tpu.memory_space<vmem_shared>> -> memref<1x640xf32, #tpu.memory_space<vmem_shared>>
      %dma_start3A_153 = tpu.memref_squeeze %dma_start3A_152 : memref<1x640xf32, #tpu.memory_space<vmem_shared>> -> memref<640xf32, #tpu.memory_space<vmem_shared>>
      tpu.enqueue_dma source(%dma_start3A_153 : memref<640xf32, #tpu.memory_space<vmem_shared>>) target(%arg7 : memref<640xf32, #tpu.memory_space<vmem>>) target_semaphore(%run_scoped3A_150 : memref<!tpu.dma_semaphore, #tpu.memory_space<semaphore_mem>>)
      %dma_wait3A = tpu.memref_slice %arg8[%run_scoped3A_123, %mul3A_122] : memref<16x10240xf32, #tpu.memory_space<vmem_shared>> -> memref<1x640xf32, #tpu.memory_space<vmem_shared>>
      %dma_wait3A_154 = tpu.memref_squeeze %dma_wait3A : memref<1x640xf32, #tpu.memory_space<vmem_shared>> -> memref<640xf32, #tpu.memory_space<vmem_shared>>
      %dma_wait3A_155 = tpu.memref_slice %arg8[%run_scoped3A_123, %mul3A_122] : memref<16x10240xf32, #tpu.memory_space<vmem_shared>> -> memref<1x640xf32, #tpu.memory_space<vmem_shared>>
      %dma_wait3A_156 = tpu.memref_squeeze %dma_wait3A_155 : memref<1x640xf32, #tpu.memory_space<vmem_shared>> -> memref<640xf32, #tpu.memory_space<vmem_shared>>
      tpu.wait_dma2 semaphore(%run_scoped3A_150 : memref<!tpu.dma_semaphore, #tpu.memory_space<semaphore_mem>>) src(%dma_wait3A_156 : memref<640xf32, #tpu.memory_space<vmem_shared>>) dst(%arg7 : memref<640xf32, #tpu.memory_space<vmem>>)
      tpu.yield
    }) : () -> ()
    %scan3A_124 = arith.constant 0 : i32
    %scan3A_125 = arith.constant 40 : i32
    %scan3A_126 = arith.addi %scan3A_124, %scan3A_125 : i32
    %scan3A_127 = arith.constant 1 : i32
    scf.for %scan3A_150 = %scan3A_124 to %scan3A_126 step %scan3A_127  : i32 {
      %mul3A_151 = arith.constant 16 : i32
      %mul3A_152 = arith.muli %scan3A_150, %mul3A_151 : i32
      %add3A_153 = arith.constant 0 : i32
      %add3A_154 = arith.addi %add3A_153, %mul3A_152 : i32
      %get3A = arith.index_cast %add3A_154 : i32 to index
      %get3A_155 = tpu.vector_load %arg6[%get3A] {strides = array<i32>} : memref<640xf32, #tpu.memory_space<vmem>>, vector<16xf32>,
      %get3A_156 = arith.index_cast %add3A_154 : i32 to index
      %get3A_157 = tpu.vector_load %arg7[%get3A_156] {strides = array<i32>} : memref<640xf32, #tpu.memory_space<vmem>>, vector<16xf32>,
      %add3A_158 = arith.addf %get3A_155, %get3A_157 : vector<16xf32>
      %swap3A = arith.index_cast %add3A_154 : i32 to index
      %swap3A_159 = tpu.vector_load %arg6[%swap3A] {strides = array<i32>} : memref<640xf32, #tpu.memory_space<vmem>>, vector<16xf32>,
      tpu.vector_store %arg6[%swap3A], %add3A_158 {strides = array<i32>} : memref<640xf32, #tpu.memory_space<vmem>>, vector<16xf32>,
    }
    %scan3A_128 = arith.constant 40 : i32
    %mul3A_129 = arith.constant 640 : i32
    %mul3A_130 = arith.muli %arg1, %mul3A_129 : i32
    %run_scoped3A_131 = arith.constant 14 : i32
    "tpu.region"() ({
      %run_scoped3A_150 = tpu.sem_alloc : memref<!tpu.dma_semaphore, #tpu.memory_space<semaphore_mem>>
      %dma_start3A = tpu.memref_slice %arg8[%run_scoped3A_131, %mul3A_130] : memref<16x10240xf32, #tpu.memory_space<vmem_shared>> -> memref<1x640xf32, #tpu.memory_space<vmem_shared>>
      %dma_start3A_151 = tpu.memref_squeeze %dma_start3A : memref<1x640xf32, #tpu.memory_space<vmem_shared>> -> memref<640xf32, #tpu.memory_space<vmem_shared>>
      %dma_start3A_152 = tpu.memref_slice %arg8[%run_scoped3A_131, %mul3A_130] : memref<16x10240xf32, #tpu.memory_space<vmem_shared>> -> memref<1x640xf32, #tpu.memory_space<vmem_shared>>
      %dma_start3A_153 = tpu.memref_squeeze %dma_start3A_152 : memref<1x640xf32, #tpu.memory_space<vmem_shared>> -> memref<640xf32, #tpu.memory_space<vmem_shared>>
      tpu.enqueue_dma source(%dma_start3A_153 : memref<640xf32, #tpu.memory_space<vmem_shared>>) target(%arg7 : memref<640xf32, #tpu.memory_space<vmem>>) target_semaphore(%run_scoped3A_150 : memref<!tpu.dma_semaphore, #tpu.memory_space<semaphore_mem>>)
      %dma_wait3A = tpu.memref_slice %arg8[%run_scoped3A_131, %mul3A_130] : memref<16x10240xf32, #tpu.memory_space<vmem_shared>> -> memref<1x640xf32, #tpu.memory_space<vmem_shared>>
      %dma_wait3A_154 = tpu.memref_squeeze %dma_wait3A : memref<1x640xf32, #tpu.memory_space<vmem_shared>> -> memref<640xf32, #tpu.memory_space<vmem_shared>>
      %dma_wait3A_155 = tpu.memref_slice %arg8[%run_scoped3A_131, %mul3A_130] : memref<16x10240xf32, #tpu.memory_space<vmem_shared>> -> memref<1x640xf32, #tpu.memory_space<vmem_shared>>
      %dma_wait3A_156 = tpu.memref_squeeze %dma_wait3A_155 : memref<1x640xf32, #tpu.memory_space<vmem_shared>> -> memref<640xf32, #tpu.memory_space<vmem_shared>>
      tpu.wait_dma2 semaphore(%run_scoped3A_150 : memref<!tpu.dma_semaphore, #tpu.memory_space<semaphore_mem>>) src(%dma_wait3A_156 : memref<640xf32, #tpu.memory_space<vmem_shared>>) dst(%arg7 : memref<640xf32, #tpu.memory_space<vmem>>)
      tpu.yield
    }) : () -> ()
    %scan3A_132 = arith.constant 0 : i32
    %scan3A_133 = arith.constant 40 : i32
    %scan3A_134 = arith.addi %scan3A_132, %scan3A_133 : i32
    %scan3A_135 = arith.constant 1 : i32
    scf.for %scan3A_150 = %scan3A_132 to %scan3A_134 step %scan3A_135  : i32 {
      %mul3A_151 = arith.constant 16 : i32
      %mul3A_152 = arith.muli %scan3A_150, %mul3A_151 : i32
      %add3A_153 = arith.constant 0 : i32
      %add3A_154 = arith.addi %add3A_153, %mul3A_152 : i32
      %get3A = arith.index_cast %add3A_154 : i32 to index
      %get3A_155 = tpu.vector_load %arg6[%get3A] {strides = array<i32>} : memref<640xf32, #tpu.memory_space<vmem>>, vector<16xf32>,
      %get3A_156 = arith.index_cast %add3A_154 : i32 to index
      %get3A_157 = tpu.vector_load %arg7[%get3A_156] {strides = array<i32>} : memref<640xf32, #tpu.memory_space<vmem>>, vector<16xf32>,
      %add3A_158 = arith.addf %get3A_155, %get3A_157 : vector<16xf32>
      %swap3A = arith.index_cast %add3A_154 : i32 to index
      %swap3A_159 = tpu.vector_load %arg6[%swap3A] {strides = array<i32>} : memref<640xf32, #tpu.memory_space<vmem>>, vector<16xf32>,
      tpu.vector_store %arg6[%swap3A], %add3A_158 {strides = array<i32>} : memref<640xf32, #tpu.memory_space<vmem>>, vector<16xf32>,
    }
    %scan3A_136 = arith.constant 40 : i32
    %mul3A_137 = arith.constant 640 : i32
    %mul3A_138 = arith.muli %arg1, %mul3A_137 : i32
    %run_scoped3A_139 = arith.constant 15 : i32
    "tpu.region"() ({
      %run_scoped3A_150 = tpu.sem_alloc : memref<!tpu.dma_semaphore, #tpu.memory_space<semaphore_mem>>
      %dma_start3A = tpu.memref_slice %arg8[%run_scoped3A_139, %mul3A_138] : memref<16x10240xf32, #tpu.memory_space<vmem_shared>> -> memref<1x640xf32, #tpu.memory_space<vmem_shared>>
      %dma_start3A_151 = tpu.memref_squeeze %dma_start3A : memref<1x640xf32, #tpu.memory_space<vmem_shared>> -> memref<640xf32, #tpu.memory_space<vmem_shared>>
      %dma_start3A_152 = tpu.memref_slice %arg8[%run_scoped3A_139, %mul3A_138] : memref<16x10240xf32, #tpu.memory_space<vmem_shared>> -> memref<1x640xf32, #tpu.memory_space<vmem_shared>>
      %dma_start3A_153 = tpu.memref_squeeze %dma_start3A_152 : memref<1x640xf32, #tpu.memory_space<vmem_shared>> -> memref<640xf32, #tpu.memory_space<vmem_shared>>
      tpu.enqueue_dma source(%dma_start3A_153 : memref<640xf32, #tpu.memory_space<vmem_shared>>) target(%arg7 : memref<640xf32, #tpu.memory_space<vmem>>) target_semaphore(%run_scoped3A_150 : memref<!tpu.dma_semaphore, #tpu.memory_space<semaphore_mem>>)
      %dma_wait3A = tpu.memref_slice %arg8[%run_scoped3A_139, %mul3A_138] : memref<16x10240xf32, #tpu.memory_space<vmem_shared>> -> memref<1x640xf32, #tpu.memory_space<vmem_shared>>
      %dma_wait3A_154 = tpu.memref_squeeze %dma_wait3A : memref<1x640xf32, #tpu.memory_space<vmem_shared>> -> memref<640xf32, #tpu.memory_space<vmem_shared>>
      %dma_wait3A_155 = tpu.memref_slice %arg8[%run_scoped3A_139, %mul3A_138] : memref<16x10240xf32, #tpu.memory_space<vmem_shared>> -> memref<1x640xf32, #tpu.memory_space<vmem_shared>>
      %dma_wait3A_156 = tpu.memref_squeeze %dma_wait3A_155 : memref<1x640xf32, #tpu.memory_space<vmem_shared>> -> memref<640xf32, #tpu.memory_space<vmem_shared>>
      tpu.wait_dma2 semaphore(%run_scoped3A_150 : memref<!tpu.dma_semaphore, #tpu.memory_space<semaphore_mem>>) src(%dma_wait3A_156 : memref<640xf32, #tpu.memory_space<vmem_shared>>) dst(%arg7 : memref<640xf32, #tpu.memory_space<vmem>>)
      tpu.yield
    }) : () -> ()
    %scan3A_140 = arith.constant 0 : i32
    %scan3A_141 = arith.constant 40 : i32
    %scan3A_142 = arith.addi %scan3A_140, %scan3A_141 : i32
    %scan3A_143 = arith.constant 1 : i32
    scf.for %scan3A_150 = %scan3A_140 to %scan3A_142 step %scan3A_143  : i32 {
      %mul3A_151 = arith.constant 16 : i32
      %mul3A_152 = arith.muli %scan3A_150, %mul3A_151 : i32
      %add3A_153 = arith.constant 0 : i32
      %add3A_154 = arith.addi %add3A_153, %mul3A_152 : i32
      %get3A = arith.index_cast %add3A_154 : i32 to index
      %get3A_155 = tpu.vector_load %arg6[%get3A] {strides = array<i32>} : memref<640xf32, #tpu.memory_space<vmem>>, vector<16xf32>,
      %get3A_156 = arith.index_cast %add3A_154 : i32 to index
      %get3A_157 = tpu.vector_load %arg7[%get3A_156] {strides = array<i32>} : memref<640xf32, #tpu.memory_space<vmem>>, vector<16xf32>,
      %add3A_158 = arith.addf %get3A_155, %get3A_157 : vector<16xf32>
      %swap3A = arith.index_cast %add3A_154 : i32 to index
      %swap3A_159 = tpu.vector_load %arg6[%swap3A] {strides = array<i32>} : memref<640xf32, #tpu.memory_space<vmem>>, vector<16xf32>,
      tpu.vector_store %arg6[%swap3A], %add3A_158 {strides = array<i32>} : memref<640xf32, #tpu.memory_space<vmem>>, vector<16xf32>,
    }
    %scan3A_144 = arith.constant 40 : i32
    %mul3A_145 = arith.constant 10240 : i32
    %mul3A_146 = arith.muli %arg0, %mul3A_145 : i32
    %mul3A_147 = arith.constant 640 : i32
    %mul3A_148 = arith.muli %arg1, %mul3A_147 : i32
    %add3A_149 = arith.addi %mul3A_146, %mul3A_148 : i32
    "tpu.region"() ({
      %run_scoped3A_150 = tpu.sem_alloc : memref<!tpu.dma_semaphore, #tpu.memory_space<semaphore_mem>>
      %dma_start3A = tpu.memref_slice %arg3[%add3A_149] : memref<20480xf32, #tpu.memory_space<hbm>> -> memref<640xf32, #tpu.memory_space<hbm>>
      %dma_start3A_151 = tpu.memref_slice %arg3[%add3A_149] : memref<20480xf32, #tpu.memory_space<hbm>> -> memref<640xf32, #tpu.memory_space<hbm>>
      tpu.enqueue_dma source(%arg6 : memref<640xf32, #tpu.memory_space<vmem>>) target(%dma_start3A_151 : memref<640xf32, #tpu.memory_space<hbm>>) target_semaphore(%run_scoped3A_150 : memref<!tpu.dma_semaphore, #tpu.memory_space<semaphore_mem>>)
      %dma_wait3A = tpu.memref_slice %arg3[%add3A_149] : memref<20480xf32, #tpu.memory_space<hbm>> -> memref<640xf32, #tpu.memory_space<hbm>>
      %dma_wait3A_152 = tpu.memref_slice %arg3[%add3A_149] : memref<20480xf32, #tpu.memory_space<hbm>> -> memref<640xf32, #tpu.memory_space<hbm>>
      tpu.wait_dma2 semaphore(%run_scoped3A_150 : memref<!tpu.dma_semaphore, #tpu.memory_space<semaphore_mem>>) src(%arg6 : memref<640xf32, #tpu.memory_space<vmem>>) dst(%dma_wait3A_152 : memref<640xf32, #tpu.memory_space<hbm>>)
      tpu.yield
    }) : () -> ()
    return
  }
}

#map = affine_map<(d0, d1) -> (0, 0)>
module attributes {stable_mosaic.version = 14 : i64} {
  func.func @k(%arg0: i32, %arg1: i32, %arg2: memref<10000x128xf32, #tpu.memory_space<hbm>>, %arg3: memref<2560x128xi32, #tpu.memory_space<hbm>>, %arg4: memref<2560x128xi32, #tpu.memory_space<hbm>>, %arg5: memref<20224x128xf32, #tpu.memory_space<hbm>>, %arg6: memref<40x128xi32, #tpu.memory_space<vmem>>, %arg7: memref<40x128xi32, #tpu.memory_space<vmem>>, %arg8: memref<128x128xf32, #tpu.memory_space<vmem>>, %arg9: memref<128x128xf32, #tpu.memory_space<vmem>>, %arg10: memref<10112x128xf32, #tpu.memory_space<vmem_shared>>, %arg11: memref<!tpu.dma_semaphore, #tpu.memory_space<semaphore_mem>>, %arg12: memref<!tpu.dma_semaphore, #tpu.memory_space<semaphore_mem>>) attributes {dimension_semantics = [#tpu.dimension_semantics<core_parallel>, #tpu.dimension_semantics<subcore_parallel>], iteration_bounds = array<i64: 2, 16>, scalar_prefetch = 0 : i64, scratch_operands = 7 : i64, tpu.core_type = #tpu.core_type<sc_vector_subcore>, window_params = [{transform_indices = #map}, {transform_indices = #map}, {transform_indices = #map}, {transform_indices = #map}]} {
    %mul3A = arith.constant 16 : i32
    %mul3A_0 = arith.muli %arg0, %mul3A : i32
    %add3A = arith.addi %mul3A_0, %arg1 : i32
    %scan3A = arith.constant 0 : i32
    %scan3A_1 = arith.constant 128 : i32
    %scan3A_2 = arith.addi %scan3A, %scan3A_1 : i32
    %scan3A_3 = arith.constant 1 : i32
    scf.for %scan3A_73 = %scan3A to %scan3A_2 step %scan3A_3  : i32 {
      %mul3A_74 = arith.constant 1 : i32
      %mul3A_75 = arith.muli %scan3A_73, %mul3A_74 : i32
      %add3A_76 = arith.constant 0 : i32
      %add3A_77 = arith.addi %add3A_76, %mul3A_75 : i32
      %broadcast_in_dim3A = arith.constant 0.000000e+00 : f32
      %broadcast_in_dim3A_78 = vector.broadcast %broadcast_in_dim3A : f32 to vector<16xf32>
      %swap3A = arith.index_cast %add3A_77 : i32 to index
      %swap3A_79 = arith.constant 0 : index
      %swap3A_80 = tpu.vector_load %arg8[%swap3A, %swap3A_79] {strides = array<i32>} : memref<128x128xf32, #tpu.memory_space<vmem>>, vector<1x16xf32>,
      %swap3A_81 = vector.shape_cast %swap3A_80 : vector<1x16xf32> to vector<16xf32>
      %swap3A_82 = vector.shape_cast %broadcast_in_dim3A_78 : vector<16xf32> to vector<1x16xf32>
      tpu.vector_store %arg8[%swap3A, %swap3A_79], %swap3A_82 {strides = array<i32>} : memref<128x128xf32, #tpu.memory_space<vmem>>, vector<1x16xf32>,
      %broadcast_in_dim3A_83 = arith.constant 0.000000e+00 : f32
      %broadcast_in_dim3A_84 = vector.broadcast %broadcast_in_dim3A_83 : f32 to vector<16xf32>
      %swap3A_85 = arith.index_cast %add3A_77 : i32 to index
      %swap3A_86 = arith.constant 16 : index
      %swap3A_87 = tpu.vector_load %arg8[%swap3A_85, %swap3A_86] {strides = array<i32>} : memref<128x128xf32, #tpu.memory_space<vmem>>, vector<1x16xf32>,
      %swap3A_88 = vector.shape_cast %swap3A_87 : vector<1x16xf32> to vector<16xf32>
      %swap3A_89 = vector.shape_cast %broadcast_in_dim3A_84 : vector<16xf32> to vector<1x16xf32>
      tpu.vector_store %arg8[%swap3A_85, %swap3A_86], %swap3A_89 {strides = array<i32>} : memref<128x128xf32, #tpu.memory_space<vmem>>, vector<1x16xf32>,
      %broadcast_in_dim3A_90 = arith.constant 0.000000e+00 : f32
      %broadcast_in_dim3A_91 = vector.broadcast %broadcast_in_dim3A_90 : f32 to vector<16xf32>
      %swap3A_92 = arith.index_cast %add3A_77 : i32 to index
      %swap3A_93 = arith.constant 32 : index
      %swap3A_94 = tpu.vector_load %arg8[%swap3A_92, %swap3A_93] {strides = array<i32>} : memref<128x128xf32, #tpu.memory_space<vmem>>, vector<1x16xf32>,
      %swap3A_95 = vector.shape_cast %swap3A_94 : vector<1x16xf32> to vector<16xf32>
      %swap3A_96 = vector.shape_cast %broadcast_in_dim3A_91 : vector<16xf32> to vector<1x16xf32>
      tpu.vector_store %arg8[%swap3A_92, %swap3A_93], %swap3A_96 {strides = array<i32>} : memref<128x128xf32, #tpu.memory_space<vmem>>, vector<1x16xf32>,
      %broadcast_in_dim3A_97 = arith.constant 0.000000e+00 : f32
      %broadcast_in_dim3A_98 = vector.broadcast %broadcast_in_dim3A_97 : f32 to vector<16xf32>
      %swap3A_99 = arith.index_cast %add3A_77 : i32 to index
      %swap3A_100 = arith.constant 48 : index
      %swap3A_101 = tpu.vector_load %arg8[%swap3A_99, %swap3A_100] {strides = array<i32>} : memref<128x128xf32, #tpu.memory_space<vmem>>, vector<1x16xf32>,
      %swap3A_102 = vector.shape_cast %swap3A_101 : vector<1x16xf32> to vector<16xf32>
      %swap3A_103 = vector.shape_cast %broadcast_in_dim3A_98 : vector<16xf32> to vector<1x16xf32>
      tpu.vector_store %arg8[%swap3A_99, %swap3A_100], %swap3A_103 {strides = array<i32>} : memref<128x128xf32, #tpu.memory_space<vmem>>, vector<1x16xf32>,
      %broadcast_in_dim3A_104 = arith.constant 0.000000e+00 : f32
      %broadcast_in_dim3A_105 = vector.broadcast %broadcast_in_dim3A_104 : f32 to vector<16xf32>
      %swap3A_106 = arith.index_cast %add3A_77 : i32 to index
      %swap3A_107 = arith.constant 64 : index
      %swap3A_108 = tpu.vector_load %arg8[%swap3A_106, %swap3A_107] {strides = array<i32>} : memref<128x128xf32, #tpu.memory_space<vmem>>, vector<1x16xf32>,
      %swap3A_109 = vector.shape_cast %swap3A_108 : vector<1x16xf32> to vector<16xf32>
      %swap3A_110 = vector.shape_cast %broadcast_in_dim3A_105 : vector<16xf32> to vector<1x16xf32>
      tpu.vector_store %arg8[%swap3A_106, %swap3A_107], %swap3A_110 {strides = array<i32>} : memref<128x128xf32, #tpu.memory_space<vmem>>, vector<1x16xf32>,
      %broadcast_in_dim3A_111 = arith.constant 0.000000e+00 : f32
      %broadcast_in_dim3A_112 = vector.broadcast %broadcast_in_dim3A_111 : f32 to vector<16xf32>
      %swap3A_113 = arith.index_cast %add3A_77 : i32 to index
      %swap3A_114 = arith.constant 80 : index
      %swap3A_115 = tpu.vector_load %arg8[%swap3A_113, %swap3A_114] {strides = array<i32>} : memref<128x128xf32, #tpu.memory_space<vmem>>, vector<1x16xf32>,
      %swap3A_116 = vector.shape_cast %swap3A_115 : vector<1x16xf32> to vector<16xf32>
      %swap3A_117 = vector.shape_cast %broadcast_in_dim3A_112 : vector<16xf32> to vector<1x16xf32>
      tpu.vector_store %arg8[%swap3A_113, %swap3A_114], %swap3A_117 {strides = array<i32>} : memref<128x128xf32, #tpu.memory_space<vmem>>, vector<1x16xf32>,
      %broadcast_in_dim3A_118 = arith.constant 0.000000e+00 : f32
      %broadcast_in_dim3A_119 = vector.broadcast %broadcast_in_dim3A_118 : f32 to vector<16xf32>
      %swap3A_120 = arith.index_cast %add3A_77 : i32 to index
      %swap3A_121 = arith.constant 96 : index
      %swap3A_122 = tpu.vector_load %arg8[%swap3A_120, %swap3A_121] {strides = array<i32>} : memref<128x128xf32, #tpu.memory_space<vmem>>, vector<1x16xf32>,
      %swap3A_123 = vector.shape_cast %swap3A_122 : vector<1x16xf32> to vector<16xf32>
      %swap3A_124 = vector.shape_cast %broadcast_in_dim3A_119 : vector<16xf32> to vector<1x16xf32>
      tpu.vector_store %arg8[%swap3A_120, %swap3A_121], %swap3A_124 {strides = array<i32>} : memref<128x128xf32, #tpu.memory_space<vmem>>, vector<1x16xf32>,
      %broadcast_in_dim3A_125 = arith.constant 0.000000e+00 : f32
      %broadcast_in_dim3A_126 = vector.broadcast %broadcast_in_dim3A_125 : f32 to vector<16xf32>
      %swap3A_127 = arith.index_cast %add3A_77 : i32 to index
      %swap3A_128 = arith.constant 112 : index
      %swap3A_129 = tpu.vector_load %arg8[%swap3A_127, %swap3A_128] {strides = array<i32>} : memref<128x128xf32, #tpu.memory_space<vmem>>, vector<1x16xf32>,
      %swap3A_130 = vector.shape_cast %swap3A_129 : vector<1x16xf32> to vector<16xf32>
      %swap3A_131 = vector.shape_cast %broadcast_in_dim3A_126 : vector<16xf32> to vector<1x16xf32>
      tpu.vector_store %arg8[%swap3A_127, %swap3A_128], %swap3A_131 {strides = array<i32>} : memref<128x128xf32, #tpu.memory_space<vmem>>, vector<1x16xf32>,
    }
    %scan3A_4 = arith.constant 128 : i32
    %mul3A_5 = arith.constant 632 : i32
    %mul3A_6 = arith.muli %arg1, %mul3A_5 : i32
    %add3A_7 = arith.constant 0 : i32
    %add3A_8 = arith.addi %mul3A_6, %add3A_7 : i32
    "tpu.region"() ({
      %run_scoped3A = tpu.sem_alloc : memref<!tpu.dma_semaphore, #tpu.memory_space<semaphore_mem>>
      %dma_start3A_73 = arith.constant 0 : i32
      %dma_start3A_74 = tpu.memref_slice %arg10[%add3A_8, %dma_start3A_73] : memref<10112x128xf32, #tpu.memory_space<vmem_shared>> -> memref<128x128xf32, #tpu.memory_space<vmem_shared>>
      %dma_start3A_75 = arith.constant 0 : i32
      %dma_start3A_76 = tpu.memref_slice %arg10[%add3A_8, %dma_start3A_75] : memref<10112x128xf32, #tpu.memory_space<vmem_shared>> -> memref<128x128xf32, #tpu.memory_space<vmem_shared>>
      tpu.enqueue_dma source(%arg8 : memref<128x128xf32, #tpu.memory_space<vmem>>) target(%dma_start3A_76 : memref<128x128xf32, #tpu.memory_space<vmem_shared>>) target_semaphore(%run_scoped3A : memref<!tpu.dma_semaphore, #tpu.memory_space<semaphore_mem>>)
      %dma_wait3A_77 = arith.constant 0 : i32
      %dma_wait3A_78 = tpu.memref_slice %arg10[%add3A_8, %dma_wait3A_77] : memref<10112x128xf32, #tpu.memory_space<vmem_shared>> -> memref<128x128xf32, #tpu.memory_space<vmem_shared>>
      %dma_wait3A_79 = arith.constant 0 : i32
      %dma_wait3A_80 = tpu.memref_slice %arg10[%add3A_8, %dma_wait3A_79] : memref<10112x128xf32, #tpu.memory_space<vmem_shared>> -> memref<128x128xf32, #tpu.memory_space<vmem_shared>>
      tpu.wait_dma2 semaphore(%run_scoped3A : memref<!tpu.dma_semaphore, #tpu.memory_space<semaphore_mem>>) src(%arg8 : memref<128x128xf32, #tpu.memory_space<vmem>>) dst(%dma_wait3A_80 : memref<128x128xf32, #tpu.memory_space<vmem_shared>>)
      tpu.yield
    }) : () -> ()
    %add3A_9 = arith.constant 128 : i32
    %add3A_10 = arith.addi %mul3A_6, %add3A_9 : i32
    "tpu.region"() ({
      %run_scoped3A = tpu.sem_alloc : memref<!tpu.dma_semaphore, #tpu.memory_space<semaphore_mem>>
      %dma_start3A_73 = arith.constant 0 : i32
      %dma_start3A_74 = tpu.memref_slice %arg10[%add3A_10, %dma_start3A_73] : memref<10112x128xf32, #tpu.memory_space<vmem_shared>> -> memref<128x128xf32, #tpu.memory_space<vmem_shared>>
      %dma_start3A_75 = arith.constant 0 : i32
      %dma_start3A_76 = tpu.memref_slice %arg10[%add3A_10, %dma_start3A_75] : memref<10112x128xf32, #tpu.memory_space<vmem_shared>> -> memref<128x128xf32, #tpu.memory_space<vmem_shared>>
      tpu.enqueue_dma source(%arg8 : memref<128x128xf32, #tpu.memory_space<vmem>>) target(%dma_start3A_76 : memref<128x128xf32, #tpu.memory_space<vmem_shared>>) target_semaphore(%run_scoped3A : memref<!tpu.dma_semaphore, #tpu.memory_space<semaphore_mem>>)
      %dma_wait3A_77 = arith.constant 0 : i32
      %dma_wait3A_78 = tpu.memref_slice %arg10[%add3A_10, %dma_wait3A_77] : memref<10112x128xf32, #tpu.memory_space<vmem_shared>> -> memref<128x128xf32, #tpu.memory_space<vmem_shared>>
      %dma_wait3A_79 = arith.constant 0 : i32
      %dma_wait3A_80 = tpu.memref_slice %arg10[%add3A_10, %dma_wait3A_79] : memref<10112x128xf32, #tpu.memory_space<vmem_shared>> -> memref<128x128xf32, #tpu.memory_space<vmem_shared>>
      tpu.wait_dma2 semaphore(%run_scoped3A : memref<!tpu.dma_semaphore, #tpu.memory_space<semaphore_mem>>) src(%arg8 : memref<128x128xf32, #tpu.memory_space<vmem>>) dst(%dma_wait3A_80 : memref<128x128xf32, #tpu.memory_space<vmem_shared>>)
      tpu.yield
    }) : () -> ()
    %add3A_11 = arith.constant 256 : i32
    %add3A_12 = arith.addi %mul3A_6, %add3A_11 : i32
    "tpu.region"() ({
      %run_scoped3A = tpu.sem_alloc : memref<!tpu.dma_semaphore, #tpu.memory_space<semaphore_mem>>
      %dma_start3A_73 = arith.constant 0 : i32
      %dma_start3A_74 = tpu.memref_slice %arg10[%add3A_12, %dma_start3A_73] : memref<10112x128xf32, #tpu.memory_space<vmem_shared>> -> memref<128x128xf32, #tpu.memory_space<vmem_shared>>
      %dma_start3A_75 = arith.constant 0 : i32
      %dma_start3A_76 = tpu.memref_slice %arg10[%add3A_12, %dma_start3A_75] : memref<10112x128xf32, #tpu.memory_space<vmem_shared>> -> memref<128x128xf32, #tpu.memory_space<vmem_shared>>
      tpu.enqueue_dma source(%arg8 : memref<128x128xf32, #tpu.memory_space<vmem>>) target(%dma_start3A_76 : memref<128x128xf32, #tpu.memory_space<vmem_shared>>) target_semaphore(%run_scoped3A : memref<!tpu.dma_semaphore, #tpu.memory_space<semaphore_mem>>)
      %dma_wait3A_77 = arith.constant 0 : i32
      %dma_wait3A_78 = tpu.memref_slice %arg10[%add3A_12, %dma_wait3A_77] : memref<10112x128xf32, #tpu.memory_space<vmem_shared>> -> memref<128x128xf32, #tpu.memory_space<vmem_shared>>
      %dma_wait3A_79 = arith.constant 0 : i32
      %dma_wait3A_80 = tpu.memref_slice %arg10[%add3A_12, %dma_wait3A_79] : memref<10112x128xf32, #tpu.memory_space<vmem_shared>> -> memref<128x128xf32, #tpu.memory_space<vmem_shared>>
      tpu.wait_dma2 semaphore(%run_scoped3A : memref<!tpu.dma_semaphore, #tpu.memory_space<semaphore_mem>>) src(%arg8 : memref<128x128xf32, #tpu.memory_space<vmem>>) dst(%dma_wait3A_80 : memref<128x128xf32, #tpu.memory_space<vmem_shared>>)
      tpu.yield
    }) : () -> ()
    %add3A_13 = arith.constant 384 : i32
    %add3A_14 = arith.addi %mul3A_6, %add3A_13 : i32
    "tpu.region"() ({
      %run_scoped3A = tpu.sem_alloc : memref<!tpu.dma_semaphore, #tpu.memory_space<semaphore_mem>>
      %dma_start3A_73 = arith.constant 0 : i32
      %dma_start3A_74 = tpu.memref_slice %arg10[%add3A_14, %dma_start3A_73] : memref<10112x128xf32, #tpu.memory_space<vmem_shared>> -> memref<128x128xf32, #tpu.memory_space<vmem_shared>>
      %dma_start3A_75 = arith.constant 0 : i32
      %dma_start3A_76 = tpu.memref_slice %arg10[%add3A_14, %dma_start3A_75] : memref<10112x128xf32, #tpu.memory_space<vmem_shared>> -> memref<128x128xf32, #tpu.memory_space<vmem_shared>>
      tpu.enqueue_dma source(%arg8 : memref<128x128xf32, #tpu.memory_space<vmem>>) target(%dma_start3A_76 : memref<128x128xf32, #tpu.memory_space<vmem_shared>>) target_semaphore(%run_scoped3A : memref<!tpu.dma_semaphore, #tpu.memory_space<semaphore_mem>>)
      %dma_wait3A_77 = arith.constant 0 : i32
      %dma_wait3A_78 = tpu.memref_slice %arg10[%add3A_14, %dma_wait3A_77] : memref<10112x128xf32, #tpu.memory_space<vmem_shared>> -> memref<128x128xf32, #tpu.memory_space<vmem_shared>>
      %dma_wait3A_79 = arith.constant 0 : i32
      %dma_wait3A_80 = tpu.memref_slice %arg10[%add3A_14, %dma_wait3A_79] : memref<10112x128xf32, #tpu.memory_space<vmem_shared>> -> memref<128x128xf32, #tpu.memory_space<vmem_shared>>
      tpu.wait_dma2 semaphore(%run_scoped3A : memref<!tpu.dma_semaphore, #tpu.memory_space<semaphore_mem>>) src(%arg8 : memref<128x128xf32, #tpu.memory_space<vmem>>) dst(%dma_wait3A_80 : memref<128x128xf32, #tpu.memory_space<vmem_shared>>)
      tpu.yield
    }) : () -> ()
    %add3A_15 = arith.constant 512 : i32
    %add3A_16 = arith.addi %mul3A_6, %add3A_15 : i32
    "tpu.region"() ({
      %run_scoped3A = tpu.sem_alloc : memref<!tpu.dma_semaphore, #tpu.memory_space<semaphore_mem>>
      %dma_start3A_73 = arith.constant 0 : i32
      %dma_start3A_74 = arith.constant 0 : i32
      %dma_start3A_75 = tpu.memref_slice %arg8[%dma_start3A_73, %dma_start3A_74] : memref<128x128xf32, #tpu.memory_space<vmem>> -> memref<120x128xf32, #tpu.memory_space<vmem>>
      %dma_start3A_76 = arith.constant 0 : i32
      %dma_start3A_77 = tpu.memref_slice %arg10[%add3A_16, %dma_start3A_76] : memref<10112x128xf32, #tpu.memory_space<vmem_shared>> -> memref<120x128xf32, #tpu.memory_space<vmem_shared>>
      %dma_start3A_78 = arith.constant 0 : i32
      %dma_start3A_79 = tpu.memref_slice %arg10[%add3A_16, %dma_start3A_78] : memref<10112x128xf32, #tpu.memory_space<vmem_shared>> -> memref<120x128xf32, #tpu.memory_space<vmem_shared>>
      %dma_start3A_80 = arith.constant 0 : i32
      %dma_start3A_81 = arith.constant 0 : i32
      %dma_start3A_82 = tpu.memref_slice %arg8[%dma_start3A_80, %dma_start3A_81] : memref<128x128xf32, #tpu.memory_space<vmem>> -> memref<120x128xf32, #tpu.memory_space<vmem>>
      tpu.enqueue_dma source(%dma_start3A_82 : memref<120x128xf32, #tpu.memory_space<vmem>>) target(%dma_start3A_79 : memref<120x128xf32, #tpu.memory_space<vmem_shared>>) target_semaphore(%run_scoped3A : memref<!tpu.dma_semaphore, #tpu.memory_space<semaphore_mem>>)
      %dma_wait3A_83 = arith.constant 0 : i32
      %dma_wait3A_84 = arith.constant 0 : i32
      %dma_wait3A_85 = tpu.memref_slice %arg8[%dma_wait3A_83, %dma_wait3A_84] : memref<128x128xf32, #tpu.memory_space<vmem>> -> memref<120x128xf32, #tpu.memory_space<vmem>>
      %dma_wait3A_86 = arith.constant 0 : i32
      %dma_wait3A_87 = tpu.memref_slice %arg10[%add3A_16, %dma_wait3A_86] : memref<10112x128xf32, #tpu.memory_space<vmem_shared>> -> memref<120x128xf32, #tpu.memory_space<vmem_shared>>
      %dma_wait3A_88 = arith.constant 0 : i32
      %dma_wait3A_89 = tpu.memref_slice %arg10[%add3A_16, %dma_wait3A_88] : memref<10112x128xf32, #tpu.memory_space<vmem_shared>> -> memref<120x128xf32, #tpu.memory_space<vmem_shared>>
      %dma_wait3A_90 = arith.constant 0 : i32
      %dma_wait3A_91 = arith.constant 0 : i32
      %dma_wait3A_92 = tpu.memref_slice %arg8[%dma_wait3A_90, %dma_wait3A_91] : memref<128x128xf32, #tpu.memory_space<vmem>> -> memref<120x128xf32, #tpu.memory_space<vmem>>
      tpu.wait_dma2 semaphore(%run_scoped3A : memref<!tpu.dma_semaphore, #tpu.memory_space<semaphore_mem>>) src(%dma_wait3A_92 : memref<120x128xf32, #tpu.memory_space<vmem>>) dst(%dma_wait3A_89 : memref<120x128xf32, #tpu.memory_space<vmem_shared>>)
      tpu.yield
    }) : () -> ()
    %mul3A_17 = arith.constant 80 : i32
    %mul3A_18 = arith.muli %add3A, %mul3A_17 : i32
    "tpu.region"() ({
      %run_scoped3A = tpu.sem_alloc : memref<!tpu.dma_semaphore, #tpu.memory_space<semaphore_mem>>
      %dma_start3A_73 = arith.constant 0 : i32
      %dma_start3A_74 = tpu.memref_slice %arg3[%mul3A_18, %dma_start3A_73] : memref<2560x128xi32, #tpu.memory_space<hbm>> -> memref<40x128xi32, #tpu.memory_space<hbm>>
      %dma_start3A_75 = arith.constant 0 : i32
      %dma_start3A_76 = tpu.memref_slice %arg3[%mul3A_18, %dma_start3A_75] : memref<2560x128xi32, #tpu.memory_space<hbm>> -> memref<40x128xi32, #tpu.memory_space<hbm>>
      tpu.enqueue_dma source(%dma_start3A_76 : memref<40x128xi32, #tpu.memory_space<hbm>>) target(%arg6 : memref<40x128xi32, #tpu.memory_space<vmem>>) target_semaphore(%run_scoped3A : memref<!tpu.dma_semaphore, #tpu.memory_space<semaphore_mem>>)
      %dma_wait3A_77 = arith.constant 0 : i32
      %dma_wait3A_78 = tpu.memref_slice %arg3[%mul3A_18, %dma_wait3A_77] : memref<2560x128xi32, #tpu.memory_space<hbm>> -> memref<40x128xi32, #tpu.memory_space<hbm>>
      %dma_wait3A_79 = arith.constant 0 : i32
      %dma_wait3A_80 = tpu.memref_slice %arg3[%mul3A_18, %dma_wait3A_79] : memref<2560x128xi32, #tpu.memory_space<hbm>> -> memref<40x128xi32, #tpu.memory_space<hbm>>
      tpu.wait_dma2 semaphore(%run_scoped3A : memref<!tpu.dma_semaphore, #tpu.memory_space<semaphore_mem>>) src(%dma_wait3A_80 : memref<40x128xi32, #tpu.memory_space<hbm>>) dst(%arg6 : memref<40x128xi32, #tpu.memory_space<vmem>>)
      tpu.yield
    }) : () -> ()
    "tpu.region"() ({
      %run_scoped3A = tpu.sem_alloc : memref<!tpu.dma_semaphore, #tpu.memory_space<semaphore_mem>>
      %dma_start3A_73 = arith.constant 0 : i32
      %dma_start3A_74 = tpu.memref_slice %arg4[%mul3A_18, %dma_start3A_73] : memref<2560x128xi32, #tpu.memory_space<hbm>> -> memref<40x128xi32, #tpu.memory_space<hbm>>
      %dma_start3A_75 = arith.constant 0 : i32
      %dma_start3A_76 = tpu.memref_slice %arg4[%mul3A_18, %dma_start3A_75] : memref<2560x128xi32, #tpu.memory_space<hbm>> -> memref<40x128xi32, #tpu.memory_space<hbm>>
      tpu.enqueue_dma source(%dma_start3A_76 : memref<40x128xi32, #tpu.memory_space<hbm>>) target(%arg7 : memref<40x128xi32, #tpu.memory_space<vmem>>) target_semaphore(%run_scoped3A : memref<!tpu.dma_semaphore, #tpu.memory_space<semaphore_mem>>)
      %dma_wait3A_77 = arith.constant 0 : i32
      %dma_wait3A_78 = tpu.memref_slice %arg4[%mul3A_18, %dma_wait3A_77] : memref<2560x128xi32, #tpu.memory_space<hbm>> -> memref<40x128xi32, #tpu.memory_space<hbm>>
      %dma_wait3A_79 = arith.constant 0 : i32
      %dma_wait3A_80 = tpu.memref_slice %arg4[%mul3A_18, %dma_wait3A_79] : memref<2560x128xi32, #tpu.memory_space<hbm>> -> memref<40x128xi32, #tpu.memory_space<hbm>>
      tpu.wait_dma2 semaphore(%run_scoped3A : memref<!tpu.dma_semaphore, #tpu.memory_space<semaphore_mem>>) src(%dma_wait3A_80 : memref<40x128xi32, #tpu.memory_space<hbm>>) dst(%arg7 : memref<40x128xi32, #tpu.memory_space<vmem>>)
      tpu.yield
    }) : () -> ()
    %barrier3A = arith.constant 0 : index
    tpu.barrier barrier_id(%barrier3A)
    %jit3A = arith.constant false
    %jit3A_19 = arith.constant 40 : i32
    %jit3A_20 = arith.constant 0 : i32
    %select_n3A = arith.select %jit3A, %jit3A_19, %jit3A_20 : i32
    %sub3A = arith.constant 0 : i32
    %sub3A_21 = arith.subi %sub3A, %select_n3A : i32
    %dma_start3A = arith.constant 0 : i32
    %dma_start3A_22 = tpu.memref_slice %arg6[%sub3A_21, %dma_start3A] : memref<40x128xi32, #tpu.memory_space<vmem>> -> memref<1x128xi32, #tpu.memory_space<vmem>>
    %dma_start3A_23 = tpu.memref_squeeze %dma_start3A_22 : memref<1x128xi32, #tpu.memory_space<vmem>> -> memref<128xi32, #tpu.memory_space<vmem>>
    %dma_start3A_24 = arith.constant 0 : i32
    %dma_start3A_25 = arith.constant 0 : i32
    %dma_start3A_26 = tpu.memref_slice %arg2[%dma_start3A_24, %dma_start3A_25] : memref<10000x128xf32, #tpu.memory_space<hbm>> -> memref<10000x128xf32, #tpu.memory_space<hbm>>
    tpu.enqueue_indirect_dma source(%dma_start3A_26 : memref<10000x128xf32, #tpu.memory_space<hbm>>) target(%arg8 : memref<128x128xf32, #tpu.memory_space<vmem>>) offsets(%dma_start3A_23 : memref<128xi32, #tpu.memory_space<vmem>>) semaphore(%arg11 : memref<!tpu.dma_semaphore, #tpu.memory_space<semaphore_mem>>)
    %scan3A_27 = arith.constant 0 : i32
    %scan3A_28 = arith.constant 39 : i32
    %scan3A_29 = arith.addi %scan3A_27, %scan3A_28 : i32
    %scan3A_30 = arith.constant 1 : i32
    scf.for %scan3A_73 = %scan3A_27 to %scan3A_29 step %scan3A_30  : i32 {
      %mul3A_74 = arith.constant 2 : i32
      %mul3A_75 = arith.muli %scan3A_73, %mul3A_74 : i32
      %add3A_76 = arith.constant 0 : i32
      %add3A_77 = arith.addi %add3A_76, %mul3A_75 : i32
      %dma_wait3A_78 = arith.constant 0 : i32
      %dma_wait3A_79 = arith.constant 0 : i32
      %dma_wait3A_80 = tpu.memref_slice %arg6[%dma_wait3A_78, %dma_wait3A_79] : memref<40x128xi32, #tpu.memory_space<vmem>> -> memref<1x128xi32, #tpu.memory_space<vmem>>
      %dma_wait3A_81 = tpu.memref_squeeze %dma_wait3A_80 : memref<1x128xi32, #tpu.memory_space<vmem>> -> memref<128xi32, #tpu.memory_space<vmem>>
      %dma_wait3A_82 = arith.constant 0 : i32
      %dma_wait3A_83 = arith.constant 0 : i32
      %dma_wait3A_84 = tpu.memref_slice %arg2[%dma_wait3A_82, %dma_wait3A_83] : memref<10000x128xf32, #tpu.memory_space<hbm>> -> memref<10000x128xf32, #tpu.memory_space<hbm>>
      tpu.wait_indirect_dma semaphore(%arg11 : memref<!tpu.dma_semaphore, #tpu.memory_space<semaphore_mem>>) src(%dma_wait3A_84 : memref<10000x128xf32, #tpu.memory_space<hbm>>) dst(%arg8 : memref<128x128xf32, #tpu.memory_space<vmem>>)
      %add3A_85 = arith.constant 1 : i32
      %add3A_86 = arith.addi %add3A_77, %add3A_85 : i32
      %ge3A = arith.constant 40 : i32
      %ge3A_87 = arith.cmpi sge, %add3A_86, %ge3A : i32
      %jit3A_88 = arith.constant 40 : i32
      %jit3A_89 = arith.constant 0 : i32
      %select_n3A_90 = arith.select %ge3A_87, %jit3A_88, %jit3A_89 : i32
      %sub3A_91 = arith.subi %add3A_86, %select_n3A_90 : i32
      %dma_start3A_92 = arith.constant 0 : i32
      %dma_start3A_93 = tpu.memref_slice %arg6[%sub3A_91, %dma_start3A_92] : memref<40x128xi32, #tpu.memory_space<vmem>> -> memref<1x128xi32, #tpu.memory_space<vmem>>
      %dma_start3A_94 = tpu.memref_squeeze %dma_start3A_93 : memref<1x128xi32, #tpu.memory_space<vmem>> -> memref<128xi32, #tpu.memory_space<vmem>>
      %dma_start3A_95 = arith.constant 0 : i32
      %dma_start3A_96 = arith.constant 0 : i32
      %dma_start3A_97 = tpu.memref_slice %arg2[%dma_start3A_95, %dma_start3A_96] : memref<10000x128xf32, #tpu.memory_space<hbm>> -> memref<10000x128xf32, #tpu.memory_space<hbm>>
      tpu.enqueue_indirect_dma source(%dma_start3A_97 : memref<10000x128xf32, #tpu.memory_space<hbm>>) target(%arg9 : memref<128x128xf32, #tpu.memory_space<vmem>>) offsets(%dma_start3A_94 : memref<128xi32, #tpu.memory_space<vmem>>) semaphore(%arg12 : memref<!tpu.dma_semaphore, #tpu.memory_space<semaphore_mem>>)
      %ge3A_98 = arith.constant 40 : i32
      %ge3A_99 = arith.cmpi sge, %add3A_77, %ge3A_98 : i32
      %jit3A_100 = arith.constant 40 : i32
      %jit3A_101 = arith.constant 0 : i32
      %select_n3A_102 = arith.select %ge3A_99, %jit3A_100, %jit3A_101 : i32
      %sub3A_103 = arith.subi %add3A_77, %select_n3A_102 : i32
      "tpu.region"() ({
        %run_scoped3A = tpu.sem_alloc : memref<!tpu.dma_semaphore, #tpu.memory_space<semaphore_mem>>
        %dma_start3A_140 = arith.constant 0 : i32
        %dma_start3A_141 = tpu.memref_slice %arg7[%sub3A_103, %dma_start3A_140] : memref<40x128xi32, #tpu.memory_space<vmem>> -> memref<1x128xi32, #tpu.memory_space<vmem>>
        %dma_start3A_142 = tpu.memref_squeeze %dma_start3A_141 : memref<1x128xi32, #tpu.memory_space<vmem>> -> memref<128xi32, #tpu.memory_space<vmem>>
        %dma_start3A_143 = arith.constant 0 : i32
        %dma_start3A_144 = arith.constant 0 : i32
        %dma_start3A_145 = tpu.memref_slice %arg10[%dma_start3A_143, %dma_start3A_144] : memref<10112x128xf32, #tpu.memory_space<vmem_shared>> -> memref<10112x128xf32, #tpu.memory_space<vmem_shared>>
        tpu.enqueue_indirect_dma source(%arg8 : memref<128x128xf32, #tpu.memory_space<vmem>>) target(%dma_start3A_145 : memref<10112x128xf32, #tpu.memory_space<vmem_shared>>) offsets(%dma_start3A_142 : memref<128xi32, #tpu.memory_space<vmem>>) semaphore(%run_scoped3A : memref<!tpu.dma_semaphore, #tpu.memory_space<semaphore_mem>>) {add = true}
        %dma_wait3A_146 = arith.constant 0 : i32
        %dma_wait3A_147 = tpu.memref_slice %arg7[%sub3A_103, %dma_wait3A_146] : memref<40x128xi32, #tpu.memory_space<vmem>> -> memref<1x128xi32, #tpu.memory_space<vmem>>
        %dma_wait3A_148 = tpu.memref_squeeze %dma_wait3A_147 : memref<1x128xi32, #tpu.memory_space<vmem>> -> memref<128xi32, #tpu.memory_space<vmem>>
        %dma_wait3A_149 = arith.constant 0 : i32
        %dma_wait3A_150 = arith.constant 0 : i32
        %dma_wait3A_151 = tpu.memref_slice %arg10[%dma_wait3A_149, %dma_wait3A_150] : memref<10112x128xf32, #tpu.memory_space<vmem_shared>> -> memref<10112x128xf32, #tpu.memory_space<vmem_shared>>
        tpu.wait_indirect_dma semaphore(%run_scoped3A : memref<!tpu.dma_semaphore, #tpu.memory_space<semaphore_mem>>) src(%arg8 : memref<128x128xf32, #tpu.memory_space<vmem>>) dst(%dma_wait3A_151 : memref<10112x128xf32, #tpu.memory_space<vmem_shared>>)
        tpu.yield
      }) : () -> ()
      %dma_wait3A_104 = arith.constant 0 : i32
      %dma_wait3A_105 = arith.constant 0 : i32
      %dma_wait3A_106 = tpu.memref_slice %arg6[%dma_wait3A_104, %dma_wait3A_105] : memref<40x128xi32, #tpu.memory_space<vmem>> -> memref<1x128xi32, #tpu.memory_space<vmem>>
      %dma_wait3A_107 = tpu.memref_squeeze %dma_wait3A_106 : memref<1x128xi32, #tpu.memory_space<vmem>> -> memref<128xi32, #tpu.memory_space<vmem>>
      %dma_wait3A_108 = arith.constant 0 : i32
      %dma_wait3A_109 = arith.constant 0 : i32
      %dma_wait3A_110 = tpu.memref_slice %arg2[%dma_wait3A_108, %dma_wait3A_109] : memref<10000x128xf32, #tpu.memory_space<hbm>> -> memref<10000x128xf32, #tpu.memory_space<hbm>>
      tpu.wait_indirect_dma semaphore(%arg12 : memref<!tpu.dma_semaphore, #tpu.memory_space<semaphore_mem>>) src(%dma_wait3A_110 : memref<10000x128xf32, #tpu.memory_space<hbm>>) dst(%arg9 : memref<128x128xf32, #tpu.memory_space<vmem>>)
      %eq3A = arith.constant 38 : i32
      %eq3A_111 = arith.cmpi eq, %add3A_77, %eq3A : i32
      %convert_element_type3A = arith.extui %eq3A_111 : i1 to i32
      %cond3A = arith.constant 0 : i32
      %cond3A_112 = arith.cmpi ne, %convert_element_type3A, %cond3A : i32
      scf.if %cond3A_112 {
        %add3A_140 = arith.constant 40 : i32
        %add3A_141 = arith.addi %mul3A_18, %add3A_140 : i32
        "tpu.region"() ({
          %run_scoped3A = tpu.sem_alloc : memref<!tpu.dma_semaphore, #tpu.memory_space<semaphore_mem>>
          %dma_start3A_142 = arith.constant 0 : i32
          %dma_start3A_143 = tpu.memref_slice %arg3[%add3A_141, %dma_start3A_142] : memref<2560x128xi32, #tpu.memory_space<hbm>> -> memref<40x128xi32, #tpu.memory_space<hbm>>
          %dma_start3A_144 = arith.constant 0 : i32
          %dma_start3A_145 = tpu.memref_slice %arg3[%add3A_141, %dma_start3A_144] : memref<2560x128xi32, #tpu.memory_space<hbm>> -> memref<40x128xi32, #tpu.memory_space<hbm>>
          tpu.enqueue_dma source(%dma_start3A_145 : memref<40x128xi32, #tpu.memory_space<hbm>>) target(%arg6 : memref<40x128xi32, #tpu.memory_space<vmem>>) target_semaphore(%run_scoped3A : memref<!tpu.dma_semaphore, #tpu.memory_space<semaphore_mem>>)
          %dma_wait3A_146 = arith.constant 0 : i32
          %dma_wait3A_147 = tpu.memref_slice %arg3[%add3A_141, %dma_wait3A_146] : memref<2560x128xi32, #tpu.memory_space<hbm>> -> memref<40x128xi32, #tpu.memory_space<hbm>>
          %dma_wait3A_148 = arith.constant 0 : i32
          %dma_wait3A_149 = tpu.memref_slice %arg3[%add3A_141, %dma_wait3A_148] : memref<2560x128xi32, #tpu.memory_space<hbm>> -> memref<40x128xi32, #tpu.memory_space<hbm>>
          tpu.wait_dma2 semaphore(%run_scoped3A : memref<!tpu.dma_semaphore, #tpu.memory_space<semaphore_mem>>) src(%dma_wait3A_149 : memref<40x128xi32, #tpu.memory_space<hbm>>) dst(%arg6 : memref<40x128xi32, #tpu.memory_space<vmem>>)
          tpu.yield
        }) : () -> ()
      } else {
      }
      %add3A_113 = arith.constant 2 : i32
      %add3A_114 = arith.addi %add3A_77, %add3A_113 : i32
      %ge3A_115 = arith.constant 40 : i32
      %ge3A_116 = arith.cmpi sge, %add3A_114, %ge3A_115 : i32
      %jit3A_117 = arith.constant 40 : i32
      %jit3A_118 = arith.constant 0 : i32
      %select_n3A_119 = arith.select %ge3A_116, %jit3A_117, %jit3A_118 : i32
      %sub3A_120 = arith.subi %add3A_114, %select_n3A_119 : i32
      %dma_start3A_121 = arith.constant 0 : i32
      %dma_start3A_122 = tpu.memref_slice %arg6[%sub3A_120, %dma_start3A_121] : memref<40x128xi32, #tpu.memory_space<vmem>> -> memref<1x128xi32, #tpu.memory_space<vmem>>
      %dma_start3A_123 = tpu.memref_squeeze %dma_start3A_122 : memref<1x128xi32, #tpu.memory_space<vmem>> -> memref<128xi32, #tpu.memory_space<vmem>>
      %dma_start3A_124 = arith.constant 0 : i32
      %dma_start3A_125 = arith.constant 0 : i32
      %dma_start3A_126 = tpu.memref_slice %arg2[%dma_start3A_124, %dma_start3A_125] : memref<10000x128xf32, #tpu.memory_space<hbm>> -> memref<10000x128xf32, #tpu.memory_space<hbm>>
      tpu.enqueue_indirect_dma source(%dma_start3A_126 : memref<10000x128xf32, #tpu.memory_space<hbm>>) target(%arg8 : memref<128x128xf32, #tpu.memory_space<vmem>>) offsets(%dma_start3A_123 : memref<128xi32, #tpu.memory_space<vmem>>) semaphore(%arg11 : memref<!tpu.dma_semaphore, #tpu.memory_space<semaphore_mem>>)
      %add3A_127 = arith.constant 1 : i32
      %add3A_128 = arith.addi %add3A_77, %add3A_127 : i32
      %ge3A_129 = arith.constant 40 : i32
      %ge3A_130 = arith.cmpi sge, %add3A_128, %ge3A_129 : i32
      %jit3A_131 = arith.constant 40 : i32
      %jit3A_132 = arith.constant 0 : i32
      %select_n3A_133 = arith.select %ge3A_130, %jit3A_131, %jit3A_132 : i32
      %sub3A_134 = arith.subi %add3A_128, %select_n3A_133 : i32
      "tpu.region"() ({
        %run_scoped3A = tpu.sem_alloc : memref<!tpu.dma_semaphore, #tpu.memory_space<semaphore_mem>>
        %dma_start3A_140 = arith.constant 0 : i32
        %dma_start3A_141 = tpu.memref_slice %arg7[%sub3A_134, %dma_start3A_140] : memref<40x128xi32, #tpu.memory_space<vmem>> -> memref<1x128xi32, #tpu.memory_space<vmem>>
        %dma_start3A_142 = tpu.memref_squeeze %dma_start3A_141 : memref<1x128xi32, #tpu.memory_space<vmem>> -> memref<128xi32, #tpu.memory_space<vmem>>
        %dma_start3A_143 = arith.constant 0 : i32
        %dma_start3A_144 = arith.constant 0 : i32
        %dma_start3A_145 = tpu.memref_slice %arg10[%dma_start3A_143, %dma_start3A_144] : memref<10112x128xf32, #tpu.memory_space<vmem_shared>> -> memref<10112x128xf32, #tpu.memory_space<vmem_shared>>
        tpu.enqueue_indirect_dma source(%arg9 : memref<128x128xf32, #tpu.memory_space<vmem>>) target(%dma_start3A_145 : memref<10112x128xf32, #tpu.memory_space<vmem_shared>>) offsets(%dma_start3A_142 : memref<128xi32, #tpu.memory_space<vmem>>) semaphore(%run_scoped3A : memref<!tpu.dma_semaphore, #tpu.memory_space<semaphore_mem>>) {add = true}
        %dma_wait3A_146 = arith.constant 0 : i32
        %dma_wait3A_147 = tpu.memref_slice %arg7[%sub3A_134, %dma_wait3A_146] : memref<40x128xi32, #tpu.memory_space<vmem>> -> memref<1x128xi32, #tpu.memory_space<vmem>>
        %dma_wait3A_148 = tpu.memref_squeeze %dma_wait3A_147 : memref<1x128xi32, #tpu.memory_space<vmem>> -> memref<128xi32, #tpu.memory_space<vmem>>
        %dma_wait3A_149 = arith.constant 0 : i32
        %dma_wait3A_150 = arith.constant 0 : i32
        %dma_wait3A_151 = tpu.memref_slice %arg10[%dma_wait3A_149, %dma_wait3A_150] : memref<10112x128xf32, #tpu.memory_space<vmem_shared>> -> memref<10112x128xf32, #tpu.memory_space<vmem_shared>>
        tpu.wait_indirect_dma semaphore(%run_scoped3A : memref<!tpu.dma_semaphore, #tpu.memory_space<semaphore_mem>>) src(%arg9 : memref<128x128xf32, #tpu.memory_space<vmem>>) dst(%dma_wait3A_151 : memref<10112x128xf32, #tpu.memory_space<vmem_shared>>)
        tpu.yield
      }) : () -> ()
      %eq3A_135 = arith.constant 38 : i32
      %eq3A_136 = arith.cmpi eq, %add3A_77, %eq3A_135 : i32
      %convert_element_type3A_137 = arith.extui %eq3A_136 : i1 to i32
      %cond3A_138 = arith.constant 0 : i32
      %cond3A_139 = arith.cmpi ne, %convert_element_type3A_137, %cond3A_138 : i32
      scf.if %cond3A_139 {
        %add3A_140 = arith.constant 40 : i32
        %add3A_141 = arith.addi %mul3A_18, %add3A_140 : i32
        "tpu.region"() ({
          %run_scoped3A = tpu.sem_alloc : memref<!tpu.dma_semaphore, #tpu.memory_space<semaphore_mem>>
          %dma_start3A_142 = arith.constant 0 : i32
          %dma_start3A_143 = tpu.memref_slice %arg4[%add3A_141, %dma_start3A_142] : memref<2560x128xi32, #tpu.memory_space<hbm>> -> memref<40x128xi32, #tpu.memory_space<hbm>>
          %dma_start3A_144 = arith.constant 0 : i32
          %dma_start3A_145 = tpu.memref_slice %arg4[%add3A_141, %dma_start3A_144] : memref<2560x128xi32, #tpu.memory_space<hbm>> -> memref<40x128xi32, #tpu.memory_space<hbm>>
          tpu.enqueue_dma source(%dma_start3A_145 : memref<40x128xi32, #tpu.memory_space<hbm>>) target(%arg7 : memref<40x128xi32, #tpu.memory_space<vmem>>) target_semaphore(%run_scoped3A : memref<!tpu.dma_semaphore, #tpu.memory_space<semaphore_mem>>)
          %dma_wait3A_146 = arith.constant 0 : i32
          %dma_wait3A_147 = tpu.memref_slice %arg4[%add3A_141, %dma_wait3A_146] : memref<2560x128xi32, #tpu.memory_space<hbm>> -> memref<40x128xi32, #tpu.memory_space<hbm>>
          %dma_wait3A_148 = arith.constant 0 : i32
          %dma_wait3A_149 = tpu.memref_slice %arg4[%add3A_141, %dma_wait3A_148] : memref<2560x128xi32, #tpu.memory_space<hbm>> -> memref<40x128xi32, #tpu.memory_space<hbm>>
          tpu.wait_dma2 semaphore(%run_scoped3A : memref<!tpu.dma_semaphore, #tpu.memory_space<semaphore_mem>>) src(%dma_wait3A_149 : memref<40x128xi32, #tpu.memory_space<hbm>>) dst(%arg7 : memref<40x128xi32, #tpu.memory_space<vmem>>)
          tpu.yield
        }) : () -> ()
      } else {
      }
    }
    %scan3A_31 = arith.constant 39 : i32
    %dma_wait3A = arith.constant 0 : i32
    %dma_wait3A_32 = arith.constant 0 : i32
    %dma_wait3A_33 = tpu.memref_slice %arg6[%dma_wait3A, %dma_wait3A_32] : memref<40x128xi32, #tpu.memory_space<vmem>> -> memref<1x128xi32, #tpu.memory_space<vmem>>
    %dma_wait3A_34 = tpu.memref_squeeze %dma_wait3A_33 : memref<1x128xi32, #tpu.memory_space<vmem>> -> memref<128xi32, #tpu.memory_space<vmem>>
    %dma_wait3A_35 = arith.constant 0 : i32
    %dma_wait3A_36 = arith.constant 0 : i32
    %dma_wait3A_37 = tpu.memref_slice %arg2[%dma_wait3A_35, %dma_wait3A_36] : memref<10000x128xf32, #tpu.memory_space<hbm>> -> memref<10000x128xf32, #tpu.memory_space<hbm>>
    tpu.wait_indirect_dma semaphore(%arg11 : memref<!tpu.dma_semaphore, #tpu.memory_space<semaphore_mem>>) src(%dma_wait3A_37 : memref<10000x128xf32, #tpu.memory_space<hbm>>) dst(%arg8 : memref<128x128xf32, #tpu.memory_space<vmem>>)
    %jit3A_38 = arith.constant true
    %jit3A_39 = arith.constant 40 : i32
    %jit3A_40 = arith.constant 0 : i32
    %select_n3A_41 = arith.select %jit3A_38, %jit3A_39, %jit3A_40 : i32
    %sub3A_42 = arith.constant 79 : i32
    %sub3A_43 = arith.subi %sub3A_42, %select_n3A_41 : i32
    %dma_start3A_44 = arith.constant 0 : i32
    %dma_start3A_45 = tpu.memref_slice %arg6[%sub3A_43, %dma_start3A_44] : memref<40x128xi32, #tpu.memory_space<vmem>> -> memref<1x128xi32, #tpu.memory_space<vmem>>
    %dma_start3A_46 = tpu.memref_squeeze %dma_start3A_45 : memref<1x128xi32, #tpu.memory_space<vmem>> -> memref<128xi32, #tpu.memory_space<vmem>>
    %dma_start3A_47 = arith.constant 0 : i32
    %dma_start3A_48 = arith.constant 0 : i32
    %dma_start3A_49 = tpu.memref_slice %arg2[%dma_start3A_47, %dma_start3A_48] : memref<10000x128xf32, #tpu.memory_space<hbm>> -> memref<10000x128xf32, #tpu.memory_space<hbm>>
    tpu.enqueue_indirect_dma source(%dma_start3A_49 : memref<10000x128xf32, #tpu.memory_space<hbm>>) target(%arg9 : memref<128x128xf32, #tpu.memory_space<vmem>>) offsets(%dma_start3A_46 : memref<128xi32, #tpu.memory_space<vmem>>) semaphore(%arg12 : memref<!tpu.dma_semaphore, #tpu.memory_space<semaphore_mem>>)
    %jit3A_50 = arith.constant true
    %jit3A_51 = arith.constant 40 : i32
    %jit3A_52 = arith.constant 0 : i32
    %select_n3A_53 = arith.select %jit3A_50, %jit3A_51, %jit3A_52 : i32
    %sub3A_54 = arith.constant 78 : i32
    %sub3A_55 = arith.subi %sub3A_54, %select_n3A_53 : i32
    "tpu.region"() ({
      %run_scoped3A = tpu.sem_alloc : memref<!tpu.dma_semaphore, #tpu.memory_space<semaphore_mem>>
      %dma_start3A_73 = arith.constant 0 : i32
      %dma_start3A_74 = tpu.memref_slice %arg7[%sub3A_55, %dma_start3A_73] : memref<40x128xi32, #tpu.memory_space<vmem>> -> memref<1x128xi32, #tpu.memory_space<vmem>>
      %dma_start3A_75 = tpu.memref_squeeze %dma_start3A_74 : memref<1x128xi32, #tpu.memory_space<vmem>> -> memref<128xi32, #tpu.memory_space<vmem>>
      %dma_start3A_76 = arith.constant 0 : i32
      %dma_start3A_77 = arith.constant 0 : i32
      %dma_start3A_78 = tpu.memref_slice %arg10[%dma_start3A_76, %dma_start3A_77] : memref<10112x128xf32, #tpu.memory_space<vmem_shared>> -> memref<10112x128xf32, #tpu.memory_space<vmem_shared>>
      tpu.enqueue_indirect_dma source(%arg8 : memref<128x128xf32, #tpu.memory_space<vmem>>) target(%dma_start3A_78 : memref<10112x128xf32, #tpu.memory_space<vmem_shared>>) offsets(%dma_start3A_75 : memref<128xi32, #tpu.memory_space<vmem>>) semaphore(%run_scoped3A : memref<!tpu.dma_semaphore, #tpu.memory_space<semaphore_mem>>) {add = true}
      %dma_wait3A_79 = arith.constant 0 : i32
      %dma_wait3A_80 = tpu.memref_slice %arg7[%sub3A_55, %dma_wait3A_79] : memref<40x128xi32, #tpu.memory_space<vmem>> -> memref<1x128xi32, #tpu.memory_space<vmem>>
      %dma_wait3A_81 = tpu.memref_squeeze %dma_wait3A_80 : memref<1x128xi32, #tpu.memory_space<vmem>> -> memref<128xi32, #tpu.memory_space<vmem>>
      %dma_wait3A_82 = arith.constant 0 : i32
      %dma_wait3A_83 = arith.constant 0 : i32
      %dma_wait3A_84 = tpu.memref_slice %arg10[%dma_wait3A_82, %dma_wait3A_83] : memref<10112x128xf32, #tpu.memory_space<vmem_shared>> -> memref<10112x128xf32, #tpu.memory_space<vmem_shared>>
      tpu.wait_indirect_dma semaphore(%run_scoped3A : memref<!tpu.dma_semaphore, #tpu.memory_space<semaphore_mem>>) src(%arg8 : memref<128x128xf32, #tpu.memory_space<vmem>>) dst(%dma_wait3A_84 : memref<10112x128xf32, #tpu.memory_space<vmem_shared>>)
      tpu.yield
    }) : () -> ()
    %dma_wait3A_56 = arith.constant 0 : i32
    %dma_wait3A_57 = arith.constant 0 : i32
    %dma_wait3A_58 = tpu.memref_slice %arg6[%dma_wait3A_56, %dma_wait3A_57] : memref<40x128xi32, #tpu.memory_space<vmem>> -> memref<1x128xi32, #tpu.memory_space<vmem>>
    %dma_wait3A_59 = tpu.memref_squeeze %dma_wait3A_58 : memref<1x128xi32, #tpu.memory_space<vmem>> -> memref<128xi32, #tpu.memory_space<vmem>>
    %dma_wait3A_60 = arith.constant 0 : i32
    %dma_wait3A_61 = arith.constant 0 : i32
    %dma_wait3A_62 = tpu.memref_slice %arg2[%dma_wait3A_60, %dma_wait3A_61] : memref<10000x128xf32, #tpu.memory_space<hbm>> -> memref<10000x128xf32, #tpu.memory_space<hbm>>
    tpu.wait_indirect_dma semaphore(%arg12 : memref<!tpu.dma_semaphore, #tpu.memory_space<semaphore_mem>>) src(%dma_wait3A_62 : memref<10000x128xf32, #tpu.memory_space<hbm>>) dst(%arg9 : memref<128x128xf32, #tpu.memory_space<vmem>>)
    %jit3A_63 = arith.constant true
    %jit3A_64 = arith.constant 40 : i32
    %jit3A_65 = arith.constant 0 : i32
    %select_n3A_66 = arith.select %jit3A_63, %jit3A_64, %jit3A_65 : i32
    %sub3A_67 = arith.constant 79 : i32
    %sub3A_68 = arith.subi %sub3A_67, %select_n3A_66 : i32
    "tpu.region"() ({
      %run_scoped3A = tpu.sem_alloc : memref<!tpu.dma_semaphore, #tpu.memory_space<semaphore_mem>>
      %dma_start3A_73 = arith.constant 0 : i32
      %dma_start3A_74 = tpu.memref_slice %arg7[%sub3A_68, %dma_start3A_73] : memref<40x128xi32, #tpu.memory_space<vmem>> -> memref<1x128xi32, #tpu.memory_space<vmem>>
      %dma_start3A_75 = tpu.memref_squeeze %dma_start3A_74 : memref<1x128xi32, #tpu.memory_space<vmem>> -> memref<128xi32, #tpu.memory_space<vmem>>
      %dma_start3A_76 = arith.constant 0 : i32
      %dma_start3A_77 = arith.constant 0 : i32
      %dma_start3A_78 = tpu.memref_slice %arg10[%dma_start3A_76, %dma_start3A_77] : memref<10112x128xf32, #tpu.memory_space<vmem_shared>> -> memref<10112x128xf32, #tpu.memory_space<vmem_shared>>
      tpu.enqueue_indirect_dma source(%arg9 : memref<128x128xf32, #tpu.memory_space<vmem>>) target(%dma_start3A_78 : memref<10112x128xf32, #tpu.memory_space<vmem_shared>>) offsets(%dma_start3A_75 : memref<128xi32, #tpu.memory_space<vmem>>) semaphore(%run_scoped3A : memref<!tpu.dma_semaphore, #tpu.memory_space<semaphore_mem>>) {add = true}
      %dma_wait3A_79 = arith.constant 0 : i32
      %dma_wait3A_80 = tpu.memref_slice %arg7[%sub3A_68, %dma_wait3A_79] : memref<40x128xi32, #tpu.memory_space<vmem>> -> memref<1x128xi32, #tpu.memory_space<vmem>>
      %dma_wait3A_81 = tpu.memref_squeeze %dma_wait3A_80 : memref<1x128xi32, #tpu.memory_space<vmem>> -> memref<128xi32, #tpu.memory_space<vmem>>
      %dma_wait3A_82 = arith.constant 0 : i32
      %dma_wait3A_83 = arith.constant 0 : i32
      %dma_wait3A_84 = tpu.memref_slice %arg10[%dma_wait3A_82, %dma_wait3A_83] : memref<10112x128xf32, #tpu.memory_space<vmem_shared>> -> memref<10112x128xf32, #tpu.memory_space<vmem_shared>>
      tpu.wait_indirect_dma semaphore(%run_scoped3A : memref<!tpu.dma_semaphore, #tpu.memory_space<semaphore_mem>>) src(%arg9 : memref<128x128xf32, #tpu.memory_space<vmem>>) dst(%dma_wait3A_84 : memref<10112x128xf32, #tpu.memory_space<vmem_shared>>)
      tpu.yield
    }) : () -> ()
    %barrier3A_69 = arith.constant 0 : index
    tpu.barrier barrier_id(%barrier3A_69)
    %mul3A_70 = arith.constant 10112 : i32
    %mul3A_71 = arith.muli %arg0, %mul3A_70 : i32
    %add3A_72 = arith.addi %mul3A_71, %mul3A_6 : i32
    "tpu.region"() ({
      %run_scoped3A = tpu.sem_alloc : memref<!tpu.dma_semaphore, #tpu.memory_space<semaphore_mem>>
      %dma_start3A_73 = arith.constant 0 : i32
      %dma_start3A_74 = tpu.memref_slice %arg5[%add3A_72, %dma_start3A_73] : memref<20224x128xf32, #tpu.memory_space<hbm>> -> memref<632x128xf32, #tpu.memory_space<hbm>>
      %dma_start3A_75 = arith.constant 0 : i32
      %dma_start3A_76 = tpu.memref_slice %arg10[%mul3A_6, %dma_start3A_75] : memref<10112x128xf32, #tpu.memory_space<vmem_shared>> -> memref<632x128xf32, #tpu.memory_space<vmem_shared>>
      tpu.enqueue_dma source(%dma_start3A_76 : memref<632x128xf32, #tpu.memory_space<vmem_shared>>) target(%dma_start3A_74 : memref<632x128xf32, #tpu.memory_space<hbm>>) target_semaphore(%run_scoped3A : memref<!tpu.dma_semaphore, #tpu.memory_space<semaphore_mem>>)
      %dma_wait3A_77 = arith.constant 0 : i32
      %dma_wait3A_78 = tpu.memref_slice %arg5[%add3A_72, %dma_wait3A_77] : memref<20224x128xf32, #tpu.memory_space<hbm>> -> memref<632x128xf32, #tpu.memory_space<hbm>>
      %dma_wait3A_79 = arith.constant 0 : i32
      %dma_wait3A_80 = tpu.memref_slice %arg10[%mul3A_6, %dma_wait3A_79] : memref<10112x128xf32, #tpu.memory_space<vmem_shared>> -> memref<632x128xf32, #tpu.memory_space<vmem_shared>>
      tpu.wait_dma2 semaphore(%run_scoped3A : memref<!tpu.dma_semaphore, #tpu.memory_space<semaphore_mem>>) src(%dma_wait3A_80 : memref<632x128xf32, #tpu.memory_space<vmem_shared>>) dst(%dma_wait3A_78 : memref<632x128xf32, #tpu.memory_space<hbm>>)
      tpu.yield
    }) : () -> ()
    return
  }
}

#map = affine_map<(d0, d1) -> (0, 0)>
module attributes {stable_mosaic.version = 14 : i64} {
  func.func @k(%arg0: i32, %arg1: i32, %arg2: memref<10000x128xf32, #tpu.memory_space<hbm>>, %arg3: memref<2560x128xi32, #tpu.memory_space<hbm>>, %arg4: memref<2560x128xi32, #tpu.memory_space<hbm>>, %arg5: memref<20224x128xf32, #tpu.memory_space<hbm>>, %arg6: memref<40x128xi32, #tpu.memory_space<vmem>>, %arg7: memref<40x128xi32, #tpu.memory_space<vmem>>, %arg8: memref<128x128xf32, #tpu.memory_space<vmem>>, %arg9: memref<128x128xf32, #tpu.memory_space<vmem>>, %arg10: memref<10112x128xf32, #tpu.memory_space<vmem_shared>>, %arg11: memref<!tpu.dma_semaphore, #tpu.memory_space<semaphore_mem>>, %arg12: memref<!tpu.dma_semaphore, #tpu.memory_space<semaphore_mem>>) attributes {dimension_semantics = [#tpu.dimension_semantics<core_parallel>, #tpu.dimension_semantics<subcore_parallel>], iteration_bounds = array<i64: 2, 16>, scalar_prefetch = 0 : i64, scratch_operands = 7 : i64, tpu.core_type = #tpu.core_type<sc_vector_subcore>, window_params = [{transform_indices = #map}, {transform_indices = #map}, {transform_indices = #map}, {transform_indices = #map}]} {
    %mul3A = arith.constant 16 : i32
    %mul3A_0 = arith.muli %arg0, %mul3A : i32
    %add3A = arith.addi %mul3A_0, %arg1 : i32
    %scan3A = arith.constant 0 : i32
    %scan3A_1 = arith.constant 128 : i32
    %scan3A_2 = arith.addi %scan3A, %scan3A_1 : i32
    %scan3A_3 = arith.constant 1 : i32
    scf.for %scan3A_73 = %scan3A to %scan3A_2 step %scan3A_3  : i32 {
      %mul3A_74 = arith.constant 1 : i32
      %mul3A_75 = arith.muli %scan3A_73, %mul3A_74 : i32
      %add3A_76 = arith.constant 0 : i32
      %add3A_77 = arith.addi %add3A_76, %mul3A_75 : i32
      %broadcast_in_dim3A = arith.constant 0.000000e+00 : f32
      %broadcast_in_dim3A_78 = vector.broadcast %broadcast_in_dim3A : f32 to vector<16xf32>
      %swap3A = arith.index_cast %add3A_77 : i32 to index
      %swap3A_79 = arith.constant 0 : index
      %swap3A_80 = tpu.vector_load %arg8[%swap3A, %swap3A_79] {strides = array<i32>} : memref<128x128xf32, #tpu.memory_space<vmem>>, vector<1x16xf32>,
      %swap3A_81 = vector.shape_cast %swap3A_80 : vector<1x16xf32> to vector<16xf32>
      %swap3A_82 = vector.shape_cast %broadcast_in_dim3A_78 : vector<16xf32> to vector<1x16xf32>
      tpu.vector_store %arg8[%swap3A, %swap3A_79], %swap3A_82 {strides = array<i32>} : memref<128x128xf32, #tpu.memory_space<vmem>>, vector<1x16xf32>,
      %broadcast_in_dim3A_83 = arith.constant 0.000000e+00 : f32
      %broadcast_in_dim3A_84 = vector.broadcast %broadcast_in_dim3A_83 : f32 to vector<16xf32>
      %swap3A_85 = arith.index_cast %add3A_77 : i32 to index
      %swap3A_86 = arith.constant 16 : index
      %swap3A_87 = tpu.vector_load %arg8[%swap3A_85, %swap3A_86] {strides = array<i32>} : memref<128x128xf32, #tpu.memory_space<vmem>>, vector<1x16xf32>,
      %swap3A_88 = vector.shape_cast %swap3A_87 : vector<1x16xf32> to vector<16xf32>
      %swap3A_89 = vector.shape_cast %broadcast_in_dim3A_84 : vector<16xf32> to vector<1x16xf32>
      tpu.vector_store %arg8[%swap3A_85, %swap3A_86], %swap3A_89 {strides = array<i32>} : memref<128x128xf32, #tpu.memory_space<vmem>>, vector<1x16xf32>,
      %broadcast_in_dim3A_90 = arith.constant 0.000000e+00 : f32
      %broadcast_in_dim3A_91 = vector.broadcast %broadcast_in_dim3A_90 : f32 to vector<16xf32>
      %swap3A_92 = arith.index_cast %add3A_77 : i32 to index
      %swap3A_93 = arith.constant 32 : index
      %swap3A_94 = tpu.vector_load %arg8[%swap3A_92, %swap3A_93] {strides = array<i32>} : memref<128x128xf32, #tpu.memory_space<vmem>>, vector<1x16xf32>,
      %swap3A_95 = vector.shape_cast %swap3A_94 : vector<1x16xf32> to vector<16xf32>
      %swap3A_96 = vector.shape_cast %broadcast_in_dim3A_91 : vector<16xf32> to vector<1x16xf32>
      tpu.vector_store %arg8[%swap3A_92, %swap3A_93], %swap3A_96 {strides = array<i32>} : memref<128x128xf32, #tpu.memory_space<vmem>>, vector<1x16xf32>,
      %broadcast_in_dim3A_97 = arith.constant 0.000000e+00 : f32
      %broadcast_in_dim3A_98 = vector.broadcast %broadcast_in_dim3A_97 : f32 to vector<16xf32>
      %swap3A_99 = arith.index_cast %add3A_77 : i32 to index
      %swap3A_100 = arith.constant 48 : index
      %swap3A_101 = tpu.vector_load %arg8[%swap3A_99, %swap3A_100] {strides = array<i32>} : memref<128x128xf32, #tpu.memory_space<vmem>>, vector<1x16xf32>,
      %swap3A_102 = vector.shape_cast %swap3A_101 : vector<1x16xf32> to vector<16xf32>
      %swap3A_103 = vector.shape_cast %broadcast_in_dim3A_98 : vector<16xf32> to vector<1x16xf32>
      tpu.vector_store %arg8[%swap3A_99, %swap3A_100], %swap3A_103 {strides = array<i32>} : memref<128x128xf32, #tpu.memory_space<vmem>>, vector<1x16xf32>,
      %broadcast_in_dim3A_104 = arith.constant 0.000000e+00 : f32
      %broadcast_in_dim3A_105 = vector.broadcast %broadcast_in_dim3A_104 : f32 to vector<16xf32>
      %swap3A_106 = arith.index_cast %add3A_77 : i32 to index
      %swap3A_107 = arith.constant 64 : index
      %swap3A_108 = tpu.vector_load %arg8[%swap3A_106, %swap3A_107] {strides = array<i32>} : memref<128x128xf32, #tpu.memory_space<vmem>>, vector<1x16xf32>,
      %swap3A_109 = vector.shape_cast %swap3A_108 : vector<1x16xf32> to vector<16xf32>
      %swap3A_110 = vector.shape_cast %broadcast_in_dim3A_105 : vector<16xf32> to vector<1x16xf32>
      tpu.vector_store %arg8[%swap3A_106, %swap3A_107], %swap3A_110 {strides = array<i32>} : memref<128x128xf32, #tpu.memory_space<vmem>>, vector<1x16xf32>,
      %broadcast_in_dim3A_111 = arith.constant 0.000000e+00 : f32
      %broadcast_in_dim3A_112 = vector.broadcast %broadcast_in_dim3A_111 : f32 to vector<16xf32>
      %swap3A_113 = arith.index_cast %add3A_77 : i32 to index
      %swap3A_114 = arith.constant 80 : index
      %swap3A_115 = tpu.vector_load %arg8[%swap3A_113, %swap3A_114] {strides = array<i32>} : memref<128x128xf32, #tpu.memory_space<vmem>>, vector<1x16xf32>,
      %swap3A_116 = vector.shape_cast %swap3A_115 : vector<1x16xf32> to vector<16xf32>
      %swap3A_117 = vector.shape_cast %broadcast_in_dim3A_112 : vector<16xf32> to vector<1x16xf32>
      tpu.vector_store %arg8[%swap3A_113, %swap3A_114], %swap3A_117 {strides = array<i32>} : memref<128x128xf32, #tpu.memory_space<vmem>>, vector<1x16xf32>,
      %broadcast_in_dim3A_118 = arith.constant 0.000000e+00 : f32
      %broadcast_in_dim3A_119 = vector.broadcast %broadcast_in_dim3A_118 : f32 to vector<16xf32>
      %swap3A_120 = arith.index_cast %add3A_77 : i32 to index
      %swap3A_121 = arith.constant 96 : index
      %swap3A_122 = tpu.vector_load %arg8[%swap3A_120, %swap3A_121] {strides = array<i32>} : memref<128x128xf32, #tpu.memory_space<vmem>>, vector<1x16xf32>,
      %swap3A_123 = vector.shape_cast %swap3A_122 : vector<1x16xf32> to vector<16xf32>
      %swap3A_124 = vector.shape_cast %broadcast_in_dim3A_119 : vector<16xf32> to vector<1x16xf32>
      tpu.vector_store %arg8[%swap3A_120, %swap3A_121], %swap3A_124 {strides = array<i32>} : memref<128x128xf32, #tpu.memory_space<vmem>>, vector<1x16xf32>,
      %broadcast_in_dim3A_125 = arith.constant 0.000000e+00 : f32
      %broadcast_in_dim3A_126 = vector.broadcast %broadcast_in_dim3A_125 : f32 to vector<16xf32>
      %swap3A_127 = arith.index_cast %add3A_77 : i32 to index
      %swap3A_128 = arith.constant 112 : index
      %swap3A_129 = tpu.vector_load %arg8[%swap3A_127, %swap3A_128] {strides = array<i32>} : memref<128x128xf32, #tpu.memory_space<vmem>>, vector<1x16xf32>,
      %swap3A_130 = vector.shape_cast %swap3A_129 : vector<1x16xf32> to vector<16xf32>
      %swap3A_131 = vector.shape_cast %broadcast_in_dim3A_126 : vector<16xf32> to vector<1x16xf32>
      tpu.vector_store %arg8[%swap3A_127, %swap3A_128], %swap3A_131 {strides = array<i32>} : memref<128x128xf32, #tpu.memory_space<vmem>>, vector<1x16xf32>,
    }
    %scan3A_4 = arith.constant 128 : i32
    %mul3A_5 = arith.constant 632 : i32
    %mul3A_6 = arith.muli %arg1, %mul3A_5 : i32
    %add3A_7 = arith.constant 0 : i32
    %add3A_8 = arith.addi %mul3A_6, %add3A_7 : i32
    "tpu.region"() ({
      %run_scoped3A = tpu.sem_alloc : memref<!tpu.dma_semaphore, #tpu.memory_space<semaphore_mem>>
      %dma_start3A_73 = arith.constant 0 : i32
      %dma_start3A_74 = tpu.memref_slice %arg10[%add3A_8, %dma_start3A_73] : memref<10112x128xf32, #tpu.memory_space<vmem_shared>> -> memref<128x128xf32, #tpu.memory_space<vmem_shared>>
      %dma_start3A_75 = arith.constant 0 : i32
      %dma_start3A_76 = tpu.memref_slice %arg10[%add3A_8, %dma_start3A_75] : memref<10112x128xf32, #tpu.memory_space<vmem_shared>> -> memref<128x128xf32, #tpu.memory_space<vmem_shared>>
      tpu.enqueue_dma source(%arg8 : memref<128x128xf32, #tpu.memory_space<vmem>>) target(%dma_start3A_76 : memref<128x128xf32, #tpu.memory_space<vmem_shared>>) target_semaphore(%run_scoped3A : memref<!tpu.dma_semaphore, #tpu.memory_space<semaphore_mem>>)
      %dma_wait3A_77 = arith.constant 0 : i32
      %dma_wait3A_78 = tpu.memref_slice %arg10[%add3A_8, %dma_wait3A_77] : memref<10112x128xf32, #tpu.memory_space<vmem_shared>> -> memref<128x128xf32, #tpu.memory_space<vmem_shared>>
      %dma_wait3A_79 = arith.constant 0 : i32
      %dma_wait3A_80 = tpu.memref_slice %arg10[%add3A_8, %dma_wait3A_79] : memref<10112x128xf32, #tpu.memory_space<vmem_shared>> -> memref<128x128xf32, #tpu.memory_space<vmem_shared>>
      tpu.wait_dma2 semaphore(%run_scoped3A : memref<!tpu.dma_semaphore, #tpu.memory_space<semaphore_mem>>) src(%arg8 : memref<128x128xf32, #tpu.memory_space<vmem>>) dst(%dma_wait3A_80 : memref<128x128xf32, #tpu.memory_space<vmem_shared>>)
      tpu.yield
    }) : () -> ()
    %add3A_9 = arith.constant 128 : i32
    %add3A_10 = arith.addi %mul3A_6, %add3A_9 : i32
    "tpu.region"() ({
      %run_scoped3A = tpu.sem_alloc : memref<!tpu.dma_semaphore, #tpu.memory_space<semaphore_mem>>
      %dma_start3A_73 = arith.constant 0 : i32
      %dma_start3A_74 = tpu.memref_slice %arg10[%add3A_10, %dma_start3A_73] : memref<10112x128xf32, #tpu.memory_space<vmem_shared>> -> memref<128x128xf32, #tpu.memory_space<vmem_shared>>
      %dma_start3A_75 = arith.constant 0 : i32
      %dma_start3A_76 = tpu.memref_slice %arg10[%add3A_10, %dma_start3A_75] : memref<10112x128xf32, #tpu.memory_space<vmem_shared>> -> memref<128x128xf32, #tpu.memory_space<vmem_shared>>
      tpu.enqueue_dma source(%arg8 : memref<128x128xf32, #tpu.memory_space<vmem>>) target(%dma_start3A_76 : memref<128x128xf32, #tpu.memory_space<vmem_shared>>) target_semaphore(%run_scoped3A : memref<!tpu.dma_semaphore, #tpu.memory_space<semaphore_mem>>)
      %dma_wait3A_77 = arith.constant 0 : i32
      %dma_wait3A_78 = tpu.memref_slice %arg10[%add3A_10, %dma_wait3A_77] : memref<10112x128xf32, #tpu.memory_space<vmem_shared>> -> memref<128x128xf32, #tpu.memory_space<vmem_shared>>
      %dma_wait3A_79 = arith.constant 0 : i32
      %dma_wait3A_80 = tpu.memref_slice %arg10[%add3A_10, %dma_wait3A_79] : memref<10112x128xf32, #tpu.memory_space<vmem_shared>> -> memref<128x128xf32, #tpu.memory_space<vmem_shared>>
      tpu.wait_dma2 semaphore(%run_scoped3A : memref<!tpu.dma_semaphore, #tpu.memory_space<semaphore_mem>>) src(%arg8 : memref<128x128xf32, #tpu.memory_space<vmem>>) dst(%dma_wait3A_80 : memref<128x128xf32, #tpu.memory_space<vmem_shared>>)
      tpu.yield
    }) : () -> ()
    %add3A_11 = arith.constant 256 : i32
    %add3A_12 = arith.addi %mul3A_6, %add3A_11 : i32
    "tpu.region"() ({
      %run_scoped3A = tpu.sem_alloc : memref<!tpu.dma_semaphore, #tpu.memory_space<semaphore_mem>>
      %dma_start3A_73 = arith.constant 0 : i32
      %dma_start3A_74 = tpu.memref_slice %arg10[%add3A_12, %dma_start3A_73] : memref<10112x128xf32, #tpu.memory_space<vmem_shared>> -> memref<128x128xf32, #tpu.memory_space<vmem_shared>>
      %dma_start3A_75 = arith.constant 0 : i32
      %dma_start3A_76 = tpu.memref_slice %arg10[%add3A_12, %dma_start3A_75] : memref<10112x128xf32, #tpu.memory_space<vmem_shared>> -> memref<128x128xf32, #tpu.memory_space<vmem_shared>>
      tpu.enqueue_dma source(%arg8 : memref<128x128xf32, #tpu.memory_space<vmem>>) target(%dma_start3A_76 : memref<128x128xf32, #tpu.memory_space<vmem_shared>>) target_semaphore(%run_scoped3A : memref<!tpu.dma_semaphore, #tpu.memory_space<semaphore_mem>>)
      %dma_wait3A_77 = arith.constant 0 : i32
      %dma_wait3A_78 = tpu.memref_slice %arg10[%add3A_12, %dma_wait3A_77] : memref<10112x128xf32, #tpu.memory_space<vmem_shared>> -> memref<128x128xf32, #tpu.memory_space<vmem_shared>>
      %dma_wait3A_79 = arith.constant 0 : i32
      %dma_wait3A_80 = tpu.memref_slice %arg10[%add3A_12, %dma_wait3A_79] : memref<10112x128xf32, #tpu.memory_space<vmem_shared>> -> memref<128x128xf32, #tpu.memory_space<vmem_shared>>
      tpu.wait_dma2 semaphore(%run_scoped3A : memref<!tpu.dma_semaphore, #tpu.memory_space<semaphore_mem>>) src(%arg8 : memref<128x128xf32, #tpu.memory_space<vmem>>) dst(%dma_wait3A_80 : memref<128x128xf32, #tpu.memory_space<vmem_shared>>)
      tpu.yield
    }) : () -> ()
    %add3A_13 = arith.constant 384 : i32
    %add3A_14 = arith.addi %mul3A_6, %add3A_13 : i32
    "tpu.region"() ({
      %run_scoped3A = tpu.sem_alloc : memref<!tpu.dma_semaphore, #tpu.memory_space<semaphore_mem>>
      %dma_start3A_73 = arith.constant 0 : i32
      %dma_start3A_74 = tpu.memref_slice %arg10[%add3A_14, %dma_start3A_73] : memref<10112x128xf32, #tpu.memory_space<vmem_shared>> -> memref<128x128xf32, #tpu.memory_space<vmem_shared>>
      %dma_start3A_75 = arith.constant 0 : i32
      %dma_start3A_76 = tpu.memref_slice %arg10[%add3A_14, %dma_start3A_75] : memref<10112x128xf32, #tpu.memory_space<vmem_shared>> -> memref<128x128xf32, #tpu.memory_space<vmem_shared>>
      tpu.enqueue_dma source(%arg8 : memref<128x128xf32, #tpu.memory_space<vmem>>) target(%dma_start3A_76 : memref<128x128xf32, #tpu.memory_space<vmem_shared>>) target_semaphore(%run_scoped3A : memref<!tpu.dma_semaphore, #tpu.memory_space<semaphore_mem>>)
      %dma_wait3A_77 = arith.constant 0 : i32
      %dma_wait3A_78 = tpu.memref_slice %arg10[%add3A_14, %dma_wait3A_77] : memref<10112x128xf32, #tpu.memory_space<vmem_shared>> -> memref<128x128xf32, #tpu.memory_space<vmem_shared>>
      %dma_wait3A_79 = arith.constant 0 : i32
      %dma_wait3A_80 = tpu.memref_slice %arg10[%add3A_14, %dma_wait3A_79] : memref<10112x128xf32, #tpu.memory_space<vmem_shared>> -> memref<128x128xf32, #tpu.memory_space<vmem_shared>>
      tpu.wait_dma2 semaphore(%run_scoped3A : memref<!tpu.dma_semaphore, #tpu.memory_space<semaphore_mem>>) src(%arg8 : memref<128x128xf32, #tpu.memory_space<vmem>>) dst(%dma_wait3A_80 : memref<128x128xf32, #tpu.memory_space<vmem_shared>>)
      tpu.yield
    }) : () -> ()
    %add3A_15 = arith.constant 512 : i32
    %add3A_16 = arith.addi %mul3A_6, %add3A_15 : i32
    "tpu.region"() ({
      %run_scoped3A = tpu.sem_alloc : memref<!tpu.dma_semaphore, #tpu.memory_space<semaphore_mem>>
      %dma_start3A_73 = arith.constant 0 : i32
      %dma_start3A_74 = arith.constant 0 : i32
      %dma_start3A_75 = tpu.memref_slice %arg8[%dma_start3A_73, %dma_start3A_74] : memref<128x128xf32, #tpu.memory_space<vmem>> -> memref<120x128xf32, #tpu.memory_space<vmem>>
      %dma_start3A_76 = arith.constant 0 : i32
      %dma_start3A_77 = tpu.memref_slice %arg10[%add3A_16, %dma_start3A_76] : memref<10112x128xf32, #tpu.memory_space<vmem_shared>> -> memref<120x128xf32, #tpu.memory_space<vmem_shared>>
      %dma_start3A_78 = arith.constant 0 : i32
      %dma_start3A_79 = tpu.memref_slice %arg10[%add3A_16, %dma_start3A_78] : memref<10112x128xf32, #tpu.memory_space<vmem_shared>> -> memref<120x128xf32, #tpu.memory_space<vmem_shared>>
      %dma_start3A_80 = arith.constant 0 : i32
      %dma_start3A_81 = arith.constant 0 : i32
      %dma_start3A_82 = tpu.memref_slice %arg8[%dma_start3A_80, %dma_start3A_81] : memref<128x128xf32, #tpu.memory_space<vmem>> -> memref<120x128xf32, #tpu.memory_space<vmem>>
      tpu.enqueue_dma source(%dma_start3A_82 : memref<120x128xf32, #tpu.memory_space<vmem>>) target(%dma_start3A_79 : memref<120x128xf32, #tpu.memory_space<vmem_shared>>) target_semaphore(%run_scoped3A : memref<!tpu.dma_semaphore, #tpu.memory_space<semaphore_mem>>)
      %dma_wait3A_83 = arith.constant 0 : i32
      %dma_wait3A_84 = arith.constant 0 : i32
      %dma_wait3A_85 = tpu.memref_slice %arg8[%dma_wait3A_83, %dma_wait3A_84] : memref<128x128xf32, #tpu.memory_space<vmem>> -> memref<120x128xf32, #tpu.memory_space<vmem>>
      %dma_wait3A_86 = arith.constant 0 : i32
      %dma_wait3A_87 = tpu.memref_slice %arg10[%add3A_16, %dma_wait3A_86] : memref<10112x128xf32, #tpu.memory_space<vmem_shared>> -> memref<120x128xf32, #tpu.memory_space<vmem_shared>>
      %dma_wait3A_88 = arith.constant 0 : i32
      %dma_wait3A_89 = tpu.memref_slice %arg10[%add3A_16, %dma_wait3A_88] : memref<10112x128xf32, #tpu.memory_space<vmem_shared>> -> memref<120x128xf32, #tpu.memory_space<vmem_shared>>
      %dma_wait3A_90 = arith.constant 0 : i32
      %dma_wait3A_91 = arith.constant 0 : i32
      %dma_wait3A_92 = tpu.memref_slice %arg8[%dma_wait3A_90, %dma_wait3A_91] : memref<128x128xf32, #tpu.memory_space<vmem>> -> memref<120x128xf32, #tpu.memory_space<vmem>>
      tpu.wait_dma2 semaphore(%run_scoped3A : memref<!tpu.dma_semaphore, #tpu.memory_space<semaphore_mem>>) src(%dma_wait3A_92 : memref<120x128xf32, #tpu.memory_space<vmem>>) dst(%dma_wait3A_89 : memref<120x128xf32, #tpu.memory_space<vmem_shared>>)
      tpu.yield
    }) : () -> ()
    %mul3A_17 = arith.constant 80 : i32
    %mul3A_18 = arith.muli %add3A, %mul3A_17 : i32
    "tpu.region"() ({
      %run_scoped3A = tpu.sem_alloc : memref<!tpu.dma_semaphore, #tpu.memory_space<semaphore_mem>>
      %dma_start3A_73 = arith.constant 0 : i32
      %dma_start3A_74 = tpu.memref_slice %arg3[%mul3A_18, %dma_start3A_73] : memref<2560x128xi32, #tpu.memory_space<hbm>> -> memref<40x128xi32, #tpu.memory_space<hbm>>
      %dma_start3A_75 = arith.constant 0 : i32
      %dma_start3A_76 = tpu.memref_slice %arg3[%mul3A_18, %dma_start3A_75] : memref<2560x128xi32, #tpu.memory_space<hbm>> -> memref<40x128xi32, #tpu.memory_space<hbm>>
      tpu.enqueue_dma source(%dma_start3A_76 : memref<40x128xi32, #tpu.memory_space<hbm>>) target(%arg6 : memref<40x128xi32, #tpu.memory_space<vmem>>) target_semaphore(%run_scoped3A : memref<!tpu.dma_semaphore, #tpu.memory_space<semaphore_mem>>)
      %dma_wait3A_77 = arith.constant 0 : i32
      %dma_wait3A_78 = tpu.memref_slice %arg3[%mul3A_18, %dma_wait3A_77] : memref<2560x128xi32, #tpu.memory_space<hbm>> -> memref<40x128xi32, #tpu.memory_space<hbm>>
      %dma_wait3A_79 = arith.constant 0 : i32
      %dma_wait3A_80 = tpu.memref_slice %arg3[%mul3A_18, %dma_wait3A_79] : memref<2560x128xi32, #tpu.memory_space<hbm>> -> memref<40x128xi32, #tpu.memory_space<hbm>>
      tpu.wait_dma2 semaphore(%run_scoped3A : memref<!tpu.dma_semaphore, #tpu.memory_space<semaphore_mem>>) src(%dma_wait3A_80 : memref<40x128xi32, #tpu.memory_space<hbm>>) dst(%arg6 : memref<40x128xi32, #tpu.memory_space<vmem>>)
      tpu.yield
    }) : () -> ()
    "tpu.region"() ({
      %run_scoped3A = tpu.sem_alloc : memref<!tpu.dma_semaphore, #tpu.memory_space<semaphore_mem>>
      %dma_start3A_73 = arith.constant 0 : i32
      %dma_start3A_74 = tpu.memref_slice %arg4[%mul3A_18, %dma_start3A_73] : memref<2560x128xi32, #tpu.memory_space<hbm>> -> memref<40x128xi32, #tpu.memory_space<hbm>>
      %dma_start3A_75 = arith.constant 0 : i32
      %dma_start3A_76 = tpu.memref_slice %arg4[%mul3A_18, %dma_start3A_75] : memref<2560x128xi32, #tpu.memory_space<hbm>> -> memref<40x128xi32, #tpu.memory_space<hbm>>
      tpu.enqueue_dma source(%dma_start3A_76 : memref<40x128xi32, #tpu.memory_space<hbm>>) target(%arg7 : memref<40x128xi32, #tpu.memory_space<vmem>>) target_semaphore(%run_scoped3A : memref<!tpu.dma_semaphore, #tpu.memory_space<semaphore_mem>>)
      %dma_wait3A_77 = arith.constant 0 : i32
      %dma_wait3A_78 = tpu.memref_slice %arg4[%mul3A_18, %dma_wait3A_77] : memref<2560x128xi32, #tpu.memory_space<hbm>> -> memref<40x128xi32, #tpu.memory_space<hbm>>
      %dma_wait3A_79 = arith.constant 0 : i32
      %dma_wait3A_80 = tpu.memref_slice %arg4[%mul3A_18, %dma_wait3A_79] : memref<2560x128xi32, #tpu.memory_space<hbm>> -> memref<40x128xi32, #tpu.memory_space<hbm>>
      tpu.wait_dma2 semaphore(%run_scoped3A : memref<!tpu.dma_semaphore, #tpu.memory_space<semaphore_mem>>) src(%dma_wait3A_80 : memref<40x128xi32, #tpu.memory_space<hbm>>) dst(%arg7 : memref<40x128xi32, #tpu.memory_space<vmem>>)
      tpu.yield
    }) : () -> ()
    %barrier3A = arith.constant 0 : index
    tpu.barrier barrier_id(%barrier3A)
    %jit3A = arith.constant false
    %jit3A_19 = arith.constant 40 : i32
    %jit3A_20 = arith.constant 0 : i32
    %select_n3A = arith.select %jit3A, %jit3A_19, %jit3A_20 : i32
    %sub3A = arith.constant 0 : i32
    %sub3A_21 = arith.subi %sub3A, %select_n3A : i32
    %dma_start3A = arith.constant 0 : i32
    %dma_start3A_22 = tpu.memref_slice %arg6[%sub3A_21, %dma_start3A] : memref<40x128xi32, #tpu.memory_space<vmem>> -> memref<1x128xi32, #tpu.memory_space<vmem>>
    %dma_start3A_23 = tpu.memref_squeeze %dma_start3A_22 : memref<1x128xi32, #tpu.memory_space<vmem>> -> memref<128xi32, #tpu.memory_space<vmem>>
    %dma_start3A_24 = arith.constant 0 : i32
    %dma_start3A_25 = arith.constant 0 : i32
    %dma_start3A_26 = tpu.memref_slice %arg2[%dma_start3A_24, %dma_start3A_25] : memref<10000x128xf32, #tpu.memory_space<hbm>> -> memref<10000x128xf32, #tpu.memory_space<hbm>>
    tpu.enqueue_indirect_dma source(%dma_start3A_26 : memref<10000x128xf32, #tpu.memory_space<hbm>>) target(%arg8 : memref<128x128xf32, #tpu.memory_space<vmem>>) offsets(%dma_start3A_23 : memref<128xi32, #tpu.memory_space<vmem>>) semaphore(%arg11 : memref<!tpu.dma_semaphore, #tpu.memory_space<semaphore_mem>>)
    %scan3A_27 = arith.constant 0 : i32
    %scan3A_28 = arith.constant 39 : i32
    %scan3A_29 = arith.addi %scan3A_27, %scan3A_28 : i32
    %scan3A_30 = arith.constant 1 : i32
    scf.for %scan3A_73 = %scan3A_27 to %scan3A_29 step %scan3A_30  : i32 {
      %mul3A_74 = arith.constant 2 : i32
      %mul3A_75 = arith.muli %scan3A_73, %mul3A_74 : i32
      %add3A_76 = arith.constant 0 : i32
      %add3A_77 = arith.addi %add3A_76, %mul3A_75 : i32
      %dma_wait3A_78 = arith.constant 0 : i32
      %dma_wait3A_79 = arith.constant 0 : i32
      %dma_wait3A_80 = tpu.memref_slice %arg6[%dma_wait3A_78, %dma_wait3A_79] : memref<40x128xi32, #tpu.memory_space<vmem>> -> memref<1x128xi32, #tpu.memory_space<vmem>>
      %dma_wait3A_81 = tpu.memref_squeeze %dma_wait3A_80 : memref<1x128xi32, #tpu.memory_space<vmem>> -> memref<128xi32, #tpu.memory_space<vmem>>
      %dma_wait3A_82 = arith.constant 0 : i32
      %dma_wait3A_83 = arith.constant 0 : i32
      %dma_wait3A_84 = tpu.memref_slice %arg2[%dma_wait3A_82, %dma_wait3A_83] : memref<10000x128xf32, #tpu.memory_space<hbm>> -> memref<10000x128xf32, #tpu.memory_space<hbm>>
      tpu.wait_indirect_dma semaphore(%arg11 : memref<!tpu.dma_semaphore, #tpu.memory_space<semaphore_mem>>) src(%dma_wait3A_84 : memref<10000x128xf32, #tpu.memory_space<hbm>>) dst(%arg8 : memref<128x128xf32, #tpu.memory_space<vmem>>)
      %add3A_85 = arith.constant 1 : i32
      %add3A_86 = arith.addi %add3A_77, %add3A_85 : i32
      %ge3A = arith.constant 40 : i32
      %ge3A_87 = arith.cmpi sge, %add3A_86, %ge3A : i32
      %jit3A_88 = arith.constant 40 : i32
      %jit3A_89 = arith.constant 0 : i32
      %select_n3A_90 = arith.select %ge3A_87, %jit3A_88, %jit3A_89 : i32
      %sub3A_91 = arith.subi %add3A_86, %select_n3A_90 : i32
      %dma_start3A_92 = arith.constant 0 : i32
      %dma_start3A_93 = tpu.memref_slice %arg6[%sub3A_91, %dma_start3A_92] : memref<40x128xi32, #tpu.memory_space<vmem>> -> memref<1x128xi32, #tpu.memory_space<vmem>>
      %dma_start3A_94 = tpu.memref_squeeze %dma_start3A_93 : memref<1x128xi32, #tpu.memory_space<vmem>> -> memref<128xi32, #tpu.memory_space<vmem>>
      %dma_start3A_95 = arith.constant 0 : i32
      %dma_start3A_96 = arith.constant 0 : i32
      %dma_start3A_97 = tpu.memref_slice %arg2[%dma_start3A_95, %dma_start3A_96] : memref<10000x128xf32, #tpu.memory_space<hbm>> -> memref<10000x128xf32, #tpu.memory_space<hbm>>
      tpu.enqueue_indirect_dma source(%dma_start3A_97 : memref<10000x128xf32, #tpu.memory_space<hbm>>) target(%arg9 : memref<128x128xf32, #tpu.memory_space<vmem>>) offsets(%dma_start3A_94 : memref<128xi32, #tpu.memory_space<vmem>>) semaphore(%arg12 : memref<!tpu.dma_semaphore, #tpu.memory_space<semaphore_mem>>)
      %ge3A_98 = arith.constant 40 : i32
      %ge3A_99 = arith.cmpi sge, %add3A_77, %ge3A_98 : i32
      %jit3A_100 = arith.constant 40 : i32
      %jit3A_101 = arith.constant 0 : i32
      %select_n3A_102 = arith.select %ge3A_99, %jit3A_100, %jit3A_101 : i32
      %sub3A_103 = arith.subi %add3A_77, %select_n3A_102 : i32
      "tpu.region"() ({
        %run_scoped3A = tpu.sem_alloc : memref<!tpu.dma_semaphore, #tpu.memory_space<semaphore_mem>>
        %dma_start3A_140 = arith.constant 0 : i32
        %dma_start3A_141 = tpu.memref_slice %arg7[%sub3A_103, %dma_start3A_140] : memref<40x128xi32, #tpu.memory_space<vmem>> -> memref<1x128xi32, #tpu.memory_space<vmem>>
        %dma_start3A_142 = tpu.memref_squeeze %dma_start3A_141 : memref<1x128xi32, #tpu.memory_space<vmem>> -> memref<128xi32, #tpu.memory_space<vmem>>
        %dma_start3A_143 = arith.constant 0 : i32
        %dma_start3A_144 = arith.constant 0 : i32
        %dma_start3A_145 = tpu.memref_slice %arg10[%dma_start3A_143, %dma_start3A_144] : memref<10112x128xf32, #tpu.memory_space<vmem_shared>> -> memref<10112x128xf32, #tpu.memory_space<vmem_shared>>
        tpu.enqueue_indirect_dma source(%arg8 : memref<128x128xf32, #tpu.memory_space<vmem>>) target(%dma_start3A_145 : memref<10112x128xf32, #tpu.memory_space<vmem_shared>>) offsets(%dma_start3A_142 : memref<128xi32, #tpu.memory_space<vmem>>) semaphore(%run_scoped3A : memref<!tpu.dma_semaphore, #tpu.memory_space<semaphore_mem>>) {add = true}
        %dma_wait3A_146 = arith.constant 0 : i32
        %dma_wait3A_147 = tpu.memref_slice %arg7[%sub3A_103, %dma_wait3A_146] : memref<40x128xi32, #tpu.memory_space<vmem>> -> memref<1x128xi32, #tpu.memory_space<vmem>>
        %dma_wait3A_148 = tpu.memref_squeeze %dma_wait3A_147 : memref<1x128xi32, #tpu.memory_space<vmem>> -> memref<128xi32, #tpu.memory_space<vmem>>
        %dma_wait3A_149 = arith.constant 0 : i32
        %dma_wait3A_150 = arith.constant 0 : i32
        %dma_wait3A_151 = tpu.memref_slice %arg10[%dma_wait3A_149, %dma_wait3A_150] : memref<10112x128xf32, #tpu.memory_space<vmem_shared>> -> memref<10112x128xf32, #tpu.memory_space<vmem_shared>>
        tpu.wait_indirect_dma semaphore(%run_scoped3A : memref<!tpu.dma_semaphore, #tpu.memory_space<semaphore_mem>>) src(%arg8 : memref<128x128xf32, #tpu.memory_space<vmem>>) dst(%dma_wait3A_151 : memref<10112x128xf32, #tpu.memory_space<vmem_shared>>)
        tpu.yield
      }) : () -> ()
      %dma_wait3A_104 = arith.constant 0 : i32
      %dma_wait3A_105 = arith.constant 0 : i32
      %dma_wait3A_106 = tpu.memref_slice %arg6[%dma_wait3A_104, %dma_wait3A_105] : memref<40x128xi32, #tpu.memory_space<vmem>> -> memref<1x128xi32, #tpu.memory_space<vmem>>
      %dma_wait3A_107 = tpu.memref_squeeze %dma_wait3A_106 : memref<1x128xi32, #tpu.memory_space<vmem>> -> memref<128xi32, #tpu.memory_space<vmem>>
      %dma_wait3A_108 = arith.constant 0 : i32
      %dma_wait3A_109 = arith.constant 0 : i32
      %dma_wait3A_110 = tpu.memref_slice %arg2[%dma_wait3A_108, %dma_wait3A_109] : memref<10000x128xf32, #tpu.memory_space<hbm>> -> memref<10000x128xf32, #tpu.memory_space<hbm>>
      tpu.wait_indirect_dma semaphore(%arg12 : memref<!tpu.dma_semaphore, #tpu.memory_space<semaphore_mem>>) src(%dma_wait3A_110 : memref<10000x128xf32, #tpu.memory_space<hbm>>) dst(%arg9 : memref<128x128xf32, #tpu.memory_space<vmem>>)
      %eq3A = arith.constant 38 : i32
      %eq3A_111 = arith.cmpi eq, %add3A_77, %eq3A : i32
      %convert_element_type3A = arith.extui %eq3A_111 : i1 to i32
      %cond3A = arith.constant 0 : i32
      %cond3A_112 = arith.cmpi ne, %convert_element_type3A, %cond3A : i32
      scf.if %cond3A_112 {
        %add3A_140 = arith.constant 40 : i32
        %add3A_141 = arith.addi %mul3A_18, %add3A_140 : i32
        "tpu.region"() ({
          %run_scoped3A = tpu.sem_alloc : memref<!tpu.dma_semaphore, #tpu.memory_space<semaphore_mem>>
          %dma_start3A_142 = arith.constant 0 : i32
          %dma_start3A_143 = tpu.memref_slice %arg3[%add3A_141, %dma_start3A_142] : memref<2560x128xi32, #tpu.memory_space<hbm>> -> memref<40x128xi32, #tpu.memory_space<hbm>>
          %dma_start3A_144 = arith.constant 0 : i32
          %dma_start3A_145 = tpu.memref_slice %arg3[%add3A_141, %dma_start3A_144] : memref<2560x128xi32, #tpu.memory_space<hbm>> -> memref<40x128xi32, #tpu.memory_space<hbm>>
          tpu.enqueue_dma source(%dma_start3A_145 : memref<40x128xi32, #tpu.memory_space<hbm>>) target(%arg6 : memref<40x128xi32, #tpu.memory_space<vmem>>) target_semaphore(%run_scoped3A : memref<!tpu.dma_semaphore, #tpu.memory_space<semaphore_mem>>)
          %dma_wait3A_146 = arith.constant 0 : i32
          %dma_wait3A_147 = tpu.memref_slice %arg3[%add3A_141, %dma_wait3A_146] : memref<2560x128xi32, #tpu.memory_space<hbm>> -> memref<40x128xi32, #tpu.memory_space<hbm>>
          %dma_wait3A_148 = arith.constant 0 : i32
          %dma_wait3A_149 = tpu.memref_slice %arg3[%add3A_141, %dma_wait3A_148] : memref<2560x128xi32, #tpu.memory_space<hbm>> -> memref<40x128xi32, #tpu.memory_space<hbm>>
          tpu.wait_dma2 semaphore(%run_scoped3A : memref<!tpu.dma_semaphore, #tpu.memory_space<semaphore_mem>>) src(%dma_wait3A_149 : memref<40x128xi32, #tpu.memory_space<hbm>>) dst(%arg6 : memref<40x128xi32, #tpu.memory_space<vmem>>)
          tpu.yield
        }) : () -> ()
      } else {
      }
      %add3A_113 = arith.constant 2 : i32
      %add3A_114 = arith.addi %add3A_77, %add3A_113 : i32
      %ge3A_115 = arith.constant 40 : i32
      %ge3A_116 = arith.cmpi sge, %add3A_114, %ge3A_115 : i32
      %jit3A_117 = arith.constant 40 : i32
      %jit3A_118 = arith.constant 0 : i32
      %select_n3A_119 = arith.select %ge3A_116, %jit3A_117, %jit3A_118 : i32
      %sub3A_120 = arith.subi %add3A_114, %select_n3A_119 : i32
      %dma_start3A_121 = arith.constant 0 : i32
      %dma_start3A_122 = tpu.memref_slice %arg6[%sub3A_120, %dma_start3A_121] : memref<40x128xi32, #tpu.memory_space<vmem>> -> memref<1x128xi32, #tpu.memory_space<vmem>>
      %dma_start3A_123 = tpu.memref_squeeze %dma_start3A_122 : memref<1x128xi32, #tpu.memory_space<vmem>> -> memref<128xi32, #tpu.memory_space<vmem>>
      %dma_start3A_124 = arith.constant 0 : i32
      %dma_start3A_125 = arith.constant 0 : i32
      %dma_start3A_126 = tpu.memref_slice %arg2[%dma_start3A_124, %dma_start3A_125] : memref<10000x128xf32, #tpu.memory_space<hbm>> -> memref<10000x128xf32, #tpu.memory_space<hbm>>
      tpu.enqueue_indirect_dma source(%dma_start3A_126 : memref<10000x128xf32, #tpu.memory_space<hbm>>) target(%arg8 : memref<128x128xf32, #tpu.memory_space<vmem>>) offsets(%dma_start3A_123 : memref<128xi32, #tpu.memory_space<vmem>>) semaphore(%arg11 : memref<!tpu.dma_semaphore, #tpu.memory_space<semaphore_mem>>)
      %add3A_127 = arith.constant 1 : i32
      %add3A_128 = arith.addi %add3A_77, %add3A_127 : i32
      %ge3A_129 = arith.constant 40 : i32
      %ge3A_130 = arith.cmpi sge, %add3A_128, %ge3A_129 : i32
      %jit3A_131 = arith.constant 40 : i32
      %jit3A_132 = arith.constant 0 : i32
      %select_n3A_133 = arith.select %ge3A_130, %jit3A_131, %jit3A_132 : i32
      %sub3A_134 = arith.subi %add3A_128, %select_n3A_133 : i32
      "tpu.region"() ({
        %run_scoped3A = tpu.sem_alloc : memref<!tpu.dma_semaphore, #tpu.memory_space<semaphore_mem>>
        %dma_start3A_140 = arith.constant 0 : i32
        %dma_start3A_141 = tpu.memref_slice %arg7[%sub3A_134, %dma_start3A_140] : memref<40x128xi32, #tpu.memory_space<vmem>> -> memref<1x128xi32, #tpu.memory_space<vmem>>
        %dma_start3A_142 = tpu.memref_squeeze %dma_start3A_141 : memref<1x128xi32, #tpu.memory_space<vmem>> -> memref<128xi32, #tpu.memory_space<vmem>>
        %dma_start3A_143 = arith.constant 0 : i32
        %dma_start3A_144 = arith.constant 0 : i32
        %dma_start3A_145 = tpu.memref_slice %arg10[%dma_start3A_143, %dma_start3A_144] : memref<10112x128xf32, #tpu.memory_space<vmem_shared>> -> memref<10112x128xf32, #tpu.memory_space<vmem_shared>>
        tpu.enqueue_indirect_dma source(%arg9 : memref<128x128xf32, #tpu.memory_space<vmem>>) target(%dma_start3A_145 : memref<10112x128xf32, #tpu.memory_space<vmem_shared>>) offsets(%dma_start3A_142 : memref<128xi32, #tpu.memory_space<vmem>>) semaphore(%run_scoped3A : memref<!tpu.dma_semaphore, #tpu.memory_space<semaphore_mem>>) {add = true}
        %dma_wait3A_146 = arith.constant 0 : i32
        %dma_wait3A_147 = tpu.memref_slice %arg7[%sub3A_134, %dma_wait3A_146] : memref<40x128xi32, #tpu.memory_space<vmem>> -> memref<1x128xi32, #tpu.memory_space<vmem>>
        %dma_wait3A_148 = tpu.memref_squeeze %dma_wait3A_147 : memref<1x128xi32, #tpu.memory_space<vmem>> -> memref<128xi32, #tpu.memory_space<vmem>>
        %dma_wait3A_149 = arith.constant 0 : i32
        %dma_wait3A_150 = arith.constant 0 : i32
        %dma_wait3A_151 = tpu.memref_slice %arg10[%dma_wait3A_149, %dma_wait3A_150] : memref<10112x128xf32, #tpu.memory_space<vmem_shared>> -> memref<10112x128xf32, #tpu.memory_space<vmem_shared>>
        tpu.wait_indirect_dma semaphore(%run_scoped3A : memref<!tpu.dma_semaphore, #tpu.memory_space<semaphore_mem>>) src(%arg9 : memref<128x128xf32, #tpu.memory_space<vmem>>) dst(%dma_wait3A_151 : memref<10112x128xf32, #tpu.memory_space<vmem_shared>>)
        tpu.yield
      }) : () -> ()
      %eq3A_135 = arith.constant 38 : i32
      %eq3A_136 = arith.cmpi eq, %add3A_77, %eq3A_135 : i32
      %convert_element_type3A_137 = arith.extui %eq3A_136 : i1 to i32
      %cond3A_138 = arith.constant 0 : i32
      %cond3A_139 = arith.cmpi ne, %convert_element_type3A_137, %cond3A_138 : i32
      scf.if %cond3A_139 {
        %add3A_140 = arith.constant 40 : i32
        %add3A_141 = arith.addi %mul3A_18, %add3A_140 : i32
        "tpu.region"() ({
          %run_scoped3A = tpu.sem_alloc : memref<!tpu.dma_semaphore, #tpu.memory_space<semaphore_mem>>
          %dma_start3A_142 = arith.constant 0 : i32
          %dma_start3A_143 = tpu.memref_slice %arg4[%add3A_141, %dma_start3A_142] : memref<2560x128xi32, #tpu.memory_space<hbm>> -> memref<40x128xi32, #tpu.memory_space<hbm>>
          %dma_start3A_144 = arith.constant 0 : i32
          %dma_start3A_145 = tpu.memref_slice %arg4[%add3A_141, %dma_start3A_144] : memref<2560x128xi32, #tpu.memory_space<hbm>> -> memref<40x128xi32, #tpu.memory_space<hbm>>
          tpu.enqueue_dma source(%dma_start3A_145 : memref<40x128xi32, #tpu.memory_space<hbm>>) target(%arg7 : memref<40x128xi32, #tpu.memory_space<vmem>>) target_semaphore(%run_scoped3A : memref<!tpu.dma_semaphore, #tpu.memory_space<semaphore_mem>>)
          %dma_wait3A_146 = arith.constant 0 : i32
          %dma_wait3A_147 = tpu.memref_slice %arg4[%add3A_141, %dma_wait3A_146] : memref<2560x128xi32, #tpu.memory_space<hbm>> -> memref<40x128xi32, #tpu.memory_space<hbm>>
          %dma_wait3A_148 = arith.constant 0 : i32
          %dma_wait3A_149 = tpu.memref_slice %arg4[%add3A_141, %dma_wait3A_148] : memref<2560x128xi32, #tpu.memory_space<hbm>> -> memref<40x128xi32, #tpu.memory_space<hbm>>
          tpu.wait_dma2 semaphore(%run_scoped3A : memref<!tpu.dma_semaphore, #tpu.memory_space<semaphore_mem>>) src(%dma_wait3A_149 : memref<40x128xi32, #tpu.memory_space<hbm>>) dst(%arg7 : memref<40x128xi32, #tpu.memory_space<vmem>>)
          tpu.yield
        }) : () -> ()
      } else {
      }
    }
    %scan3A_31 = arith.constant 39 : i32
    %dma_wait3A = arith.constant 0 : i32
    %dma_wait3A_32 = arith.constant 0 : i32
    %dma_wait3A_33 = tpu.memref_slice %arg6[%dma_wait3A, %dma_wait3A_32] : memref<40x128xi32, #tpu.memory_space<vmem>> -> memref<1x128xi32, #tpu.memory_space<vmem>>
    %dma_wait3A_34 = tpu.memref_squeeze %dma_wait3A_33 : memref<1x128xi32, #tpu.memory_space<vmem>> -> memref<128xi32, #tpu.memory_space<vmem>>
    %dma_wait3A_35 = arith.constant 0 : i32
    %dma_wait3A_36 = arith.constant 0 : i32
    %dma_wait3A_37 = tpu.memref_slice %arg2[%dma_wait3A_35, %dma_wait3A_36] : memref<10000x128xf32, #tpu.memory_space<hbm>> -> memref<10000x128xf32, #tpu.memory_space<hbm>>
    tpu.wait_indirect_dma semaphore(%arg11 : memref<!tpu.dma_semaphore, #tpu.memory_space<semaphore_mem>>) src(%dma_wait3A_37 : memref<10000x128xf32, #tpu.memory_space<hbm>>) dst(%arg8 : memref<128x128xf32, #tpu.memory_space<vmem>>)
    %jit3A_38 = arith.constant true
    %jit3A_39 = arith.constant 40 : i32
    %jit3A_40 = arith.constant 0 : i32
    %select_n3A_41 = arith.select %jit3A_38, %jit3A_39, %jit3A_40 : i32
    %sub3A_42 = arith.constant 79 : i32
    %sub3A_43 = arith.subi %sub3A_42, %select_n3A_41 : i32
    %dma_start3A_44 = arith.constant 0 : i32
    %dma_start3A_45 = tpu.memref_slice %arg6[%sub3A_43, %dma_start3A_44] : memref<40x128xi32, #tpu.memory_space<vmem>> -> memref<1x128xi32, #tpu.memory_space<vmem>>
    %dma_start3A_46 = tpu.memref_squeeze %dma_start3A_45 : memref<1x128xi32, #tpu.memory_space<vmem>> -> memref<128xi32, #tpu.memory_space<vmem>>
    %dma_start3A_47 = arith.constant 0 : i32
    %dma_start3A_48 = arith.constant 0 : i32
    %dma_start3A_49 = tpu.memref_slice %arg2[%dma_start3A_47, %dma_start3A_48] : memref<10000x128xf32, #tpu.memory_space<hbm>> -> memref<10000x128xf32, #tpu.memory_space<hbm>>
    tpu.enqueue_indirect_dma source(%dma_start3A_49 : memref<10000x128xf32, #tpu.memory_space<hbm>>) target(%arg9 : memref<128x128xf32, #tpu.memory_space<vmem>>) offsets(%dma_start3A_46 : memref<128xi32, #tpu.memory_space<vmem>>) semaphore(%arg12 : memref<!tpu.dma_semaphore, #tpu.memory_space<semaphore_mem>>)
    %jit3A_50 = arith.constant true
    %jit3A_51 = arith.constant 40 : i32
    %jit3A_52 = arith.constant 0 : i32
    %select_n3A_53 = arith.select %jit3A_50, %jit3A_51, %jit3A_52 : i32
    %sub3A_54 = arith.constant 78 : i32
    %sub3A_55 = arith.subi %sub3A_54, %select_n3A_53 : i32
    "tpu.region"() ({
      %run_scoped3A = tpu.sem_alloc : memref<!tpu.dma_semaphore, #tpu.memory_space<semaphore_mem>>
      %dma_start3A_73 = arith.constant 0 : i32
      %dma_start3A_74 = tpu.memref_slice %arg7[%sub3A_55, %dma_start3A_73] : memref<40x128xi32, #tpu.memory_space<vmem>> -> memref<1x128xi32, #tpu.memory_space<vmem>>
      %dma_start3A_75 = tpu.memref_squeeze %dma_start3A_74 : memref<1x128xi32, #tpu.memory_space<vmem>> -> memref<128xi32, #tpu.memory_space<vmem>>
      %dma_start3A_76 = arith.constant 0 : i32
      %dma_start3A_77 = arith.constant 0 : i32
      %dma_start3A_78 = tpu.memref_slice %arg10[%dma_start3A_76, %dma_start3A_77] : memref<10112x128xf32, #tpu.memory_space<vmem_shared>> -> memref<10112x128xf32, #tpu.memory_space<vmem_shared>>
      tpu.enqueue_indirect_dma source(%arg8 : memref<128x128xf32, #tpu.memory_space<vmem>>) target(%dma_start3A_78 : memref<10112x128xf32, #tpu.memory_space<vmem_shared>>) offsets(%dma_start3A_75 : memref<128xi32, #tpu.memory_space<vmem>>) semaphore(%run_scoped3A : memref<!tpu.dma_semaphore, #tpu.memory_space<semaphore_mem>>) {add = true}
      %dma_wait3A_79 = arith.constant 0 : i32
      %dma_wait3A_80 = tpu.memref_slice %arg7[%sub3A_55, %dma_wait3A_79] : memref<40x128xi32, #tpu.memory_space<vmem>> -> memref<1x128xi32, #tpu.memory_space<vmem>>
      %dma_wait3A_81 = tpu.memref_squeeze %dma_wait3A_80 : memref<1x128xi32, #tpu.memory_space<vmem>> -> memref<128xi32, #tpu.memory_space<vmem>>
      %dma_wait3A_82 = arith.constant 0 : i32
      %dma_wait3A_83 = arith.constant 0 : i32
      %dma_wait3A_84 = tpu.memref_slice %arg10[%dma_wait3A_82, %dma_wait3A_83] : memref<10112x128xf32, #tpu.memory_space<vmem_shared>> -> memref<10112x128xf32, #tpu.memory_space<vmem_shared>>
      tpu.wait_indirect_dma semaphore(%run_scoped3A : memref<!tpu.dma_semaphore, #tpu.memory_space<semaphore_mem>>) src(%arg8 : memref<128x128xf32, #tpu.memory_space<vmem>>) dst(%dma_wait3A_84 : memref<10112x128xf32, #tpu.memory_space<vmem_shared>>)
      tpu.yield
    }) : () -> ()
    %dma_wait3A_56 = arith.constant 0 : i32
    %dma_wait3A_57 = arith.constant 0 : i32
    %dma_wait3A_58 = tpu.memref_slice %arg6[%dma_wait3A_56, %dma_wait3A_57] : memref<40x128xi32, #tpu.memory_space<vmem>> -> memref<1x128xi32, #tpu.memory_space<vmem>>
    %dma_wait3A_59 = tpu.memref_squeeze %dma_wait3A_58 : memref<1x128xi32, #tpu.memory_space<vmem>> -> memref<128xi32, #tpu.memory_space<vmem>>
    %dma_wait3A_60 = arith.constant 0 : i32
    %dma_wait3A_61 = arith.constant 0 : i32
    %dma_wait3A_62 = tpu.memref_slice %arg2[%dma_wait3A_60, %dma_wait3A_61] : memref<10000x128xf32, #tpu.memory_space<hbm>> -> memref<10000x128xf32, #tpu.memory_space<hbm>>
    tpu.wait_indirect_dma semaphore(%arg12 : memref<!tpu.dma_semaphore, #tpu.memory_space<semaphore_mem>>) src(%dma_wait3A_62 : memref<10000x128xf32, #tpu.memory_space<hbm>>) dst(%arg9 : memref<128x128xf32, #tpu.memory_space<vmem>>)
    %jit3A_63 = arith.constant true
    %jit3A_64 = arith.constant 40 : i32
    %jit3A_65 = arith.constant 0 : i32
    %select_n3A_66 = arith.select %jit3A_63, %jit3A_64, %jit3A_65 : i32
    %sub3A_67 = arith.constant 79 : i32
    %sub3A_68 = arith.subi %sub3A_67, %select_n3A_66 : i32
    "tpu.region"() ({
      %run_scoped3A = tpu.sem_alloc : memref<!tpu.dma_semaphore, #tpu.memory_space<semaphore_mem>>
      %dma_start3A_73 = arith.constant 0 : i32
      %dma_start3A_74 = tpu.memref_slice %arg7[%sub3A_68, %dma_start3A_73] : memref<40x128xi32, #tpu.memory_space<vmem>> -> memref<1x128xi32, #tpu.memory_space<vmem>>
      %dma_start3A_75 = tpu.memref_squeeze %dma_start3A_74 : memref<1x128xi32, #tpu.memory_space<vmem>> -> memref<128xi32, #tpu.memory_space<vmem>>
      %dma_start3A_76 = arith.constant 0 : i32
      %dma_start3A_77 = arith.constant 0 : i32
      %dma_start3A_78 = tpu.memref_slice %arg10[%dma_start3A_76, %dma_start3A_77] : memref<10112x128xf32, #tpu.memory_space<vmem_shared>> -> memref<10112x128xf32, #tpu.memory_space<vmem_shared>>
      tpu.enqueue_indirect_dma source(%arg9 : memref<128x128xf32, #tpu.memory_space<vmem>>) target(%dma_start3A_78 : memref<10112x128xf32, #tpu.memory_space<vmem_shared>>) offsets(%dma_start3A_75 : memref<128xi32, #tpu.memory_space<vmem>>) semaphore(%run_scoped3A : memref<!tpu.dma_semaphore, #tpu.memory_space<semaphore_mem>>) {add = true}
      %dma_wait3A_79 = arith.constant 0 : i32
      %dma_wait3A_80 = tpu.memref_slice %arg7[%sub3A_68, %dma_wait3A_79] : memref<40x128xi32, #tpu.memory_space<vmem>> -> memref<1x128xi32, #tpu.memory_space<vmem>>
      %dma_wait3A_81 = tpu.memref_squeeze %dma_wait3A_80 : memref<1x128xi32, #tpu.memory_space<vmem>> -> memref<128xi32, #tpu.memory_space<vmem>>
      %dma_wait3A_82 = arith.constant 0 : i32
      %dma_wait3A_83 = arith.constant 0 : i32
      %dma_wait3A_84 = tpu.memref_slice %arg10[%dma_wait3A_82, %dma_wait3A_83] : memref<10112x128xf32, #tpu.memory_space<vmem_shared>> -> memref<10112x128xf32, #tpu.memory_space<vmem_shared>>
      tpu.wait_indirect_dma semaphore(%run_scoped3A : memref<!tpu.dma_semaphore, #tpu.memory_space<semaphore_mem>>) src(%arg9 : memref<128x128xf32, #tpu.memory_space<vmem>>) dst(%dma_wait3A_84 : memref<10112x128xf32, #tpu.memory_space<vmem_shared>>)
      tpu.yield
    }) : () -> ()
    %barrier3A_69 = arith.constant 0 : index
    tpu.barrier barrier_id(%barrier3A_69)
    %mul3A_70 = arith.constant 10112 : i32
    %mul3A_71 = arith.muli %arg0, %mul3A_70 : i32
    %add3A_72 = arith.addi %mul3A_71, %mul3A_6 : i32
    "tpu.region"() ({
      %run_scoped3A = tpu.sem_alloc : memref<!tpu.dma_semaphore, #tpu.memory_space<semaphore_mem>>
      %dma_start3A_73 = arith.constant 0 : i32
      %dma_start3A_74 = tpu.memref_slice %arg5[%add3A_72, %dma_start3A_73] : memref<20224x128xf32, #tpu.memory_space<hbm>> -> memref<632x128xf32, #tpu.memory_space<hbm>>
      %dma_start3A_75 = arith.constant 0 : i32
      %dma_start3A_76 = tpu.memref_slice %arg10[%mul3A_6, %dma_start3A_75] : memref<10112x128xf32, #tpu.memory_space<vmem_shared>> -> memref<632x128xf32, #tpu.memory_space<vmem_shared>>
      tpu.enqueue_dma source(%dma_start3A_76 : memref<632x128xf32, #tpu.memory_space<vmem_shared>>) target(%dma_start3A_74 : memref<632x128xf32, #tpu.memory_space<hbm>>) target_semaphore(%run_scoped3A : memref<!tpu.dma_semaphore, #tpu.memory_space<semaphore_mem>>)
      %dma_wait3A_77 = arith.constant 0 : i32
      %dma_wait3A_78 = tpu.memref_slice %arg5[%add3A_72, %dma_wait3A_77] : memref<20224x128xf32, #tpu.memory_space<hbm>> -> memref<632x128xf32, #tpu.memory_space<hbm>>
      %dma_wait3A_79 = arith.constant 0 : i32
      %dma_wait3A_80 = tpu.memref_slice %arg10[%mul3A_6, %dma_wait3A_79] : memref<10112x128xf32, #tpu.memory_space<vmem_shared>> -> memref<632x128xf32, #tpu.memory_space<vmem_shared>>
      tpu.wait_dma2 semaphore(%run_scoped3A : memref<!tpu.dma_semaphore, #tpu.memory_space<semaphore_mem>>) src(%dma_wait3A_80 : memref<632x128xf32, #tpu.memory_space<vmem_shared>>) dst(%dma_wait3A_78 : memref<632x128xf32, #tpu.memory_space<hbm>>)
      tpu.yield
    }) : () -> ()
    return
  }
}

#map = affine_map<(d0, d1) -> (0, 0)>
module attributes {stable_mosaic.version = 14 : i64} {
  func.func @k(%arg0: i32, %arg1: i32, %arg2: memref<10000x128xf32, #tpu.memory_space<hbm>>, %arg3: memref<2560x128xi32, #tpu.memory_space<hbm>>, %arg4: memref<2560x128xi32, #tpu.memory_space<hbm>>, %arg5: memref<20224x128xf32, #tpu.memory_space<hbm>>, %arg6: memref<40x128xi32, #tpu.memory_space<vmem>>, %arg7: memref<40x128xi32, #tpu.memory_space<vmem>>, %arg8: memref<128x128xf32, #tpu.memory_space<vmem>>, %arg9: memref<128x128xf32, #tpu.memory_space<vmem>>, %arg10: memref<10112x128xf32, #tpu.memory_space<vmem_shared>>, %arg11: memref<!tpu.dma_semaphore, #tpu.memory_space<semaphore_mem>>, %arg12: memref<!tpu.dma_semaphore, #tpu.memory_space<semaphore_mem>>) attributes {dimension_semantics = [#tpu.dimension_semantics<core_parallel>, #tpu.dimension_semantics<subcore_parallel>], iteration_bounds = array<i64: 2, 16>, scalar_prefetch = 0 : i64, scratch_operands = 7 : i64, tpu.core_type = #tpu.core_type<sc_vector_subcore>, window_params = [{transform_indices = #map}, {transform_indices = #map}, {transform_indices = #map}, {transform_indices = #map}]} {
    %mul3A = arith.constant 16 : i32
    %mul3A_0 = arith.muli %arg0, %mul3A : i32
    %add3A = arith.addi %mul3A_0, %arg1 : i32
    %scan3A = arith.constant 0 : i32
    %scan3A_1 = arith.constant 128 : i32
    %scan3A_2 = arith.addi %scan3A, %scan3A_1 : i32
    %scan3A_3 = arith.constant 1 : i32
    scf.for %scan3A_73 = %scan3A to %scan3A_2 step %scan3A_3  : i32 {
      %mul3A_74 = arith.constant 1 : i32
      %mul3A_75 = arith.muli %scan3A_73, %mul3A_74 : i32
      %add3A_76 = arith.constant 0 : i32
      %add3A_77 = arith.addi %add3A_76, %mul3A_75 : i32
      %broadcast_in_dim3A = arith.constant 0.000000e+00 : f32
      %broadcast_in_dim3A_78 = vector.broadcast %broadcast_in_dim3A : f32 to vector<16xf32>
      %swap3A = arith.index_cast %add3A_77 : i32 to index
      %swap3A_79 = arith.constant 0 : index
      %swap3A_80 = tpu.vector_load %arg8[%swap3A, %swap3A_79] {strides = array<i32>} : memref<128x128xf32, #tpu.memory_space<vmem>>, vector<1x16xf32>,
      %swap3A_81 = vector.shape_cast %swap3A_80 : vector<1x16xf32> to vector<16xf32>
      %swap3A_82 = vector.shape_cast %broadcast_in_dim3A_78 : vector<16xf32> to vector<1x16xf32>
      tpu.vector_store %arg8[%swap3A, %swap3A_79], %swap3A_82 {strides = array<i32>} : memref<128x128xf32, #tpu.memory_space<vmem>>, vector<1x16xf32>,
      %broadcast_in_dim3A_83 = arith.constant 0.000000e+00 : f32
      %broadcast_in_dim3A_84 = vector.broadcast %broadcast_in_dim3A_83 : f32 to vector<16xf32>
      %swap3A_85 = arith.index_cast %add3A_77 : i32 to index
      %swap3A_86 = arith.constant 16 : index
      %swap3A_87 = tpu.vector_load %arg8[%swap3A_85, %swap3A_86] {strides = array<i32>} : memref<128x128xf32, #tpu.memory_space<vmem>>, vector<1x16xf32>,
      %swap3A_88 = vector.shape_cast %swap3A_87 : vector<1x16xf32> to vector<16xf32>
      %swap3A_89 = vector.shape_cast %broadcast_in_dim3A_84 : vector<16xf32> to vector<1x16xf32>
      tpu.vector_store %arg8[%swap3A_85, %swap3A_86], %swap3A_89 {strides = array<i32>} : memref<128x128xf32, #tpu.memory_space<vmem>>, vector<1x16xf32>,
      %broadcast_in_dim3A_90 = arith.constant 0.000000e+00 : f32
      %broadcast_in_dim3A_91 = vector.broadcast %broadcast_in_dim3A_90 : f32 to vector<16xf32>
      %swap3A_92 = arith.index_cast %add3A_77 : i32 to index
      %swap3A_93 = arith.constant 32 : index
      %swap3A_94 = tpu.vector_load %arg8[%swap3A_92, %swap3A_93] {strides = array<i32>} : memref<128x128xf32, #tpu.memory_space<vmem>>, vector<1x16xf32>,
      %swap3A_95 = vector.shape_cast %swap3A_94 : vector<1x16xf32> to vector<16xf32>
      %swap3A_96 = vector.shape_cast %broadcast_in_dim3A_91 : vector<16xf32> to vector<1x16xf32>
      tpu.vector_store %arg8[%swap3A_92, %swap3A_93], %swap3A_96 {strides = array<i32>} : memref<128x128xf32, #tpu.memory_space<vmem>>, vector<1x16xf32>,
      %broadcast_in_dim3A_97 = arith.constant 0.000000e+00 : f32
      %broadcast_in_dim3A_98 = vector.broadcast %broadcast_in_dim3A_97 : f32 to vector<16xf32>
      %swap3A_99 = arith.index_cast %add3A_77 : i32 to index
      %swap3A_100 = arith.constant 48 : index
      %swap3A_101 = tpu.vector_load %arg8[%swap3A_99, %swap3A_100] {strides = array<i32>} : memref<128x128xf32, #tpu.memory_space<vmem>>, vector<1x16xf32>,
      %swap3A_102 = vector.shape_cast %swap3A_101 : vector<1x16xf32> to vector<16xf32>
      %swap3A_103 = vector.shape_cast %broadcast_in_dim3A_98 : vector<16xf32> to vector<1x16xf32>
      tpu.vector_store %arg8[%swap3A_99, %swap3A_100], %swap3A_103 {strides = array<i32>} : memref<128x128xf32, #tpu.memory_space<vmem>>, vector<1x16xf32>,
      %broadcast_in_dim3A_104 = arith.constant 0.000000e+00 : f32
      %broadcast_in_dim3A_105 = vector.broadcast %broadcast_in_dim3A_104 : f32 to vector<16xf32>
      %swap3A_106 = arith.index_cast %add3A_77 : i32 to index
      %swap3A_107 = arith.constant 64 : index
      %swap3A_108 = tpu.vector_load %arg8[%swap3A_106, %swap3A_107] {strides = array<i32>} : memref<128x128xf32, #tpu.memory_space<vmem>>, vector<1x16xf32>,
      %swap3A_109 = vector.shape_cast %swap3A_108 : vector<1x16xf32> to vector<16xf32>
      %swap3A_110 = vector.shape_cast %broadcast_in_dim3A_105 : vector<16xf32> to vector<1x16xf32>
      tpu.vector_store %arg8[%swap3A_106, %swap3A_107], %swap3A_110 {strides = array<i32>} : memref<128x128xf32, #tpu.memory_space<vmem>>, vector<1x16xf32>,
      %broadcast_in_dim3A_111 = arith.constant 0.000000e+00 : f32
      %broadcast_in_dim3A_112 = vector.broadcast %broadcast_in_dim3A_111 : f32 to vector<16xf32>
      %swap3A_113 = arith.index_cast %add3A_77 : i32 to index
      %swap3A_114 = arith.constant 80 : index
      %swap3A_115 = tpu.vector_load %arg8[%swap3A_113, %swap3A_114] {strides = array<i32>} : memref<128x128xf32, #tpu.memory_space<vmem>>, vector<1x16xf32>,
      %swap3A_116 = vector.shape_cast %swap3A_115 : vector<1x16xf32> to vector<16xf32>
      %swap3A_117 = vector.shape_cast %broadcast_in_dim3A_112 : vector<16xf32> to vector<1x16xf32>
      tpu.vector_store %arg8[%swap3A_113, %swap3A_114], %swap3A_117 {strides = array<i32>} : memref<128x128xf32, #tpu.memory_space<vmem>>, vector<1x16xf32>,
      %broadcast_in_dim3A_118 = arith.constant 0.000000e+00 : f32
      %broadcast_in_dim3A_119 = vector.broadcast %broadcast_in_dim3A_118 : f32 to vector<16xf32>
      %swap3A_120 = arith.index_cast %add3A_77 : i32 to index
      %swap3A_121 = arith.constant 96 : index
      %swap3A_122 = tpu.vector_load %arg8[%swap3A_120, %swap3A_121] {strides = array<i32>} : memref<128x128xf32, #tpu.memory_space<vmem>>, vector<1x16xf32>,
      %swap3A_123 = vector.shape_cast %swap3A_122 : vector<1x16xf32> to vector<16xf32>
      %swap3A_124 = vector.shape_cast %broadcast_in_dim3A_119 : vector<16xf32> to vector<1x16xf32>
      tpu.vector_store %arg8[%swap3A_120, %swap3A_121], %swap3A_124 {strides = array<i32>} : memref<128x128xf32, #tpu.memory_space<vmem>>, vector<1x16xf32>,
      %broadcast_in_dim3A_125 = arith.constant 0.000000e+00 : f32
      %broadcast_in_dim3A_126 = vector.broadcast %broadcast_in_dim3A_125 : f32 to vector<16xf32>
      %swap3A_127 = arith.index_cast %add3A_77 : i32 to index
      %swap3A_128 = arith.constant 112 : index
      %swap3A_129 = tpu.vector_load %arg8[%swap3A_127, %swap3A_128] {strides = array<i32>} : memref<128x128xf32, #tpu.memory_space<vmem>>, vector<1x16xf32>,
      %swap3A_130 = vector.shape_cast %swap3A_129 : vector<1x16xf32> to vector<16xf32>
      %swap3A_131 = vector.shape_cast %broadcast_in_dim3A_126 : vector<16xf32> to vector<1x16xf32>
      tpu.vector_store %arg8[%swap3A_127, %swap3A_128], %swap3A_131 {strides = array<i32>} : memref<128x128xf32, #tpu.memory_space<vmem>>, vector<1x16xf32>,
    }
    %scan3A_4 = arith.constant 128 : i32
    %mul3A_5 = arith.constant 632 : i32
    %mul3A_6 = arith.muli %arg1, %mul3A_5 : i32
    %add3A_7 = arith.constant 0 : i32
    %add3A_8 = arith.addi %mul3A_6, %add3A_7 : i32
    "tpu.region"() ({
      %run_scoped3A = tpu.sem_alloc : memref<!tpu.dma_semaphore, #tpu.memory_space<semaphore_mem>>
      %dma_start3A_73 = arith.constant 0 : i32
      %dma_start3A_74 = tpu.memref_slice %arg10[%add3A_8, %dma_start3A_73] : memref<10112x128xf32, #tpu.memory_space<vmem_shared>> -> memref<128x128xf32, #tpu.memory_space<vmem_shared>>
      %dma_start3A_75 = arith.constant 0 : i32
      %dma_start3A_76 = tpu.memref_slice %arg10[%add3A_8, %dma_start3A_75] : memref<10112x128xf32, #tpu.memory_space<vmem_shared>> -> memref<128x128xf32, #tpu.memory_space<vmem_shared>>
      tpu.enqueue_dma source(%arg8 : memref<128x128xf32, #tpu.memory_space<vmem>>) target(%dma_start3A_76 : memref<128x128xf32, #tpu.memory_space<vmem_shared>>) target_semaphore(%run_scoped3A : memref<!tpu.dma_semaphore, #tpu.memory_space<semaphore_mem>>)
      %dma_wait3A_77 = arith.constant 0 : i32
      %dma_wait3A_78 = tpu.memref_slice %arg10[%add3A_8, %dma_wait3A_77] : memref<10112x128xf32, #tpu.memory_space<vmem_shared>> -> memref<128x128xf32, #tpu.memory_space<vmem_shared>>
      %dma_wait3A_79 = arith.constant 0 : i32
      %dma_wait3A_80 = tpu.memref_slice %arg10[%add3A_8, %dma_wait3A_79] : memref<10112x128xf32, #tpu.memory_space<vmem_shared>> -> memref<128x128xf32, #tpu.memory_space<vmem_shared>>
      tpu.wait_dma2 semaphore(%run_scoped3A : memref<!tpu.dma_semaphore, #tpu.memory_space<semaphore_mem>>) src(%arg8 : memref<128x128xf32, #tpu.memory_space<vmem>>) dst(%dma_wait3A_80 : memref<128x128xf32, #tpu.memory_space<vmem_shared>>)
      tpu.yield
    }) : () -> ()
    %add3A_9 = arith.constant 128 : i32
    %add3A_10 = arith.addi %mul3A_6, %add3A_9 : i32
    "tpu.region"() ({
      %run_scoped3A = tpu.sem_alloc : memref<!tpu.dma_semaphore, #tpu.memory_space<semaphore_mem>>
      %dma_start3A_73 = arith.constant 0 : i32
      %dma_start3A_74 = tpu.memref_slice %arg10[%add3A_10, %dma_start3A_73] : memref<10112x128xf32, #tpu.memory_space<vmem_shared>> -> memref<128x128xf32, #tpu.memory_space<vmem_shared>>
      %dma_start3A_75 = arith.constant 0 : i32
      %dma_start3A_76 = tpu.memref_slice %arg10[%add3A_10, %dma_start3A_75] : memref<10112x128xf32, #tpu.memory_space<vmem_shared>> -> memref<128x128xf32, #tpu.memory_space<vmem_shared>>
      tpu.enqueue_dma source(%arg8 : memref<128x128xf32, #tpu.memory_space<vmem>>) target(%dma_start3A_76 : memref<128x128xf32, #tpu.memory_space<vmem_shared>>) target_semaphore(%run_scoped3A : memref<!tpu.dma_semaphore, #tpu.memory_space<semaphore_mem>>)
      %dma_wait3A_77 = arith.constant 0 : i32
      %dma_wait3A_78 = tpu.memref_slice %arg10[%add3A_10, %dma_wait3A_77] : memref<10112x128xf32, #tpu.memory_space<vmem_shared>> -> memref<128x128xf32, #tpu.memory_space<vmem_shared>>
      %dma_wait3A_79 = arith.constant 0 : i32
      %dma_wait3A_80 = tpu.memref_slice %arg10[%add3A_10, %dma_wait3A_79] : memref<10112x128xf32, #tpu.memory_space<vmem_shared>> -> memref<128x128xf32, #tpu.memory_space<vmem_shared>>
      tpu.wait_dma2 semaphore(%run_scoped3A : memref<!tpu.dma_semaphore, #tpu.memory_space<semaphore_mem>>) src(%arg8 : memref<128x128xf32, #tpu.memory_space<vmem>>) dst(%dma_wait3A_80 : memref<128x128xf32, #tpu.memory_space<vmem_shared>>)
      tpu.yield
    }) : () -> ()
    %add3A_11 = arith.constant 256 : i32
    %add3A_12 = arith.addi %mul3A_6, %add3A_11 : i32
    "tpu.region"() ({
      %run_scoped3A = tpu.sem_alloc : memref<!tpu.dma_semaphore, #tpu.memory_space<semaphore_mem>>
      %dma_start3A_73 = arith.constant 0 : i32
      %dma_start3A_74 = tpu.memref_slice %arg10[%add3A_12, %dma_start3A_73] : memref<10112x128xf32, #tpu.memory_space<vmem_shared>> -> memref<128x128xf32, #tpu.memory_space<vmem_shared>>
      %dma_start3A_75 = arith.constant 0 : i32
      %dma_start3A_76 = tpu.memref_slice %arg10[%add3A_12, %dma_start3A_75] : memref<10112x128xf32, #tpu.memory_space<vmem_shared>> -> memref<128x128xf32, #tpu.memory_space<vmem_shared>>
      tpu.enqueue_dma source(%arg8 : memref<128x128xf32, #tpu.memory_space<vmem>>) target(%dma_start3A_76 : memref<128x128xf32, #tpu.memory_space<vmem_shared>>) target_semaphore(%run_scoped3A : memref<!tpu.dma_semaphore, #tpu.memory_space<semaphore_mem>>)
      %dma_wait3A_77 = arith.constant 0 : i32
      %dma_wait3A_78 = tpu.memref_slice %arg10[%add3A_12, %dma_wait3A_77] : memref<10112x128xf32, #tpu.memory_space<vmem_shared>> -> memref<128x128xf32, #tpu.memory_space<vmem_shared>>
      %dma_wait3A_79 = arith.constant 0 : i32
      %dma_wait3A_80 = tpu.memref_slice %arg10[%add3A_12, %dma_wait3A_79] : memref<10112x128xf32, #tpu.memory_space<vmem_shared>> -> memref<128x128xf32, #tpu.memory_space<vmem_shared>>
      tpu.wait_dma2 semaphore(%run_scoped3A : memref<!tpu.dma_semaphore, #tpu.memory_space<semaphore_mem>>) src(%arg8 : memref<128x128xf32, #tpu.memory_space<vmem>>) dst(%dma_wait3A_80 : memref<128x128xf32, #tpu.memory_space<vmem_shared>>)
      tpu.yield
    }) : () -> ()
    %add3A_13 = arith.constant 384 : i32
    %add3A_14 = arith.addi %mul3A_6, %add3A_13 : i32
    "tpu.region"() ({
      %run_scoped3A = tpu.sem_alloc : memref<!tpu.dma_semaphore, #tpu.memory_space<semaphore_mem>>
      %dma_start3A_73 = arith.constant 0 : i32
      %dma_start3A_74 = tpu.memref_slice %arg10[%add3A_14, %dma_start3A_73] : memref<10112x128xf32, #tpu.memory_space<vmem_shared>> -> memref<128x128xf32, #tpu.memory_space<vmem_shared>>
      %dma_start3A_75 = arith.constant 0 : i32
      %dma_start3A_76 = tpu.memref_slice %arg10[%add3A_14, %dma_start3A_75] : memref<10112x128xf32, #tpu.memory_space<vmem_shared>> -> memref<128x128xf32, #tpu.memory_space<vmem_shared>>
      tpu.enqueue_dma source(%arg8 : memref<128x128xf32, #tpu.memory_space<vmem>>) target(%dma_start3A_76 : memref<128x128xf32, #tpu.memory_space<vmem_shared>>) target_semaphore(%run_scoped3A : memref<!tpu.dma_semaphore, #tpu.memory_space<semaphore_mem>>)
      %dma_wait3A_77 = arith.constant 0 : i32
      %dma_wait3A_78 = tpu.memref_slice %arg10[%add3A_14, %dma_wait3A_77] : memref<10112x128xf32, #tpu.memory_space<vmem_shared>> -> memref<128x128xf32, #tpu.memory_space<vmem_shared>>
      %dma_wait3A_79 = arith.constant 0 : i32
      %dma_wait3A_80 = tpu.memref_slice %arg10[%add3A_14, %dma_wait3A_79] : memref<10112x128xf32, #tpu.memory_space<vmem_shared>> -> memref<128x128xf32, #tpu.memory_space<vmem_shared>>
      tpu.wait_dma2 semaphore(%run_scoped3A : memref<!tpu.dma_semaphore, #tpu.memory_space<semaphore_mem>>) src(%arg8 : memref<128x128xf32, #tpu.memory_space<vmem>>) dst(%dma_wait3A_80 : memref<128x128xf32, #tpu.memory_space<vmem_shared>>)
      tpu.yield
    }) : () -> ()
    %add3A_15 = arith.constant 512 : i32
    %add3A_16 = arith.addi %mul3A_6, %add3A_15 : i32
    "tpu.region"() ({
      %run_scoped3A = tpu.sem_alloc : memref<!tpu.dma_semaphore, #tpu.memory_space<semaphore_mem>>
      %dma_start3A_73 = arith.constant 0 : i32
      %dma_start3A_74 = arith.constant 0 : i32
      %dma_start3A_75 = tpu.memref_slice %arg8[%dma_start3A_73, %dma_start3A_74] : memref<128x128xf32, #tpu.memory_space<vmem>> -> memref<120x128xf32, #tpu.memory_space<vmem>>
      %dma_start3A_76 = arith.constant 0 : i32
      %dma_start3A_77 = tpu.memref_slice %arg10[%add3A_16, %dma_start3A_76] : memref<10112x128xf32, #tpu.memory_space<vmem_shared>> -> memref<120x128xf32, #tpu.memory_space<vmem_shared>>
      %dma_start3A_78 = arith.constant 0 : i32
      %dma_start3A_79 = tpu.memref_slice %arg10[%add3A_16, %dma_start3A_78] : memref<10112x128xf32, #tpu.memory_space<vmem_shared>> -> memref<120x128xf32, #tpu.memory_space<vmem_shared>>
      %dma_start3A_80 = arith.constant 0 : i32
      %dma_start3A_81 = arith.constant 0 : i32
      %dma_start3A_82 = tpu.memref_slice %arg8[%dma_start3A_80, %dma_start3A_81] : memref<128x128xf32, #tpu.memory_space<vmem>> -> memref<120x128xf32, #tpu.memory_space<vmem>>
      tpu.enqueue_dma source(%dma_start3A_82 : memref<120x128xf32, #tpu.memory_space<vmem>>) target(%dma_start3A_79 : memref<120x128xf32, #tpu.memory_space<vmem_shared>>) target_semaphore(%run_scoped3A : memref<!tpu.dma_semaphore, #tpu.memory_space<semaphore_mem>>)
      %dma_wait3A_83 = arith.constant 0 : i32
      %dma_wait3A_84 = arith.constant 0 : i32
      %dma_wait3A_85 = tpu.memref_slice %arg8[%dma_wait3A_83, %dma_wait3A_84] : memref<128x128xf32, #tpu.memory_space<vmem>> -> memref<120x128xf32, #tpu.memory_space<vmem>>
      %dma_wait3A_86 = arith.constant 0 : i32
      %dma_wait3A_87 = tpu.memref_slice %arg10[%add3A_16, %dma_wait3A_86] : memref<10112x128xf32, #tpu.memory_space<vmem_shared>> -> memref<120x128xf32, #tpu.memory_space<vmem_shared>>
      %dma_wait3A_88 = arith.constant 0 : i32
      %dma_wait3A_89 = tpu.memref_slice %arg10[%add3A_16, %dma_wait3A_88] : memref<10112x128xf32, #tpu.memory_space<vmem_shared>> -> memref<120x128xf32, #tpu.memory_space<vmem_shared>>
      %dma_wait3A_90 = arith.constant 0 : i32
      %dma_wait3A_91 = arith.constant 0 : i32
      %dma_wait3A_92 = tpu.memref_slice %arg8[%dma_wait3A_90, %dma_wait3A_91] : memref<128x128xf32, #tpu.memory_space<vmem>> -> memref<120x128xf32, #tpu.memory_space<vmem>>
      tpu.wait_dma2 semaphore(%run_scoped3A : memref<!tpu.dma_semaphore, #tpu.memory_space<semaphore_mem>>) src(%dma_wait3A_92 : memref<120x128xf32, #tpu.memory_space<vmem>>) dst(%dma_wait3A_89 : memref<120x128xf32, #tpu.memory_space<vmem_shared>>)
      tpu.yield
    }) : () -> ()
    %mul3A_17 = arith.constant 80 : i32
    %mul3A_18 = arith.muli %add3A, %mul3A_17 : i32
    "tpu.region"() ({
      %run_scoped3A = tpu.sem_alloc : memref<!tpu.dma_semaphore, #tpu.memory_space<semaphore_mem>>
      %dma_start3A_73 = arith.constant 0 : i32
      %dma_start3A_74 = tpu.memref_slice %arg3[%mul3A_18, %dma_start3A_73] : memref<2560x128xi32, #tpu.memory_space<hbm>> -> memref<40x128xi32, #tpu.memory_space<hbm>>
      %dma_start3A_75 = arith.constant 0 : i32
      %dma_start3A_76 = tpu.memref_slice %arg3[%mul3A_18, %dma_start3A_75] : memref<2560x128xi32, #tpu.memory_space<hbm>> -> memref<40x128xi32, #tpu.memory_space<hbm>>
      tpu.enqueue_dma source(%dma_start3A_76 : memref<40x128xi32, #tpu.memory_space<hbm>>) target(%arg6 : memref<40x128xi32, #tpu.memory_space<vmem>>) target_semaphore(%run_scoped3A : memref<!tpu.dma_semaphore, #tpu.memory_space<semaphore_mem>>)
      %dma_wait3A_77 = arith.constant 0 : i32
      %dma_wait3A_78 = tpu.memref_slice %arg3[%mul3A_18, %dma_wait3A_77] : memref<2560x128xi32, #tpu.memory_space<hbm>> -> memref<40x128xi32, #tpu.memory_space<hbm>>
      %dma_wait3A_79 = arith.constant 0 : i32
      %dma_wait3A_80 = tpu.memref_slice %arg3[%mul3A_18, %dma_wait3A_79] : memref<2560x128xi32, #tpu.memory_space<hbm>> -> memref<40x128xi32, #tpu.memory_space<hbm>>
      tpu.wait_dma2 semaphore(%run_scoped3A : memref<!tpu.dma_semaphore, #tpu.memory_space<semaphore_mem>>) src(%dma_wait3A_80 : memref<40x128xi32, #tpu.memory_space<hbm>>) dst(%arg6 : memref<40x128xi32, #tpu.memory_space<vmem>>)
      tpu.yield
    }) : () -> ()
    "tpu.region"() ({
      %run_scoped3A = tpu.sem_alloc : memref<!tpu.dma_semaphore, #tpu.memory_space<semaphore_mem>>
      %dma_start3A_73 = arith.constant 0 : i32
      %dma_start3A_74 = tpu.memref_slice %arg4[%mul3A_18, %dma_start3A_73] : memref<2560x128xi32, #tpu.memory_space<hbm>> -> memref<40x128xi32, #tpu.memory_space<hbm>>
      %dma_start3A_75 = arith.constant 0 : i32
      %dma_start3A_76 = tpu.memref_slice %arg4[%mul3A_18, %dma_start3A_75] : memref<2560x128xi32, #tpu.memory_space<hbm>> -> memref<40x128xi32, #tpu.memory_space<hbm>>
      tpu.enqueue_dma source(%dma_start3A_76 : memref<40x128xi32, #tpu.memory_space<hbm>>) target(%arg7 : memref<40x128xi32, #tpu.memory_space<vmem>>) target_semaphore(%run_scoped3A : memref<!tpu.dma_semaphore, #tpu.memory_space<semaphore_mem>>)
      %dma_wait3A_77 = arith.constant 0 : i32
      %dma_wait3A_78 = tpu.memref_slice %arg4[%mul3A_18, %dma_wait3A_77] : memref<2560x128xi32, #tpu.memory_space<hbm>> -> memref<40x128xi32, #tpu.memory_space<hbm>>
      %dma_wait3A_79 = arith.constant 0 : i32
      %dma_wait3A_80 = tpu.memref_slice %arg4[%mul3A_18, %dma_wait3A_79] : memref<2560x128xi32, #tpu.memory_space<hbm>> -> memref<40x128xi32, #tpu.memory_space<hbm>>
      tpu.wait_dma2 semaphore(%run_scoped3A : memref<!tpu.dma_semaphore, #tpu.memory_space<semaphore_mem>>) src(%dma_wait3A_80 : memref<40x128xi32, #tpu.memory_space<hbm>>) dst(%arg7 : memref<40x128xi32, #tpu.memory_space<vmem>>)
      tpu.yield
    }) : () -> ()
    %barrier3A = arith.constant 0 : index
    tpu.barrier barrier_id(%barrier3A)
    %jit3A = arith.constant false
    %jit3A_19 = arith.constant 40 : i32
    %jit3A_20 = arith.constant 0 : i32
    %select_n3A = arith.select %jit3A, %jit3A_19, %jit3A_20 : i32
    %sub3A = arith.constant 0 : i32
    %sub3A_21 = arith.subi %sub3A, %select_n3A : i32
    %dma_start3A = arith.constant 0 : i32
    %dma_start3A_22 = tpu.memref_slice %arg6[%sub3A_21, %dma_start3A] : memref<40x128xi32, #tpu.memory_space<vmem>> -> memref<1x128xi32, #tpu.memory_space<vmem>>
    %dma_start3A_23 = tpu.memref_squeeze %dma_start3A_22 : memref<1x128xi32, #tpu.memory_space<vmem>> -> memref<128xi32, #tpu.memory_space<vmem>>
    %dma_start3A_24 = arith.constant 0 : i32
    %dma_start3A_25 = arith.constant 0 : i32
    %dma_start3A_26 = tpu.memref_slice %arg2[%dma_start3A_24, %dma_start3A_25] : memref<10000x128xf32, #tpu.memory_space<hbm>> -> memref<10000x128xf32, #tpu.memory_space<hbm>>
    tpu.enqueue_indirect_dma source(%dma_start3A_26 : memref<10000x128xf32, #tpu.memory_space<hbm>>) target(%arg8 : memref<128x128xf32, #tpu.memory_space<vmem>>) offsets(%dma_start3A_23 : memref<128xi32, #tpu.memory_space<vmem>>) semaphore(%arg11 : memref<!tpu.dma_semaphore, #tpu.memory_space<semaphore_mem>>)
    %scan3A_27 = arith.constant 0 : i32
    %scan3A_28 = arith.constant 39 : i32
    %scan3A_29 = arith.addi %scan3A_27, %scan3A_28 : i32
    %scan3A_30 = arith.constant 1 : i32
    scf.for %scan3A_73 = %scan3A_27 to %scan3A_29 step %scan3A_30  : i32 {
      %mul3A_74 = arith.constant 2 : i32
      %mul3A_75 = arith.muli %scan3A_73, %mul3A_74 : i32
      %add3A_76 = arith.constant 0 : i32
      %add3A_77 = arith.addi %add3A_76, %mul3A_75 : i32
      %dma_wait3A_78 = arith.constant 0 : i32
      %dma_wait3A_79 = arith.constant 0 : i32
      %dma_wait3A_80 = tpu.memref_slice %arg6[%dma_wait3A_78, %dma_wait3A_79] : memref<40x128xi32, #tpu.memory_space<vmem>> -> memref<1x128xi32, #tpu.memory_space<vmem>>
      %dma_wait3A_81 = tpu.memref_squeeze %dma_wait3A_80 : memref<1x128xi32, #tpu.memory_space<vmem>> -> memref<128xi32, #tpu.memory_space<vmem>>
      %dma_wait3A_82 = arith.constant 0 : i32
      %dma_wait3A_83 = arith.constant 0 : i32
      %dma_wait3A_84 = tpu.memref_slice %arg2[%dma_wait3A_82, %dma_wait3A_83] : memref<10000x128xf32, #tpu.memory_space<hbm>> -> memref<10000x128xf32, #tpu.memory_space<hbm>>
      tpu.wait_indirect_dma semaphore(%arg11 : memref<!tpu.dma_semaphore, #tpu.memory_space<semaphore_mem>>) src(%dma_wait3A_84 : memref<10000x128xf32, #tpu.memory_space<hbm>>) dst(%arg8 : memref<128x128xf32, #tpu.memory_space<vmem>>)
      %add3A_85 = arith.constant 1 : i32
      %add3A_86 = arith.addi %add3A_77, %add3A_85 : i32
      %ge3A = arith.constant 40 : i32
      %ge3A_87 = arith.cmpi sge, %add3A_86, %ge3A : i32
      %jit3A_88 = arith.constant 40 : i32
      %jit3A_89 = arith.constant 0 : i32
      %select_n3A_90 = arith.select %ge3A_87, %jit3A_88, %jit3A_89 : i32
      %sub3A_91 = arith.subi %add3A_86, %select_n3A_90 : i32
      %dma_start3A_92 = arith.constant 0 : i32
      %dma_start3A_93 = tpu.memref_slice %arg6[%sub3A_91, %dma_start3A_92] : memref<40x128xi32, #tpu.memory_space<vmem>> -> memref<1x128xi32, #tpu.memory_space<vmem>>
      %dma_start3A_94 = tpu.memref_squeeze %dma_start3A_93 : memref<1x128xi32, #tpu.memory_space<vmem>> -> memref<128xi32, #tpu.memory_space<vmem>>
      %dma_start3A_95 = arith.constant 0 : i32
      %dma_start3A_96 = arith.constant 0 : i32
      %dma_start3A_97 = tpu.memref_slice %arg2[%dma_start3A_95, %dma_start3A_96] : memref<10000x128xf32, #tpu.memory_space<hbm>> -> memref<10000x128xf32, #tpu.memory_space<hbm>>
      tpu.enqueue_indirect_dma source(%dma_start3A_97 : memref<10000x128xf32, #tpu.memory_space<hbm>>) target(%arg9 : memref<128x128xf32, #tpu.memory_space<vmem>>) offsets(%dma_start3A_94 : memref<128xi32, #tpu.memory_space<vmem>>) semaphore(%arg12 : memref<!tpu.dma_semaphore, #tpu.memory_space<semaphore_mem>>)
      %ge3A_98 = arith.constant 40 : i32
      %ge3A_99 = arith.cmpi sge, %add3A_77, %ge3A_98 : i32
      %jit3A_100 = arith.constant 40 : i32
      %jit3A_101 = arith.constant 0 : i32
      %select_n3A_102 = arith.select %ge3A_99, %jit3A_100, %jit3A_101 : i32
      %sub3A_103 = arith.subi %add3A_77, %select_n3A_102 : i32
      "tpu.region"() ({
        %run_scoped3A = tpu.sem_alloc : memref<!tpu.dma_semaphore, #tpu.memory_space<semaphore_mem>>
        %dma_start3A_140 = arith.constant 0 : i32
        %dma_start3A_141 = tpu.memref_slice %arg7[%sub3A_103, %dma_start3A_140] : memref<40x128xi32, #tpu.memory_space<vmem>> -> memref<1x128xi32, #tpu.memory_space<vmem>>
        %dma_start3A_142 = tpu.memref_squeeze %dma_start3A_141 : memref<1x128xi32, #tpu.memory_space<vmem>> -> memref<128xi32, #tpu.memory_space<vmem>>
        %dma_start3A_143 = arith.constant 0 : i32
        %dma_start3A_144 = arith.constant 0 : i32
        %dma_start3A_145 = tpu.memref_slice %arg10[%dma_start3A_143, %dma_start3A_144] : memref<10112x128xf32, #tpu.memory_space<vmem_shared>> -> memref<10112x128xf32, #tpu.memory_space<vmem_shared>>
        tpu.enqueue_indirect_dma source(%arg8 : memref<128x128xf32, #tpu.memory_space<vmem>>) target(%dma_start3A_145 : memref<10112x128xf32, #tpu.memory_space<vmem_shared>>) offsets(%dma_start3A_142 : memref<128xi32, #tpu.memory_space<vmem>>) semaphore(%run_scoped3A : memref<!tpu.dma_semaphore, #tpu.memory_space<semaphore_mem>>) {add = true}
        %dma_wait3A_146 = arith.constant 0 : i32
        %dma_wait3A_147 = tpu.memref_slice %arg7[%sub3A_103, %dma_wait3A_146] : memref<40x128xi32, #tpu.memory_space<vmem>> -> memref<1x128xi32, #tpu.memory_space<vmem>>
        %dma_wait3A_148 = tpu.memref_squeeze %dma_wait3A_147 : memref<1x128xi32, #tpu.memory_space<vmem>> -> memref<128xi32, #tpu.memory_space<vmem>>
        %dma_wait3A_149 = arith.constant 0 : i32
        %dma_wait3A_150 = arith.constant 0 : i32
        %dma_wait3A_151 = tpu.memref_slice %arg10[%dma_wait3A_149, %dma_wait3A_150] : memref<10112x128xf32, #tpu.memory_space<vmem_shared>> -> memref<10112x128xf32, #tpu.memory_space<vmem_shared>>
        tpu.wait_indirect_dma semaphore(%run_scoped3A : memref<!tpu.dma_semaphore, #tpu.memory_space<semaphore_mem>>) src(%arg8 : memref<128x128xf32, #tpu.memory_space<vmem>>) dst(%dma_wait3A_151 : memref<10112x128xf32, #tpu.memory_space<vmem_shared>>)
        tpu.yield
      }) : () -> ()
      %dma_wait3A_104 = arith.constant 0 : i32
      %dma_wait3A_105 = arith.constant 0 : i32
      %dma_wait3A_106 = tpu.memref_slice %arg6[%dma_wait3A_104, %dma_wait3A_105] : memref<40x128xi32, #tpu.memory_space<vmem>> -> memref<1x128xi32, #tpu.memory_space<vmem>>
      %dma_wait3A_107 = tpu.memref_squeeze %dma_wait3A_106 : memref<1x128xi32, #tpu.memory_space<vmem>> -> memref<128xi32, #tpu.memory_space<vmem>>
      %dma_wait3A_108 = arith.constant 0 : i32
      %dma_wait3A_109 = arith.constant 0 : i32
      %dma_wait3A_110 = tpu.memref_slice %arg2[%dma_wait3A_108, %dma_wait3A_109] : memref<10000x128xf32, #tpu.memory_space<hbm>> -> memref<10000x128xf32, #tpu.memory_space<hbm>>
      tpu.wait_indirect_dma semaphore(%arg12 : memref<!tpu.dma_semaphore, #tpu.memory_space<semaphore_mem>>) src(%dma_wait3A_110 : memref<10000x128xf32, #tpu.memory_space<hbm>>) dst(%arg9 : memref<128x128xf32, #tpu.memory_space<vmem>>)
      %eq3A = arith.constant 38 : i32
      %eq3A_111 = arith.cmpi eq, %add3A_77, %eq3A : i32
      %convert_element_type3A = arith.extui %eq3A_111 : i1 to i32
      %cond3A = arith.constant 0 : i32
      %cond3A_112 = arith.cmpi ne, %convert_element_type3A, %cond3A : i32
      scf.if %cond3A_112 {
        %add3A_140 = arith.constant 40 : i32
        %add3A_141 = arith.addi %mul3A_18, %add3A_140 : i32
        "tpu.region"() ({
          %run_scoped3A = tpu.sem_alloc : memref<!tpu.dma_semaphore, #tpu.memory_space<semaphore_mem>>
          %dma_start3A_142 = arith.constant 0 : i32
          %dma_start3A_143 = tpu.memref_slice %arg3[%add3A_141, %dma_start3A_142] : memref<2560x128xi32, #tpu.memory_space<hbm>> -> memref<40x128xi32, #tpu.memory_space<hbm>>
          %dma_start3A_144 = arith.constant 0 : i32
          %dma_start3A_145 = tpu.memref_slice %arg3[%add3A_141, %dma_start3A_144] : memref<2560x128xi32, #tpu.memory_space<hbm>> -> memref<40x128xi32, #tpu.memory_space<hbm>>
          tpu.enqueue_dma source(%dma_start3A_145 : memref<40x128xi32, #tpu.memory_space<hbm>>) target(%arg6 : memref<40x128xi32, #tpu.memory_space<vmem>>) target_semaphore(%run_scoped3A : memref<!tpu.dma_semaphore, #tpu.memory_space<semaphore_mem>>)
          %dma_wait3A_146 = arith.constant 0 : i32
          %dma_wait3A_147 = tpu.memref_slice %arg3[%add3A_141, %dma_wait3A_146] : memref<2560x128xi32, #tpu.memory_space<hbm>> -> memref<40x128xi32, #tpu.memory_space<hbm>>
          %dma_wait3A_148 = arith.constant 0 : i32
          %dma_wait3A_149 = tpu.memref_slice %arg3[%add3A_141, %dma_wait3A_148] : memref<2560x128xi32, #tpu.memory_space<hbm>> -> memref<40x128xi32, #tpu.memory_space<hbm>>
          tpu.wait_dma2 semaphore(%run_scoped3A : memref<!tpu.dma_semaphore, #tpu.memory_space<semaphore_mem>>) src(%dma_wait3A_149 : memref<40x128xi32, #tpu.memory_space<hbm>>) dst(%arg6 : memref<40x128xi32, #tpu.memory_space<vmem>>)
          tpu.yield
        }) : () -> ()
      } else {
      }
      %add3A_113 = arith.constant 2 : i32
      %add3A_114 = arith.addi %add3A_77, %add3A_113 : i32
      %ge3A_115 = arith.constant 40 : i32
      %ge3A_116 = arith.cmpi sge, %add3A_114, %ge3A_115 : i32
      %jit3A_117 = arith.constant 40 : i32
      %jit3A_118 = arith.constant 0 : i32
      %select_n3A_119 = arith.select %ge3A_116, %jit3A_117, %jit3A_118 : i32
      %sub3A_120 = arith.subi %add3A_114, %select_n3A_119 : i32
      %dma_start3A_121 = arith.constant 0 : i32
      %dma_start3A_122 = tpu.memref_slice %arg6[%sub3A_120, %dma_start3A_121] : memref<40x128xi32, #tpu.memory_space<vmem>> -> memref<1x128xi32, #tpu.memory_space<vmem>>
      %dma_start3A_123 = tpu.memref_squeeze %dma_start3A_122 : memref<1x128xi32, #tpu.memory_space<vmem>> -> memref<128xi32, #tpu.memory_space<vmem>>
      %dma_start3A_124 = arith.constant 0 : i32
      %dma_start3A_125 = arith.constant 0 : i32
      %dma_start3A_126 = tpu.memref_slice %arg2[%dma_start3A_124, %dma_start3A_125] : memref<10000x128xf32, #tpu.memory_space<hbm>> -> memref<10000x128xf32, #tpu.memory_space<hbm>>
      tpu.enqueue_indirect_dma source(%dma_start3A_126 : memref<10000x128xf32, #tpu.memory_space<hbm>>) target(%arg8 : memref<128x128xf32, #tpu.memory_space<vmem>>) offsets(%dma_start3A_123 : memref<128xi32, #tpu.memory_space<vmem>>) semaphore(%arg11 : memref<!tpu.dma_semaphore, #tpu.memory_space<semaphore_mem>>)
      %add3A_127 = arith.constant 1 : i32
      %add3A_128 = arith.addi %add3A_77, %add3A_127 : i32
      %ge3A_129 = arith.constant 40 : i32
      %ge3A_130 = arith.cmpi sge, %add3A_128, %ge3A_129 : i32
      %jit3A_131 = arith.constant 40 : i32
      %jit3A_132 = arith.constant 0 : i32
      %select_n3A_133 = arith.select %ge3A_130, %jit3A_131, %jit3A_132 : i32
      %sub3A_134 = arith.subi %add3A_128, %select_n3A_133 : i32
      "tpu.region"() ({
        %run_scoped3A = tpu.sem_alloc : memref<!tpu.dma_semaphore, #tpu.memory_space<semaphore_mem>>
        %dma_start3A_140 = arith.constant 0 : i32
        %dma_start3A_141 = tpu.memref_slice %arg7[%sub3A_134, %dma_start3A_140] : memref<40x128xi32, #tpu.memory_space<vmem>> -> memref<1x128xi32, #tpu.memory_space<vmem>>
        %dma_start3A_142 = tpu.memref_squeeze %dma_start3A_141 : memref<1x128xi32, #tpu.memory_space<vmem>> -> memref<128xi32, #tpu.memory_space<vmem>>
        %dma_start3A_143 = arith.constant 0 : i32
        %dma_start3A_144 = arith.constant 0 : i32
        %dma_start3A_145 = tpu.memref_slice %arg10[%dma_start3A_143, %dma_start3A_144] : memref<10112x128xf32, #tpu.memory_space<vmem_shared>> -> memref<10112x128xf32, #tpu.memory_space<vmem_shared>>
        tpu.enqueue_indirect_dma source(%arg9 : memref<128x128xf32, #tpu.memory_space<vmem>>) target(%dma_start3A_145 : memref<10112x128xf32, #tpu.memory_space<vmem_shared>>) offsets(%dma_start3A_142 : memref<128xi32, #tpu.memory_space<vmem>>) semaphore(%run_scoped3A : memref<!tpu.dma_semaphore, #tpu.memory_space<semaphore_mem>>) {add = true}
        %dma_wait3A_146 = arith.constant 0 : i32
        %dma_wait3A_147 = tpu.memref_slice %arg7[%sub3A_134, %dma_wait3A_146] : memref<40x128xi32, #tpu.memory_space<vmem>> -> memref<1x128xi32, #tpu.memory_space<vmem>>
        %dma_wait3A_148 = tpu.memref_squeeze %dma_wait3A_147 : memref<1x128xi32, #tpu.memory_space<vmem>> -> memref<128xi32, #tpu.memory_space<vmem>>
        %dma_wait3A_149 = arith.constant 0 : i32
        %dma_wait3A_150 = arith.constant 0 : i32
        %dma_wait3A_151 = tpu.memref_slice %arg10[%dma_wait3A_149, %dma_wait3A_150] : memref<10112x128xf32, #tpu.memory_space<vmem_shared>> -> memref<10112x128xf32, #tpu.memory_space<vmem_shared>>
        tpu.wait_indirect_dma semaphore(%run_scoped3A : memref<!tpu.dma_semaphore, #tpu.memory_space<semaphore_mem>>) src(%arg9 : memref<128x128xf32, #tpu.memory_space<vmem>>) dst(%dma_wait3A_151 : memref<10112x128xf32, #tpu.memory_space<vmem_shared>>)
        tpu.yield
      }) : () -> ()
      %eq3A_135 = arith.constant 38 : i32
      %eq3A_136 = arith.cmpi eq, %add3A_77, %eq3A_135 : i32
      %convert_element_type3A_137 = arith.extui %eq3A_136 : i1 to i32
      %cond3A_138 = arith.constant 0 : i32
      %cond3A_139 = arith.cmpi ne, %convert_element_type3A_137, %cond3A_138 : i32
      scf.if %cond3A_139 {
        %add3A_140 = arith.constant 40 : i32
        %add3A_141 = arith.addi %mul3A_18, %add3A_140 : i32
        "tpu.region"() ({
          %run_scoped3A = tpu.sem_alloc : memref<!tpu.dma_semaphore, #tpu.memory_space<semaphore_mem>>
          %dma_start3A_142 = arith.constant 0 : i32
          %dma_start3A_143 = tpu.memref_slice %arg4[%add3A_141, %dma_start3A_142] : memref<2560x128xi32, #tpu.memory_space<hbm>> -> memref<40x128xi32, #tpu.memory_space<hbm>>
          %dma_start3A_144 = arith.constant 0 : i32
          %dma_start3A_145 = tpu.memref_slice %arg4[%add3A_141, %dma_start3A_144] : memref<2560x128xi32, #tpu.memory_space<hbm>> -> memref<40x128xi32, #tpu.memory_space<hbm>>
          tpu.enqueue_dma source(%dma_start3A_145 : memref<40x128xi32, #tpu.memory_space<hbm>>) target(%arg7 : memref<40x128xi32, #tpu.memory_space<vmem>>) target_semaphore(%run_scoped3A : memref<!tpu.dma_semaphore, #tpu.memory_space<semaphore_mem>>)
          %dma_wait3A_146 = arith.constant 0 : i32
          %dma_wait3A_147 = tpu.memref_slice %arg4[%add3A_141, %dma_wait3A_146] : memref<2560x128xi32, #tpu.memory_space<hbm>> -> memref<40x128xi32, #tpu.memory_space<hbm>>
          %dma_wait3A_148 = arith.constant 0 : i32
          %dma_wait3A_149 = tpu.memref_slice %arg4[%add3A_141, %dma_wait3A_148] : memref<2560x128xi32, #tpu.memory_space<hbm>> -> memref<40x128xi32, #tpu.memory_space<hbm>>
          tpu.wait_dma2 semaphore(%run_scoped3A : memref<!tpu.dma_semaphore, #tpu.memory_space<semaphore_mem>>) src(%dma_wait3A_149 : memref<40x128xi32, #tpu.memory_space<hbm>>) dst(%arg7 : memref<40x128xi32, #tpu.memory_space<vmem>>)
          tpu.yield
        }) : () -> ()
      } else {
      }
    }
    %scan3A_31 = arith.constant 39 : i32
    %dma_wait3A = arith.constant 0 : i32
    %dma_wait3A_32 = arith.constant 0 : i32
    %dma_wait3A_33 = tpu.memref_slice %arg6[%dma_wait3A, %dma_wait3A_32] : memref<40x128xi32, #tpu.memory_space<vmem>> -> memref<1x128xi32, #tpu.memory_space<vmem>>
    %dma_wait3A_34 = tpu.memref_squeeze %dma_wait3A_33 : memref<1x128xi32, #tpu.memory_space<vmem>> -> memref<128xi32, #tpu.memory_space<vmem>>
    %dma_wait3A_35 = arith.constant 0 : i32
    %dma_wait3A_36 = arith.constant 0 : i32
    %dma_wait3A_37 = tpu.memref_slice %arg2[%dma_wait3A_35, %dma_wait3A_36] : memref<10000x128xf32, #tpu.memory_space<hbm>> -> memref<10000x128xf32, #tpu.memory_space<hbm>>
    tpu.wait_indirect_dma semaphore(%arg11 : memref<!tpu.dma_semaphore, #tpu.memory_space<semaphore_mem>>) src(%dma_wait3A_37 : memref<10000x128xf32, #tpu.memory_space<hbm>>) dst(%arg8 : memref<128x128xf32, #tpu.memory_space<vmem>>)
    %jit3A_38 = arith.constant true
    %jit3A_39 = arith.constant 40 : i32
    %jit3A_40 = arith.constant 0 : i32
    %select_n3A_41 = arith.select %jit3A_38, %jit3A_39, %jit3A_40 : i32
    %sub3A_42 = arith.constant 79 : i32
    %sub3A_43 = arith.subi %sub3A_42, %select_n3A_41 : i32
    %dma_start3A_44 = arith.constant 0 : i32
    %dma_start3A_45 = tpu.memref_slice %arg6[%sub3A_43, %dma_start3A_44] : memref<40x128xi32, #tpu.memory_space<vmem>> -> memref<1x128xi32, #tpu.memory_space<vmem>>
    %dma_start3A_46 = tpu.memref_squeeze %dma_start3A_45 : memref<1x128xi32, #tpu.memory_space<vmem>> -> memref<128xi32, #tpu.memory_space<vmem>>
    %dma_start3A_47 = arith.constant 0 : i32
    %dma_start3A_48 = arith.constant 0 : i32
    %dma_start3A_49 = tpu.memref_slice %arg2[%dma_start3A_47, %dma_start3A_48] : memref<10000x128xf32, #tpu.memory_space<hbm>> -> memref<10000x128xf32, #tpu.memory_space<hbm>>
    tpu.enqueue_indirect_dma source(%dma_start3A_49 : memref<10000x128xf32, #tpu.memory_space<hbm>>) target(%arg9 : memref<128x128xf32, #tpu.memory_space<vmem>>) offsets(%dma_start3A_46 : memref<128xi32, #tpu.memory_space<vmem>>) semaphore(%arg12 : memref<!tpu.dma_semaphore, #tpu.memory_space<semaphore_mem>>)
    %jit3A_50 = arith.constant true
    %jit3A_51 = arith.constant 40 : i32
    %jit3A_52 = arith.constant 0 : i32
    %select_n3A_53 = arith.select %jit3A_50, %jit3A_51, %jit3A_52 : i32
    %sub3A_54 = arith.constant 78 : i32
    %sub3A_55 = arith.subi %sub3A_54, %select_n3A_53 : i32
    "tpu.region"() ({
      %run_scoped3A = tpu.sem_alloc : memref<!tpu.dma_semaphore, #tpu.memory_space<semaphore_mem>>
      %dma_start3A_73 = arith.constant 0 : i32
      %dma_start3A_74 = tpu.memref_slice %arg7[%sub3A_55, %dma_start3A_73] : memref<40x128xi32, #tpu.memory_space<vmem>> -> memref<1x128xi32, #tpu.memory_space<vmem>>
      %dma_start3A_75 = tpu.memref_squeeze %dma_start3A_74 : memref<1x128xi32, #tpu.memory_space<vmem>> -> memref<128xi32, #tpu.memory_space<vmem>>
      %dma_start3A_76 = arith.constant 0 : i32
      %dma_start3A_77 = arith.constant 0 : i32
      %dma_start3A_78 = tpu.memref_slice %arg10[%dma_start3A_76, %dma_start3A_77] : memref<10112x128xf32, #tpu.memory_space<vmem_shared>> -> memref<10112x128xf32, #tpu.memory_space<vmem_shared>>
      tpu.enqueue_indirect_dma source(%arg8 : memref<128x128xf32, #tpu.memory_space<vmem>>) target(%dma_start3A_78 : memref<10112x128xf32, #tpu.memory_space<vmem_shared>>) offsets(%dma_start3A_75 : memref<128xi32, #tpu.memory_space<vmem>>) semaphore(%run_scoped3A : memref<!tpu.dma_semaphore, #tpu.memory_space<semaphore_mem>>) {add = true}
      %dma_wait3A_79 = arith.constant 0 : i32
      %dma_wait3A_80 = tpu.memref_slice %arg7[%sub3A_55, %dma_wait3A_79] : memref<40x128xi32, #tpu.memory_space<vmem>> -> memref<1x128xi32, #tpu.memory_space<vmem>>
      %dma_wait3A_81 = tpu.memref_squeeze %dma_wait3A_80 : memref<1x128xi32, #tpu.memory_space<vmem>> -> memref<128xi32, #tpu.memory_space<vmem>>
      %dma_wait3A_82 = arith.constant 0 : i32
      %dma_wait3A_83 = arith.constant 0 : i32
      %dma_wait3A_84 = tpu.memref_slice %arg10[%dma_wait3A_82, %dma_wait3A_83] : memref<10112x128xf32, #tpu.memory_space<vmem_shared>> -> memref<10112x128xf32, #tpu.memory_space<vmem_shared>>
      tpu.wait_indirect_dma semaphore(%run_scoped3A : memref<!tpu.dma_semaphore, #tpu.memory_space<semaphore_mem>>) src(%arg8 : memref<128x128xf32, #tpu.memory_space<vmem>>) dst(%dma_wait3A_84 : memref<10112x128xf32, #tpu.memory_space<vmem_shared>>)
      tpu.yield
    }) : () -> ()
    %dma_wait3A_56 = arith.constant 0 : i32
    %dma_wait3A_57 = arith.constant 0 : i32
    %dma_wait3A_58 = tpu.memref_slice %arg6[%dma_wait3A_56, %dma_wait3A_57] : memref<40x128xi32, #tpu.memory_space<vmem>> -> memref<1x128xi32, #tpu.memory_space<vmem>>
    %dma_wait3A_59 = tpu.memref_squeeze %dma_wait3A_58 : memref<1x128xi32, #tpu.memory_space<vmem>> -> memref<128xi32, #tpu.memory_space<vmem>>
    %dma_wait3A_60 = arith.constant 0 : i32
    %dma_wait3A_61 = arith.constant 0 : i32
    %dma_wait3A_62 = tpu.memref_slice %arg2[%dma_wait3A_60, %dma_wait3A_61] : memref<10000x128xf32, #tpu.memory_space<hbm>> -> memref<10000x128xf32, #tpu.memory_space<hbm>>
    tpu.wait_indirect_dma semaphore(%arg12 : memref<!tpu.dma_semaphore, #tpu.memory_space<semaphore_mem>>) src(%dma_wait3A_62 : memref<10000x128xf32, #tpu.memory_space<hbm>>) dst(%arg9 : memref<128x128xf32, #tpu.memory_space<vmem>>)
    %jit3A_63 = arith.constant true
    %jit3A_64 = arith.constant 40 : i32
    %jit3A_65 = arith.constant 0 : i32
    %select_n3A_66 = arith.select %jit3A_63, %jit3A_64, %jit3A_65 : i32
    %sub3A_67 = arith.constant 79 : i32
    %sub3A_68 = arith.subi %sub3A_67, %select_n3A_66 : i32
    "tpu.region"() ({
      %run_scoped3A = tpu.sem_alloc : memref<!tpu.dma_semaphore, #tpu.memory_space<semaphore_mem>>
      %dma_start3A_73 = arith.constant 0 : i32
      %dma_start3A_74 = tpu.memref_slice %arg7[%sub3A_68, %dma_start3A_73] : memref<40x128xi32, #tpu.memory_space<vmem>> -> memref<1x128xi32, #tpu.memory_space<vmem>>
      %dma_start3A_75 = tpu.memref_squeeze %dma_start3A_74 : memref<1x128xi32, #tpu.memory_space<vmem>> -> memref<128xi32, #tpu.memory_space<vmem>>
      %dma_start3A_76 = arith.constant 0 : i32
      %dma_start3A_77 = arith.constant 0 : i32
      %dma_start3A_78 = tpu.memref_slice %arg10[%dma_start3A_76, %dma_start3A_77] : memref<10112x128xf32, #tpu.memory_space<vmem_shared>> -> memref<10112x128xf32, #tpu.memory_space<vmem_shared>>
      tpu.enqueue_indirect_dma source(%arg9 : memref<128x128xf32, #tpu.memory_space<vmem>>) target(%dma_start3A_78 : memref<10112x128xf32, #tpu.memory_space<vmem_shared>>) offsets(%dma_start3A_75 : memref<128xi32, #tpu.memory_space<vmem>>) semaphore(%run_scoped3A : memref<!tpu.dma_semaphore, #tpu.memory_space<semaphore_mem>>) {add = true}
      %dma_wait3A_79 = arith.constant 0 : i32
      %dma_wait3A_80 = tpu.memref_slice %arg7[%sub3A_68, %dma_wait3A_79] : memref<40x128xi32, #tpu.memory_space<vmem>> -> memref<1x128xi32, #tpu.memory_space<vmem>>
      %dma_wait3A_81 = tpu.memref_squeeze %dma_wait3A_80 : memref<1x128xi32, #tpu.memory_space<vmem>> -> memref<128xi32, #tpu.memory_space<vmem>>
      %dma_wait3A_82 = arith.constant 0 : i32
      %dma_wait3A_83 = arith.constant 0 : i32
      %dma_wait3A_84 = tpu.memref_slice %arg10[%dma_wait3A_82, %dma_wait3A_83] : memref<10112x128xf32, #tpu.memory_space<vmem_shared>> -> memref<10112x128xf32, #tpu.memory_space<vmem_shared>>
      tpu.wait_indirect_dma semaphore(%run_scoped3A : memref<!tpu.dma_semaphore, #tpu.memory_space<semaphore_mem>>) src(%arg9 : memref<128x128xf32, #tpu.memory_space<vmem>>) dst(%dma_wait3A_84 : memref<10112x128xf32, #tpu.memory_space<vmem_shared>>)
      tpu.yield
    }) : () -> ()
    %barrier3A_69 = arith.constant 0 : index
    tpu.barrier barrier_id(%barrier3A_69)
    %mul3A_70 = arith.constant 10112 : i32
    %mul3A_71 = arith.muli %arg0, %mul3A_70 : i32
    %add3A_72 = arith.addi %mul3A_71, %mul3A_6 : i32
    "tpu.region"() ({
      %run_scoped3A = tpu.sem_alloc : memref<!tpu.dma_semaphore, #tpu.memory_space<semaphore_mem>>
      %dma_start3A_73 = arith.constant 0 : i32
      %dma_start3A_74 = tpu.memref_slice %arg5[%add3A_72, %dma_start3A_73] : memref<20224x128xf32, #tpu.memory_space<hbm>> -> memref<632x128xf32, #tpu.memory_space<hbm>>
      %dma_start3A_75 = arith.constant 0 : i32
      %dma_start3A_76 = tpu.memref_slice %arg10[%mul3A_6, %dma_start3A_75] : memref<10112x128xf32, #tpu.memory_space<vmem_shared>> -> memref<632x128xf32, #tpu.memory_space<vmem_shared>>
      tpu.enqueue_dma source(%dma_start3A_76 : memref<632x128xf32, #tpu.memory_space<vmem_shared>>) target(%dma_start3A_74 : memref<632x128xf32, #tpu.memory_space<hbm>>) target_semaphore(%run_scoped3A : memref<!tpu.dma_semaphore, #tpu.memory_space<semaphore_mem>>)
      %dma_wait3A_77 = arith.constant 0 : i32
      %dma_wait3A_78 = tpu.memref_slice %arg5[%add3A_72, %dma_wait3A_77] : memref<20224x128xf32, #tpu.memory_space<hbm>> -> memref<632x128xf32, #tpu.memory_space<hbm>>
      %dma_wait3A_79 = arith.constant 0 : i32
      %dma_wait3A_80 = tpu.memref_slice %arg10[%mul3A_6, %dma_wait3A_79] : memref<10112x128xf32, #tpu.memory_space<vmem_shared>> -> memref<632x128xf32, #tpu.memory_space<vmem_shared>>
      tpu.wait_dma2 semaphore(%run_scoped3A : memref<!tpu.dma_semaphore, #tpu.memory_space<semaphore_mem>>) src(%dma_wait3A_80 : memref<632x128xf32, #tpu.memory_space<vmem_shared>>) dst(%dma_wait3A_78 : memref<632x128xf32, #tpu.memory_space<hbm>>)
      tpu.yield
    }) : () -> ()
    return
  }
}

#map = affine_map<(d0, d1) -> (0, 0)>
module attributes {stable_mosaic.version = 14 : i64} {
  func.func @k(%arg0: i32, %arg1: i32, %arg2: memref<10000x128xf32, #tpu.memory_space<hbm>>, %arg3: memref<2560x128xi32, #tpu.memory_space<hbm>>, %arg4: memref<2560x128xi32, #tpu.memory_space<hbm>>, %arg5: memref<20224x128xf32, #tpu.memory_space<hbm>>, %arg6: memref<40x128xi32, #tpu.memory_space<vmem>>, %arg7: memref<40x128xi32, #tpu.memory_space<vmem>>, %arg8: memref<128x128xf32, #tpu.memory_space<vmem>>, %arg9: memref<128x128xf32, #tpu.memory_space<vmem>>, %arg10: memref<10112x128xf32, #tpu.memory_space<vmem_shared>>, %arg11: memref<!tpu.dma_semaphore, #tpu.memory_space<semaphore_mem>>, %arg12: memref<!tpu.dma_semaphore, #tpu.memory_space<semaphore_mem>>) attributes {dimension_semantics = [#tpu.dimension_semantics<core_parallel>, #tpu.dimension_semantics<subcore_parallel>], iteration_bounds = array<i64: 2, 16>, scalar_prefetch = 0 : i64, scratch_operands = 7 : i64, tpu.core_type = #tpu.core_type<sc_vector_subcore>, window_params = [{transform_indices = #map}, {transform_indices = #map}, {transform_indices = #map}, {transform_indices = #map}]} {
    %mul3A = arith.constant 16 : i32
    %mul3A_0 = arith.muli %arg0, %mul3A : i32
    %add3A = arith.addi %mul3A_0, %arg1 : i32
    %scan3A = arith.constant 0 : i32
    %scan3A_1 = arith.constant 128 : i32
    %scan3A_2 = arith.addi %scan3A, %scan3A_1 : i32
    %scan3A_3 = arith.constant 1 : i32
    scf.for %scan3A_73 = %scan3A to %scan3A_2 step %scan3A_3  : i32 {
      %mul3A_74 = arith.constant 1 : i32
      %mul3A_75 = arith.muli %scan3A_73, %mul3A_74 : i32
      %add3A_76 = arith.constant 0 : i32
      %add3A_77 = arith.addi %add3A_76, %mul3A_75 : i32
      %broadcast_in_dim3A = arith.constant 0.000000e+00 : f32
      %broadcast_in_dim3A_78 = vector.broadcast %broadcast_in_dim3A : f32 to vector<16xf32>
      %swap3A = arith.index_cast %add3A_77 : i32 to index
      %swap3A_79 = arith.constant 0 : index
      %swap3A_80 = tpu.vector_load %arg8[%swap3A, %swap3A_79] {strides = array<i32>} : memref<128x128xf32, #tpu.memory_space<vmem>>, vector<1x16xf32>,
      %swap3A_81 = vector.shape_cast %swap3A_80 : vector<1x16xf32> to vector<16xf32>
      %swap3A_82 = vector.shape_cast %broadcast_in_dim3A_78 : vector<16xf32> to vector<1x16xf32>
      tpu.vector_store %arg8[%swap3A, %swap3A_79], %swap3A_82 {strides = array<i32>} : memref<128x128xf32, #tpu.memory_space<vmem>>, vector<1x16xf32>,
      %broadcast_in_dim3A_83 = arith.constant 0.000000e+00 : f32
      %broadcast_in_dim3A_84 = vector.broadcast %broadcast_in_dim3A_83 : f32 to vector<16xf32>
      %swap3A_85 = arith.index_cast %add3A_77 : i32 to index
      %swap3A_86 = arith.constant 16 : index
      %swap3A_87 = tpu.vector_load %arg8[%swap3A_85, %swap3A_86] {strides = array<i32>} : memref<128x128xf32, #tpu.memory_space<vmem>>, vector<1x16xf32>,
      %swap3A_88 = vector.shape_cast %swap3A_87 : vector<1x16xf32> to vector<16xf32>
      %swap3A_89 = vector.shape_cast %broadcast_in_dim3A_84 : vector<16xf32> to vector<1x16xf32>
      tpu.vector_store %arg8[%swap3A_85, %swap3A_86], %swap3A_89 {strides = array<i32>} : memref<128x128xf32, #tpu.memory_space<vmem>>, vector<1x16xf32>,
      %broadcast_in_dim3A_90 = arith.constant 0.000000e+00 : f32
      %broadcast_in_dim3A_91 = vector.broadcast %broadcast_in_dim3A_90 : f32 to vector<16xf32>
      %swap3A_92 = arith.index_cast %add3A_77 : i32 to index
      %swap3A_93 = arith.constant 32 : index
      %swap3A_94 = tpu.vector_load %arg8[%swap3A_92, %swap3A_93] {strides = array<i32>} : memref<128x128xf32, #tpu.memory_space<vmem>>, vector<1x16xf32>,
      %swap3A_95 = vector.shape_cast %swap3A_94 : vector<1x16xf32> to vector<16xf32>
      %swap3A_96 = vector.shape_cast %broadcast_in_dim3A_91 : vector<16xf32> to vector<1x16xf32>
      tpu.vector_store %arg8[%swap3A_92, %swap3A_93], %swap3A_96 {strides = array<i32>} : memref<128x128xf32, #tpu.memory_space<vmem>>, vector<1x16xf32>,
      %broadcast_in_dim3A_97 = arith.constant 0.000000e+00 : f32
      %broadcast_in_dim3A_98 = vector.broadcast %broadcast_in_dim3A_97 : f32 to vector<16xf32>
      %swap3A_99 = arith.index_cast %add3A_77 : i32 to index
      %swap3A_100 = arith.constant 48 : index
      %swap3A_101 = tpu.vector_load %arg8[%swap3A_99, %swap3A_100] {strides = array<i32>} : memref<128x128xf32, #tpu.memory_space<vmem>>, vector<1x16xf32>,
      %swap3A_102 = vector.shape_cast %swap3A_101 : vector<1x16xf32> to vector<16xf32>
      %swap3A_103 = vector.shape_cast %broadcast_in_dim3A_98 : vector<16xf32> to vector<1x16xf32>
      tpu.vector_store %arg8[%swap3A_99, %swap3A_100], %swap3A_103 {strides = array<i32>} : memref<128x128xf32, #tpu.memory_space<vmem>>, vector<1x16xf32>,
      %broadcast_in_dim3A_104 = arith.constant 0.000000e+00 : f32
      %broadcast_in_dim3A_105 = vector.broadcast %broadcast_in_dim3A_104 : f32 to vector<16xf32>
      %swap3A_106 = arith.index_cast %add3A_77 : i32 to index
      %swap3A_107 = arith.constant 64 : index
      %swap3A_108 = tpu.vector_load %arg8[%swap3A_106, %swap3A_107] {strides = array<i32>} : memref<128x128xf32, #tpu.memory_space<vmem>>, vector<1x16xf32>,
      %swap3A_109 = vector.shape_cast %swap3A_108 : vector<1x16xf32> to vector<16xf32>
      %swap3A_110 = vector.shape_cast %broadcast_in_dim3A_105 : vector<16xf32> to vector<1x16xf32>
      tpu.vector_store %arg8[%swap3A_106, %swap3A_107], %swap3A_110 {strides = array<i32>} : memref<128x128xf32, #tpu.memory_space<vmem>>, vector<1x16xf32>,
      %broadcast_in_dim3A_111 = arith.constant 0.000000e+00 : f32
      %broadcast_in_dim3A_112 = vector.broadcast %broadcast_in_dim3A_111 : f32 to vector<16xf32>
      %swap3A_113 = arith.index_cast %add3A_77 : i32 to index
      %swap3A_114 = arith.constant 80 : index
      %swap3A_115 = tpu.vector_load %arg8[%swap3A_113, %swap3A_114] {strides = array<i32>} : memref<128x128xf32, #tpu.memory_space<vmem>>, vector<1x16xf32>,
      %swap3A_116 = vector.shape_cast %swap3A_115 : vector<1x16xf32> to vector<16xf32>
      %swap3A_117 = vector.shape_cast %broadcast_in_dim3A_112 : vector<16xf32> to vector<1x16xf32>
      tpu.vector_store %arg8[%swap3A_113, %swap3A_114], %swap3A_117 {strides = array<i32>} : memref<128x128xf32, #tpu.memory_space<vmem>>, vector<1x16xf32>,
      %broadcast_in_dim3A_118 = arith.constant 0.000000e+00 : f32
      %broadcast_in_dim3A_119 = vector.broadcast %broadcast_in_dim3A_118 : f32 to vector<16xf32>
      %swap3A_120 = arith.index_cast %add3A_77 : i32 to index
      %swap3A_121 = arith.constant 96 : index
      %swap3A_122 = tpu.vector_load %arg8[%swap3A_120, %swap3A_121] {strides = array<i32>} : memref<128x128xf32, #tpu.memory_space<vmem>>, vector<1x16xf32>,
      %swap3A_123 = vector.shape_cast %swap3A_122 : vector<1x16xf32> to vector<16xf32>
      %swap3A_124 = vector.shape_cast %broadcast_in_dim3A_119 : vector<16xf32> to vector<1x16xf32>
      tpu.vector_store %arg8[%swap3A_120, %swap3A_121], %swap3A_124 {strides = array<i32>} : memref<128x128xf32, #tpu.memory_space<vmem>>, vector<1x16xf32>,
      %broadcast_in_dim3A_125 = arith.constant 0.000000e+00 : f32
      %broadcast_in_dim3A_126 = vector.broadcast %broadcast_in_dim3A_125 : f32 to vector<16xf32>
      %swap3A_127 = arith.index_cast %add3A_77 : i32 to index
      %swap3A_128 = arith.constant 112 : index
      %swap3A_129 = tpu.vector_load %arg8[%swap3A_127, %swap3A_128] {strides = array<i32>} : memref<128x128xf32, #tpu.memory_space<vmem>>, vector<1x16xf32>,
      %swap3A_130 = vector.shape_cast %swap3A_129 : vector<1x16xf32> to vector<16xf32>
      %swap3A_131 = vector.shape_cast %broadcast_in_dim3A_126 : vector<16xf32> to vector<1x16xf32>
      tpu.vector_store %arg8[%swap3A_127, %swap3A_128], %swap3A_131 {strides = array<i32>} : memref<128x128xf32, #tpu.memory_space<vmem>>, vector<1x16xf32>,
    }
    %scan3A_4 = arith.constant 128 : i32
    %mul3A_5 = arith.constant 632 : i32
    %mul3A_6 = arith.muli %arg1, %mul3A_5 : i32
    %add3A_7 = arith.constant 0 : i32
    %add3A_8 = arith.addi %mul3A_6, %add3A_7 : i32
    "tpu.region"() ({
      %run_scoped3A = tpu.sem_alloc : memref<!tpu.dma_semaphore, #tpu.memory_space<semaphore_mem>>
      %dma_start3A_73 = arith.constant 0 : i32
      %dma_start3A_74 = tpu.memref_slice %arg10[%add3A_8, %dma_start3A_73] : memref<10112x128xf32, #tpu.memory_space<vmem_shared>> -> memref<128x128xf32, #tpu.memory_space<vmem_shared>>
      %dma_start3A_75 = arith.constant 0 : i32
      %dma_start3A_76 = tpu.memref_slice %arg10[%add3A_8, %dma_start3A_75] : memref<10112x128xf32, #tpu.memory_space<vmem_shared>> -> memref<128x128xf32, #tpu.memory_space<vmem_shared>>
      tpu.enqueue_dma source(%arg8 : memref<128x128xf32, #tpu.memory_space<vmem>>) target(%dma_start3A_76 : memref<128x128xf32, #tpu.memory_space<vmem_shared>>) target_semaphore(%run_scoped3A : memref<!tpu.dma_semaphore, #tpu.memory_space<semaphore_mem>>)
      %dma_wait3A_77 = arith.constant 0 : i32
      %dma_wait3A_78 = tpu.memref_slice %arg10[%add3A_8, %dma_wait3A_77] : memref<10112x128xf32, #tpu.memory_space<vmem_shared>> -> memref<128x128xf32, #tpu.memory_space<vmem_shared>>
      %dma_wait3A_79 = arith.constant 0 : i32
      %dma_wait3A_80 = tpu.memref_slice %arg10[%add3A_8, %dma_wait3A_79] : memref<10112x128xf32, #tpu.memory_space<vmem_shared>> -> memref<128x128xf32, #tpu.memory_space<vmem_shared>>
      tpu.wait_dma2 semaphore(%run_scoped3A : memref<!tpu.dma_semaphore, #tpu.memory_space<semaphore_mem>>) src(%arg8 : memref<128x128xf32, #tpu.memory_space<vmem>>) dst(%dma_wait3A_80 : memref<128x128xf32, #tpu.memory_space<vmem_shared>>)
      tpu.yield
    }) : () -> ()
    %add3A_9 = arith.constant 128 : i32
    %add3A_10 = arith.addi %mul3A_6, %add3A_9 : i32
    "tpu.region"() ({
      %run_scoped3A = tpu.sem_alloc : memref<!tpu.dma_semaphore, #tpu.memory_space<semaphore_mem>>
      %dma_start3A_73 = arith.constant 0 : i32
      %dma_start3A_74 = tpu.memref_slice %arg10[%add3A_10, %dma_start3A_73] : memref<10112x128xf32, #tpu.memory_space<vmem_shared>> -> memref<128x128xf32, #tpu.memory_space<vmem_shared>>
      %dma_start3A_75 = arith.constant 0 : i32
      %dma_start3A_76 = tpu.memref_slice %arg10[%add3A_10, %dma_start3A_75] : memref<10112x128xf32, #tpu.memory_space<vmem_shared>> -> memref<128x128xf32, #tpu.memory_space<vmem_shared>>
      tpu.enqueue_dma source(%arg8 : memref<128x128xf32, #tpu.memory_space<vmem>>) target(%dma_start3A_76 : memref<128x128xf32, #tpu.memory_space<vmem_shared>>) target_semaphore(%run_scoped3A : memref<!tpu.dma_semaphore, #tpu.memory_space<semaphore_mem>>)
      %dma_wait3A_77 = arith.constant 0 : i32
      %dma_wait3A_78 = tpu.memref_slice %arg10[%add3A_10, %dma_wait3A_77] : memref<10112x128xf32, #tpu.memory_space<vmem_shared>> -> memref<128x128xf32, #tpu.memory_space<vmem_shared>>
      %dma_wait3A_79 = arith.constant 0 : i32
      %dma_wait3A_80 = tpu.memref_slice %arg10[%add3A_10, %dma_wait3A_79] : memref<10112x128xf32, #tpu.memory_space<vmem_shared>> -> memref<128x128xf32, #tpu.memory_space<vmem_shared>>
      tpu.wait_dma2 semaphore(%run_scoped3A : memref<!tpu.dma_semaphore, #tpu.memory_space<semaphore_mem>>) src(%arg8 : memref<128x128xf32, #tpu.memory_space<vmem>>) dst(%dma_wait3A_80 : memref<128x128xf32, #tpu.memory_space<vmem_shared>>)
      tpu.yield
    }) : () -> ()
    %add3A_11 = arith.constant 256 : i32
    %add3A_12 = arith.addi %mul3A_6, %add3A_11 : i32
    "tpu.region"() ({
      %run_scoped3A = tpu.sem_alloc : memref<!tpu.dma_semaphore, #tpu.memory_space<semaphore_mem>>
      %dma_start3A_73 = arith.constant 0 : i32
      %dma_start3A_74 = tpu.memref_slice %arg10[%add3A_12, %dma_start3A_73] : memref<10112x128xf32, #tpu.memory_space<vmem_shared>> -> memref<128x128xf32, #tpu.memory_space<vmem_shared>>
      %dma_start3A_75 = arith.constant 0 : i32
      %dma_start3A_76 = tpu.memref_slice %arg10[%add3A_12, %dma_start3A_75] : memref<10112x128xf32, #tpu.memory_space<vmem_shared>> -> memref<128x128xf32, #tpu.memory_space<vmem_shared>>
      tpu.enqueue_dma source(%arg8 : memref<128x128xf32, #tpu.memory_space<vmem>>) target(%dma_start3A_76 : memref<128x128xf32, #tpu.memory_space<vmem_shared>>) target_semaphore(%run_scoped3A : memref<!tpu.dma_semaphore, #tpu.memory_space<semaphore_mem>>)
      %dma_wait3A_77 = arith.constant 0 : i32
      %dma_wait3A_78 = tpu.memref_slice %arg10[%add3A_12, %dma_wait3A_77] : memref<10112x128xf32, #tpu.memory_space<vmem_shared>> -> memref<128x128xf32, #tpu.memory_space<vmem_shared>>
      %dma_wait3A_79 = arith.constant 0 : i32
      %dma_wait3A_80 = tpu.memref_slice %arg10[%add3A_12, %dma_wait3A_79] : memref<10112x128xf32, #tpu.memory_space<vmem_shared>> -> memref<128x128xf32, #tpu.memory_space<vmem_shared>>
      tpu.wait_dma2 semaphore(%run_scoped3A : memref<!tpu.dma_semaphore, #tpu.memory_space<semaphore_mem>>) src(%arg8 : memref<128x128xf32, #tpu.memory_space<vmem>>) dst(%dma_wait3A_80 : memref<128x128xf32, #tpu.memory_space<vmem_shared>>)
      tpu.yield
    }) : () -> ()
    %add3A_13 = arith.constant 384 : i32
    %add3A_14 = arith.addi %mul3A_6, %add3A_13 : i32
    "tpu.region"() ({
      %run_scoped3A = tpu.sem_alloc : memref<!tpu.dma_semaphore, #tpu.memory_space<semaphore_mem>>
      %dma_start3A_73 = arith.constant 0 : i32
      %dma_start3A_74 = tpu.memref_slice %arg10[%add3A_14, %dma_start3A_73] : memref<10112x128xf32, #tpu.memory_space<vmem_shared>> -> memref<128x128xf32, #tpu.memory_space<vmem_shared>>
      %dma_start3A_75 = arith.constant 0 : i32
      %dma_start3A_76 = tpu.memref_slice %arg10[%add3A_14, %dma_start3A_75] : memref<10112x128xf32, #tpu.memory_space<vmem_shared>> -> memref<128x128xf32, #tpu.memory_space<vmem_shared>>
      tpu.enqueue_dma source(%arg8 : memref<128x128xf32, #tpu.memory_space<vmem>>) target(%dma_start3A_76 : memref<128x128xf32, #tpu.memory_space<vmem_shared>>) target_semaphore(%run_scoped3A : memref<!tpu.dma_semaphore, #tpu.memory_space<semaphore_mem>>)
      %dma_wait3A_77 = arith.constant 0 : i32
      %dma_wait3A_78 = tpu.memref_slice %arg10[%add3A_14, %dma_wait3A_77] : memref<10112x128xf32, #tpu.memory_space<vmem_shared>> -> memref<128x128xf32, #tpu.memory_space<vmem_shared>>
      %dma_wait3A_79 = arith.constant 0 : i32
      %dma_wait3A_80 = tpu.memref_slice %arg10[%add3A_14, %dma_wait3A_79] : memref<10112x128xf32, #tpu.memory_space<vmem_shared>> -> memref<128x128xf32, #tpu.memory_space<vmem_shared>>
      tpu.wait_dma2 semaphore(%run_scoped3A : memref<!tpu.dma_semaphore, #tpu.memory_space<semaphore_mem>>) src(%arg8 : memref<128x128xf32, #tpu.memory_space<vmem>>) dst(%dma_wait3A_80 : memref<128x128xf32, #tpu.memory_space<vmem_shared>>)
      tpu.yield
    }) : () -> ()
    %add3A_15 = arith.constant 512 : i32
    %add3A_16 = arith.addi %mul3A_6, %add3A_15 : i32
    "tpu.region"() ({
      %run_scoped3A = tpu.sem_alloc : memref<!tpu.dma_semaphore, #tpu.memory_space<semaphore_mem>>
      %dma_start3A_73 = arith.constant 0 : i32
      %dma_start3A_74 = arith.constant 0 : i32
      %dma_start3A_75 = tpu.memref_slice %arg8[%dma_start3A_73, %dma_start3A_74] : memref<128x128xf32, #tpu.memory_space<vmem>> -> memref<120x128xf32, #tpu.memory_space<vmem>>
      %dma_start3A_76 = arith.constant 0 : i32
      %dma_start3A_77 = tpu.memref_slice %arg10[%add3A_16, %dma_start3A_76] : memref<10112x128xf32, #tpu.memory_space<vmem_shared>> -> memref<120x128xf32, #tpu.memory_space<vmem_shared>>
      %dma_start3A_78 = arith.constant 0 : i32
      %dma_start3A_79 = tpu.memref_slice %arg10[%add3A_16, %dma_start3A_78] : memref<10112x128xf32, #tpu.memory_space<vmem_shared>> -> memref<120x128xf32, #tpu.memory_space<vmem_shared>>
      %dma_start3A_80 = arith.constant 0 : i32
      %dma_start3A_81 = arith.constant 0 : i32
      %dma_start3A_82 = tpu.memref_slice %arg8[%dma_start3A_80, %dma_start3A_81] : memref<128x128xf32, #tpu.memory_space<vmem>> -> memref<120x128xf32, #tpu.memory_space<vmem>>
      tpu.enqueue_dma source(%dma_start3A_82 : memref<120x128xf32, #tpu.memory_space<vmem>>) target(%dma_start3A_79 : memref<120x128xf32, #tpu.memory_space<vmem_shared>>) target_semaphore(%run_scoped3A : memref<!tpu.dma_semaphore, #tpu.memory_space<semaphore_mem>>)
      %dma_wait3A_83 = arith.constant 0 : i32
      %dma_wait3A_84 = arith.constant 0 : i32
      %dma_wait3A_85 = tpu.memref_slice %arg8[%dma_wait3A_83, %dma_wait3A_84] : memref<128x128xf32, #tpu.memory_space<vmem>> -> memref<120x128xf32, #tpu.memory_space<vmem>>
      %dma_wait3A_86 = arith.constant 0 : i32
      %dma_wait3A_87 = tpu.memref_slice %arg10[%add3A_16, %dma_wait3A_86] : memref<10112x128xf32, #tpu.memory_space<vmem_shared>> -> memref<120x128xf32, #tpu.memory_space<vmem_shared>>
      %dma_wait3A_88 = arith.constant 0 : i32
      %dma_wait3A_89 = tpu.memref_slice %arg10[%add3A_16, %dma_wait3A_88] : memref<10112x128xf32, #tpu.memory_space<vmem_shared>> -> memref<120x128xf32, #tpu.memory_space<vmem_shared>>
      %dma_wait3A_90 = arith.constant 0 : i32
      %dma_wait3A_91 = arith.constant 0 : i32
      %dma_wait3A_92 = tpu.memref_slice %arg8[%dma_wait3A_90, %dma_wait3A_91] : memref<128x128xf32, #tpu.memory_space<vmem>> -> memref<120x128xf32, #tpu.memory_space<vmem>>
      tpu.wait_dma2 semaphore(%run_scoped3A : memref<!tpu.dma_semaphore, #tpu.memory_space<semaphore_mem>>) src(%dma_wait3A_92 : memref<120x128xf32, #tpu.memory_space<vmem>>) dst(%dma_wait3A_89 : memref<120x128xf32, #tpu.memory_space<vmem_shared>>)
      tpu.yield
    }) : () -> ()
    %mul3A_17 = arith.constant 80 : i32
    %mul3A_18 = arith.muli %add3A, %mul3A_17 : i32
    "tpu.region"() ({
      %run_scoped3A = tpu.sem_alloc : memref<!tpu.dma_semaphore, #tpu.memory_space<semaphore_mem>>
      %dma_start3A_73 = arith.constant 0 : i32
      %dma_start3A_74 = tpu.memref_slice %arg3[%mul3A_18, %dma_start3A_73] : memref<2560x128xi32, #tpu.memory_space<hbm>> -> memref<40x128xi32, #tpu.memory_space<hbm>>
      %dma_start3A_75 = arith.constant 0 : i32
      %dma_start3A_76 = tpu.memref_slice %arg3[%mul3A_18, %dma_start3A_75] : memref<2560x128xi32, #tpu.memory_space<hbm>> -> memref<40x128xi32, #tpu.memory_space<hbm>>
      tpu.enqueue_dma source(%dma_start3A_76 : memref<40x128xi32, #tpu.memory_space<hbm>>) target(%arg6 : memref<40x128xi32, #tpu.memory_space<vmem>>) target_semaphore(%run_scoped3A : memref<!tpu.dma_semaphore, #tpu.memory_space<semaphore_mem>>)
      %dma_wait3A_77 = arith.constant 0 : i32
      %dma_wait3A_78 = tpu.memref_slice %arg3[%mul3A_18, %dma_wait3A_77] : memref<2560x128xi32, #tpu.memory_space<hbm>> -> memref<40x128xi32, #tpu.memory_space<hbm>>
      %dma_wait3A_79 = arith.constant 0 : i32
      %dma_wait3A_80 = tpu.memref_slice %arg3[%mul3A_18, %dma_wait3A_79] : memref<2560x128xi32, #tpu.memory_space<hbm>> -> memref<40x128xi32, #tpu.memory_space<hbm>>
      tpu.wait_dma2 semaphore(%run_scoped3A : memref<!tpu.dma_semaphore, #tpu.memory_space<semaphore_mem>>) src(%dma_wait3A_80 : memref<40x128xi32, #tpu.memory_space<hbm>>) dst(%arg6 : memref<40x128xi32, #tpu.memory_space<vmem>>)
      tpu.yield
    }) : () -> ()
    "tpu.region"() ({
      %run_scoped3A = tpu.sem_alloc : memref<!tpu.dma_semaphore, #tpu.memory_space<semaphore_mem>>
      %dma_start3A_73 = arith.constant 0 : i32
      %dma_start3A_74 = tpu.memref_slice %arg4[%mul3A_18, %dma_start3A_73] : memref<2560x128xi32, #tpu.memory_space<hbm>> -> memref<40x128xi32, #tpu.memory_space<hbm>>
      %dma_start3A_75 = arith.constant 0 : i32
      %dma_start3A_76 = tpu.memref_slice %arg4[%mul3A_18, %dma_start3A_75] : memref<2560x128xi32, #tpu.memory_space<hbm>> -> memref<40x128xi32, #tpu.memory_space<hbm>>
      tpu.enqueue_dma source(%dma_start3A_76 : memref<40x128xi32, #tpu.memory_space<hbm>>) target(%arg7 : memref<40x128xi32, #tpu.memory_space<vmem>>) target_semaphore(%run_scoped3A : memref<!tpu.dma_semaphore, #tpu.memory_space<semaphore_mem>>)
      %dma_wait3A_77 = arith.constant 0 : i32
      %dma_wait3A_78 = tpu.memref_slice %arg4[%mul3A_18, %dma_wait3A_77] : memref<2560x128xi32, #tpu.memory_space<hbm>> -> memref<40x128xi32, #tpu.memory_space<hbm>>
      %dma_wait3A_79 = arith.constant 0 : i32
      %dma_wait3A_80 = tpu.memref_slice %arg4[%mul3A_18, %dma_wait3A_79] : memref<2560x128xi32, #tpu.memory_space<hbm>> -> memref<40x128xi32, #tpu.memory_space<hbm>>
      tpu.wait_dma2 semaphore(%run_scoped3A : memref<!tpu.dma_semaphore, #tpu.memory_space<semaphore_mem>>) src(%dma_wait3A_80 : memref<40x128xi32, #tpu.memory_space<hbm>>) dst(%arg7 : memref<40x128xi32, #tpu.memory_space<vmem>>)
      tpu.yield
    }) : () -> ()
    %barrier3A = arith.constant 0 : index
    tpu.barrier barrier_id(%barrier3A)
    %jit3A = arith.constant false
    %jit3A_19 = arith.constant 40 : i32
    %jit3A_20 = arith.constant 0 : i32
    %select_n3A = arith.select %jit3A, %jit3A_19, %jit3A_20 : i32
    %sub3A = arith.constant 0 : i32
    %sub3A_21 = arith.subi %sub3A, %select_n3A : i32
    %dma_start3A = arith.constant 0 : i32
    %dma_start3A_22 = tpu.memref_slice %arg6[%sub3A_21, %dma_start3A] : memref<40x128xi32, #tpu.memory_space<vmem>> -> memref<1x128xi32, #tpu.memory_space<vmem>>
    %dma_start3A_23 = tpu.memref_squeeze %dma_start3A_22 : memref<1x128xi32, #tpu.memory_space<vmem>> -> memref<128xi32, #tpu.memory_space<vmem>>
    %dma_start3A_24 = arith.constant 0 : i32
    %dma_start3A_25 = arith.constant 0 : i32
    %dma_start3A_26 = tpu.memref_slice %arg2[%dma_start3A_24, %dma_start3A_25] : memref<10000x128xf32, #tpu.memory_space<hbm>> -> memref<10000x128xf32, #tpu.memory_space<hbm>>
    tpu.enqueue_indirect_dma source(%dma_start3A_26 : memref<10000x128xf32, #tpu.memory_space<hbm>>) target(%arg8 : memref<128x128xf32, #tpu.memory_space<vmem>>) offsets(%dma_start3A_23 : memref<128xi32, #tpu.memory_space<vmem>>) semaphore(%arg11 : memref<!tpu.dma_semaphore, #tpu.memory_space<semaphore_mem>>)
    %scan3A_27 = arith.constant 0 : i32
    %scan3A_28 = arith.constant 39 : i32
    %scan3A_29 = arith.addi %scan3A_27, %scan3A_28 : i32
    %scan3A_30 = arith.constant 1 : i32
    scf.for %scan3A_73 = %scan3A_27 to %scan3A_29 step %scan3A_30  : i32 {
      %mul3A_74 = arith.constant 2 : i32
      %mul3A_75 = arith.muli %scan3A_73, %mul3A_74 : i32
      %add3A_76 = arith.constant 0 : i32
      %add3A_77 = arith.addi %add3A_76, %mul3A_75 : i32
      %dma_wait3A_78 = arith.constant 0 : i32
      %dma_wait3A_79 = arith.constant 0 : i32
      %dma_wait3A_80 = tpu.memref_slice %arg6[%dma_wait3A_78, %dma_wait3A_79] : memref<40x128xi32, #tpu.memory_space<vmem>> -> memref<1x128xi32, #tpu.memory_space<vmem>>
      %dma_wait3A_81 = tpu.memref_squeeze %dma_wait3A_80 : memref<1x128xi32, #tpu.memory_space<vmem>> -> memref<128xi32, #tpu.memory_space<vmem>>
      %dma_wait3A_82 = arith.constant 0 : i32
      %dma_wait3A_83 = arith.constant 0 : i32
      %dma_wait3A_84 = tpu.memref_slice %arg2[%dma_wait3A_82, %dma_wait3A_83] : memref<10000x128xf32, #tpu.memory_space<hbm>> -> memref<10000x128xf32, #tpu.memory_space<hbm>>
      tpu.wait_indirect_dma semaphore(%arg11 : memref<!tpu.dma_semaphore, #tpu.memory_space<semaphore_mem>>) src(%dma_wait3A_84 : memref<10000x128xf32, #tpu.memory_space<hbm>>) dst(%arg8 : memref<128x128xf32, #tpu.memory_space<vmem>>)
      %add3A_85 = arith.constant 1 : i32
      %add3A_86 = arith.addi %add3A_77, %add3A_85 : i32
      %ge3A = arith.constant 40 : i32
      %ge3A_87 = arith.cmpi sge, %add3A_86, %ge3A : i32
      %jit3A_88 = arith.constant 40 : i32
      %jit3A_89 = arith.constant 0 : i32
      %select_n3A_90 = arith.select %ge3A_87, %jit3A_88, %jit3A_89 : i32
      %sub3A_91 = arith.subi %add3A_86, %select_n3A_90 : i32
      %dma_start3A_92 = arith.constant 0 : i32
      %dma_start3A_93 = tpu.memref_slice %arg6[%sub3A_91, %dma_start3A_92] : memref<40x128xi32, #tpu.memory_space<vmem>> -> memref<1x128xi32, #tpu.memory_space<vmem>>
      %dma_start3A_94 = tpu.memref_squeeze %dma_start3A_93 : memref<1x128xi32, #tpu.memory_space<vmem>> -> memref<128xi32, #tpu.memory_space<vmem>>
      %dma_start3A_95 = arith.constant 0 : i32
      %dma_start3A_96 = arith.constant 0 : i32
      %dma_start3A_97 = tpu.memref_slice %arg2[%dma_start3A_95, %dma_start3A_96] : memref<10000x128xf32, #tpu.memory_space<hbm>> -> memref<10000x128xf32, #tpu.memory_space<hbm>>
      tpu.enqueue_indirect_dma source(%dma_start3A_97 : memref<10000x128xf32, #tpu.memory_space<hbm>>) target(%arg9 : memref<128x128xf32, #tpu.memory_space<vmem>>) offsets(%dma_start3A_94 : memref<128xi32, #tpu.memory_space<vmem>>) semaphore(%arg12 : memref<!tpu.dma_semaphore, #tpu.memory_space<semaphore_mem>>)
      %ge3A_98 = arith.constant 40 : i32
      %ge3A_99 = arith.cmpi sge, %add3A_77, %ge3A_98 : i32
      %jit3A_100 = arith.constant 40 : i32
      %jit3A_101 = arith.constant 0 : i32
      %select_n3A_102 = arith.select %ge3A_99, %jit3A_100, %jit3A_101 : i32
      %sub3A_103 = arith.subi %add3A_77, %select_n3A_102 : i32
      "tpu.region"() ({
        %run_scoped3A = tpu.sem_alloc : memref<!tpu.dma_semaphore, #tpu.memory_space<semaphore_mem>>
        %dma_start3A_140 = arith.constant 0 : i32
        %dma_start3A_141 = tpu.memref_slice %arg7[%sub3A_103, %dma_start3A_140] : memref<40x128xi32, #tpu.memory_space<vmem>> -> memref<1x128xi32, #tpu.memory_space<vmem>>
        %dma_start3A_142 = tpu.memref_squeeze %dma_start3A_141 : memref<1x128xi32, #tpu.memory_space<vmem>> -> memref<128xi32, #tpu.memory_space<vmem>>
        %dma_start3A_143 = arith.constant 0 : i32
        %dma_start3A_144 = arith.constant 0 : i32
        %dma_start3A_145 = tpu.memref_slice %arg10[%dma_start3A_143, %dma_start3A_144] : memref<10112x128xf32, #tpu.memory_space<vmem_shared>> -> memref<10112x128xf32, #tpu.memory_space<vmem_shared>>
        tpu.enqueue_indirect_dma source(%arg8 : memref<128x128xf32, #tpu.memory_space<vmem>>) target(%dma_start3A_145 : memref<10112x128xf32, #tpu.memory_space<vmem_shared>>) offsets(%dma_start3A_142 : memref<128xi32, #tpu.memory_space<vmem>>) semaphore(%run_scoped3A : memref<!tpu.dma_semaphore, #tpu.memory_space<semaphore_mem>>) {add = true}
        %dma_wait3A_146 = arith.constant 0 : i32
        %dma_wait3A_147 = tpu.memref_slice %arg7[%sub3A_103, %dma_wait3A_146] : memref<40x128xi32, #tpu.memory_space<vmem>> -> memref<1x128xi32, #tpu.memory_space<vmem>>
        %dma_wait3A_148 = tpu.memref_squeeze %dma_wait3A_147 : memref<1x128xi32, #tpu.memory_space<vmem>> -> memref<128xi32, #tpu.memory_space<vmem>>
        %dma_wait3A_149 = arith.constant 0 : i32
        %dma_wait3A_150 = arith.constant 0 : i32
        %dma_wait3A_151 = tpu.memref_slice %arg10[%dma_wait3A_149, %dma_wait3A_150] : memref<10112x128xf32, #tpu.memory_space<vmem_shared>> -> memref<10112x128xf32, #tpu.memory_space<vmem_shared>>
        tpu.wait_indirect_dma semaphore(%run_scoped3A : memref<!tpu.dma_semaphore, #tpu.memory_space<semaphore_mem>>) src(%arg8 : memref<128x128xf32, #tpu.memory_space<vmem>>) dst(%dma_wait3A_151 : memref<10112x128xf32, #tpu.memory_space<vmem_shared>>)
        tpu.yield
      }) : () -> ()
      %dma_wait3A_104 = arith.constant 0 : i32
      %dma_wait3A_105 = arith.constant 0 : i32
      %dma_wait3A_106 = tpu.memref_slice %arg6[%dma_wait3A_104, %dma_wait3A_105] : memref<40x128xi32, #tpu.memory_space<vmem>> -> memref<1x128xi32, #tpu.memory_space<vmem>>
      %dma_wait3A_107 = tpu.memref_squeeze %dma_wait3A_106 : memref<1x128xi32, #tpu.memory_space<vmem>> -> memref<128xi32, #tpu.memory_space<vmem>>
      %dma_wait3A_108 = arith.constant 0 : i32
      %dma_wait3A_109 = arith.constant 0 : i32
      %dma_wait3A_110 = tpu.memref_slice %arg2[%dma_wait3A_108, %dma_wait3A_109] : memref<10000x128xf32, #tpu.memory_space<hbm>> -> memref<10000x128xf32, #tpu.memory_space<hbm>>
      tpu.wait_indirect_dma semaphore(%arg12 : memref<!tpu.dma_semaphore, #tpu.memory_space<semaphore_mem>>) src(%dma_wait3A_110 : memref<10000x128xf32, #tpu.memory_space<hbm>>) dst(%arg9 : memref<128x128xf32, #tpu.memory_space<vmem>>)
      %eq3A = arith.constant 38 : i32
      %eq3A_111 = arith.cmpi eq, %add3A_77, %eq3A : i32
      %convert_element_type3A = arith.extui %eq3A_111 : i1 to i32
      %cond3A = arith.constant 0 : i32
      %cond3A_112 = arith.cmpi ne, %convert_element_type3A, %cond3A : i32
      scf.if %cond3A_112 {
        %add3A_140 = arith.constant 40 : i32
        %add3A_141 = arith.addi %mul3A_18, %add3A_140 : i32
        "tpu.region"() ({
          %run_scoped3A = tpu.sem_alloc : memref<!tpu.dma_semaphore, #tpu.memory_space<semaphore_mem>>
          %dma_start3A_142 = arith.constant 0 : i32
          %dma_start3A_143 = tpu.memref_slice %arg3[%add3A_141, %dma_start3A_142] : memref<2560x128xi32, #tpu.memory_space<hbm>> -> memref<40x128xi32, #tpu.memory_space<hbm>>
          %dma_start3A_144 = arith.constant 0 : i32
          %dma_start3A_145 = tpu.memref_slice %arg3[%add3A_141, %dma_start3A_144] : memref<2560x128xi32, #tpu.memory_space<hbm>> -> memref<40x128xi32, #tpu.memory_space<hbm>>
          tpu.enqueue_dma source(%dma_start3A_145 : memref<40x128xi32, #tpu.memory_space<hbm>>) target(%arg6 : memref<40x128xi32, #tpu.memory_space<vmem>>) target_semaphore(%run_scoped3A : memref<!tpu.dma_semaphore, #tpu.memory_space<semaphore_mem>>)
          %dma_wait3A_146 = arith.constant 0 : i32
          %dma_wait3A_147 = tpu.memref_slice %arg3[%add3A_141, %dma_wait3A_146] : memref<2560x128xi32, #tpu.memory_space<hbm>> -> memref<40x128xi32, #tpu.memory_space<hbm>>
          %dma_wait3A_148 = arith.constant 0 : i32
          %dma_wait3A_149 = tpu.memref_slice %arg3[%add3A_141, %dma_wait3A_148] : memref<2560x128xi32, #tpu.memory_space<hbm>> -> memref<40x128xi32, #tpu.memory_space<hbm>>
          tpu.wait_dma2 semaphore(%run_scoped3A : memref<!tpu.dma_semaphore, #tpu.memory_space<semaphore_mem>>) src(%dma_wait3A_149 : memref<40x128xi32, #tpu.memory_space<hbm>>) dst(%arg6 : memref<40x128xi32, #tpu.memory_space<vmem>>)
          tpu.yield
        }) : () -> ()
      } else {
      }
      %add3A_113 = arith.constant 2 : i32
      %add3A_114 = arith.addi %add3A_77, %add3A_113 : i32
      %ge3A_115 = arith.constant 40 : i32
      %ge3A_116 = arith.cmpi sge, %add3A_114, %ge3A_115 : i32
      %jit3A_117 = arith.constant 40 : i32
      %jit3A_118 = arith.constant 0 : i32
      %select_n3A_119 = arith.select %ge3A_116, %jit3A_117, %jit3A_118 : i32
      %sub3A_120 = arith.subi %add3A_114, %select_n3A_119 : i32
      %dma_start3A_121 = arith.constant 0 : i32
      %dma_start3A_122 = tpu.memref_slice %arg6[%sub3A_120, %dma_start3A_121] : memref<40x128xi32, #tpu.memory_space<vmem>> -> memref<1x128xi32, #tpu.memory_space<vmem>>
      %dma_start3A_123 = tpu.memref_squeeze %dma_start3A_122 : memref<1x128xi32, #tpu.memory_space<vmem>> -> memref<128xi32, #tpu.memory_space<vmem>>
      %dma_start3A_124 = arith.constant 0 : i32
      %dma_start3A_125 = arith.constant 0 : i32
      %dma_start3A_126 = tpu.memref_slice %arg2[%dma_start3A_124, %dma_start3A_125] : memref<10000x128xf32, #tpu.memory_space<hbm>> -> memref<10000x128xf32, #tpu.memory_space<hbm>>
      tpu.enqueue_indirect_dma source(%dma_start3A_126 : memref<10000x128xf32, #tpu.memory_space<hbm>>) target(%arg8 : memref<128x128xf32, #tpu.memory_space<vmem>>) offsets(%dma_start3A_123 : memref<128xi32, #tpu.memory_space<vmem>>) semaphore(%arg11 : memref<!tpu.dma_semaphore, #tpu.memory_space<semaphore_mem>>)
      %add3A_127 = arith.constant 1 : i32
      %add3A_128 = arith.addi %add3A_77, %add3A_127 : i32
      %ge3A_129 = arith.constant 40 : i32
      %ge3A_130 = arith.cmpi sge, %add3A_128, %ge3A_129 : i32
      %jit3A_131 = arith.constant 40 : i32
      %jit3A_132 = arith.constant 0 : i32
      %select_n3A_133 = arith.select %ge3A_130, %jit3A_131, %jit3A_132 : i32
      %sub3A_134 = arith.subi %add3A_128, %select_n3A_133 : i32
      "tpu.region"() ({
        %run_scoped3A = tpu.sem_alloc : memref<!tpu.dma_semaphore, #tpu.memory_space<semaphore_mem>>
        %dma_start3A_140 = arith.constant 0 : i32
        %dma_start3A_141 = tpu.memref_slice %arg7[%sub3A_134, %dma_start3A_140] : memref<40x128xi32, #tpu.memory_space<vmem>> -> memref<1x128xi32, #tpu.memory_space<vmem>>
        %dma_start3A_142 = tpu.memref_squeeze %dma_start3A_141 : memref<1x128xi32, #tpu.memory_space<vmem>> -> memref<128xi32, #tpu.memory_space<vmem>>
        %dma_start3A_143 = arith.constant 0 : i32
        %dma_start3A_144 = arith.constant 0 : i32
        %dma_start3A_145 = tpu.memref_slice %arg10[%dma_start3A_143, %dma_start3A_144] : memref<10112x128xf32, #tpu.memory_space<vmem_shared>> -> memref<10112x128xf32, #tpu.memory_space<vmem_shared>>
        tpu.enqueue_indirect_dma source(%arg9 : memref<128x128xf32, #tpu.memory_space<vmem>>) target(%dma_start3A_145 : memref<10112x128xf32, #tpu.memory_space<vmem_shared>>) offsets(%dma_start3A_142 : memref<128xi32, #tpu.memory_space<vmem>>) semaphore(%run_scoped3A : memref<!tpu.dma_semaphore, #tpu.memory_space<semaphore_mem>>) {add = true}
        %dma_wait3A_146 = arith.constant 0 : i32
        %dma_wait3A_147 = tpu.memref_slice %arg7[%sub3A_134, %dma_wait3A_146] : memref<40x128xi32, #tpu.memory_space<vmem>> -> memref<1x128xi32, #tpu.memory_space<vmem>>
        %dma_wait3A_148 = tpu.memref_squeeze %dma_wait3A_147 : memref<1x128xi32, #tpu.memory_space<vmem>> -> memref<128xi32, #tpu.memory_space<vmem>>
        %dma_wait3A_149 = arith.constant 0 : i32
        %dma_wait3A_150 = arith.constant 0 : i32
        %dma_wait3A_151 = tpu.memref_slice %arg10[%dma_wait3A_149, %dma_wait3A_150] : memref<10112x128xf32, #tpu.memory_space<vmem_shared>> -> memref<10112x128xf32, #tpu.memory_space<vmem_shared>>
        tpu.wait_indirect_dma semaphore(%run_scoped3A : memref<!tpu.dma_semaphore, #tpu.memory_space<semaphore_mem>>) src(%arg9 : memref<128x128xf32, #tpu.memory_space<vmem>>) dst(%dma_wait3A_151 : memref<10112x128xf32, #tpu.memory_space<vmem_shared>>)
        tpu.yield
      }) : () -> ()
      %eq3A_135 = arith.constant 38 : i32
      %eq3A_136 = arith.cmpi eq, %add3A_77, %eq3A_135 : i32
      %convert_element_type3A_137 = arith.extui %eq3A_136 : i1 to i32
      %cond3A_138 = arith.constant 0 : i32
      %cond3A_139 = arith.cmpi ne, %convert_element_type3A_137, %cond3A_138 : i32
      scf.if %cond3A_139 {
        %add3A_140 = arith.constant 40 : i32
        %add3A_141 = arith.addi %mul3A_18, %add3A_140 : i32
        "tpu.region"() ({
          %run_scoped3A = tpu.sem_alloc : memref<!tpu.dma_semaphore, #tpu.memory_space<semaphore_mem>>
          %dma_start3A_142 = arith.constant 0 : i32
          %dma_start3A_143 = tpu.memref_slice %arg4[%add3A_141, %dma_start3A_142] : memref<2560x128xi32, #tpu.memory_space<hbm>> -> memref<40x128xi32, #tpu.memory_space<hbm>>
          %dma_start3A_144 = arith.constant 0 : i32
          %dma_start3A_145 = tpu.memref_slice %arg4[%add3A_141, %dma_start3A_144] : memref<2560x128xi32, #tpu.memory_space<hbm>> -> memref<40x128xi32, #tpu.memory_space<hbm>>
          tpu.enqueue_dma source(%dma_start3A_145 : memref<40x128xi32, #tpu.memory_space<hbm>>) target(%arg7 : memref<40x128xi32, #tpu.memory_space<vmem>>) target_semaphore(%run_scoped3A : memref<!tpu.dma_semaphore, #tpu.memory_space<semaphore_mem>>)
          %dma_wait3A_146 = arith.constant 0 : i32
          %dma_wait3A_147 = tpu.memref_slice %arg4[%add3A_141, %dma_wait3A_146] : memref<2560x128xi32, #tpu.memory_space<hbm>> -> memref<40x128xi32, #tpu.memory_space<hbm>>
          %dma_wait3A_148 = arith.constant 0 : i32
          %dma_wait3A_149 = tpu.memref_slice %arg4[%add3A_141, %dma_wait3A_148] : memref<2560x128xi32, #tpu.memory_space<hbm>> -> memref<40x128xi32, #tpu.memory_space<hbm>>
          tpu.wait_dma2 semaphore(%run_scoped3A : memref<!tpu.dma_semaphore, #tpu.memory_space<semaphore_mem>>) src(%dma_wait3A_149 : memref<40x128xi32, #tpu.memory_space<hbm>>) dst(%arg7 : memref<40x128xi32, #tpu.memory_space<vmem>>)
          tpu.yield
        }) : () -> ()
      } else {
      }
    }
    %scan3A_31 = arith.constant 39 : i32
    %dma_wait3A = arith.constant 0 : i32
    %dma_wait3A_32 = arith.constant 0 : i32
    %dma_wait3A_33 = tpu.memref_slice %arg6[%dma_wait3A, %dma_wait3A_32] : memref<40x128xi32, #tpu.memory_space<vmem>> -> memref<1x128xi32, #tpu.memory_space<vmem>>
    %dma_wait3A_34 = tpu.memref_squeeze %dma_wait3A_33 : memref<1x128xi32, #tpu.memory_space<vmem>> -> memref<128xi32, #tpu.memory_space<vmem>>
    %dma_wait3A_35 = arith.constant 0 : i32
    %dma_wait3A_36 = arith.constant 0 : i32
    %dma_wait3A_37 = tpu.memref_slice %arg2[%dma_wait3A_35, %dma_wait3A_36] : memref<10000x128xf32, #tpu.memory_space<hbm>> -> memref<10000x128xf32, #tpu.memory_space<hbm>>
    tpu.wait_indirect_dma semaphore(%arg11 : memref<!tpu.dma_semaphore, #tpu.memory_space<semaphore_mem>>) src(%dma_wait3A_37 : memref<10000x128xf32, #tpu.memory_space<hbm>>) dst(%arg8 : memref<128x128xf32, #tpu.memory_space<vmem>>)
    %jit3A_38 = arith.constant true
    %jit3A_39 = arith.constant 40 : i32
    %jit3A_40 = arith.constant 0 : i32
    %select_n3A_41 = arith.select %jit3A_38, %jit3A_39, %jit3A_40 : i32
    %sub3A_42 = arith.constant 79 : i32
    %sub3A_43 = arith.subi %sub3A_42, %select_n3A_41 : i32
    %dma_start3A_44 = arith.constant 0 : i32
    %dma_start3A_45 = tpu.memref_slice %arg6[%sub3A_43, %dma_start3A_44] : memref<40x128xi32, #tpu.memory_space<vmem>> -> memref<1x128xi32, #tpu.memory_space<vmem>>
    %dma_start3A_46 = tpu.memref_squeeze %dma_start3A_45 : memref<1x128xi32, #tpu.memory_space<vmem>> -> memref<128xi32, #tpu.memory_space<vmem>>
    %dma_start3A_47 = arith.constant 0 : i32
    %dma_start3A_48 = arith.constant 0 : i32
    %dma_start3A_49 = tpu.memref_slice %arg2[%dma_start3A_47, %dma_start3A_48] : memref<10000x128xf32, #tpu.memory_space<hbm>> -> memref<10000x128xf32, #tpu.memory_space<hbm>>
    tpu.enqueue_indirect_dma source(%dma_start3A_49 : memref<10000x128xf32, #tpu.memory_space<hbm>>) target(%arg9 : memref<128x128xf32, #tpu.memory_space<vmem>>) offsets(%dma_start3A_46 : memref<128xi32, #tpu.memory_space<vmem>>) semaphore(%arg12 : memref<!tpu.dma_semaphore, #tpu.memory_space<semaphore_mem>>)
    %jit3A_50 = arith.constant true
    %jit3A_51 = arith.constant 40 : i32
    %jit3A_52 = arith.constant 0 : i32
    %select_n3A_53 = arith.select %jit3A_50, %jit3A_51, %jit3A_52 : i32
    %sub3A_54 = arith.constant 78 : i32
    %sub3A_55 = arith.subi %sub3A_54, %select_n3A_53 : i32
    "tpu.region"() ({
      %run_scoped3A = tpu.sem_alloc : memref<!tpu.dma_semaphore, #tpu.memory_space<semaphore_mem>>
      %dma_start3A_73 = arith.constant 0 : i32
      %dma_start3A_74 = tpu.memref_slice %arg7[%sub3A_55, %dma_start3A_73] : memref<40x128xi32, #tpu.memory_space<vmem>> -> memref<1x128xi32, #tpu.memory_space<vmem>>
      %dma_start3A_75 = tpu.memref_squeeze %dma_start3A_74 : memref<1x128xi32, #tpu.memory_space<vmem>> -> memref<128xi32, #tpu.memory_space<vmem>>
      %dma_start3A_76 = arith.constant 0 : i32
      %dma_start3A_77 = arith.constant 0 : i32
      %dma_start3A_78 = tpu.memref_slice %arg10[%dma_start3A_76, %dma_start3A_77] : memref<10112x128xf32, #tpu.memory_space<vmem_shared>> -> memref<10112x128xf32, #tpu.memory_space<vmem_shared>>
      tpu.enqueue_indirect_dma source(%arg8 : memref<128x128xf32, #tpu.memory_space<vmem>>) target(%dma_start3A_78 : memref<10112x128xf32, #tpu.memory_space<vmem_shared>>) offsets(%dma_start3A_75 : memref<128xi32, #tpu.memory_space<vmem>>) semaphore(%run_scoped3A : memref<!tpu.dma_semaphore, #tpu.memory_space<semaphore_mem>>) {add = true}
      %dma_wait3A_79 = arith.constant 0 : i32
      %dma_wait3A_80 = tpu.memref_slice %arg7[%sub3A_55, %dma_wait3A_79] : memref<40x128xi32, #tpu.memory_space<vmem>> -> memref<1x128xi32, #tpu.memory_space<vmem>>
      %dma_wait3A_81 = tpu.memref_squeeze %dma_wait3A_80 : memref<1x128xi32, #tpu.memory_space<vmem>> -> memref<128xi32, #tpu.memory_space<vmem>>
      %dma_wait3A_82 = arith.constant 0 : i32
      %dma_wait3A_83 = arith.constant 0 : i32
      %dma_wait3A_84 = tpu.memref_slice %arg10[%dma_wait3A_82, %dma_wait3A_83] : memref<10112x128xf32, #tpu.memory_space<vmem_shared>> -> memref<10112x128xf32, #tpu.memory_space<vmem_shared>>
      tpu.wait_indirect_dma semaphore(%run_scoped3A : memref<!tpu.dma_semaphore, #tpu.memory_space<semaphore_mem>>) src(%arg8 : memref<128x128xf32, #tpu.memory_space<vmem>>) dst(%dma_wait3A_84 : memref<10112x128xf32, #tpu.memory_space<vmem_shared>>)
      tpu.yield
    }) : () -> ()
    %dma_wait3A_56 = arith.constant 0 : i32
    %dma_wait3A_57 = arith.constant 0 : i32
    %dma_wait3A_58 = tpu.memref_slice %arg6[%dma_wait3A_56, %dma_wait3A_57] : memref<40x128xi32, #tpu.memory_space<vmem>> -> memref<1x128xi32, #tpu.memory_space<vmem>>
    %dma_wait3A_59 = tpu.memref_squeeze %dma_wait3A_58 : memref<1x128xi32, #tpu.memory_space<vmem>> -> memref<128xi32, #tpu.memory_space<vmem>>
    %dma_wait3A_60 = arith.constant 0 : i32
    %dma_wait3A_61 = arith.constant 0 : i32
    %dma_wait3A_62 = tpu.memref_slice %arg2[%dma_wait3A_60, %dma_wait3A_61] : memref<10000x128xf32, #tpu.memory_space<hbm>> -> memref<10000x128xf32, #tpu.memory_space<hbm>>
    tpu.wait_indirect_dma semaphore(%arg12 : memref<!tpu.dma_semaphore, #tpu.memory_space<semaphore_mem>>) src(%dma_wait3A_62 : memref<10000x128xf32, #tpu.memory_space<hbm>>) dst(%arg9 : memref<128x128xf32, #tpu.memory_space<vmem>>)
    %jit3A_63 = arith.constant true
    %jit3A_64 = arith.constant 40 : i32
    %jit3A_65 = arith.constant 0 : i32
    %select_n3A_66 = arith.select %jit3A_63, %jit3A_64, %jit3A_65 : i32
    %sub3A_67 = arith.constant 79 : i32
    %sub3A_68 = arith.subi %sub3A_67, %select_n3A_66 : i32
    "tpu.region"() ({
      %run_scoped3A = tpu.sem_alloc : memref<!tpu.dma_semaphore, #tpu.memory_space<semaphore_mem>>
      %dma_start3A_73 = arith.constant 0 : i32
      %dma_start3A_74 = tpu.memref_slice %arg7[%sub3A_68, %dma_start3A_73] : memref<40x128xi32, #tpu.memory_space<vmem>> -> memref<1x128xi32, #tpu.memory_space<vmem>>
      %dma_start3A_75 = tpu.memref_squeeze %dma_start3A_74 : memref<1x128xi32, #tpu.memory_space<vmem>> -> memref<128xi32, #tpu.memory_space<vmem>>
      %dma_start3A_76 = arith.constant 0 : i32
      %dma_start3A_77 = arith.constant 0 : i32
      %dma_start3A_78 = tpu.memref_slice %arg10[%dma_start3A_76, %dma_start3A_77] : memref<10112x128xf32, #tpu.memory_space<vmem_shared>> -> memref<10112x128xf32, #tpu.memory_space<vmem_shared>>
      tpu.enqueue_indirect_dma source(%arg9 : memref<128x128xf32, #tpu.memory_space<vmem>>) target(%dma_start3A_78 : memref<10112x128xf32, #tpu.memory_space<vmem_shared>>) offsets(%dma_start3A_75 : memref<128xi32, #tpu.memory_space<vmem>>) semaphore(%run_scoped3A : memref<!tpu.dma_semaphore, #tpu.memory_space<semaphore_mem>>) {add = true}
      %dma_wait3A_79 = arith.constant 0 : i32
      %dma_wait3A_80 = tpu.memref_slice %arg7[%sub3A_68, %dma_wait3A_79] : memref<40x128xi32, #tpu.memory_space<vmem>> -> memref<1x128xi32, #tpu.memory_space<vmem>>
      %dma_wait3A_81 = tpu.memref_squeeze %dma_wait3A_80 : memref<1x128xi32, #tpu.memory_space<vmem>> -> memref<128xi32, #tpu.memory_space<vmem>>
      %dma_wait3A_82 = arith.constant 0 : i32
      %dma_wait3A_83 = arith.constant 0 : i32
      %dma_wait3A_84 = tpu.memref_slice %arg10[%dma_wait3A_82, %dma_wait3A_83] : memref<10112x128xf32, #tpu.memory_space<vmem_shared>> -> memref<10112x128xf32, #tpu.memory_space<vmem_shared>>
      tpu.wait_indirect_dma semaphore(%run_scoped3A : memref<!tpu.dma_semaphore, #tpu.memory_space<semaphore_mem>>) src(%arg9 : memref<128x128xf32, #tpu.memory_space<vmem>>) dst(%dma_wait3A_84 : memref<10112x128xf32, #tpu.memory_space<vmem_shared>>)
      tpu.yield
    }) : () -> ()
    %barrier3A_69 = arith.constant 0 : index
    tpu.barrier barrier_id(%barrier3A_69)
    %mul3A_70 = arith.constant 10112 : i32
    %mul3A_71 = arith.muli %arg0, %mul3A_70 : i32
    %add3A_72 = arith.addi %mul3A_71, %mul3A_6 : i32
    "tpu.region"() ({
      %run_scoped3A = tpu.sem_alloc : memref<!tpu.dma_semaphore, #tpu.memory_space<semaphore_mem>>
      %dma_start3A_73 = arith.constant 0 : i32
      %dma_start3A_74 = tpu.memref_slice %arg5[%add3A_72, %dma_start3A_73] : memref<20224x128xf32, #tpu.memory_space<hbm>> -> memref<632x128xf32, #tpu.memory_space<hbm>>
      %dma_start3A_75 = arith.constant 0 : i32
      %dma_start3A_76 = tpu.memref_slice %arg10[%mul3A_6, %dma_start3A_75] : memref<10112x128xf32, #tpu.memory_space<vmem_shared>> -> memref<632x128xf32, #tpu.memory_space<vmem_shared>>
      tpu.enqueue_dma source(%dma_start3A_76 : memref<632x128xf32, #tpu.memory_space<vmem_shared>>) target(%dma_start3A_74 : memref<632x128xf32, #tpu.memory_space<hbm>>) target_semaphore(%run_scoped3A : memref<!tpu.dma_semaphore, #tpu.memory_space<semaphore_mem>>)
      %dma_wait3A_77 = arith.constant 0 : i32
      %dma_wait3A_78 = tpu.memref_slice %arg5[%add3A_72, %dma_wait3A_77] : memref<20224x128xf32, #tpu.memory_space<hbm>> -> memref<632x128xf32, #tpu.memory_space<hbm>>
      %dma_wait3A_79 = arith.constant 0 : i32
      %dma_wait3A_80 = tpu.memref_slice %arg10[%mul3A_6, %dma_wait3A_79] : memref<10112x128xf32, #tpu.memory_space<vmem_shared>> -> memref<632x128xf32, #tpu.memory_space<vmem_shared>>
      tpu.wait_dma2 semaphore(%run_scoped3A : memref<!tpu.dma_semaphore, #tpu.memory_space<semaphore_mem>>) src(%dma_wait3A_80 : memref<632x128xf32, #tpu.memory_space<vmem_shared>>) dst(%dma_wait3A_78 : memref<632x128xf32, #tpu.memory_space<hbm>>)
      tpu.yield
    }) : () -> ()
    return
  }
}

module attributes {stable_mosaic.version = 14 : i64} {
  func.func @_fc1_body(%arg0: i32, %arg1: memref<1000x128xf32, #tpu.memory_space<vmem>>, %arg2: memref<128x128xf32, #tpu.memory_space<vmem>>, %arg3: memref<1x128xf32, #tpu.memory_space<vmem>>, %arg4: memref<1000x1xf32, #tpu.memory_space<vmem>>, %arg5: memref<1000x128xf32, #tpu.memory_space<vmem>>, %arg6: memref<1000x128xf32, #tpu.memory_space<vmem>>) attributes {dimension_semantics = [#tpu.dimension_semantics<arbitrary>], iteration_bounds = array<i64: 10>, scalar_prefetch = 0 : i64, scratch_operands = 0 : i64, tpu.core_type = #tpu.core_type<tc>, window_params = [{transform_indices = @transform_0, window_bounds = array<i64: 1000, 128>}, {pipeline_mode = #tpu.pipeline_mode<synchronous>, transform_indices = @transform_1, window_bounds = array<i64: 128, 128>}, {pipeline_mode = #tpu.pipeline_mode<synchronous>, transform_indices = @transform_2, window_bounds = array<i64: 1, 128>}, {transform_indices = @transform_3, window_bounds = array<i64: 1000, 1>}, {transform_indices = @transform_4, window_bounds = array<i64: 1000, 128>}, {transform_indices = @transform_5, window_bounds = array<i64: 1000, 128>}]} {
    %get3A = arith.constant 0 : index
    %get3A_0 = arith.constant 0 : index
    %get3A_1 = vector.load %arg1[%get3A, %get3A_0] : memref<1000x128xf32, #tpu.memory_space<vmem>>, vector<1000x128xf32>
    %get3A_2 = arith.constant 0 : index
    %get3A_3 = arith.constant 0 : index
    %get3A_4 = vector.load %arg2[%get3A_2, %get3A_3] : memref<128x128xf32, #tpu.memory_space<vmem>>, vector<128x128xf32>
    %dot_general3A = arith.constant dense<0.000000e+00> : vector<1000x128xf32>
    %dot_general3A_5 = tpu.matmul %get3A_1, %get3A_4, %dot_general3A {dimension_numbers = #tpu.dot_dimension_numbers<[1], [0], [0], [1], [0, 0, 1, 1], [], []>, transpose_lhs_hint = false} : vector<1000x128xf32>, vector<128x128xf32>, vector<1000x128xf32> -> vector<1000x128xf32>
    %get3A_6 = arith.constant 0 : index
    %get3A_7 = arith.constant 0 : index
    %get3A_8 = vector.load %arg3[%get3A_6, %get3A_7] : memref<1x128xf32, #tpu.memory_space<vmem>>, vector<1x128xf32>
    %get3A_9 = vector.shape_cast %get3A_8 : vector<1x128xf32> to vector<128xf32>
    %broadcast_in_dim3A = vector.shape_cast %get3A_9 : vector<128xf32> to vector<1x128xf32>
    %add3A = vector.broadcast %broadcast_in_dim3A : vector<1x128xf32> to vector<1000x128xf32>
    %add3A_10 = arith.addf %dot_general3A_5, %add3A : vector<1000x128xf32>
    %max3A = arith.constant 0.000000e+00 : f32
    %max3A_11 = vector.broadcast %max3A : f32 to vector<1000x128xf32>
    %max3A_12 = arith.maximumf %add3A_10, %max3A_11 : vector<1000x128xf32>
    %get3A_13 = arith.constant 0 : index
    %get3A_14 = arith.constant 0 : index
    %get3A_15 = vector.load %arg4[%get3A_13, %get3A_14] : memref<1000x1xf32, #tpu.memory_space<vmem>>, vector<1000x1xf32>
    %max3A_16 = arith.constant 1.000000e+00 : f32
    %max3A_17 = vector.broadcast %max3A_16 : f32 to vector<1000x1xf32>
    %max3A_18 = arith.maximumf %get3A_15, %max3A_17 : vector<1000x1xf32>
    %rsqrt3A = math.rsqrt %max3A_18 : vector<1000x1xf32>
    %swap3A = arith.constant 0 : index
    %swap3A_19 = arith.constant 0 : index
    %swap3A_20 = vector.load %arg5[%swap3A, %swap3A_19] : memref<1000x128xf32, #tpu.memory_space<vmem>>, vector<1000x128xf32>
    tpu.vector_store %arg5[%swap3A, %swap3A_19], %max3A_12 {strides = array<i32>} : memref<1000x128xf32, #tpu.memory_space<vmem>>, vector<1000x128xf32>,
    %mul3A = vector.broadcast %rsqrt3A : vector<1000x1xf32> to vector<1000x128xf32>
    %mul3A_21 = arith.mulf %max3A_12, %mul3A : vector<1000x128xf32>
    %swap3A_22 = arith.constant 0 : index
    %swap3A_23 = arith.constant 0 : index
    %swap3A_24 = vector.load %arg6[%swap3A_22, %swap3A_23] : memref<1000x128xf32, #tpu.memory_space<vmem>>, vector<1000x128xf32>
    tpu.vector_store %arg6[%swap3A_22, %swap3A_23], %mul3A_21 {strides = array<i32>} : memref<1000x128xf32, #tpu.memory_space<vmem>>, vector<1000x128xf32>,
    return
  }
  func.func @transform_0(%arg0: i32) -> (i32, i32) {
    %c0_i32 = arith.constant 0 : i32
    %c0_i32_0 = arith.constant 0 : i32
    return %arg0, %c0_i32 : i32, i32
  }
  func.func @transform_1(%arg0: i32) -> (i32, i32) {
    %c0_i32 = arith.constant 0 : i32
    %c0_i32_0 = arith.constant 0 : i32
    %c0_i32_1 = arith.constant 0 : i32
    return %c0_i32, %c0_i32_0 : i32, i32
  }
  func.func @transform_2(%arg0: i32) -> (i32, i32) {
    %c0_i32 = arith.constant 0 : i32
    %c0_i32_0 = arith.constant 0 : i32
    %c0_i32_1 = arith.constant 0 : i32
    return %c0_i32, %c0_i32_0 : i32, i32
  }
  func.func @transform_3(%arg0: i32) -> (i32, i32) {
    %c0_i32 = arith.constant 0 : i32
    %c0_i32_0 = arith.constant 0 : i32
    return %arg0, %c0_i32 : i32, i32
  }
  func.func @transform_4(%arg0: i32) -> (i32, i32) {
    %c0_i32 = arith.constant 0 : i32
    %c0_i32_0 = arith.constant 0 : i32
    return %arg0, %c0_i32 : i32, i32
  }
  func.func @transform_5(%arg0: i32) -> (i32, i32) {
    %c0_i32 = arith.constant 0 : i32
    %c0_i32_0 = arith.constant 0 : i32
    return %arg0, %c0_i32 : i32, i32
  }
}

module attributes {stable_mosaic.version = 14 : i64} {
  func.func @_layer_body(%arg0: i32, %arg1: memref<1000x128xf32, #tpu.memory_space<vmem>>, %arg2: memref<1000x128xf32, #tpu.memory_space<vmem>>, %arg3: memref<1000x128xf32, #tpu.memory_space<vmem>>, %arg4: memref<1000x128xf32, #tpu.memory_space<vmem>>, %arg5: memref<1000x1xf32, #tpu.memory_space<vmem>>, %arg6: memref<1000x1xf32, #tpu.memory_space<vmem>>, %arg7: memref<128x128xf32, #tpu.memory_space<vmem>>, %arg8: memref<1000x128xf32, #tpu.memory_space<vmem>>, %arg9: memref<1000x128xf32, #tpu.memory_space<vmem>>) attributes {dimension_semantics = [#tpu.dimension_semantics<arbitrary>], iteration_bounds = array<i64: 10>, scalar_prefetch = 0 : i64, scratch_operands = 0 : i64, tpu.core_type = #tpu.core_type<tc>, window_params = [{transform_indices = @transform_0, window_bounds = array<i64: 1000, 128>}, {transform_indices = @transform_1, window_bounds = array<i64: 1000, 128>}, {transform_indices = @transform_2, window_bounds = array<i64: 1000, 128>}, {transform_indices = @transform_3, window_bounds = array<i64: 1000, 128>}, {transform_indices = @transform_4, window_bounds = array<i64: 1000, 1>}, {transform_indices = @transform_5, window_bounds = array<i64: 1000, 1>}, {pipeline_mode = #tpu.pipeline_mode<synchronous>, transform_indices = @transform_6, window_bounds = array<i64: 128, 128>}, {transform_indices = @transform_7, window_bounds = array<i64: 1000, 128>}, {transform_indices = @transform_8, window_bounds = array<i64: 1000, 128>}]} {
    %get3A = arith.constant 0 : index
    %get3A_0 = arith.constant 0 : index
    %get3A_1 = vector.load %arg5[%get3A, %get3A_0] : memref<1000x1xf32, #tpu.memory_space<vmem>>, vector<1000x1xf32>
    %max3A = arith.constant 1.000000e+00 : f32
    %max3A_2 = vector.broadcast %max3A : f32 to vector<1000x1xf32>
    %max3A_3 = arith.maximumf %get3A_1, %max3A_2 : vector<1000x1xf32>
    %rsqrt3A = math.rsqrt %max3A_3 : vector<1000x1xf32>
    %get3A_4 = arith.constant 0 : index
    %get3A_5 = arith.constant 0 : index
    %get3A_6 = vector.load %arg1[%get3A_4, %get3A_5] : memref<1000x128xf32, #tpu.memory_space<vmem>>, vector<1000x128xf32>
    %get3A_7 = arith.constant 0 : index
    %get3A_8 = arith.constant 0 : index
    %get3A_9 = vector.load %arg2[%get3A_7, %get3A_8] : memref<1000x128xf32, #tpu.memory_space<vmem>>, vector<1000x128xf32>
    %add3A = arith.addf %get3A_6, %get3A_9 : vector<1000x128xf32>
    %mul3A = vector.broadcast %rsqrt3A : vector<1000x1xf32> to vector<1000x128xf32>
    %mul3A_10 = arith.mulf %add3A, %mul3A : vector<1000x128xf32>
    %mul3A_11 = arith.constant 5.000000e-01 : f32
    %mul3A_12 = vector.broadcast %mul3A_11 : f32 to vector<1000x128xf32>
    %mul3A_13 = arith.mulf %mul3A_12, %mul3A_10 : vector<1000x128xf32>
    %get3A_14 = arith.constant 0 : index
    %get3A_15 = arith.constant 0 : index
    %get3A_16 = vector.load %arg3[%get3A_14, %get3A_15] : memref<1000x128xf32, #tpu.memory_space<vmem>>, vector<1000x128xf32>
    %mul3A_17 = arith.constant 5.000000e-01 : f32
    %mul3A_18 = vector.broadcast %mul3A_17 : f32 to vector<1000x128xf32>
    %mul3A_19 = arith.mulf %mul3A_18, %get3A_16 : vector<1000x128xf32>
    %add3A_20 = arith.addf %mul3A_13, %mul3A_19 : vector<1000x128xf32>
    %get3A_21 = arith.constant 0 : index
    %get3A_22 = arith.constant 0 : index
    %get3A_23 = vector.load %arg7[%get3A_21, %get3A_22] : memref<128x128xf32, #tpu.memory_space<vmem>>, vector<128x128xf32>
    %dot_general3A = arith.constant dense<0.000000e+00> : vector<1000x128xf32>
    %dot_general3A_24 = tpu.matmul %add3A_20, %get3A_23, %dot_general3A {dimension_numbers = #tpu.dot_dimension_numbers<[1], [0], [0], [1], [0, 0, 1, 1], [], []>, transpose_lhs_hint = false} : vector<1000x128xf32>, vector<128x128xf32>, vector<1000x128xf32> -> vector<1000x128xf32>
    %mul3A_25 = arith.constant 0.306852818 : f32
    %mul3A_26 = vector.broadcast %mul3A_25 : f32 to vector<1000x128xf32>
    %mul3A_27 = arith.mulf %mul3A_26, %add3A_20 : vector<1000x128xf32>
    %mul3A_28 = arith.constant 0.693147182 : f32
    %mul3A_29 = vector.broadcast %mul3A_28 : f32 to vector<1000x128xf32>
    %mul3A_30 = arith.mulf %mul3A_29, %dot_general3A_24 : vector<1000x128xf32>
    %add3A_31 = arith.addf %mul3A_27, %mul3A_30 : vector<1000x128xf32>
    %get3A_32 = arith.constant 0 : index
    %get3A_33 = arith.constant 0 : index
    %get3A_34 = vector.load %arg4[%get3A_32, %get3A_33] : memref<1000x128xf32, #tpu.memory_space<vmem>>, vector<1000x128xf32>
    %add3A_35 = arith.addf %add3A_31, %get3A_34 : vector<1000x128xf32>
    %max3A_36 = arith.constant 0.000000e+00 : f32
    %max3A_37 = vector.broadcast %max3A_36 : f32 to vector<1000x128xf32>
    %max3A_38 = arith.maximumf %add3A_35, %max3A_37 : vector<1000x128xf32>
    %get3A_39 = arith.constant 0 : index
    %get3A_40 = arith.constant 0 : index
    %get3A_41 = vector.load %arg6[%get3A_39, %get3A_40] : memref<1000x1xf32, #tpu.memory_space<vmem>>, vector<1000x1xf32>
    %max3A_42 = arith.constant 1.000000e+00 : f32
    %max3A_43 = vector.broadcast %max3A_42 : f32 to vector<1000x1xf32>
    %max3A_44 = arith.maximumf %get3A_41, %max3A_43 : vector<1000x1xf32>
    %rsqrt3A_45 = math.rsqrt %max3A_44 : vector<1000x1xf32>
    %swap3A = arith.constant 0 : index
    %swap3A_46 = arith.constant 0 : index
    %swap3A_47 = vector.load %arg8[%swap3A, %swap3A_46] : memref<1000x128xf32, #tpu.memory_space<vmem>>, vector<1000x128xf32>
    tpu.vector_store %arg8[%swap3A, %swap3A_46], %max3A_38 {strides = array<i32>} : memref<1000x128xf32, #tpu.memory_space<vmem>>, vector<1000x128xf32>,
    %mul3A_48 = vector.broadcast %rsqrt3A_45 : vector<1000x1xf32> to vector<1000x128xf32>
    %mul3A_49 = arith.mulf %max3A_38, %mul3A_48 : vector<1000x128xf32>
    %swap3A_50 = arith.constant 0 : index
    %swap3A_51 = arith.constant 0 : index
    %swap3A_52 = vector.load %arg9[%swap3A_50, %swap3A_51] : memref<1000x128xf32, #tpu.memory_space<vmem>>, vector<1000x128xf32>
    tpu.vector_store %arg9[%swap3A_50, %swap3A_51], %mul3A_49 {strides = array<i32>} : memref<1000x128xf32, #tpu.memory_space<vmem>>, vector<1000x128xf32>,
    return
  }
  func.func @transform_0(%arg0: i32) -> (i32, i32) {
    %c0_i32 = arith.constant 0 : i32
    %c0_i32_0 = arith.constant 0 : i32
    return %arg0, %c0_i32 : i32, i32
  }
  func.func @transform_1(%arg0: i32) -> (i32, i32) {
    %c0_i32 = arith.constant 0 : i32
    %c0_i32_0 = arith.constant 0 : i32
    return %arg0, %c0_i32 : i32, i32
  }
  func.func @transform_2(%arg0: i32) -> (i32, i32) {
    %c0_i32 = arith.constant 0 : i32
    %c0_i32_0 = arith.constant 0 : i32
    return %arg0, %c0_i32 : i32, i32
  }
  func.func @transform_3(%arg0: i32) -> (i32, i32) {
    %c0_i32 = arith.constant 0 : i32
    %c0_i32_0 = arith.constant 0 : i32
    return %arg0, %c0_i32 : i32, i32
  }
  func.func @transform_4(%arg0: i32) -> (i32, i32) {
    %c0_i32 = arith.constant 0 : i32
    %c0_i32_0 = arith.constant 0 : i32
    return %arg0, %c0_i32 : i32, i32
  }
  func.func @transform_5(%arg0: i32) -> (i32, i32) {
    %c0_i32 = arith.constant 0 : i32
    %c0_i32_0 = arith.constant 0 : i32
    return %arg0, %c0_i32 : i32, i32
  }
  func.func @transform_6(%arg0: i32) -> (i32, i32) {
    %c0_i32 = arith.constant 0 : i32
    %c0_i32_0 = arith.constant 0 : i32
    %c0_i32_1 = arith.constant 0 : i32
    return %c0_i32, %c0_i32_0 : i32, i32
  }
  func.func @transform_7(%arg0: i32) -> (i32, i32) {
    %c0_i32 = arith.constant 0 : i32
    %c0_i32_0 = arith.constant 0 : i32
    return %arg0, %c0_i32 : i32, i32
  }
  func.func @transform_8(%arg0: i32) -> (i32, i32) {
    %c0_i32 = arith.constant 0 : i32
    %c0_i32_0 = arith.constant 0 : i32
    return %arg0, %c0_i32 : i32, i32
  }
}

module attributes {stable_mosaic.version = 14 : i64} {
  func.func @_layer_body(%arg0: i32, %arg1: memref<1000x128xf32, #tpu.memory_space<vmem>>, %arg2: memref<1000x128xf32, #tpu.memory_space<vmem>>, %arg3: memref<1000x128xf32, #tpu.memory_space<vmem>>, %arg4: memref<1000x128xf32, #tpu.memory_space<vmem>>, %arg5: memref<1000x1xf32, #tpu.memory_space<vmem>>, %arg6: memref<1000x1xf32, #tpu.memory_space<vmem>>, %arg7: memref<128x128xf32, #tpu.memory_space<vmem>>, %arg8: memref<1000x128xf32, #tpu.memory_space<vmem>>, %arg9: memref<1000x128xf32, #tpu.memory_space<vmem>>) attributes {dimension_semantics = [#tpu.dimension_semantics<arbitrary>], iteration_bounds = array<i64: 10>, scalar_prefetch = 0 : i64, scratch_operands = 0 : i64, tpu.core_type = #tpu.core_type<tc>, window_params = [{transform_indices = @transform_0, window_bounds = array<i64: 1000, 128>}, {transform_indices = @transform_1, window_bounds = array<i64: 1000, 128>}, {transform_indices = @transform_2, window_bounds = array<i64: 1000, 128>}, {transform_indices = @transform_3, window_bounds = array<i64: 1000, 128>}, {transform_indices = @transform_4, window_bounds = array<i64: 1000, 1>}, {transform_indices = @transform_5, window_bounds = array<i64: 1000, 1>}, {pipeline_mode = #tpu.pipeline_mode<synchronous>, transform_indices = @transform_6, window_bounds = array<i64: 128, 128>}, {transform_indices = @transform_7, window_bounds = array<i64: 1000, 128>}, {transform_indices = @transform_8, window_bounds = array<i64: 1000, 128>}]} {
    %get3A = arith.constant 0 : index
    %get3A_0 = arith.constant 0 : index
    %get3A_1 = vector.load %arg5[%get3A, %get3A_0] : memref<1000x1xf32, #tpu.memory_space<vmem>>, vector<1000x1xf32>
    %max3A = arith.constant 1.000000e+00 : f32
    %max3A_2 = vector.broadcast %max3A : f32 to vector<1000x1xf32>
    %max3A_3 = arith.maximumf %get3A_1, %max3A_2 : vector<1000x1xf32>
    %rsqrt3A = math.rsqrt %max3A_3 : vector<1000x1xf32>
    %get3A_4 = arith.constant 0 : index
    %get3A_5 = arith.constant 0 : index
    %get3A_6 = vector.load %arg1[%get3A_4, %get3A_5] : memref<1000x128xf32, #tpu.memory_space<vmem>>, vector<1000x128xf32>
    %get3A_7 = arith.constant 0 : index
    %get3A_8 = arith.constant 0 : index
    %get3A_9 = vector.load %arg2[%get3A_7, %get3A_8] : memref<1000x128xf32, #tpu.memory_space<vmem>>, vector<1000x128xf32>
    %add3A = arith.addf %get3A_6, %get3A_9 : vector<1000x128xf32>
    %mul3A = vector.broadcast %rsqrt3A : vector<1000x1xf32> to vector<1000x128xf32>
    %mul3A_10 = arith.mulf %add3A, %mul3A : vector<1000x128xf32>
    %mul3A_11 = arith.constant 5.000000e-01 : f32
    %mul3A_12 = vector.broadcast %mul3A_11 : f32 to vector<1000x128xf32>
    %mul3A_13 = arith.mulf %mul3A_12, %mul3A_10 : vector<1000x128xf32>
    %get3A_14 = arith.constant 0 : index
    %get3A_15 = arith.constant 0 : index
    %get3A_16 = vector.load %arg3[%get3A_14, %get3A_15] : memref<1000x128xf32, #tpu.memory_space<vmem>>, vector<1000x128xf32>
    %mul3A_17 = arith.constant 5.000000e-01 : f32
    %mul3A_18 = vector.broadcast %mul3A_17 : f32 to vector<1000x128xf32>
    %mul3A_19 = arith.mulf %mul3A_18, %get3A_16 : vector<1000x128xf32>
    %add3A_20 = arith.addf %mul3A_13, %mul3A_19 : vector<1000x128xf32>
    %get3A_21 = arith.constant 0 : index
    %get3A_22 = arith.constant 0 : index
    %get3A_23 = vector.load %arg7[%get3A_21, %get3A_22] : memref<128x128xf32, #tpu.memory_space<vmem>>, vector<128x128xf32>
    %dot_general3A = arith.constant dense<0.000000e+00> : vector<1000x128xf32>
    %dot_general3A_24 = tpu.matmul %add3A_20, %get3A_23, %dot_general3A {dimension_numbers = #tpu.dot_dimension_numbers<[1], [0], [0], [1], [0, 0, 1, 1], [], []>, transpose_lhs_hint = false} : vector<1000x128xf32>, vector<128x128xf32>, vector<1000x128xf32> -> vector<1000x128xf32>
    %mul3A_25 = arith.constant 0.594534874 : f32
    %mul3A_26 = vector.broadcast %mul3A_25 : f32 to vector<1000x128xf32>
    %mul3A_27 = arith.mulf %mul3A_26, %add3A_20 : vector<1000x128xf32>
    %mul3A_28 = arith.constant 0.405465096 : f32
    %mul3A_29 = vector.broadcast %mul3A_28 : f32 to vector<1000x128xf32>
    %mul3A_30 = arith.mulf %mul3A_29, %dot_general3A_24 : vector<1000x128xf32>
    %add3A_31 = arith.addf %mul3A_27, %mul3A_30 : vector<1000x128xf32>
    %get3A_32 = arith.constant 0 : index
    %get3A_33 = arith.constant 0 : index
    %get3A_34 = vector.load %arg4[%get3A_32, %get3A_33] : memref<1000x128xf32, #tpu.memory_space<vmem>>, vector<1000x128xf32>
    %add3A_35 = arith.addf %add3A_31, %get3A_34 : vector<1000x128xf32>
    %max3A_36 = arith.constant 0.000000e+00 : f32
    %max3A_37 = vector.broadcast %max3A_36 : f32 to vector<1000x128xf32>
    %max3A_38 = arith.maximumf %add3A_35, %max3A_37 : vector<1000x128xf32>
    %get3A_39 = arith.constant 0 : index
    %get3A_40 = arith.constant 0 : index
    %get3A_41 = vector.load %arg6[%get3A_39, %get3A_40] : memref<1000x1xf32, #tpu.memory_space<vmem>>, vector<1000x1xf32>
    %max3A_42 = arith.constant 1.000000e+00 : f32
    %max3A_43 = vector.broadcast %max3A_42 : f32 to vector<1000x1xf32>
    %max3A_44 = arith.maximumf %get3A_41, %max3A_43 : vector<1000x1xf32>
    %rsqrt3A_45 = math.rsqrt %max3A_44 : vector<1000x1xf32>
    %swap3A = arith.constant 0 : index
    %swap3A_46 = arith.constant 0 : index
    %swap3A_47 = vector.load %arg8[%swap3A, %swap3A_46] : memref<1000x128xf32, #tpu.memory_space<vmem>>, vector<1000x128xf32>
    tpu.vector_store %arg8[%swap3A, %swap3A_46], %max3A_38 {strides = array<i32>} : memref<1000x128xf32, #tpu.memory_space<vmem>>, vector<1000x128xf32>,
    %mul3A_48 = vector.broadcast %rsqrt3A_45 : vector<1000x1xf32> to vector<1000x128xf32>
    %mul3A_49 = arith.mulf %max3A_38, %mul3A_48 : vector<1000x128xf32>
    %swap3A_50 = arith.constant 0 : index
    %swap3A_51 = arith.constant 0 : index
    %swap3A_52 = vector.load %arg9[%swap3A_50, %swap3A_51] : memref<1000x128xf32, #tpu.memory_space<vmem>>, vector<1000x128xf32>
    tpu.vector_store %arg9[%swap3A_50, %swap3A_51], %mul3A_49 {strides = array<i32>} : memref<1000x128xf32, #tpu.memory_space<vmem>>, vector<1000x128xf32>,
    return
  }
  func.func @transform_0(%arg0: i32) -> (i32, i32) {
    %c0_i32 = arith.constant 0 : i32
    %c0_i32_0 = arith.constant 0 : i32
    return %arg0, %c0_i32 : i32, i32
  }
  func.func @transform_1(%arg0: i32) -> (i32, i32) {
    %c0_i32 = arith.constant 0 : i32
    %c0_i32_0 = arith.constant 0 : i32
    return %arg0, %c0_i32 : i32, i32
  }
  func.func @transform_2(%arg0: i32) -> (i32, i32) {
    %c0_i32 = arith.constant 0 : i32
    %c0_i32_0 = arith.constant 0 : i32
    return %arg0, %c0_i32 : i32, i32
  }
  func.func @transform_3(%arg0: i32) -> (i32, i32) {
    %c0_i32 = arith.constant 0 : i32
    %c0_i32_0 = arith.constant 0 : i32
    return %arg0, %c0_i32 : i32, i32
  }
  func.func @transform_4(%arg0: i32) -> (i32, i32) {
    %c0_i32 = arith.constant 0 : i32
    %c0_i32_0 = arith.constant 0 : i32
    return %arg0, %c0_i32 : i32, i32
  }
  func.func @transform_5(%arg0: i32) -> (i32, i32) {
    %c0_i32 = arith.constant 0 : i32
    %c0_i32_0 = arith.constant 0 : i32
    return %arg0, %c0_i32 : i32, i32
  }
  func.func @transform_6(%arg0: i32) -> (i32, i32) {
    %c0_i32 = arith.constant 0 : i32
    %c0_i32_0 = arith.constant 0 : i32
    %c0_i32_1 = arith.constant 0 : i32
    return %c0_i32, %c0_i32_0 : i32, i32
  }
  func.func @transform_7(%arg0: i32) -> (i32, i32) {
    %c0_i32 = arith.constant 0 : i32
    %c0_i32_0 = arith.constant 0 : i32
    return %arg0, %c0_i32 : i32, i32
  }
  func.func @transform_8(%arg0: i32) -> (i32, i32) {
    %c0_i32 = arith.constant 0 : i32
    %c0_i32_0 = arith.constant 0 : i32
    return %arg0, %c0_i32 : i32, i32
  }
}

module attributes {stable_mosaic.version = 14 : i64} {
  func.func @_layer_body(%arg0: i32, %arg1: memref<1000x128xf32, #tpu.memory_space<vmem>>, %arg2: memref<1000x128xf32, #tpu.memory_space<vmem>>, %arg3: memref<1000x128xf32, #tpu.memory_space<vmem>>, %arg4: memref<1000x128xf32, #tpu.memory_space<vmem>>, %arg5: memref<1000x1xf32, #tpu.memory_space<vmem>>, %arg6: memref<1000x1xf32, #tpu.memory_space<vmem>>, %arg7: memref<128x128xf32, #tpu.memory_space<vmem>>, %arg8: memref<1000x128xf32, #tpu.memory_space<vmem>>, %arg9: memref<1000x128xf32, #tpu.memory_space<vmem>>) attributes {dimension_semantics = [#tpu.dimension_semantics<arbitrary>], iteration_bounds = array<i64: 10>, scalar_prefetch = 0 : i64, scratch_operands = 0 : i64, tpu.core_type = #tpu.core_type<tc>, window_params = [{transform_indices = @transform_0, window_bounds = array<i64: 1000, 128>}, {transform_indices = @transform_1, window_bounds = array<i64: 1000, 128>}, {transform_indices = @transform_2, window_bounds = array<i64: 1000, 128>}, {transform_indices = @transform_3, window_bounds = array<i64: 1000, 128>}, {transform_indices = @transform_4, window_bounds = array<i64: 1000, 1>}, {transform_indices = @transform_5, window_bounds = array<i64: 1000, 1>}, {pipeline_mode = #tpu.pipeline_mode<synchronous>, transform_indices = @transform_6, window_bounds = array<i64: 128, 128>}, {transform_indices = @transform_7, window_bounds = array<i64: 1000, 128>}, {transform_indices = @transform_8, window_bounds = array<i64: 1000, 128>}]} {
    %get3A = arith.constant 0 : index
    %get3A_0 = arith.constant 0 : index
    %get3A_1 = vector.load %arg5[%get3A, %get3A_0] : memref<1000x1xf32, #tpu.memory_space<vmem>>, vector<1000x1xf32>
    %max3A = arith.constant 1.000000e+00 : f32
    %max3A_2 = vector.broadcast %max3A : f32 to vector<1000x1xf32>
    %max3A_3 = arith.maximumf %get3A_1, %max3A_2 : vector<1000x1xf32>
    %rsqrt3A = math.rsqrt %max3A_3 : vector<1000x1xf32>
    %get3A_4 = arith.constant 0 : index
    %get3A_5 = arith.constant 0 : index
    %get3A_6 = vector.load %arg1[%get3A_4, %get3A_5] : memref<1000x128xf32, #tpu.memory_space<vmem>>, vector<1000x128xf32>
    %get3A_7 = arith.constant 0 : index
    %get3A_8 = arith.constant 0 : index
    %get3A_9 = vector.load %arg2[%get3A_7, %get3A_8] : memref<1000x128xf32, #tpu.memory_space<vmem>>, vector<1000x128xf32>
    %add3A = arith.addf %get3A_6, %get3A_9 : vector<1000x128xf32>
    %mul3A = vector.broadcast %rsqrt3A : vector<1000x1xf32> to vector<1000x128xf32>
    %mul3A_10 = arith.mulf %add3A, %mul3A : vector<1000x128xf32>
    %mul3A_11 = arith.constant 5.000000e-01 : f32
    %mul3A_12 = vector.broadcast %mul3A_11 : f32 to vector<1000x128xf32>
    %mul3A_13 = arith.mulf %mul3A_12, %mul3A_10 : vector<1000x128xf32>
    %get3A_14 = arith.constant 0 : index
    %get3A_15 = arith.constant 0 : index
    %get3A_16 = vector.load %arg3[%get3A_14, %get3A_15] : memref<1000x128xf32, #tpu.memory_space<vmem>>, vector<1000x128xf32>
    %mul3A_17 = arith.constant 5.000000e-01 : f32
    %mul3A_18 = vector.broadcast %mul3A_17 : f32 to vector<1000x128xf32>
    %mul3A_19 = arith.mulf %mul3A_18, %get3A_16 : vector<1000x128xf32>
    %add3A_20 = arith.addf %mul3A_13, %mul3A_19 : vector<1000x128xf32>
    %get3A_21 = arith.constant 0 : index
    %get3A_22 = arith.constant 0 : index
    %get3A_23 = vector.load %arg7[%get3A_21, %get3A_22] : memref<128x128xf32, #tpu.memory_space<vmem>>, vector<128x128xf32>
    %dot_general3A = arith.constant dense<0.000000e+00> : vector<1000x128xf32>
    %dot_general3A_24 = tpu.matmul %add3A_20, %get3A_23, %dot_general3A {dimension_numbers = #tpu.dot_dimension_numbers<[1], [0], [0], [1], [0, 0, 1, 1], [], []>, transpose_lhs_hint = false} : vector<1000x128xf32>, vector<128x128xf32>, vector<1000x128xf32> -> vector<1000x128xf32>
    %mul3A_25 = arith.constant 0.712317943 : f32
    %mul3A_26 = vector.broadcast %mul3A_25 : f32 to vector<1000x128xf32>
    %mul3A_27 = arith.mulf %mul3A_26, %add3A_20 : vector<1000x128xf32>
    %mul3A_28 = arith.constant 0.287682086 : f32
    %mul3A_29 = vector.broadcast %mul3A_28 : f32 to vector<1000x128xf32>
    %mul3A_30 = arith.mulf %mul3A_29, %dot_general3A_24 : vector<1000x128xf32>
    %add3A_31 = arith.addf %mul3A_27, %mul3A_30 : vector<1000x128xf32>
    %get3A_32 = arith.constant 0 : index
    %get3A_33 = arith.constant 0 : index
    %get3A_34 = vector.load %arg4[%get3A_32, %get3A_33] : memref<1000x128xf32, #tpu.memory_space<vmem>>, vector<1000x128xf32>
    %add3A_35 = arith.addf %add3A_31, %get3A_34 : vector<1000x128xf32>
    %max3A_36 = arith.constant 0.000000e+00 : f32
    %max3A_37 = vector.broadcast %max3A_36 : f32 to vector<1000x128xf32>
    %max3A_38 = arith.maximumf %add3A_35, %max3A_37 : vector<1000x128xf32>
    %get3A_39 = arith.constant 0 : index
    %get3A_40 = arith.constant 0 : index
    %get3A_41 = vector.load %arg6[%get3A_39, %get3A_40] : memref<1000x1xf32, #tpu.memory_space<vmem>>, vector<1000x1xf32>
    %max3A_42 = arith.constant 1.000000e+00 : f32
    %max3A_43 = vector.broadcast %max3A_42 : f32 to vector<1000x1xf32>
    %max3A_44 = arith.maximumf %get3A_41, %max3A_43 : vector<1000x1xf32>
    %rsqrt3A_45 = math.rsqrt %max3A_44 : vector<1000x1xf32>
    %swap3A = arith.constant 0 : index
    %swap3A_46 = arith.constant 0 : index
    %swap3A_47 = vector.load %arg8[%swap3A, %swap3A_46] : memref<1000x128xf32, #tpu.memory_space<vmem>>, vector<1000x128xf32>
    tpu.vector_store %arg8[%swap3A, %swap3A_46], %max3A_38 {strides = array<i32>} : memref<1000x128xf32, #tpu.memory_space<vmem>>, vector<1000x128xf32>,
    %mul3A_48 = vector.broadcast %rsqrt3A_45 : vector<1000x1xf32> to vector<1000x128xf32>
    %mul3A_49 = arith.mulf %max3A_38, %mul3A_48 : vector<1000x128xf32>
    %swap3A_50 = arith.constant 0 : index
    %swap3A_51 = arith.constant 0 : index
    %swap3A_52 = vector.load %arg9[%swap3A_50, %swap3A_51] : memref<1000x128xf32, #tpu.memory_space<vmem>>, vector<1000x128xf32>
    tpu.vector_store %arg9[%swap3A_50, %swap3A_51], %mul3A_49 {strides = array<i32>} : memref<1000x128xf32, #tpu.memory_space<vmem>>, vector<1000x128xf32>,
    return
  }
  func.func @transform_0(%arg0: i32) -> (i32, i32) {
    %c0_i32 = arith.constant 0 : i32
    %c0_i32_0 = arith.constant 0 : i32
    return %arg0, %c0_i32 : i32, i32
  }
  func.func @transform_1(%arg0: i32) -> (i32, i32) {
    %c0_i32 = arith.constant 0 : i32
    %c0_i32_0 = arith.constant 0 : i32
    return %arg0, %c0_i32 : i32, i32
  }
  func.func @transform_2(%arg0: i32) -> (i32, i32) {
    %c0_i32 = arith.constant 0 : i32
    %c0_i32_0 = arith.constant 0 : i32
    return %arg0, %c0_i32 : i32, i32
  }
  func.func @transform_3(%arg0: i32) -> (i32, i32) {
    %c0_i32 = arith.constant 0 : i32
    %c0_i32_0 = arith.constant 0 : i32
    return %arg0, %c0_i32 : i32, i32
  }
  func.func @transform_4(%arg0: i32) -> (i32, i32) {
    %c0_i32 = arith.constant 0 : i32
    %c0_i32_0 = arith.constant 0 : i32
    return %arg0, %c0_i32 : i32, i32
  }
  func.func @transform_5(%arg0: i32) -> (i32, i32) {
    %c0_i32 = arith.constant 0 : i32
    %c0_i32_0 = arith.constant 0 : i32
    return %arg0, %c0_i32 : i32, i32
  }
  func.func @transform_6(%arg0: i32) -> (i32, i32) {
    %c0_i32 = arith.constant 0 : i32
    %c0_i32_0 = arith.constant 0 : i32
    %c0_i32_1 = arith.constant 0 : i32
    return %c0_i32, %c0_i32_0 : i32, i32
  }
  func.func @transform_7(%arg0: i32) -> (i32, i32) {
    %c0_i32 = arith.constant 0 : i32
    %c0_i32_0 = arith.constant 0 : i32
    return %arg0, %c0_i32 : i32, i32
  }
  func.func @transform_8(%arg0: i32) -> (i32, i32) {
    %c0_i32 = arith.constant 0 : i32
    %c0_i32_0 = arith.constant 0 : i32
    return %arg0, %c0_i32 : i32, i32
  }
}

module attributes {stable_mosaic.version = 14 : i64} {
  func.func @_layer_body(%arg0: i32, %arg1: memref<1000x128xf32, #tpu.memory_space<vmem>>, %arg2: memref<1000x128xf32, #tpu.memory_space<vmem>>, %arg3: memref<1000x128xf32, #tpu.memory_space<vmem>>, %arg4: memref<1000x128xf32, #tpu.memory_space<vmem>>, %arg5: memref<1000x1xf32, #tpu.memory_space<vmem>>, %arg6: memref<1000x1xf32, #tpu.memory_space<vmem>>, %arg7: memref<128x128xf32, #tpu.memory_space<vmem>>, %arg8: memref<1000x128xf32, #tpu.memory_space<vmem>>, %arg9: memref<1000x128xf32, #tpu.memory_space<vmem>>) attributes {dimension_semantics = [#tpu.dimension_semantics<arbitrary>], iteration_bounds = array<i64: 10>, scalar_prefetch = 0 : i64, scratch_operands = 0 : i64, tpu.core_type = #tpu.core_type<tc>, window_params = [{transform_indices = @transform_0, window_bounds = array<i64: 1000, 128>}, {transform_indices = @transform_1, window_bounds = array<i64: 1000, 128>}, {transform_indices = @transform_2, window_bounds = array<i64: 1000, 128>}, {transform_indices = @transform_3, window_bounds = array<i64: 1000, 128>}, {transform_indices = @transform_4, window_bounds = array<i64: 1000, 1>}, {transform_indices = @transform_5, window_bounds = array<i64: 1000, 1>}, {pipeline_mode = #tpu.pipeline_mode<synchronous>, transform_indices = @transform_6, window_bounds = array<i64: 128, 128>}, {transform_indices = @transform_7, window_bounds = array<i64: 1000, 128>}, {transform_indices = @transform_8, window_bounds = array<i64: 1000, 128>}]} {
    %get3A = arith.constant 0 : index
    %get3A_0 = arith.constant 0 : index
    %get3A_1 = vector.load %arg5[%get3A, %get3A_0] : memref<1000x1xf32, #tpu.memory_space<vmem>>, vector<1000x1xf32>
    %max3A = arith.constant 1.000000e+00 : f32
    %max3A_2 = vector.broadcast %max3A : f32 to vector<1000x1xf32>
    %max3A_3 = arith.maximumf %get3A_1, %max3A_2 : vector<1000x1xf32>
    %rsqrt3A = math.rsqrt %max3A_3 : vector<1000x1xf32>
    %get3A_4 = arith.constant 0 : index
    %get3A_5 = arith.constant 0 : index
    %get3A_6 = vector.load %arg1[%get3A_4, %get3A_5] : memref<1000x128xf32, #tpu.memory_space<vmem>>, vector<1000x128xf32>
    %get3A_7 = arith.constant 0 : index
    %get3A_8 = arith.constant 0 : index
    %get3A_9 = vector.load %arg2[%get3A_7, %get3A_8] : memref<1000x128xf32, #tpu.memory_space<vmem>>, vector<1000x128xf32>
    %add3A = arith.addf %get3A_6, %get3A_9 : vector<1000x128xf32>
    %mul3A = vector.broadcast %rsqrt3A : vector<1000x1xf32> to vector<1000x128xf32>
    %mul3A_10 = arith.mulf %add3A, %mul3A : vector<1000x128xf32>
    %mul3A_11 = arith.constant 5.000000e-01 : f32
    %mul3A_12 = vector.broadcast %mul3A_11 : f32 to vector<1000x128xf32>
    %mul3A_13 = arith.mulf %mul3A_12, %mul3A_10 : vector<1000x128xf32>
    %get3A_14 = arith.constant 0 : index
    %get3A_15 = arith.constant 0 : index
    %get3A_16 = vector.load %arg3[%get3A_14, %get3A_15] : memref<1000x128xf32, #tpu.memory_space<vmem>>, vector<1000x128xf32>
    %mul3A_17 = arith.constant 5.000000e-01 : f32
    %mul3A_18 = vector.broadcast %mul3A_17 : f32 to vector<1000x128xf32>
    %mul3A_19 = arith.mulf %mul3A_18, %get3A_16 : vector<1000x128xf32>
    %add3A_20 = arith.addf %mul3A_13, %mul3A_19 : vector<1000x128xf32>
    %get3A_21 = arith.constant 0 : index
    %get3A_22 = arith.constant 0 : index
    %get3A_23 = vector.load %arg7[%get3A_21, %get3A_22] : memref<128x128xf32, #tpu.memory_space<vmem>>, vector<128x128xf32>
    %dot_general3A = arith.constant dense<0.000000e+00> : vector<1000x128xf32>
    %dot_general3A_24 = tpu.matmul %add3A_20, %get3A_23, %dot_general3A {dimension_numbers = #tpu.dot_dimension_numbers<[1], [0], [0], [1], [0, 0, 1, 1], [], []>, transpose_lhs_hint = false} : vector<1000x128xf32>, vector<128x128xf32>, vector<1000x128xf32> -> vector<1000x128xf32>
    %mul3A_25 = arith.constant 0.776856422 : f32
    %mul3A_26 = vector.broadcast %mul3A_25 : f32 to vector<1000x128xf32>
    %mul3A_27 = arith.mulf %mul3A_26, %add3A_20 : vector<1000x128xf32>
    %mul3A_28 = arith.constant 0.223143548 : f32
    %mul3A_29 = vector.broadcast %mul3A_28 : f32 to vector<1000x128xf32>
    %mul3A_30 = arith.mulf %mul3A_29, %dot_general3A_24 : vector<1000x128xf32>
    %add3A_31 = arith.addf %mul3A_27, %mul3A_30 : vector<1000x128xf32>
    %get3A_32 = arith.constant 0 : index
    %get3A_33 = arith.constant 0 : index
    %get3A_34 = vector.load %arg4[%get3A_32, %get3A_33] : memref<1000x128xf32, #tpu.memory_space<vmem>>, vector<1000x128xf32>
    %add3A_35 = arith.addf %add3A_31, %get3A_34 : vector<1000x128xf32>
    %max3A_36 = arith.constant 0.000000e+00 : f32
    %max3A_37 = vector.broadcast %max3A_36 : f32 to vector<1000x128xf32>
    %max3A_38 = arith.maximumf %add3A_35, %max3A_37 : vector<1000x128xf32>
    %get3A_39 = arith.constant 0 : index
    %get3A_40 = arith.constant 0 : index
    %get3A_41 = vector.load %arg6[%get3A_39, %get3A_40] : memref<1000x1xf32, #tpu.memory_space<vmem>>, vector<1000x1xf32>
    %max3A_42 = arith.constant 1.000000e+00 : f32
    %max3A_43 = vector.broadcast %max3A_42 : f32 to vector<1000x1xf32>
    %max3A_44 = arith.maximumf %get3A_41, %max3A_43 : vector<1000x1xf32>
    %rsqrt3A_45 = math.rsqrt %max3A_44 : vector<1000x1xf32>
    %swap3A = arith.constant 0 : index
    %swap3A_46 = arith.constant 0 : index
    %swap3A_47 = vector.load %arg8[%swap3A, %swap3A_46] : memref<1000x128xf32, #tpu.memory_space<vmem>>, vector<1000x128xf32>
    tpu.vector_store %arg8[%swap3A, %swap3A_46], %max3A_38 {strides = array<i32>} : memref<1000x128xf32, #tpu.memory_space<vmem>>, vector<1000x128xf32>,
    %mul3A_48 = vector.broadcast %rsqrt3A_45 : vector<1000x1xf32> to vector<1000x128xf32>
    %mul3A_49 = arith.mulf %max3A_38, %mul3A_48 : vector<1000x128xf32>
    %swap3A_50 = arith.constant 0 : index
    %swap3A_51 = arith.constant 0 : index
    %swap3A_52 = vector.load %arg9[%swap3A_50, %swap3A_51] : memref<1000x128xf32, #tpu.memory_space<vmem>>, vector<1000x128xf32>
    tpu.vector_store %arg9[%swap3A_50, %swap3A_51], %mul3A_49 {strides = array<i32>} : memref<1000x128xf32, #tpu.memory_space<vmem>>, vector<1000x128xf32>,
    return
  }
  func.func @transform_0(%arg0: i32) -> (i32, i32) {
    %c0_i32 = arith.constant 0 : i32
    %c0_i32_0 = arith.constant 0 : i32
    return %arg0, %c0_i32 : i32, i32
  }
  func.func @transform_1(%arg0: i32) -> (i32, i32) {
    %c0_i32 = arith.constant 0 : i32
    %c0_i32_0 = arith.constant 0 : i32
    return %arg0, %c0_i32 : i32, i32
  }
  func.func @transform_2(%arg0: i32) -> (i32, i32) {
    %c0_i32 = arith.constant 0 : i32
    %c0_i32_0 = arith.constant 0 : i32
    return %arg0, %c0_i32 : i32, i32
  }
  func.func @transform_3(%arg0: i32) -> (i32, i32) {
    %c0_i32 = arith.constant 0 : i32
    %c0_i32_0 = arith.constant 0 : i32
    return %arg0, %c0_i32 : i32, i32
  }
  func.func @transform_4(%arg0: i32) -> (i32, i32) {
    %c0_i32 = arith.constant 0 : i32
    %c0_i32_0 = arith.constant 0 : i32
    return %arg0, %c0_i32 : i32, i32
  }
  func.func @transform_5(%arg0: i32) -> (i32, i32) {
    %c0_i32 = arith.constant 0 : i32
    %c0_i32_0 = arith.constant 0 : i32
    return %arg0, %c0_i32 : i32, i32
  }
  func.func @transform_6(%arg0: i32) -> (i32, i32) {
    %c0_i32 = arith.constant 0 : i32
    %c0_i32_0 = arith.constant 0 : i32
    %c0_i32_1 = arith.constant 0 : i32
    return %c0_i32, %c0_i32_0 : i32, i32
  }
  func.func @transform_7(%arg0: i32) -> (i32, i32) {
    %c0_i32 = arith.constant 0 : i32
    %c0_i32_0 = arith.constant 0 : i32
    return %arg0, %c0_i32 : i32, i32
  }
  func.func @transform_8(%arg0: i32) -> (i32, i32) {
    %c0_i32 = arith.constant 0 : i32
    %c0_i32_0 = arith.constant 0 : i32
    return %arg0, %c0_i32 : i32, i32
  }
}

module attributes {stable_mosaic.version = 14 : i64} {
  func.func @_fc2_body(%arg0: i32, %arg1: memref<1000x128xf32, #tpu.memory_space<vmem>>, %arg2: memref<128x64xf32, #tpu.memory_space<vmem>>, %arg3: memref<1x64xf32, #tpu.memory_space<vmem>>, %arg4: memref<1000x64xf32, #tpu.memory_space<vmem>>) attributes {dimension_semantics = [#tpu.dimension_semantics<arbitrary>], iteration_bounds = array<i64: 10>, scalar_prefetch = 0 : i64, scratch_operands = 0 : i64, tpu.core_type = #tpu.core_type<tc>, window_params = [{transform_indices = @transform_0, window_bounds = array<i64: 1000, 128>}, {pipeline_mode = #tpu.pipeline_mode<synchronous>, transform_indices = @transform_1, window_bounds = array<i64: 128, 64>}, {pipeline_mode = #tpu.pipeline_mode<synchronous>, transform_indices = @transform_2, window_bounds = array<i64: 1, 64>}, {transform_indices = @transform_3, window_bounds = array<i64: 1000, 64>}]} {
    %get3A = arith.constant 0 : index
    %get3A_0 = arith.constant 0 : index
    %get3A_1 = vector.load %arg1[%get3A, %get3A_0] : memref<1000x128xf32, #tpu.memory_space<vmem>>, vector<1000x128xf32>
    %get3A_2 = arith.constant 0 : index
    %get3A_3 = arith.constant 0 : index
    %get3A_4 = vector.load %arg2[%get3A_2, %get3A_3] : memref<128x64xf32, #tpu.memory_space<vmem>>, vector<128x64xf32>
    %dot_general3A = arith.constant dense<0.000000e+00> : vector<1000x64xf32>
    %dot_general3A_5 = tpu.matmul %get3A_1, %get3A_4, %dot_general3A {dimension_numbers = #tpu.dot_dimension_numbers<[1], [0], [0], [1], [0, 0, 1, 1], [], []>, transpose_lhs_hint = false} : vector<1000x128xf32>, vector<128x64xf32>, vector<1000x64xf32> -> vector<1000x64xf32>
    %get3A_6 = arith.constant 0 : index
    %get3A_7 = arith.constant 0 : index
    %get3A_8 = vector.load %arg3[%get3A_6, %get3A_7] : memref<1x64xf32, #tpu.memory_space<vmem>>, vector<1x64xf32>
    %get3A_9 = vector.shape_cast %get3A_8 : vector<1x64xf32> to vector<64xf32>
    %broadcast_in_dim3A = vector.shape_cast %get3A_9 : vector<64xf32> to vector<1x64xf32>
    %add3A = vector.broadcast %broadcast_in_dim3A : vector<1x64xf32> to vector<1000x64xf32>
    %add3A_10 = arith.addf %dot_general3A_5, %add3A : vector<1000x64xf32>
    %swap3A = arith.constant 0 : index
    %swap3A_11 = arith.constant 0 : index
    %swap3A_12 = vector.load %arg4[%swap3A, %swap3A_11] : memref<1000x64xf32, #tpu.memory_space<vmem>>, vector<1000x64xf32>
    tpu.vector_store %arg4[%swap3A, %swap3A_11], %add3A_10 {strides = array<i32>} : memref<1000x64xf32, #tpu.memory_space<vmem>>, vector<1000x64xf32>,
    return
  }
  func.func @transform_0(%arg0: i32) -> (i32, i32) {
    %c0_i32 = arith.constant 0 : i32
    %c0_i32_0 = arith.constant 0 : i32
    return %arg0, %c0_i32 : i32, i32
  }
  func.func @transform_1(%arg0: i32) -> (i32, i32) {
    %c0_i32 = arith.constant 0 : i32
    %c0_i32_0 = arith.constant 0 : i32
    %c0_i32_1 = arith.constant 0 : i32
    return %c0_i32, %c0_i32_0 : i32, i32
  }
  func.func @transform_2(%arg0: i32) -> (i32, i32) {
    %c0_i32 = arith.constant 0 : i32
    %c0_i32_0 = arith.constant 0 : i32
    %c0_i32_1 = arith.constant 0 : i32
    return %c0_i32, %c0_i32_0 : i32, i32
  }
  func.func @transform_3(%arg0: i32) -> (i32, i32) {
    %c0_i32 = arith.constant 0 : i32
    %c0_i32_0 = arith.constant 0 : i32
    return %arg0, %c0_i32 : i32, i32
  }
}

</mosaic_0001>

<sc_bundles>
// kernel: kernel.13.cloned.1.call-start
scs
__scs_entry_jumppad:
0x0: {  	(pc) =	sbr.rel $0x88, $3  }
0x1: {  	(tag) =	ssettag $0x0;
	lr =	simm.s32 $0x1  }
0x2: {  	[smem:$0x3F9A] =	sst lr;
	_ =	strace $0xD0000000  }
0x3: {  	_ = 	snop  }
0x4: {  	_ = 	snop  }
0x5: {  	_ = 	snop  }
0x6: {  	_ = 	snop  }
0x7: {  	_ = 	snop  }
__scs_overlays_trampoline_lowered:
0x8: {  	[smem:$0x3FA9] =	sst s0  }
0x9: {  	[smem:$0x3FAA] =	sst s1  }
0xa: {  	[smem:$0x3FAB] =	sst s2  }
0xb: {  	[smem:$0x3FAC] =	sst s3  }
0xc: {  	[smem:$0x3FAD] =	sst s4  }
0xd: {  	[smem:$0x3FAE] =	sst s5  }
0xe: {  	[smem:$0x3FAF] =	sst s6  }
0xf: {  	[smem:$0x3FB0] =	sst s7  }
0x10: {  	[smem:$0x3FB1] =	sst s8  }
0x11: {  	[smem:$0x3FB2] =	sst s9;
	s0 =	simm.s32 @!p0 $0x0  }
0x12: {  	s1 =	sld [smem:$0x3F98];
	s0 =	simm.s32 @p0 $0x1  }
0x13: {  	[smem:$0x3FB3] =	sst s0;
	s0 =	simm.s32 @!p1 $0x0  }
0x14: {  	s2 =	sld [smem:$0x3F97];
	s0 =	simm.s32 @p1 $0x1  }
0x15: {  	[smem:$0x3FB4] =	sst s0;
	s0 =	simm.s32 @!p2 $0x0  }
0x16: {  	s3 =	sld [smem:$0x3FDB];
	s0 =	simm.s32 @p2 $0x1  }
0x17: {  	s4 =	simm.s32 $0x1BF5;
	[smem:$0x3FB6] =	sst s0  }
0x18: {  	s0 =	sld [smem:$0x3F99];
	_ =	swait.ge [sflag:s4], $0x0  }
0x19: {  	s7 =	sld [smem:$0x3F9A]  }
0x1a: {  	s8 =	sadd.s32 $0xFFFFE003, lr  }
0x1b: {  	s9 =	sadd.s32 $0xFFFFFEF7, lr;
	s5 =	simm.s32 $0xFFFFFFFF;
	p2 =	slt.u32 s8, $0xFFFFF086  }
0x1c: {  	p1 =	slt.u32 s9, $0xF7A;
	s5 =	simm.s32 @!p2 $0x0  }
0x1d: {  	s5 =	simm.s32 @p1 $0x1;
	p0 =	seq.s32 s7, s2  }
0x1e: {  	s7 =	smul.u32 @!p0 $0xF7A, s2;
	p2 =	seq.s32 @!p0 s5, $0x0  }
0x1f: {  	s9 =	smul.u32 $0xF7A, s1;
	s8 =	simm.s32 @!p0 $0x1BF5;
	p2 =	por !p2, p0  }
0x20: {  	[sflag:s8] =	ssyncset.s32 @!p0 $0xFFFFF086;
	s6 =	sadd.s32 @!p0 s3, s7;
	s7 =	simm.s32 @!p0 $0x108  }
0x21: {  	s3 =	sadd.s32 s3, s9;
	s6 =	sadd.s32 @!p0 $0x88, s6;
	s7 =	simm.s32 @p2 $0x1082  }
0x22: {  	[simem:s7], [sflag:s8] =	dma.local @!p0 [hbm:s6], $0xF7A  }
0x23: {  	s9 =	sor.u32 $0xD0000000, s2;
	s6 =	simm.s32 $0x108;
	_ =	swait.ge @!p0 [sflag:s8], $0x0  }
0x24: {  	s3 =	sadd.s32 $0x88, s3;
	s6 =	simm.s32 @!p1 $0x1082;
	[sflag:s4] =	ssyncset.s32 $0xFFFFF086  }
0x25: {  	[simem:s6], [sflag:s4] =	dma.local [hbm:s3], $0xF7A  }
0x26: {  	[smem:$0x3F9A] =	sst s1;
	(tag) =	ssettag s2;
	_ =	strace s9  }
0x27: {  	s1 =	sld [smem:$0x3FAA]  }
0x28: {  	s2 =	sld [smem:$0x3FAB]  }
0x29: {  	s4 =	sld [smem:$0x3FAD]  }
0x2a: {  	p0 =	seq.s32 s5, $0x0;
	s5 =	sld [smem:$0x3FAE]  }
0x2b: {  	s6 =	sld [smem:$0x3FAF]  }
0x2c: {  	s7 =	sld [smem:$0x3FB0]  }
0x2d: {  	s3 =	simm.s32 $0x108;
	s8 =	sld [smem:$0x3FB1]  }
0x2e: {  	s3 =	simm.s32 @!p0 $0x1082;
	s9 =	sld [smem:$0x3FB2]  }
0x2f: {  	lr =	sadd.s32 s0, s3;
	s0 =	sld [smem:$0x3FA9]  }
0x30: {  	s3 =	sld [smem:$0x3FAC]  }
0x31: {  	[smem:$0x3FB5] =	sst s10  }
0x32: {  	s10 =	sld [smem:$0x3FB3];
	_ =	sdelay $0x3  }
0x33: {  	p0 =	seq.s32 s10, $0x1;
	s10 =	sld [smem:$0x3FB5];
	_ =	sdelay $0x3  }
0x34: {  	[smem:$0x3FB5] =	sst s10  }
0x35: {  	s10 =	sld [smem:$0x3FB4];
	_ =	sdelay $0x3  }
0x36: {  	p1 =	seq.s32 s10, $0x1;
	s10 =	sld [smem:$0x3FB5];
	_ =	sdelay $0x3  }
0x37: {  	[smem:$0x3FB5] =	sst s10  }
0x38: {  	s10 =	sld [smem:$0x3FB6]  }
0x39: {  	_ = 	snop;
	(pc) =	sbr.ind lr, $3  }
0x3a: {  	_ = 	snop  }
0x3b: {  	_ = 	snop  }
0x3c: {  	p2 =	seq.s32 s10, $0x1;
	s10 =	sld [smem:$0x3FB5]  }
0x3d: {  	_ =	shalt  }
0x3e: {  	_ =	shalt  }
0x3f: {  	_ =	shalt  }
0x40: {  	_ =	shalt  }
0x41: {  	_ =	shalt  }
0x42: {  	_ =	shalt  }
0x43: {  	_ =	shalt  }
0x44: {  	_ =	shalt  }
0x45: {  	_ =	shalt  }
0x46: {  	_ =	shalt  }
0x47: {  	_ =	shalt  }
0x48: {  	_ =	shalt  }
0x49: {  	_ =	shalt  }
0x4a: {  	_ =	shalt  }
0x4b: {  	_ =	shalt  }
0x4c: {  	_ =	shalt  }
0x4d: {  	_ =	shalt  }
0x4e: {  	_ =	shalt  }
0x4f: {  	_ =	shalt  }
0x50: {  	_ =	shalt  }
0x51: {  	_ =	shalt  }
0x52: {  	_ =	shalt  }
0x53: {  	_ =	shalt  }
0x54: {  	_ =	shalt  }
0x55: {  	_ =	shalt  }
0x56: {  	_ =	shalt  }
0x57: {  	_ =	shalt  }
0x58: {  	_ =	shalt  }
0x59: {  	_ =	shalt  }
0x5a: {  	_ =	shalt  }
0x5b: {  	_ =	shalt  }
0x5c: {  	_ =	shalt  }
0x5d: {  	_ =	shalt  }
0x5e: {  	_ =	shalt  }
0x5f: {  	_ =	shalt  }
0x60: {  	_ =	shalt  }
0x61: {  	_ =	shalt  }
0x62: {  	_ =	shalt  }
0x63: {  	_ =	shalt  }
0x64: {  	_ =	shalt  }
0x65: {  	_ =	shalt  }
0x66: {  	_ =	shalt  }
0x67: {  	_ =	shalt  }
0x68: {  	_ =	shalt  }
0x69: {  	_ =	shalt  }
0x6a: {  	_ =	shalt  }
0x6b: {  	_ =	shalt  }
0x6c: {  	_ =	shalt  }
0x6d: {  	_ =	shalt  }
0x6e: {  	_ =	shalt  }
0x6f: {  	_ =	shalt  }
0x70: {  	_ =	shalt  }
0x71: {  	_ =	shalt  }
0x72: {  	_ =	shalt  }
0x73: {  	_ =	shalt  }
0x74: {  	_ =	shalt  }
0x75: {  	_ =	shalt  }
0x76: {  	_ =	shalt  }
0x77: {  	_ =	shalt  }
0x78: {  	_ =	shalt  }
0x79: {  	_ =	shalt  }
0x7a: {  	_ =	shalt  }
0x7b: {  	_ =	shalt  }
0x7c: {  	_ =	shalt  }
0x7d: {  	_ =	shalt  }
0x7e: {  	_ =	shalt  }
0x7f: {  	_ =	shalt  }
0x80: {  	_ =	shalt  }
0x81: {  	_ =	shalt  }
0x82: {  	_ =	shalt  }
0x83: {  	_ =	shalt  }
0x84: {  	_ =	shalt  }
0x85: {  	_ =	shalt  }
0x86: {  	_ =	shalt  }
0x87: {  	_ =	shalt  }
.Lfunc_end0:
.L_simem_size_0:
called_computation_lowered:
.L_overlay_start_0:
0x88: {  	s2 =	sld [smem:$0x3FD9]  }
0x89: {  	s3 =	sld [smem:$0x3FFE];
	_ =	sdelay $0x1  }
0x8a: {  	s1 =	srdreg.scid  }
0x8b: {  	s0 =	sand.u32 $0x1, s1  }
0x8c: {  	s16 =	sshll.u32 s0, $0xA;
	s2 =	sadd.s32 s3, s2  }
0x8d: {  	s2 =	sadd.s32 s2, s16  }
0x8e: {  	[smem:$0x3FC1] =	sst s2  }
0x8f: {  	_ = 	snop  }
0x90: {  	(tm) =	ssettm $0x1  }
0x91: {  	s17 =	sld [smem:$0x3FFB];
	_ =	sdelay $0x3  }
0x92: {  	_ =	strace s17  }
0x93: {  	s2 =	sld [smem:$0x3FFC];
	_ =	sdelay $0x3  }
0x94: {  	_ =	strace s2  }
0x95: {  	s2 =	sld [smem:$0x3FFD];
	_ =	sdelay $0x3  }
0x96: {  	_ =	strace s2  }
0x97: {  	_ =	strace $0x8FFFFFFF  }
0x98: {  	s18 =	sld [smem:$0x3FDB];
	_ =	sdelay $0x1  }
0x99: {  	s19 =	simm.s32 $_scs_section_size  }
0x9a: {  	s4 =	simm.s32 $_size__tile_overlayer_lowered;
	s5 =	simm.s32 $_tile_overlayer_lowered  }
0x9b: {  	s22 =	simm.s32 $0x1BFF;
	s21 =	sshll.u32 s5, $0x1;
	s2 =	sadd.s32 s19, s18  }
0x9c: {  	s6 =	simm.s32 $0x0;
	s20 =	sshll.u32 s4, $0x1;
	s4 =	sadd.s32 s21, s2  }
0x9d: {  	[timem:s6], [sflag:s22] =	dma.local [hbm:s4], s20  }
0x9e: {  	_ =	swait.ge [sflag:s22], s20  }
0x9f: {  	s3 =	ssub.s32 $0x0, s20;
	[sflag:s22] =	ssyncset.done $0x0  }
0xa0: {  	[sflag:s22] =	ssyncadd.s32 s3;
	_ =	sdelay $0x1  }
0xa1: {  	s23 =	simm.s32 $0x1B8B  }
0xa2: {  	_ =	swait.ge [sflag:s23], $0x1  }
0xa3: {  	[sflag:s23] =	ssyncset.done $0x0  }
0xa4: {  	s25 =	simm.s32 $0x1B8E;
	s24 =	sld [smem:$0x3FFE];
	[sflag:s23] =	ssyncadd.s32 $0xFFFFFFFF  }
0xa5: {  	s26 =	simm.s32 $execute0_lowered;
	[smem:$0x3FD2] =	sst s25  }
0xa6: {  	s4 =	sshll.u32 s26, $0x1;
	_ =	strace $0x80000046;
	[dreg:$0x1] =	wrdreg $0xFFFFFFFF  }
0xa7: {  	s28 =	simm.s32 $_size_execute0_lowered;
	s2 =	sadd.s32 s2, s4;
	[dreg:$0x0] =	wrdreg $0x0  }
0xa8: {  	s4 =	sshll.u32 s28, $0x1;
	[dreg:$0x2] =	wrdreg s2  }
0xa9: {  	[dreg:$0x3] =	wrdreg s4  }
0xaa: {  	[dreg:$0x4] =	wrdreg $0xC0  }
0xab: {  	_ =	task [dreg:s6], $0x5FFFF  }
0xac: {  	[dreg:$0x1] =	wrdreg $0xFFFFFFFF  }
0xad: {  	[dreg:$0x0] =	wrdreg $0x60  }
0xae: {  	[dreg:$0x2] =	wrdreg s24  }
0xaf: {  	[dreg:$0x3] =	wrdreg $0x7D000  }
0xb0: {  	[dreg:$0x4] =	wrdreg $0x9  }
0xb1: {  	_ =	task.clear_ibuf [dreg:s6], $0x5FFFF;
	_ =	strace $0x90000046  }
0xb2: {  	s29 =	simm.s32 $0x9;
	_ =	strace $0x80000048  }
0xb3: {  	_ =	swait.ge [sflag:s29], $0x1  }
0xb4: {  	[sflag:s29] =	ssyncadd.s32 $0xFFFFFFFF  }
0xb5: {  	_ =	strace $0x90000048  }
0xb6: {  	_ =	sfence  }
0xb7: {  	s30 =	sld [smem:$0x0];
	_ =	sdelay $0x2  }
0xb8: {  	s31 =	sshll.u32 s1, $0xD;
	s1 =	sshrl.u32 s1, $0x2  }
0xb9: {  	s3 =	sand.u32 $0x4000, s31;
	s1 =	sadd.s32 s1, s30  }
0xba: {  	s0 =	sor.u32 s3, s0;
	s1 =	sshll.u32 s1, $0x11  }
0xbb: {  	s0 =	sor.u32 s1, s0  }
0xbc: {  	s0 =	sadd.s32 $0x8F2B, s0  }
0xbd: {  	[sflag:s0] =	ssyncadd.remote.s32 $0x1  }
0xbe: {  	_ =	sfence.sel $0xFFFF  }
0xbf: {  	[dreg:$0x0] =	wrdreg $0xFFFFFFFF;
	(pc) =	sbr.abs _section_cstart, $3  }
0xc0: {  	[dreg:$0x1] =	wrdreg $0xFFFFFFFF  }
0xc1: {  	_ =	task.clear_ibuf [dreg:s6], $0x2FFFF;
	_ =	strace $0x9FFFFFFF  }
0xc2: {  	(tm) =	ssettm $0x7FFFFFFF  }
0xc3: {  	_ =	shalt  }
tec
execute0_lowered:
.L_overlay_start_1:
0x0: {  	(tag) =	ssettag $0x1  }
0x1: {  	s0 =	srdreg.scid;
	s1 =	rddreg [dreg:$0x0]  }
0x2: {  	s20 =	stileid.u32;
	s5 =	rddreg [dreg:$0x1]  }
0x3: {  	s2 =	simm.s32 $0x0;
	s28 =	simm.s32 $0x7A80;
	s6 =	smul.u32 $0xA00, s20  }
0x4: {  	s29 =	simm.s32 $0x7800;
	s30 =	simm.s32 $0x0;
	s7 =	smul.u32 $0x280, s20  }
0x5: {  	s3 =	sand.u32 $0x1, s0;
	[smem:$0x7FF] =	sst s2;
	s24 =	smul.u32 $0x5000, s20  }
0x6: {  	s22 =	sshrl.u32 s20, $0x3;
	s25 =	sshll.u32 s20, $0x7;
	s4 =	smul.u32 $0xA000, s3  }
0x7: {  	s8 =	smul.u32 $0x2800, s3;
	_ =	strace $0x80000047;
	s3 =	ssub.s32 $0x2, s3  }
0x8: {  	s31 =	sand.u32 $0x380, s25;
	s25 =	simm.s32 $0x80;
	s23 =	sshrl.u32 s3, $0x1  }
0x9: {  	s4 =	sadd.s32 s6, s4;
	s21 =	sadd.s32 s7, s8;
	s7 =	smul.u32 $0x50000, s22  }
0xa: {  	s22 =	ssub.s32 s3, s23;
	s8 =	sshrl.u32 s24, $0x2;
	s23 =	simm.s32 $0x1  }
0xb: {  	s24 =	simm.s32 $0x5000;
	s4 =	sadd.s32 s4, s1;
	s6 =	sshrl.u32 s21, $0x3  }
0xc: {  	s22 =	smax.u32 s22, $0x1;
	s1 =	sadd.s32 s6, s1;
	s26 =	sshrl.u32 s7, $0x2  }
0xd: {  	s3 =	sadd.s32 $0x4A00, s4;
	s6 =	sadd.s32 s26, s5;
	s5 =	sadd.s32 s8, s5  }
0xe: {  	s21 =	sadd.s32 $0x18A00, s1;
	s26 =	simm.s32 $0x400;
	s4 =	sadd.s32 s31, s6  }
0xf: {  	s6 =	sadd.s32 $0x80, s5;
	s7 =	sadd.s32 $0x100, s5;
	s8 =	sadd.s32 $0x180, s5  }
0x10: {  	s9 =	sadd.s32 $0x200, s5;
	s10 =	sadd.s32 $0x280, s5;
	s11 =	sadd.s32 $0x300, s5  }
0x11: {  	s12 =	sadd.s32 $0x380, s5;
	s13 =	sadd.s32 $0x14000, s5;
	s14 =	sadd.s32 $0x14080, s5  }
0x12: {  	s15 =	sadd.s32 $0x14100, s5;
	s16 =	sadd.s32 $0x14180, s5;
	s17 =	sadd.s32 $0x14200, s5  }
0x13: {  	v0 =	vimm.f32 $0.0e+00;
	v1 =	vimm.f32 $1.000000000e+00;
	s18 =	sadd.s32 $0x14280, s5;
	s19 =	sadd.s32 $0x14300, s5;
	s20 =	sadd.s32 $0x14380, s5  }
.LBB2_1:
0x14: {  	s1 =	simm.s32 $0x40;
	s31 =	simm.s32 $0x0  }
.LBB2_2:
0x15: {  	p0 =	sne.s32 s1, $0x9FC0;
	[tilespmem:s31+$0x5000] =	vst v0;
	s31 =	smov.u32 s1;
	s1 =	sadd.s32 $0x40, s1  }
.Ltmp0:
0x16: {  	(pc) =	sbr.rel @p0 .LBB2_2-.Ltmp0, $2  }
0x17: {  	_ =	sdelay $0x2  }
0x18: {  	s31 =	sshra.s32 s31, $0x2  }
0x19: {  	[tilespmem:s31+$0x5000] =	vst v0;
	s31 =	simm.s32 $0x0  }
0x1a: {  	[tilespmem:s31], [sflag:$0x1] =	stream.linear.gather [hbm4b:s3+s31], $0x5000, $0x38;
	[tilespmem:$0xA500] =	vst v63  }
0x1b: {  	_ =	swait.ge [sflag:s23], $0x5000  }
0x1c: {  	[sflag:s23] =	ssyncset.done $0x0  }
0x1d: {  	[sflag:s23] =	ssyncadd.s32 $0xFFFFB000  }
.LBB2_4:
0x1e: {  	s1 =	sshra.s32 s31, $0x2  }
0x1f: {  	v2 =	vld [tilespmem:s1+$0x0];
	_ =	sdelay $0x7  }
0x20: {  	[tilespmem:v2+s24+$0x0] =	vst.idx.add.f32.msk $0xffff, v1  }
0x21: {  	v2 =	vld [tilespmem:s1+$0x10];
	_ =	sdelay $0x7  }
0x22: {  	[tilespmem:v2+s24+$0x0] =	vst.idx.add.f32.msk $0xffff, v1  }
0x23: {  	v2 =	vld [tilespmem:s1+$0x20];
	_ =	sdelay $0x7  }
0x24: {  	[tilespmem:v2+s24+$0x0] =	vst.idx.add.f32.msk $0xffff, v1  }
0x25: {  	v2 =	vld [tilespmem:s1+$0x30];
	_ =	sdelay $0x7  }
0x26: {  	[tilespmem:v2+s24+$0x0] =	vst.idx.add.f32.msk $0xffff, v1  }
0x27: {  	v2 =	vld [tilespmem:s1+$0x40];
	_ =	sdelay $0x7  }
0x28: {  	[tilespmem:v2+s24+$0x0] =	vst.idx.add.f32.msk $0xffff, v1  }
0x29: {  	v2 =	vld [tilespmem:s1+$0x50];
	_ =	sdelay $0x7  }
0x2a: {  	[tilespmem:v2+s24+$0x0] =	vst.idx.add.f32.msk $0xffff, v1  }
0x2b: {  	v2 =	vld [tilespmem:s1+$0x60];
	_ =	sdelay $0x7  }
0x2c: {  	[tilespmem:v2+s24+$0x0] =	vst.idx.add.f32.msk $0xffff, v1  }
0x2d: {  	v2 =	vld [tilespmem:s1+$0x70];
	_ =	sdelay $0x2  }
0x2e: {  	p0 =	sne.s32 s31, $0x13E00  }
.Ltmp1:
0x2f: {  	_ = 	snop;
	(pc) =	sbr.rel @p0 .LBB2_4-.Ltmp1, $2  }
0x30: {  	_ =	sdelay $0x2  }
0x31: {  	s31 =	sadd.s32 $0x200, s31;
	[tilespmem:v2+s24+$0x0] =	vst.idx.add.f32.msk $0xffff, v1  }
0x32: {  	[spmem:s4] =	stream.strided.scatter [tilespmem:s24], [sflag:$0x1], $0x2800, s26, s25, $0x38;
	[tilespmem:$0xA500] =	vst v63  }
0x33: {  	_ =	swait.ge [sflag:s23], $0x2800  }
0x34: {  	[sflag:s23] =	ssyncset.done $0x0  }
0x35: {  	[sflag:s23] =	ssyncadd.s32 $0xFFFFD800  }
0x36: {  	[bflag:$0x0] =	sbarrier.arrive $0xFFFF  }
0x37: {  	[tilespmem:$0x7800] =	vst v0  }
0x38: {  	[tilespmem:$0x7810] =	vst v0  }
0x39: {  	[tilespmem:$0x7820] =	vst v0  }
0x3a: {  	[tilespmem:$0x7830] =	vst v0  }
0x3b: {  	[tilespmem:$0x7840] =	vst v0  }
0x3c: {  	[tilespmem:$0x7850] =	vst v0  }
0x3d: {  	[tilespmem:$0x7860] =	vst v0  }
0x3e: {  	[tilespmem:$0x7870] =	vst v0  }
0x3f: {  	[tilespmem:$0x7880] =	vst v0  }
0x40: {  	[tilespmem:$0x7890] =	vst v0  }
0x41: {  	[tilespmem:$0x78A0] =	vst v0  }
0x42: {  	[tilespmem:$0x78B0] =	vst v0  }
0x43: {  	[tilespmem:$0x78C0] =	vst v0  }
0x44: {  	[tilespmem:$0x78D0] =	vst v0  }
0x45: {  	[tilespmem:$0x78E0] =	vst v0  }
0x46: {  	[tilespmem:$0x78F0] =	vst v0  }
0x47: {  	[tilespmem:$0x7900] =	vst v0  }
0x48: {  	[tilespmem:$0x7910] =	vst v0  }
0x49: {  	[tilespmem:$0x7920] =	vst v0  }
0x4a: {  	[tilespmem:$0x7930] =	vst v0  }
0x4b: {  	[tilespmem:$0x7940] =	vst v0  }
0x4c: {  	[tilespmem:$0x7950] =	vst v0  }
0x4d: {  	[tilespmem:$0x7960] =	vst v0  }
0x4e: {  	[tilespmem:$0x7970] =	vst v0  }
0x4f: {  	[tilespmem:$0x7980] =	vst v0  }
0x50: {  	[tilespmem:$0x7990] =	vst v0  }
0x51: {  	[tilespmem:$0x79A0] =	vst v0  }
0x52: {  	[tilespmem:$0x79B0] =	vst v0  }
0x53: {  	[tilespmem:$0x79C0] =	vst v0  }
0x54: {  	[tilespmem:$0x79D0] =	vst v0  }
0x55: {  	[tilespmem:$0x79E0] =	vst v0  }
0x56: {  	[tilespmem:$0x79F0] =	vst v0  }
0x57: {  	[tilespmem:$0x7A00] =	vst v0  }
0x58: {  	[tilespmem:$0x7A10] =	vst v0  }
0x59: {  	[tilespmem:$0x7A20] =	vst v0  }
0x5a: {  	[tilespmem:$0x7A30] =	vst v0  }
0x5b: {  	[tilespmem:$0x7A40] =	vst v0  }
0x5c: {  	[tilespmem:$0x7A50] =	vst v0  }
0x5d: {  	[tilespmem:$0x7A60] =	vst v0  }
0x5e: {  	[tilespmem:$0x7A70] =	vst v0  }
0x5f: {  	[tilespmem:s28], [sflag:$0x1] =	stream.strided.gather [spmem:s5], $0x280, s26, s25, $0x38;
	[tilespmem:$0xA500] =	vst v63  }
0x60: {  	_ =	swait.ge [sflag:s23], $0x280  }
0x61: {  	[sflag:s23] =	ssyncset.done $0x0  }
0x62: {  	s31 =	simm.s32 $0x0;
	[sflag:s23] =	ssyncadd.s32 $0xFFFFFD80  }
0x63: {  	s1 =	simm.s32 $0x40;
	v2 =	vld [tilespmem:s31+$0x7A80]  }
.LBB2_6:
0x64: {  	p0 =	sne.s32 s1, $0x9C0;
	v3 =	vld [tilespmem:s31+$0x7800];
	_ =	sdelay $0x2  }
.Ltmp2:
0x65: {  	(pc) =	sbr.rel @p0 .LBB2_6-.Ltmp2, $4  }
0x66: {  	_ = 	snop  }
0x67: {  	v3 =	vadd.f32 v2, v3  }
0x68: {  	s0 =	sshra.s32 s1, $0x2  }
0x69: {  	s1 =	sadd.s32 $0x40, s1;
	v2 =	vld [tilespmem:s0+$0x7A80];
	[tilespmem:s31+$0x7800] =	vst v3;
	s31 =	smov.u32 s0  }
0x6a: {  	v3 =	vld [tilespmem:s31+$0x7800];
	_ =	sdelay $0x4  }
0x6b: {  	v2 =	vadd.f32 v2, v3;
	_ =	sdelay $0x1  }
0x6c: {  	[tilespmem:s31+$0x7800] =	vst v2  }
0x6d: {  	[tilespmem:s28], [sflag:$0x1] =	stream.strided.gather [spmem:s6], $0x280, s26, s25, $0x38;
	[tilespmem:$0xA500] =	vst v63  }
0x6e: {  	_ =	swait.ge [sflag:s23], $0x280  }
0x6f: {  	[sflag:s23] =	ssyncset.done $0x0  }
0x70: {  	s31 =	simm.s32 $0x0;
	[sflag:s23] =	ssyncadd.s32 $0xFFFFFD80  }
0x71: {  	s1 =	simm.s32 $0x40;
	v2 =	vld [tilespmem:s31+$0x7A80]  }
.LBB2_8:
0x72: {  	p0 =	sne.s32 s1, $0x9C0;
	v3 =	vld [tilespmem:s31+$0x7800];
	_ =	sdelay $0x2  }
.Ltmp3:
0x73: {  	(pc) =	sbr.rel @p0 .LBB2_8-.Ltmp3, $4  }
0x74: {  	_ = 	snop  }
0x75: {  	v3 =	vadd.f32 v2, v3  }
0x76: {  	s0 =	sshra.s32 s1, $0x2  }
0x77: {  	s1 =	sadd.s32 $0x40, s1;
	v2 =	vld [tilespmem:s0+$0x7A80];
	[tilespmem:s31+$0x7800] =	vst v3;
	s31 =	smov.u32 s0  }
0x78: {  	v3 =	vld [tilespmem:s31+$0x7800];
	_ =	sdelay $0x4  }
0x79: {  	v2 =	vadd.f32 v2, v3;
	_ =	sdelay $0x1  }
0x7a: {  	[tilespmem:s31+$0x7800] =	vst v2  }
0x7b: {  	[tilespmem:s28], [sflag:$0x1] =	stream.strided.gather [spmem:s7], $0x280, s26, s25, $0x38;
	[tilespmem:$0xA500] =	vst v63  }
0x7c: {  	_ =	swait.ge [sflag:s23], $0x280  }
0x7d: {  	[sflag:s23] =	ssyncset.done $0x0  }
0x7e: {  	s31 =	simm.s32 $0x0;
	[sflag:s23] =	ssyncadd.s32 $0xFFFFFD80  }
0x7f: {  	s1 =	simm.s32 $0x40;
	v2 =	vld [tilespmem:s31+$0x7A80]  }
.LBB2_10:
0x80: {  	p0 =	sne.s32 s1, $0x9C0;
	v3 =	vld [tilespmem:s31+$0x7800];
	_ =	sdelay $0x2  }
.Ltmp4:
0x81: {  	(pc) =	sbr.rel @p0 .LBB2_10-.Ltmp4, $4  }
0x82: {  	_ = 	snop  }
0x83: {  	v3 =	vadd.f32 v2, v3  }
0x84: {  	s0 =	sshra.s32 s1, $0x2  }
0x85: {  	s1 =	sadd.s32 $0x40, s1;
	v2 =	vld [tilespmem:s0+$0x7A80];
	[tilespmem:s31+$0x7800] =	vst v3;
	s31 =	smov.u32 s0  }
0x86: {  	v3 =	vld [tilespmem:s31+$0x7800];
	_ =	sdelay $0x4  }
0x87: {  	v2 =	vadd.f32 v2, v3;
	_ =	sdelay $0x1  }
0x88: {  	[tilespmem:s31+$0x7800] =	vst v2  }
0x89: {  	[tilespmem:s28], [sflag:$0x1] =	stream.strided.gather [spmem:s8], $0x280, s26, s25, $0x38;
	[tilespmem:$0xA500] =	vst v63  }
0x8a: {  	_ =	swait.ge [sflag:s23], $0x280  }
0x8b: {  	[sflag:s23] =	ssyncset.done $0x0  }
0x8c: {  	s31 =	simm.s32 $0x0;
	[sflag:s23] =	ssyncadd.s32 $0xFFFFFD80  }
0x8d: {  	s1 =	simm.s32 $0x40;
	v2 =	vld [tilespmem:s31+$0x7A80]  }
.LBB2_12:
0x8e: {  	p0 =	sne.s32 s1, $0x9C0;
	v3 =	vld [tilespmem:s31+$0x7800];
	_ =	sdelay $0x2  }
.Ltmp5:
0x8f: {  	(pc) =	sbr.rel @p0 .LBB2_12-.Ltmp5, $4  }
0x90: {  	_ = 	snop  }
0x91: {  	v3 =	vadd.f32 v2, v3  }
0x92: {  	s0 =	sshra.s32 s1, $0x2  }
0x93: {  	s1 =	sadd.s32 $0x40, s1;
	v2 =	vld [tilespmem:s0+$0x7A80];
	[tilespmem:s31+$0x7800] =	vst v3;
	s31 =	smov.u32 s0  }
0x94: {  	v3 =	vld [tilespmem:s31+$0x7800];
	_ =	sdelay $0x4  }
0x95: {  	v2 =	vadd.f32 v2, v3;
	_ =	sdelay $0x1  }
0x96: {  	[tilespmem:s31+$0x7800] =	vst v2  }
0x97: {  	[tilespmem:s28], [sflag:$0x1] =	stream.strided.gather [spmem:s9], $0x280, s26, s25, $0x38;
	[tilespmem:$0xA500] =	vst v63  }
0x98: {  	_ =	swait.ge [sflag:s23], $0x280  }
0x99: {  	[sflag:s23] =	ssyncset.done $0x0  }
0x9a: {  	s31 =	simm.s32 $0x0;
	[sflag:s23] =	ssyncadd.s32 $0xFFFFFD80  }
0x9b: {  	s1 =	simm.s32 $0x40;
	v2 =	vld [tilespmem:s31+$0x7A80]  }
.LBB2_14:
0x9c: {  	p0 =	sne.s32 s1, $0x9C0;
	v3 =	vld [tilespmem:s31+$0x7800];
	_ =	sdelay $0x2  }
.Ltmp6:
0x9d: {  	(pc) =	sbr.rel @p0 .LBB2_14-.Ltmp6, $4  }
0x9e: {  	_ = 	snop  }
0x9f: {  	v3 =	vadd.f32 v2, v3  }
0xa0: {  	s0 =	sshra.s32 s1, $0x2  }
0xa1: {  	s1 =	sadd.s32 $0x40, s1;
	v2 =	vld [tilespmem:s0+$0x7A80];
	[tilespmem:s31+$0x7800] =	vst v3;
	s31 =	smov.u32 s0  }
0xa2: {  	v3 =	vld [tilespmem:s31+$0x7800];
	_ =	sdelay $0x4  }
0xa3: {  	v2 =	vadd.f32 v2, v3;
	_ =	sdelay $0x1  }
0xa4: {  	[tilespmem:s31+$0x7800] =	vst v2  }
0xa5: {  	[tilespmem:s28], [sflag:$0x1] =	stream.strided.gather [spmem:s10], $0x280, s26, s25, $0x38;
	[tilespmem:$0xA500] =	vst v63  }
0xa6: {  	_ =	swait.ge [sflag:s23], $0x280  }
0xa7: {  	[sflag:s23] =	ssyncset.done $0x0  }
0xa8: {  	s31 =	simm.s32 $0x0;
	[sflag:s23] =	ssyncadd.s32 $0xFFFFFD80  }
0xa9: {  	s1 =	simm.s32 $0x40;
	v2 =	vld [tilespmem:s31+$0x7A80]  }
.LBB2_16:
0xaa: {  	p0 =	sne.s32 s1, $0x9C0;
	v3 =	vld [tilespmem:s31+$0x7800];
	_ =	sdelay $0x2  }
.Ltmp7:
0xab: {  	(pc) =	sbr.rel @p0 .LBB2_16-.Ltmp7, $4  }
0xac: {  	_ = 	snop  }
0xad: {  	v3 =	vadd.f32 v2, v3  }
0xae: {  	s0 =	sshra.s32 s1, $0x2  }
0xaf: {  	s1 =	sadd.s32 $0x40, s1;
	v2 =	vld [tilespmem:s0+$0x7A80];
	[tilespmem:s31+$0x7800] =	vst v3;
	s31 =	smov.u32 s0  }
0xb0: {  	v3 =	vld [tilespmem:s31+$0x7800];
	_ =	sdelay $0x4  }
0xb1: {  	v2 =	vadd.f32 v2, v3;
	_ =	sdelay $0x1  }
0xb2: {  	[tilespmem:s31+$0x7800] =	vst v2  }
0xb3: {  	[tilespmem:s28], [sflag:$0x1] =	stream.strided.gather [spmem:s11], $0x280, s26, s25, $0x38;
	[tilespmem:$0xA500] =	vst v63  }
0xb4: {  	_ =	swait.ge [sflag:s23], $0x280  }
0xb5: {  	[sflag:s23] =	ssyncset.done $0x0  }
0xb6: {  	s31 =	simm.s32 $0x0;
	[sflag:s23] =	ssyncadd.s32 $0xFFFFFD80  }
0xb7: {  	s1 =	simm.s32 $0x40;
	v2 =	vld [tilespmem:s31+$0x7A80]  }
.LBB2_18:
0xb8: {  	p0 =	sne.s32 s1, $0x9C0;
	v3 =	vld [tilespmem:s31+$0x7800];
	_ =	sdelay $0x2  }
.Ltmp8:
0xb9: {  	(pc) =	sbr.rel @p0 .LBB2_18-.Ltmp8, $4  }
0xba: {  	_ = 	snop  }
0xbb: {  	v3 =	vadd.f32 v2, v3  }
0xbc: {  	s0 =	sshra.s32 s1, $0x2  }
0xbd: {  	s1 =	sadd.s32 $0x40, s1;
	v2 =	vld [tilespmem:s0+$0x7A80];
	[tilespmem:s31+$0x7800] =	vst v3;
	s31 =	smov.u32 s0  }
0xbe: {  	v3 =	vld [tilespmem:s31+$0x7800];
	_ =	sdelay $0x4  }
0xbf: {  	v2 =	vadd.f32 v2, v3;
	_ =	sdelay $0x1  }
0xc0: {  	[tilespmem:s31+$0x7800] =	vst v2  }
0xc1: {  	[tilespmem:s28], [sflag:$0x1] =	stream.strided.gather [spmem:s12], $0x280, s26, s25, $0x38;
	[tilespmem:$0xA500] =	vst v63  }
0xc2: {  	_ =	swait.ge [sflag:s23], $0x280  }
0xc3: {  	[sflag:s23] =	ssyncset.done $0x0  }
0xc4: {  	s31 =	simm.s32 $0x0;
	[sflag:s23] =	ssyncadd.s32 $0xFFFFFD80  }
0xc5: {  	s1 =	simm.s32 $0x40;
	v2 =	vld [tilespmem:s31+$0x7A80]  }
.LBB2_20:
0xc6: {  	p0 =	sne.s32 s1, $0x9C0;
	v3 =	vld [tilespmem:s31+$0x7800];
	_ =	sdelay $0x2  }
.Ltmp9:
0xc7: {  	(pc) =	sbr.rel @p0 .LBB2_20-.Ltmp9, $4  }
0xc8: {  	_ = 	snop  }
0xc9: {  	v3 =	vadd.f32 v2, v3  }
0xca: {  	s0 =	sshra.s32 s1, $0x2  }
0xcb: {  	s1 =	sadd.s32 $0x40, s1;
	v2 =	vld [tilespmem:s0+$0x7A80];
	[tilespmem:s31+$0x7800] =	vst v3;
	s31 =	smov.u32 s0  }
0xcc: {  	v3 =	vld [tilespmem:s31+$0x7800];
	_ =	sdelay $0x4  }
0xcd: {  	v2 =	vadd.f32 v2, v3;
	_ =	sdelay $0x1  }
0xce: {  	[tilespmem:s31+$0x7800] =	vst v2  }
0xcf: {  	[tilespmem:s28], [sflag:$0x1] =	stream.strided.gather [spmem:s13], $0x280, s26, s25, $0x38;
	[tilespmem:$0xA500] =	vst v63  }
0xd0: {  	_ =	swait.ge [sflag:s23], $0x280  }
0xd1: {  	[sflag:s23] =	ssyncset.done $0x0  }
0xd2: {  	s31 =	simm.s32 $0x0;
	[sflag:s23] =	ssyncadd.s32 $0xFFFFFD80  }
0xd3: {  	s1 =	simm.s32 $0x40;
	v2 =	vld [tilespmem:s31+$0x7A80]  }
.LBB2_22:
0xd4: {  	p0 =	sne.s32 s1, $0x9C0;
	v3 =	vld [tilespmem:s31+$0x7800];
	_ =	sdelay $0x2  }
.Ltmp10:
0xd5: {  	(pc) =	sbr.rel @p0 .LBB2_22-.Ltmp10, $4  }
0xd6: {  	_ = 	snop  }
0xd7: {  	v3 =	vadd.f32 v2, v3  }
0xd8: {  	s0 =	sshra.s32 s1, $0x2  }
0xd9: {  	s1 =	sadd.s32 $0x40, s1;
	v2 =	vld [tilespmem:s0+$0x7A80];
	[tilespmem:s31+$0x7800] =	vst v3;
	s31 =	smov.u32 s0  }
0xda: {  	v3 =	vld [tilespmem:s31+$0x7800];
	_ =	sdelay $0x4  }
0xdb: {  	v2 =	vadd.f32 v2, v3;
	_ =	sdelay $0x1  }
0xdc: {  	[tilespmem:s31+$0x7800] =	vst v2  }
0xdd: {  	[tilespmem:s28], [sflag:$0x1] =	stream.strided.gather [spmem:s14], $0x280, s26, s25, $0x38;
	[tilespmem:$0xA500] =	vst v63  }
0xde: {  	_ =	swait.ge [sflag:s23], $0x280  }
0xdf: {  	[sflag:s23] =	ssyncset.done $0x0  }
0xe0: {  	s31 =	simm.s32 $0x0;
	[sflag:s23] =	ssyncadd.s32 $0xFFFFFD80  }
0xe1: {  	s1 =	simm.s32 $0x40;
	v2 =	vld [tilespmem:s31+$0x7A80]  }
.LBB2_24:
0xe2: {  	p0 =	sne.s32 s1, $0x9C0;
	v3 =	vld [tilespmem:s31+$0x7800];
	_ =	sdelay $0x2  }
.Ltmp11:
0xe3: {  	(pc) =	sbr.rel @p0 .LBB2_24-.Ltmp11, $4  }
0xe4: {  	_ = 	snop  }
0xe5: {  	v3 =	vadd.f32 v2, v3  }
0xe6: {  	s0 =	sshra.s32 s1, $0x2  }
0xe7: {  	s1 =	sadd.s32 $0x40, s1;
	v2 =	vld [tilespmem:s0+$0x7A80];
	[tilespmem:s31+$0x7800] =	vst v3;
	s31 =	smov.u32 s0  }
0xe8: {  	v3 =	vld [tilespmem:s31+$0x7800];
	_ =	sdelay $0x4  }
0xe9: {  	v2 =	vadd.f32 v2, v3;
	_ =	sdelay $0x1  }
0xea: {  	[tilespmem:s31+$0x7800] =	vst v2  }
0xeb: {  	[tilespmem:s28], [sflag:$0x1] =	stream.strided.gather [spmem:s15], $0x280, s26, s25, $0x38;
	[tilespmem:$0xA500] =	vst v63  }
0xec: {  	_ =	swait.ge [sflag:s23], $0x280  }
0xed: {  	[sflag:s23] =	ssyncset.done $0x0  }
0xee: {  	s31 =	simm.s32 $0x0;
	[sflag:s23] =	ssyncadd.s32 $0xFFFFFD80  }
0xef: {  	s1 =	simm.s32 $0x40;
	v2 =	vld [tilespmem:s31+$0x7A80]  }
.LBB2_26:
0xf0: {  	p0 =	sne.s32 s1, $0x9C0;
	v3 =	vld [tilespmem:s31+$0x7800];
	_ =	sdelay $0x2  }
.Ltmp12:
0xf1: {  	(pc) =	sbr.rel @p0 .LBB2_26-.Ltmp12, $4  }
0xf2: {  	_ = 	snop  }
0xf3: {  	v3 =	vadd.f32 v2, v3  }
0xf4: {  	s0 =	sshra.s32 s1, $0x2  }
0xf5: {  	s1 =	sadd.s32 $0x40, s1;
	v2 =	vld [tilespmem:s0+$0x7A80];
	[tilespmem:s31+$0x7800] =	vst v3;
	s31 =	smov.u32 s0  }
0xf6: {  	v3 =	vld [tilespmem:s31+$0x7800];
	_ =	sdelay $0x4  }
0xf7: {  	v2 =	vadd.f32 v2, v3;
	_ =	sdelay $0x1  }
0xf8: {  	[tilespmem:s31+$0x7800] =	vst v2  }
0xf9: {  	[tilespmem:s28], [sflag:$0x1] =	stream.strided.gather [spmem:s16], $0x280, s26, s25, $0x38;
	[tilespmem:$0xA500] =	vst v63  }
0xfa: {  	_ =	swait.ge [sflag:s23], $0x280  }
0xfb: {  	[sflag:s23] =	ssyncset.done $0x0  }
0xfc: {  	s31 =	simm.s32 $0x0;
	[sflag:s23] =	ssyncadd.s32 $0xFFFFFD80  }
0xfd: {  	s1 =	simm.s32 $0x40;
	v2 =	vld [tilespmem:s31+$0x7A80]  }
.LBB2_28:
0xfe: {  	p0 =	sne.s32 s1, $0x9C0;
	v3 =	vld [tilespmem:s31+$0x7800];
	_ =	sdelay $0x2  }
.Ltmp13:
0xff: {  	(pc) =	sbr.rel @p0 .LBB2_28-.Ltmp13, $4  }
0x100: {  	_ = 	snop  }
0x101: {  	v3 =	vadd.f32 v2, v3  }
0x102: {  	s0 =	sshra.s32 s1, $0x2  }
0x103: {  	s1 =	sadd.s32 $0x40, s1;
	v2 =	vld [tilespmem:s0+$0x7A80];
	[tilespmem:s31+$0x7800] =	vst v3;
	s31 =	smov.u32 s0  }
0x104: {  	v3 =	vld [tilespmem:s31+$0x7800];
	_ =	sdelay $0x4  }
0x105: {  	v2 =	vadd.f32 v2, v3;
	_ =	sdelay $0x1  }
0x106: {  	[tilespmem:s31+$0x7800] =	vst v2  }
0x107: {  	[tilespmem:s28], [sflag:$0x1] =	stream.strided.gather [spmem:s17], $0x280, s26, s25, $0x38;
	[tilespmem:$0xA500] =	vst v63  }
0x108: {  	_ =	swait.ge [sflag:s23], $0x280  }
0x109: {  	[sflag:s23] =	ssyncset.done $0x0  }
0x10a: {  	s31 =	simm.s32 $0x0;
	[sflag:s23] =	ssyncadd.s32 $0xFFFFFD80  }
0x10b: {  	s1 =	simm.s32 $0x40;
	v2 =	vld [tilespmem:s31+$0x7A80]  }
.LBB2_30:
0x10c: {  	p0 =	sne.s32 s1, $0x9C0;
	v3 =	vld [tilespmem:s31+$0x7800];
	_ =	sdelay $0x2  }
.Ltmp14:
0x10d: {  	(pc) =	sbr.rel @p0 .LBB2_30-.Ltmp14, $4  }
0x10e: {  	_ = 	snop  }
0x10f: {  	v3 =	vadd.f32 v2, v3  }
0x110: {  	s0 =	sshra.s32 s1, $0x2  }
0x111: {  	s1 =	sadd.s32 $0x40, s1;
	v2 =	vld [tilespmem:s0+$0x7A80];
	[tilespmem:s31+$0x7800] =	vst v3;
	s31 =	smov.u32 s0  }
0x112: {  	v3 =	vld [tilespmem:s31+$0x7800];
	_ =	sdelay $0x4  }
0x113: {  	v2 =	vadd.f32 v2, v3;
	_ =	sdelay $0x1  }
0x114: {  	[tilespmem:s31+$0x7800] =	vst v2  }
0x115: {  	[tilespmem:s28], [sflag:$0x1] =	stream.strided.gather [spmem:s18], $0x280, s26, s25, $0x38;
	[tilespmem:$0xA500] =	vst v63  }
0x116: {  	_ =	swait.ge [sflag:s23], $0x280  }
0x117: {  	[sflag:s23] =	ssyncset.done $0x0  }
0x118: {  	s31 =	simm.s32 $0x0;
	[sflag:s23] =	ssyncadd.s32 $0xFFFFFD80  }
0x119: {  	s1 =	simm.s32 $0x40;
	v2 =	vld [tilespmem:s31+$0x7A80]  }
.LBB2_32:
0x11a: {  	p0 =	sne.s32 s1, $0x9C0;
	v3 =	vld [tilespmem:s31+$0x7800];
	_ =	sdelay $0x2  }
.Ltmp15:
0x11b: {  	(pc) =	sbr.rel @p0 .LBB2_32-.Ltmp15, $4  }
0x11c: {  	_ = 	snop  }
0x11d: {  	v3 =	vadd.f32 v2, v3  }
0x11e: {  	s0 =	sshra.s32 s1, $0x2  }
0x11f: {  	s1 =	sadd.s32 $0x40, s1;
	v2 =	vld [tilespmem:s0+$0x7A80];
	[tilespmem:s31+$0x7800] =	vst v3;
	s31 =	smov.u32 s0  }
0x120: {  	v3 =	vld [tilespmem:s31+$0x7800];
	_ =	sdelay $0x4  }
0x121: {  	v2 =	vadd.f32 v2, v3;
	_ =	sdelay $0x1  }
0x122: {  	[tilespmem:s31+$0x7800] =	vst v2  }
0x123: {  	[tilespmem:s28], [sflag:$0x1] =	stream.strided.gather [spmem:s19], $0x280, s26, s25, $0x38;
	[tilespmem:$0xA500] =	vst v63  }
0x124: {  	_ =	swait.ge [sflag:s23], $0x280  }
0x125: {  	[sflag:s23] =	ssyncset.done $0x0  }
0x126: {  	s31 =	simm.s32 $0x0;
	[sflag:s23] =	ssyncadd.s32 $0xFFFFFD80  }
0x127: {  	s1 =	simm.s32 $0x40;
	v2 =	vld [tilespmem:s31+$0x7A80]  }
.LBB2_34:
0x128: {  	p0 =	sne.s32 s1, $0x9C0;
	v3 =	vld [tilespmem:s31+$0x7800];
	_ =	sdelay $0x2  }
.Ltmp16:
0x129: {  	(pc) =	sbr.rel @p0 .LBB2_34-.Ltmp16, $4  }
0x12a: {  	_ = 	snop  }
0x12b: {  	v3 =	vadd.f32 v2, v3  }
0x12c: {  	s0 =	sshra.s32 s1, $0x2  }
0x12d: {  	s1 =	sadd.s32 $0x40, s1;
	v2 =	vld [tilespmem:s0+$0x7A80];
	[tilespmem:s31+$0x7800] =	vst v3;
	s31 =	smov.u32 s0  }
0x12e: {  	v3 =	vld [tilespmem:s31+$0x7800];
	_ =	sdelay $0x4  }
0x12f: {  	v2 =	vadd.f32 v2, v3;
	_ =	sdelay $0x1  }
0x130: {  	[tilespmem:s31+$0x7800] =	vst v2  }
0x131: {  	[tilespmem:s28], [sflag:$0x1] =	stream.strided.gather [spmem:s20], $0x280, s26, s25, $0x38;
	[tilespmem:$0xA500] =	vst v63  }
0x132: {  	_ =	swait.ge [sflag:s23], $0x280  }
0x133: {  	[sflag:s23] =	ssyncset.done $0x0  }
0x134: {  	s31 =	simm.s32 $0x0;
	[sflag:s23] =	ssyncadd.s32 $0xFFFFFD80  }
0x135: {  	s1 =	simm.s32 $0x40;
	v2 =	vld [tilespmem:s31+$0x7A80]  }
.LBB2_36:
0x136: {  	p0 =	sne.s32 s1, $0x9C0;
	v3 =	vld [tilespmem:s31+$0x7800];
	_ =	sdelay $0x2  }
.Ltmp17:
0x137: {  	(pc) =	sbr.rel @p0 .LBB2_36-.Ltmp17, $4  }
0x138: {  	_ = 	snop  }
0x139: {  	v3 =	vadd.f32 v2, v3  }
0x13a: {  	s0 =	sshra.s32 s1, $0x2  }
0x13b: {  	s1 =	sadd.s32 $0x40, s1;
	v2 =	vld [tilespmem:s0+$0x7A80];
	[tilespmem:s31+$0x7800] =	vst v3;
	s31 =	smov.u32 s0  }
0x13c: {  	v3 =	vld [tilespmem:s31+$0x7800];
	_ =	sdelay $0x4  }
0x13d: {  	s30 =	sadd.s32 $0x1, s30;
	v2 =	vadd.f32 v2, v3  }
0x13e: {  	p0 =	sne.s32 s30, s22  }
.Ltmp18:
0x13f: {  	[tilespmem:s31+$0x7800] =	vst v2;
	(pc) =	sbr.rel @p0 .LBB2_1-.Ltmp18, $4  }
0x140: {  	[hbm4b:s21+s2] =	stream.linear.scatter [tilespmem:s29], [sflag:$0x1], $0x280, $0x38;
	[tilespmem:$0xA500] =	vst v63  }
0x141: {  	_ =	swait.ge [sflag:s23], $0x280  }
0x142: {  	[sflag:s23] =	ssyncset.done $0x0  }
0x143: {  	[sflag:s23] =	ssyncadd.s32 $0xFFFFFD80  }
0x144: {  	_ =	sfence.sel $0x180000  }
0x145: {  	[bflag:$0x0] =	sbarrier.arrive $0xFFFF  }
0x146: {  	_ =	strace $0x90000047  }
0x147: {  	s0 =	stileid.u32;
	[bflag:$0x2] =	sbarrier.arrive $0xFFFF  }
0x148: {  	p0 =	sne.s32 s0, $0x0;
	s0 =	rddreg [dreg:$0x2]  }
0x149: {  	s0 =	sadd.s32 @!p0 $0x100000, s0  }
0x14a: {  	[sflag:s0] =	ssyncadd.tile.s32 @!p0 $0x1;
	_ =	shalt  }
.Lfunc_end2:
_tile_overlayer_lowered:
.L_overlay_start_2:
0x14b: {  	(tag) =	ssettag $0x2  }
0x14c: {  	s0 =	rddreg [dreg:$0x0];
	s2 =	stileid.u32  }
0x14d: {  	s1 =	rddreg [dreg:$0x1];
	p0 =	sne.s32 s2, $0x0  }
0x14e: {  	s3 =	rddreg [dreg:$0x2];
	[bflag:$0x3] =	sbarrier.arrive $0xFFFF;
	s2 =	simm.s32 @!p0 $0x1C01  }
0x14f: {  	[timem:s3], [sflag:s2] =	dma.local @!p0 [hbm:s0], s1  }
0x150: {  	s0 =	simm.s32 @!p0 $0x1  }
0x151: {  	_ =	swait.ge @!p0 [sflag:s0], s1  }
0x152: {  	s1 =	ssub.s32 @!p0 $0x0, s1;
	[sflag:s0] =	ssyncset.done @!p0 $0x0  }
0x153: {  	[sflag:s0] =	ssyncadd.s32 @!p0 s1  }
0x154: {  	[bflag:$0x3] =	sbarrier.arrive $0xFFFF  }
0x155: {  	_ =	shalt  }

// kernel: kernel.16.cloned.1.call-start
scs
__scs_entry_jumppad:
0x0: {  	(pc) =	sbr.rel $0x88, $3  }
0x1: {  	(tag) =	ssettag $0x0;
	lr =	simm.s32 $0x1  }
0x2: {  	[smem:$0x3F9A] =	sst lr;
	_ =	strace $0xD0000000  }
0x3: {  	_ = 	snop  }
0x4: {  	_ = 	snop  }
0x5: {  	_ = 	snop  }
0x6: {  	_ = 	snop  }
0x7: {  	_ = 	snop  }
__scs_overlays_trampoline_lowered:
0x8: {  	[smem:$0x3FA9] =	sst s0  }
0x9: {  	[smem:$0x3FAA] =	sst s1  }
0xa: {  	[smem:$0x3FAB] =	sst s2  }
0xb: {  	[smem:$0x3FAC] =	sst s3  }
0xc: {  	[smem:$0x3FAD] =	sst s4  }
0xd: {  	[smem:$0x3FAE] =	sst s5  }
0xe: {  	[smem:$0x3FAF] =	sst s6  }
0xf: {  	[smem:$0x3FB0] =	sst s7  }
0x10: {  	[smem:$0x3FB1] =	sst s8  }
0x11: {  	[smem:$0x3FB2] =	sst s9;
	s0 =	simm.s32 @!p0 $0x0  }
0x12: {  	s1 =	sld [smem:$0x3F98];
	s0 =	simm.s32 @p0 $0x1  }
0x13: {  	[smem:$0x3FB3] =	sst s0;
	s0 =	simm.s32 @!p1 $0x0  }
0x14: {  	s2 =	sld [smem:$0x3F97];
	s0 =	simm.s32 @p1 $0x1  }
0x15: {  	[smem:$0x3FB4] =	sst s0;
	s0 =	simm.s32 @!p2 $0x0  }
0x16: {  	s3 =	sld [smem:$0x3FDB];
	s0 =	simm.s32 @p2 $0x1  }
0x17: {  	s4 =	simm.s32 $0x1BF5;
	[smem:$0x3FB6] =	sst s0  }
0x18: {  	s0 =	sld [smem:$0x3F99];
	_ =	swait.ge [sflag:s4], $0x0  }
0x19: {  	s7 =	sld [smem:$0x3F9A]  }
0x1a: {  	s8 =	sadd.s32 $0xFFFFE003, lr  }
0x1b: {  	s9 =	sadd.s32 $0xFFFFFEF7, lr;
	s5 =	simm.s32 $0xFFFFFFFF;
	p2 =	slt.u32 s8, $0xFFFFF086  }
0x1c: {  	p1 =	slt.u32 s9, $0xF7A;
	s5 =	simm.s32 @!p2 $0x0  }
0x1d: {  	s5 =	simm.s32 @p1 $0x1;
	p0 =	seq.s32 s7, s2  }
0x1e: {  	s7 =	smul.u32 @!p0 $0xF7A, s2;
	p2 =	seq.s32 @!p0 s5, $0x0  }
0x1f: {  	s9 =	smul.u32 $0xF7A, s1;
	s8 =	simm.s32 @!p0 $0x1BF5;
	p2 =	por !p2, p0  }
0x20: {  	[sflag:s8] =	ssyncset.s32 @!p0 $0xFFFFF086;
	s6 =	sadd.s32 @!p0 s3, s7;
	s7 =	simm.s32 @!p0 $0x108  }
0x21: {  	s3 =	sadd.s32 s3, s9;
	s6 =	sadd.s32 @!p0 $0x88, s6;
	s7 =	simm.s32 @p2 $0x1082  }
0x22: {  	[simem:s7], [sflag:s8] =	dma.local @!p0 [hbm:s6], $0xF7A  }
0x23: {  	s9 =	sor.u32 $0xD0000000, s2;
	s6 =	simm.s32 $0x108;
	_ =	swait.ge @!p0 [sflag:s8], $0x0  }
0x24: {  	s3 =	sadd.s32 $0x88, s3;
	s6 =	simm.s32 @!p1 $0x1082;
	[sflag:s4] =	ssyncset.s32 $0xFFFFF086  }
0x25: {  	[simem:s6], [sflag:s4] =	dma.local [hbm:s3], $0xF7A  }
0x26: {  	[smem:$0x3F9A] =	sst s1;
	(tag) =	ssettag s2;
	_ =	strace s9  }
0x27: {  	s1 =	sld [smem:$0x3FAA]  }
0x28: {  	s2 =	sld [smem:$0x3FAB]  }
0x29: {  	s4 =	sld [smem:$0x3FAD]  }
0x2a: {  	p0 =	seq.s32 s5, $0x0;
	s5 =	sld [smem:$0x3FAE]  }
0x2b: {  	s6 =	sld [smem:$0x3FAF]  }
0x2c: {  	s7 =	sld [smem:$0x3FB0]  }
0x2d: {  	s3 =	simm.s32 $0x108;
	s8 =	sld [smem:$0x3FB1]  }
0x2e: {  	s3 =	simm.s32 @!p0 $0x1082;
	s9 =	sld [smem:$0x3FB2]  }
0x2f: {  	lr =	sadd.s32 s0, s3;
	s0 =	sld [smem:$0x3FA9]  }
0x30: {  	s3 =	sld [smem:$0x3FAC]  }
0x31: {  	[smem:$0x3FB5] =	sst s10  }
0x32: {  	s10 =	sld [smem:$0x3FB3];
	_ =	sdelay $0x3  }
0x33: {  	p0 =	seq.s32 s10, $0x1;
	s10 =	sld [smem:$0x3FB5];
	_ =	sdelay $0x3  }
0x34: {  	[smem:$0x3FB5] =	sst s10  }
0x35: {  	s10 =	sld [smem:$0x3FB4];
	_ =	sdelay $0x3  }
0x36: {  	p1 =	seq.s32 s10, $0x1;
	s10 =	sld [smem:$0x3FB5];
	_ =	sdelay $0x3  }
0x37: {  	[smem:$0x3FB5] =	sst s10  }
0x38: {  	s10 =	sld [smem:$0x3FB6]  }
0x39: {  	_ = 	snop;
	(pc) =	sbr.ind lr, $3  }
0x3a: {  	_ = 	snop  }
0x3b: {  	_ = 	snop  }
0x3c: {  	p2 =	seq.s32 s10, $0x1;
	s10 =	sld [smem:$0x3FB5]  }
0x3d: {  	_ =	shalt  }
0x3e: {  	_ =	shalt  }
0x3f: {  	_ =	shalt  }
0x40: {  	_ =	shalt  }
0x41: {  	_ =	shalt  }
0x42: {  	_ =	shalt  }
0x43: {  	_ =	shalt  }
0x44: {  	_ =	shalt  }
0x45: {  	_ =	shalt  }
0x46: {  	_ =	shalt  }
0x47: {  	_ =	shalt  }
0x48: {  	_ =	shalt  }
0x49: {  	_ =	shalt  }
0x4a: {  	_ =	shalt  }
0x4b: {  	_ =	shalt  }
0x4c: {  	_ =	shalt  }
0x4d: {  	_ =	shalt  }
0x4e: {  	_ =	shalt  }
0x4f: {  	_ =	shalt  }
0x50: {  	_ =	shalt  }
0x51: {  	_ =	shalt  }
0x52: {  	_ =	shalt  }
0x53: {  	_ =	shalt  }
0x54: {  	_ =	shalt  }
0x55: {  	_ =	shalt  }
0x56: {  	_ =	shalt  }
0x57: {  	_ =	shalt  }
0x58: {  	_ =	shalt  }
0x59: {  	_ =	shalt  }
0x5a: {  	_ =	shalt  }
0x5b: {  	_ =	shalt  }
0x5c: {  	_ =	shalt  }
0x5d: {  	_ =	shalt  }
0x5e: {  	_ =	shalt  }
0x5f: {  	_ =	shalt  }
0x60: {  	_ =	shalt  }
0x61: {  	_ =	shalt  }
0x62: {  	_ =	shalt  }
0x63: {  	_ =	shalt  }
0x64: {  	_ =	shalt  }
0x65: {  	_ =	shalt  }
0x66: {  	_ =	shalt  }
0x67: {  	_ =	shalt  }
0x68: {  	_ =	shalt  }
0x69: {  	_ =	shalt  }
0x6a: {  	_ =	shalt  }
0x6b: {  	_ =	shalt  }
0x6c: {  	_ =	shalt  }
0x6d: {  	_ =	shalt  }
0x6e: {  	_ =	shalt  }
0x6f: {  	_ =	shalt  }
0x70: {  	_ =	shalt  }
0x71: {  	_ =	shalt  }
0x72: {  	_ =	shalt  }
0x73: {  	_ =	shalt  }
0x74: {  	_ =	shalt  }
0x75: {  	_ =	shalt  }
0x76: {  	_ =	shalt  }
0x77: {  	_ =	shalt  }
0x78: {  	_ =	shalt  }
0x79: {  	_ =	shalt  }
0x7a: {  	_ =	shalt  }
0x7b: {  	_ =	shalt  }
0x7c: {  	_ =	shalt  }
0x7d: {  	_ =	shalt  }
0x7e: {  	_ =	shalt  }
0x7f: {  	_ =	shalt  }
0x80: {  	_ =	shalt  }
0x81: {  	_ =	shalt  }
0x82: {  	_ =	shalt  }
0x83: {  	_ =	shalt  }
0x84: {  	_ =	shalt  }
0x85: {  	_ =	shalt  }
0x86: {  	_ =	shalt  }
0x87: {  	_ =	shalt  }
.Lfunc_end0:
.L_simem_size_0:
called_computation.1_lowered:
.L_overlay_start_0:
0x88: {  	s2 =	sld [smem:$0x3FD9]  }
0x89: {  	s3 =	sld [smem:$0x3FFE];
	_ =	sdelay $0x1  }
0x8a: {  	s1 =	srdreg.scid  }
0x8b: {  	s0 =	sand.u32 $0x1, s1  }
0x8c: {  	s17 =	sshll.u32 s0, $0xA;
	s2 =	sadd.s32 s3, s2  }
0x8d: {  	s2 =	sadd.s32 s2, s17  }
0x8e: {  	[smem:$0x3FC1] =	sst s2  }
0x8f: {  	_ = 	snop  }
0x90: {  	s2 =	sld [smem:$0x3FD0];
	(tm) =	ssettm $0x1  }
0x91: {  	s18 =	sld [smem:$0x3FFB];
	_ =	sdelay $0x3  }
0x92: {  	_ =	strace s18  }
0x93: {  	s3 =	sld [smem:$0x3FFC];
	_ =	sdelay $0x3  }
0x94: {  	_ =	strace s3  }
0x95: {  	s3 =	sld [smem:$0x3FFD];
	_ =	sdelay $0x3  }
0x96: {  	_ =	strace s3  }
0x97: {  	_ =	strace $0x8FFFFFFF  }
0x98: {  	s19 =	sld [smem:$0x3FDB];
	_ =	sdelay $0x1  }
0x99: {  	s4 =	simm.s32 $_scs_section_size  }
0x9a: {  	s5 =	simm.s32 $_size__tile_overlayer_lowered;
	s6 =	simm.s32 $_tile_overlayer_lowered  }
0x9b: {  	s22 =	simm.s32 $0x1BFF;
	s21 =	sshll.u32 s6, $0x1;
	s3 =	sadd.s32 s4, s19  }
0x9c: {  	s7 =	simm.s32 $0x0;
	s20 =	sshll.u32 s5, $0x1;
	s5 =	sadd.s32 s21, s3  }
0x9d: {  	[timem:s7], [sflag:s22] =	dma.local [hbm:s5], s20  }
0x9e: {  	_ =	swait.ge [sflag:s22], s20  }
0x9f: {  	s4 =	ssub.s32 $0x0, s20;
	[sflag:s22] =	ssyncset.done $0x0  }
0xa0: {  	[sflag:s22] =	ssyncadd.s32 s4;
	_ =	sdelay $0x1  }
0xa1: {  	s23 =	simm.s32 $0x1B8B  }
0xa2: {  	_ =	swait.ge [sflag:s23], $0x1  }
0xa3: {  	[sflag:s23] =	ssyncset.done $0x0  }
0xa4: {  	s25 =	simm.s32 $0x1B8E;
	s24 =	sld [smem:$0x3FFE];
	[sflag:s23] =	ssyncadd.s32 $0xFFFFFFFF  }
0xa5: {  	s26 =	simm.s32 $execute0_lowered;
	[smem:$0x3FD2] =	sst s25  }
0xa6: {  	s5 =	sshll.u32 s26, $0x1;
	_ =	strace $0x80000049;
	[dreg:$0x1] =	wrdreg $0xFFFFFFFF  }
0xa7: {  	s28 =	simm.s32 $_size_execute0_lowered;
	s3 =	sadd.s32 s3, s5;
	[dreg:$0x0] =	wrdreg $0x0  }
0xa8: {  	s5 =	sshll.u32 s28, $0x1;
	[dreg:$0x2] =	wrdreg s3  }
0xa9: {  	[dreg:$0x3] =	wrdreg s5  }
0xaa: {  	[dreg:$0x4] =	wrdreg $0xC0  }
0xab: {  	_ =	task [dreg:s7], $0x5FFFF  }
0xac: {  	[dreg:$0x1] =	wrdreg $0xFFFFFFFF  }
0xad: {  	[dreg:$0x0] =	wrdreg $0x60  }
0xae: {  	[dreg:$0x2] =	wrdreg s24  }
0xaf: {  	[dreg:$0x3] =	wrdreg s2  }
0xb0: {  	[dreg:$0x4] =	wrdreg $0xA8000  }
0xb1: {  	[dreg:$0x5] =	wrdreg $0x9  }
0xb2: {  	_ =	task.clear_ibuf [dreg:s7], $0x6FFFF;
	_ =	strace $0x90000049  }
0xb3: {  	s29 =	simm.s32 $0x9;
	_ =	strace $0x8000004B  }
0xb4: {  	_ =	swait.ge [sflag:s29], $0x1  }
0xb5: {  	[sflag:s29] =	ssyncadd.s32 $0xFFFFFFFF  }
0xb6: {  	_ =	strace $0x9000004B  }
0xb7: {  	_ =	sfence  }
0xb8: {  	s30 =	sld [smem:$0x0];
	_ =	sdelay $0x2  }
0xb9: {  	s31 =	sshll.u32 s1, $0xD;
	s1 =	sshrl.u32 s1, $0x2  }
0xba: {  	s3 =	sand.u32 $0x4000, s31;
	s1 =	sadd.s32 s1, s30  }
0xbb: {  	s0 =	sor.u32 s3, s0;
	s1 =	sshll.u32 s1, $0x11  }
0xbc: {  	s0 =	sor.u32 s1, s0  }
0xbd: {  	s0 =	sadd.s32 $0x8F2B, s0  }
0xbe: {  	[sflag:s0] =	ssyncadd.remote.s32 $0x1  }
0xbf: {  	_ =	sfence.sel $0xFFFF  }
0xc0: {  	[dreg:$0x0] =	wrdreg $0xFFFFFFFF;
	(pc) =	sbr.abs _section_cstart, $3  }
0xc1: {  	[dreg:$0x1] =	wrdreg $0xFFFFFFFF  }
0xc2: {  	_ =	task.clear_ibuf [dreg:s7], $0x2FFFF;
	_ =	strace $0x9FFFFFFF  }
0xc3: {  	(tm) =	ssettm $0x7FFFFFFF  }
tec
execute0_lowered:
.L_overlay_start_1:
0x0: {  	(tag) =	ssettag $0x1  }
0x1: {  	s5 =	rddreg [dreg:$0x0]  }
0x2: {  	s12 =	rddreg [dreg:$0x1]  }
0x3: {  	s2 =	rddreg [dreg:$0x2]  }
0x4: {  	s4 =	srdreg.scid;
	s0 =	stileid.u32  }
0x5: {  	s3 =	simm.s32 $0x0;
	s17 =	simm.s32 $0x3;
	s18 =	simm.s32 $0x1400  }
0x6: {  	s21 =	simm.s32 $0xFFFFFFD8;
	s19 =	simm.s32 $0x80;
	s20 =	simm.s32 $0x1  }
0x7: {  	s22 =	simm.s32 $0x4;
	s23 =	simm.s32 $0x2;
	s24 =	simm.s32 $0x1380  }
0x8: {  	s25 =	simm.s32 $0x2700;
	s6 =	sand.u32 $0x1, s4;
	s7 =	smul.u32 $0x2780, s0  }
0x9: {  	[smem:$0x7FF] =	sst s3;
	s4 =	sadd.s32 $0x4A600, s5;
	s26 =	smul.u32 $0x4F000, s0  }
0xa: {  	s13 =	sadd.s32 $0x19400, s5;
	s8 =	smul.u32 $0x27800, s6;
	_ =	strace $0x8000004A  }
0xb: {  	s28 =	sshll.u32 s6, $0x4;
	s6 =	ssub.s32 $0x2, s6;
	[dreg:$0x4] =	wrdreg s21  }
0xc: {  	s21 =	simm.s32 $0x6800;
	s29 =	sor.u32 s0, s28;
	s30 =	sshrl.u32 s26, $0x2  }
0xd: {  	s31 =	sshrl.u32 s6, $0x1;
	s26 =	simm.s32 $0x2780;
	s9 =	smul.u32 $0x2800, s29  }
0xe: {  	s7 =	sadd.s32 s7, s8;
	s15 =	ssub.s32 s6, s31;
	s11 =	smul.u32 $0x500, s29  }
0xf: {  	s14 =	sadd.s32 s7, s5;
	s5 =	sadd.s32 s30, s2;
	s15 =	smax.u32 s15, $0x1  }
0x10: {  	s6 =	sadd.s32 $0x4000, s5;
	s7 =	sadd.s32 $0x8000, s5;
	s8 =	sadd.s32 $0xC000, s5  }
0x11: {  	s16 =	sshrl.u32 s9, $0x3;
	s9 =	sadd.s32 $0x10000, s5;
	s10 =	sadd.s32 s12, s11  }
0x12: {  	s11 =	sadd.s32 s13, s11;
	s14 =	sadd.s32 $0x98A00, s14;
	s16 =	sadd.s32 $0x280, s16  }
0x13: {  	v0 =	vimm.f32 $0.0e+00;
	s12 =	sadd.s32 s12, s16;
	s13 =	sadd.s32 s13, s16;
	s16 =	simm.s32 $0x2800  }
.LBB2_1:
0x14: {  	s28 =	simm.s32 $0x0;
	s29 =	simm.s32 $0x200  }
.LBB2_2:
0x15: {  	p0 =	sne.s32 s29, $0xFE00;
	[tilespmem:s28+$0x2870] =	vst v0  }
0x16: {  	[tilespmem:s28+$0x2800] =	vst v0  }
0x17: {  	[tilespmem:s28+$0x2810] =	vst v0  }
.Ltmp0:
0x18: {  	[tilespmem:s28+$0x2820] =	vst v0;
	(pc) =	sbr.rel @p0 .LBB2_2-.Ltmp0, $4  }
0x19: {  	[tilespmem:s28+$0x2830] =	vst v0  }
0x1a: {  	[tilespmem:s28+$0x2840] =	vst v0  }
0x1b: {  	[tilespmem:s28+$0x2850] =	vst v0  }
0x1c: {  	[tilespmem:s28+$0x2860] =	vst v0;
	s28 =	sshra.s32 s29, $0x2;
	s29 =	sadd.s32 $0x200, s29  }
0x1d: {  	[tilespmem:s28+$0x2870] =	vst v0  }
0x1e: {  	[tilespmem:s28+$0x2800] =	vst v0  }
0x1f: {  	[tilespmem:s28+$0x2810] =	vst v0  }
0x20: {  	[tilespmem:s28+$0x2820] =	vst v0  }
0x21: {  	[tilespmem:s28+$0x2830] =	vst v0  }
0x22: {  	[tilespmem:s28+$0x2840] =	vst v0  }
0x23: {  	[tilespmem:s28+$0x2850] =	vst v0  }
0x24: {  	[tilespmem:s28+$0x2860] =	vst v0  }
0x25: {  	[spmem:s5] =	stream.linear.scatter [tilespmem:s16], [sflag:$0x3], $0x4000, $0x38;
	[tilespmem:$0x1E400] =	vst v63  }
0x26: {  	_ =	swait.ge [sflag:s17], $0x4000  }
0x27: {  	[sflag:s17] =	ssyncset.done $0x0  }
0x28: {  	[sflag:s17] =	ssyncadd.s32 $0xFFFFC000  }
0x29: {  	[spmem:s6] =	stream.linear.scatter [tilespmem:s16], [sflag:$0x3], $0x4000, $0x38;
	[tilespmem:$0x1E400] =	vst v63  }
0x2a: {  	_ =	swait.ge [sflag:s17], $0x4000  }
0x2b: {  	[sflag:s17] =	ssyncset.done $0x0  }
0x2c: {  	[sflag:s17] =	ssyncadd.s32 $0xFFFFC000  }
0x2d: {  	[spmem:s7] =	stream.linear.scatter [tilespmem:s16], [sflag:$0x3], $0x4000, $0x38;
	[tilespmem:$0x1E400] =	vst v63  }
0x2e: {  	_ =	swait.ge [sflag:s17], $0x4000  }
0x2f: {  	[sflag:s17] =	ssyncset.done $0x0  }
0x30: {  	[sflag:s17] =	ssyncadd.s32 $0xFFFFC000  }
0x31: {  	[spmem:s8] =	stream.linear.scatter [tilespmem:s16], [sflag:$0x3], $0x4000, $0x38;
	[tilespmem:$0x1E400] =	vst v63  }
0x32: {  	_ =	swait.ge [sflag:s17], $0x4000  }
0x33: {  	[sflag:s17] =	ssyncset.done $0x0  }
0x34: {  	[sflag:s17] =	ssyncadd.s32 $0xFFFFC000  }
0x35: {  	[spmem:s9] =	stream.linear.scatter [tilespmem:s16], [sflag:$0x3], $0x3C00, $0x38;
	[tilespmem:$0x1E400] =	vst v63  }
0x36: {  	_ =	swait.ge [sflag:s17], $0x3C00  }
0x37: {  	[sflag:s17] =	ssyncset.done $0x0  }
0x38: {  	s28 =	simm.s32 $0x0;
	[sflag:s17] =	ssyncadd.s32 $0xFFFFC400  }
0x39: {  	[tilespmem:s28], [sflag:$0x3] =	stream.linear.gather [hbm4b:s10+s28], $0x1400, $0x38;
	[tilespmem:$0x1E400] =	vst v63  }
0x3a: {  	_ =	swait.ge [sflag:s17], $0x1400  }
0x3b: {  	[sflag:s17] =	ssyncset.done $0x0  }
0x3c: {  	[sflag:s17] =	ssyncadd.s32 $0xFFFFEC00  }
0x3d: {  	[tilespmem:s18], [sflag:$0x3] =	stream.linear.gather [hbm4b:s11+s28], $0x1400, $0x38;
	[tilespmem:$0x1E400] =	vst v63  }
0x3e: {  	_ =	swait.ge [sflag:s17], $0x1400  }
0x3f: {  	[sflag:s17] =	ssyncset.done $0x0  }
0x40: {  	[sflag:s17] =	ssyncadd.s32 $0xFFFFEC00  }
0x41: {  	[bflag:$0x0] =	sbarrier.arrive $0xFFFF  }
0x42: {  	[tilespmem:s16], [sflag:$0x1] =	stream.indirect.gather [hbm4b:s4+s19], $0x80, s28, s19, $0xb8;
	[tilespmem:$0x1E400] =	vst v63  }
0x43: {  	p0 =	por $0x1, $0x1;
	s29 =	simm.s32 $0x0;
	_ =	swait.ge [sflag:s20], $0x4000  }
0x44: {  	p1 =	por $0x0, $0x0;
	s29 =	simm.s32 @!p0 $0x7FFFD8;
	s28 =	rddreg [dreg:$0x4]  }
0x45: {  	s29 =	sadd.s32 $0x2, s29;
	s28 =	simm.s32 @!p1 $0x0  }
0x46: {  	s29 =	sshll.u32 s29, $0x9;
	s28 =	sadd.s32 $0x2, s28  }
0x47: {  	s29 =	sadd.s32 $0xFFFFFC00, s29;
	[sflag:s20] =	ssyncset.done $0x0;
	s28 =	sshll.u32 s28, $0x7  }
0x48: {  	s29 =	sshra.s32 s29, $0x2;
	[sflag:s20] =	ssyncadd.s32 $0xFFFFC000;
	s28 =	sadd.s32 $0xFFFFFF80, s28  }
0x49: {  	[tilespmem:s21], [sflag:$0x2] =	stream.indirect.gather [hbm4b:s4+s19], $0x80, s28, s19, $0xb8;
	[tilespmem:$0x1E400] =	vst v63  }
0x4a: {  	s29 =	sadd.s32 $0x1400, s29  }
0x4b: {  	[spmem:s2] =	stream.indirect.scatter.add.f32 [tilespmem:s16], [sflag:$0x4], $0x80, s29, s19, $0xb8;
	[tilespmem:$0x1E400] =	vst v63  }
0x4c: {  	_ =	swait.ge [sflag:s22], $0x4000  }
0x4d: {  	[sflag:s22] =	ssyncset.done $0x0  }
0x4e: {  	[sflag:s22] =	ssyncadd.s32 $0xFFFFC000  }
0x4f: {  	s30 =	simm.s32 $0x0;
	p0 =	por $0x1, $0x1;
	_ =	swait.ge [sflag:s23], $0x4000  }
0x50: {  	s30 =	simm.s32 @!p0 $0x7FFFD8;
	p1 =	por $0x1, $0x1;
	[sflag:s23] =	ssyncset.done $0x0  }
0x51: {  	s31 =	simm.s32 @!p1 $0x4;
	s29 =	simm.s32 @!p1 $0x0;
	[sflag:s23] =	ssyncadd.s32 $0xFFFFC000  }
0x52: {  	[tilespmem:s29], [sflag:$0x4] =	stream.linear.gather @!p1 [hbm4b:s12+s29], $0x1400, $0x38;
	[tilespmem:$0x1E400] =	vst v63  }
0x53: {  	s30 =	sadd.s32 $0x2, s30;
	_ =	swait.ge @!p1 [sflag:s31], $0x1400  }
0x54: {  	s30 =	sshll.u32 s30, $0x9;
	[sflag:s31] =	ssyncset.done @!p1 $0x0  }
0x55: {  	s30 =	sshra.s32 s30, $0x2;
	[sflag:s31] =	ssyncadd.s32 @!p1 $0xFFFFEC00  }
0x56: {  	[tilespmem:s16], [sflag:$0x1] =	stream.indirect.gather [hbm4b:s4+s19], $0x80, s30, s19, $0xb8;
	[tilespmem:$0x1E400] =	vst v63  }
0x57: {  	s28 =	sadd.s32 $0x1400, s28  }
0x58: {  	[spmem:s2] =	stream.indirect.scatter.add.f32 [tilespmem:s21], [sflag:$0x4], $0x80, s28, s19, $0xb8;
	[tilespmem:$0x1E400] =	vst v63  }
0x59: {  	_ =	swait.ge [sflag:s22], $0x4000  }
0x5a: {  	[sflag:s22] =	ssyncset.done $0x0  }
0x5b: {  	s30 =	simm.s32 @!p1 $0x3;
	s28 =	simm.s32 @!p1 $0x1400;
	[sflag:s22] =	ssyncadd.s32 $0xFFFFC000  }
0x5c: {  	[tilespmem:s28], [sflag:$0x3] =	stream.linear.gather @!p1 [hbm4b:s13+s29], $0x1400, $0x38;
	[tilespmem:$0x1E400] =	vst v63  }
0x5d: {  	s28 =	simm.s32 $0x2;
	s29 =	simm.s32 $0x1;
	_ =	swait.ge @!p1 [sflag:s30], $0x1400  }
.LBB2_4:
0x5e: {  	[sflag:s30] =	ssyncset.done @!p1 $0x0  }
0x5f: {  	s28 =	sadd.s32 $0x2, s28;
	s31 =	smov.u32 s29;
	[sflag:s30] =	ssyncadd.s32 @!p1 $0xFFFFEC00  }
0x60: {  	s0 =	simm.s32 $0x0;
	p2 =	slt.u32 s31, $0x14;
	_ =	swait.ge [sflag:s20], $0x4000  }
0x61: {  	p1 =	sgt.u32 s31, $0x13;
	s0 =	simm.s32 @!p2 $0x7FFFD8;
	s30 =	rddreg [dreg:$0x4]  }
0x62: {  	s0 =	sadd.s32 s28, s0;
	s30 =	simm.s32 @!p1 $0x0  }
0x63: {  	s0 =	sshll.u32 s0, $0x9;
	s30 =	sadd.s32 s28, s30  }
0x64: {  	[sflag:s20] =	ssyncset.done $0x0;
	s0 =	sadd.s32 $0xFFFFFC00, s0;
	s30 =	sshll.u32 s30, $0x7  }
0x65: {  	[sflag:s20] =	ssyncadd.s32 $0xFFFFC000;
	s0 =	sshra.s32 s0, $0x2;
	s30 =	sadd.s32 $0xFFFFFF80, s30  }
0x66: {  	[tilespmem:s21], [sflag:$0x2] =	stream.indirect.gather [hbm4b:s4+s19], $0x80, s30, s19, $0xb8;
	[tilespmem:$0x1E400] =	vst v63  }
0x67: {  	s0 =	sadd.s32 $0x1400, s0  }
0x68: {  	[spmem:s2] =	stream.indirect.scatter.add.f32 [tilespmem:s16], [sflag:$0x4], $0x80, s0, s19, $0xb8;
	[tilespmem:$0x1E400] =	vst v63  }
0x69: {  	_ =	swait.ge [sflag:s22], $0x4000  }
0x6a: {  	[sflag:s22] =	ssyncset.done $0x0  }
0x6b: {  	[sflag:s22] =	ssyncadd.s32 $0xFFFFC000  }
0x6c: {  	s1 =	simm.s32 $0x0;
	p2 =	slt.u32 s31, $0x13;
	_ =	swait.ge [sflag:s23], $0x4000  }
0x6d: {  	s1 =	simm.s32 @!p2 $0x7FFFD8;
	p1 =	sne.s32 s31, $0x13;
	[sflag:s23] =	ssyncset.done $0x0  }
0x6e: {  	s31 =	simm.s32 @!p1 $0x4;
	s0 =	simm.s32 @!p1 $0x0;
	[sflag:s23] =	ssyncadd.s32 $0xFFFFC000  }
0x6f: {  	[tilespmem:s0], [sflag:$0x4] =	stream.linear.gather @!p1 [hbm4b:s12+s0], $0x1400, $0x38;
	[tilespmem:$0x1E400] =	vst v63  }
0x70: {  	s1 =	sadd.s32 s28, s1;
	_ =	swait.ge @!p1 [sflag:s31], $0x1400  }
0x71: {  	s1 =	sshll.u32 s1, $0x9;
	[sflag:s31] =	ssyncset.done @!p1 $0x0  }
0x72: {  	s29 =	sadd.s32 $0x1, s29;
	s1 =	sshra.s32 s1, $0x2;
	[sflag:s31] =	ssyncadd.s32 @!p1 $0xFFFFEC00  }
0x73: {  	[tilespmem:s16], [sflag:$0x1] =	stream.indirect.gather [hbm4b:s4+s19], $0x80, s1, s19, $0xb8;
	[tilespmem:$0x1E400] =	vst v63  }
0x74: {  	p0 =	sne.s32 s29, $0x27;
	s30 =	sadd.s32 $0x1400, s30  }
0x75: {  	[spmem:s2] =	stream.indirect.scatter.add.f32 [tilespmem:s21], [sflag:$0x4], $0x80, s30, s19, $0xb8;
	[tilespmem:$0x1E400] =	vst v63  }
.Ltmp1:
0x76: {  	_ =	swait.ge [sflag:s22], $0x4000;
	(pc) =	sbr.rel @p0 .LBB2_4-.Ltmp1, $4  }
0x77: {  	[sflag:s22] =	ssyncset.done $0x0  }
0x78: {  	s1 =	simm.s32 @!p1 $0x1400;
	s30 =	simm.s32 @!p1 $0x3;
	[sflag:s22] =	ssyncadd.s32 $0xFFFFC000  }
0x79: {  	[tilespmem:s1], [sflag:$0x3] =	stream.linear.gather @!p1 [hbm4b:s13+s0], $0x1400, $0x38;
	[tilespmem:$0x1E400] =	vst v63  }
0x7a: {  	_ =	swait.ge @!p1 [sflag:s30], $0x1400  }
0x7b: {  	[sflag:s30] =	ssyncset.done @!p1 $0x0  }
0x7c: {  	[sflag:s30] =	ssyncadd.s32 @!p1 $0xFFFFEC00  }
0x7d: {  	_ =	swait.ge [sflag:s20], $0x4000  }
0x7e: {  	[sflag:s20] =	ssyncset.done $0x0  }
0x7f: {  	[sflag:s20] =	ssyncadd.s32 $0xFFFFC000  }
0x80: {  	[tilespmem:s21], [sflag:$0x2] =	stream.indirect.gather [hbm4b:s4+s19], $0x80, s24, s19, $0xb8;
	[tilespmem:$0x1E400] =	vst v63  }
0x81: {  	_ = 	snop  }
0x82: {  	[spmem:s2] =	stream.indirect.scatter.add.f32 [tilespmem:s16], [sflag:$0x3], $0x80, s25, s19, $0xb8;
	[tilespmem:$0x1E400] =	vst v63  }
0x83: {  	_ =	swait.ge [sflag:s17], $0x4000  }
0x84: {  	[sflag:s17] =	ssyncset.done $0x0  }
0x85: {  	[sflag:s17] =	ssyncadd.s32 $0xFFFFC000  }
0x86: {  	_ =	swait.ge [sflag:s23], $0x4000  }
0x87: {  	[sflag:s23] =	ssyncset.done $0x0  }
0x88: {  	[sflag:s23] =	ssyncadd.s32 $0xFFFFC000  }
0x89: {  	[spmem:s2] =	stream.indirect.scatter.add.f32 [tilespmem:s21], [sflag:$0x3], $0x80, s26, s19, $0xb8;
	[tilespmem:$0x1E400] =	vst v63  }
0x8a: {  	s0 =	stileid.u32;
	_ =	swait.ge [sflag:s17], $0x4000  }
0x8b: {  	s1 =	sshrl.u32 s5, $0x3;
	s3 =	sadd.s32 $0x1, s3;
	[sflag:s17] =	ssyncset.done $0x0  }
0x8c: {  	s0 =	sshll.u32 s0, $0x6;
	p0 =	sne.s32 s3, s15;
	[sflag:s17] =	ssyncadd.s32 $0xFFFFC000  }
.Ltmp2:
0x8d: {  	s0 =	sor.u32 $0x1C03, s0;
	[bflag:$0x0] =	sbarrier.arrive $0xFFFF;
	(pc) =	sbr.rel @p0 .LBB2_1-.Ltmp2, $4  }
0x8e: {  	[hbm:s14], [sflag:s0] =	dma.local [spmem:s1], $0x2780  }
0x8f: {  	_ =	swait.ge [sflag:s17], $0x2780  }
0x90: {  	[sflag:s17] =	ssyncset.done $0x0  }
0x91: {  	[sflag:s17] =	ssyncadd.s32 $0xFFFFD880  }
0x92: {  	_ =	sfence.sel $0x180000  }
0x93: {  	[bflag:$0x0] =	sbarrier.arrive $0xFFFF  }
0x94: {  	_ =	strace $0x9000004A  }
0x95: {  	s0 =	stileid.u32;
	[bflag:$0x2] =	sbarrier.arrive $0xFFFF  }
0x96: {  	p0 =	sne.s32 s0, $0x0;
	s0 =	rddreg [dreg:$0x3]  }
0x97: {  	s0 =	sadd.s32 @!p0 $0x100000, s0  }
0x98: {  	[sflag:s0] =	ssyncadd.tile.s32 @!p0 $0x1;
	_ =	shalt  }
.Lfunc_end2:
_tile_overlayer_lowered:
.L_overlay_start_2:
0x99: {  	(tag) =	ssettag $0x2  }
0x9a: {  	s0 =	rddreg [dreg:$0x0];
	s2 =	stileid.u32  }
0x9b: {  	s1 =	rddreg [dreg:$0x1];
	p0 =	sne.s32 s2, $0x0  }
0x9c: {  	s3 =	rddreg [dreg:$0x2];
	[bflag:$0x3] =	sbarrier.arrive $0xFFFF;
	s2 =	simm.s32 @!p0 $0x1C03  }
0x9d: {  	[timem:s3], [sflag:s2] =	dma.local @!p0 [hbm:s0], s1  }
0x9e: {  	s0 =	simm.s32 @!p0 $0x3  }
0x9f: {  	_ =	swait.ge @!p0 [sflag:s0], s1  }
0xa0: {  	s1 =	ssub.s32 @!p0 $0x0, s1;
	[sflag:s0] =	ssyncset.done @!p0 $0x0  }
0xa1: {  	[sflag:s0] =	ssyncadd.s32 @!p0 s1  }
0xa2: {  	[bflag:$0x3] =	sbarrier.arrive $0xFFFF  }
0xa3: {  	_ =	shalt  }

// kernel: kernel.19.cloned.1.call-start
scs
__scs_entry_jumppad:
0x0: {  	(pc) =	sbr.rel $0x88, $3  }
0x1: {  	(tag) =	ssettag $0x0;
	lr =	simm.s32 $0x1  }
0x2: {  	[smem:$0x3F9A] =	sst lr;
	_ =	strace $0xD0000000  }
0x3: {  	_ = 	snop  }
0x4: {  	_ = 	snop  }
0x5: {  	_ = 	snop  }
0x6: {  	_ = 	snop  }
0x7: {  	_ = 	snop  }
__scs_overlays_trampoline_lowered:
0x8: {  	[smem:$0x3FA9] =	sst s0  }
0x9: {  	[smem:$0x3FAA] =	sst s1  }
0xa: {  	[smem:$0x3FAB] =	sst s2  }
0xb: {  	[smem:$0x3FAC] =	sst s3  }
0xc: {  	[smem:$0x3FAD] =	sst s4  }
0xd: {  	[smem:$0x3FAE] =	sst s5  }
0xe: {  	[smem:$0x3FAF] =	sst s6  }
0xf: {  	[smem:$0x3FB0] =	sst s7  }
0x10: {  	[smem:$0x3FB1] =	sst s8  }
0x11: {  	[smem:$0x3FB2] =	sst s9;
	s0 =	simm.s32 @!p0 $0x0  }
0x12: {  	s1 =	sld [smem:$0x3F98];
	s0 =	simm.s32 @p0 $0x1  }
0x13: {  	[smem:$0x3FB3] =	sst s0;
	s0 =	simm.s32 @!p1 $0x0  }
0x14: {  	s2 =	sld [smem:$0x3F97];
	s0 =	simm.s32 @p1 $0x1  }
0x15: {  	[smem:$0x3FB4] =	sst s0;
	s0 =	simm.s32 @!p2 $0x0  }
0x16: {  	s3 =	sld [smem:$0x3FDB];
	s0 =	simm.s32 @p2 $0x1  }
0x17: {  	s4 =	simm.s32 $0x1BF5;
	[smem:$0x3FB6] =	sst s0  }
0x18: {  	s0 =	sld [smem:$0x3F99];
	_ =	swait.ge [sflag:s4], $0x0  }
0x19: {  	s7 =	sld [smem:$0x3F9A]  }
0x1a: {  	s8 =	sadd.s32 $0xFFFFE003, lr  }
0x1b: {  	s9 =	sadd.s32 $0xFFFFFEF7, lr;
	s5 =	simm.s32 $0xFFFFFFFF;
	p2 =	slt.u32 s8, $0xFFFFF086  }
0x1c: {  	p1 =	slt.u32 s9, $0xF7A;
	s5 =	simm.s32 @!p2 $0x0  }
0x1d: {  	s5 =	simm.s32 @p1 $0x1;
	p0 =	seq.s32 s7, s2  }
0x1e: {  	s7 =	smul.u32 @!p0 $0xF7A, s2;
	p2 =	seq.s32 @!p0 s5, $0x0  }
0x1f: {  	s9 =	smul.u32 $0xF7A, s1;
	s8 =	simm.s32 @!p0 $0x1BF5;
	p2 =	por !p2, p0  }
0x20: {  	[sflag:s8] =	ssyncset.s32 @!p0 $0xFFFFF086;
	s6 =	sadd.s32 @!p0 s3, s7;
	s7 =	simm.s32 @!p0 $0x108  }
0x21: {  	s3 =	sadd.s32 s3, s9;
	s6 =	sadd.s32 @!p0 $0x88, s6;
	s7 =	simm.s32 @p2 $0x1082  }
0x22: {  	[simem:s7], [sflag:s8] =	dma.local @!p0 [hbm:s6], $0xF7A  }
0x23: {  	s9 =	sor.u32 $0xD0000000, s2;
	s6 =	simm.s32 $0x108;
	_ =	swait.ge @!p0 [sflag:s8], $0x0  }
0x24: {  	s3 =	sadd.s32 $0x88, s3;
	s6 =	simm.s32 @!p1 $0x1082;
	[sflag:s4] =	ssyncset.s32 $0xFFFFF086  }
0x25: {  	[simem:s6], [sflag:s4] =	dma.local [hbm:s3], $0xF7A  }
0x26: {  	[smem:$0x3F9A] =	sst s1;
	(tag) =	ssettag s2;
	_ =	strace s9  }
0x27: {  	s1 =	sld [smem:$0x3FAA]  }
0x28: {  	s2 =	sld [smem:$0x3FAB]  }
0x29: {  	s4 =	sld [smem:$0x3FAD]  }
0x2a: {  	p0 =	seq.s32 s5, $0x0;
	s5 =	sld [smem:$0x3FAE]  }
0x2b: {  	s6 =	sld [smem:$0x3FAF]  }
0x2c: {  	s7 =	sld [smem:$0x3FB0]  }
0x2d: {  	s3 =	simm.s32 $0x108;
	s8 =	sld [smem:$0x3FB1]  }
0x2e: {  	s3 =	simm.s32 @!p0 $0x1082;
	s9 =	sld [smem:$0x3FB2]  }
0x2f: {  	lr =	sadd.s32 s0, s3;
	s0 =	sld [smem:$0x3FA9]  }
0x30: {  	s3 =	sld [smem:$0x3FAC]  }
0x31: {  	[smem:$0x3FB5] =	sst s10  }
0x32: {  	s10 =	sld [smem:$0x3FB3];
	_ =	sdelay $0x3  }
0x33: {  	p0 =	seq.s32 s10, $0x1;
	s10 =	sld [smem:$0x3FB5];
	_ =	sdelay $0x3  }
0x34: {  	[smem:$0x3FB5] =	sst s10  }
0x35: {  	s10 =	sld [smem:$0x3FB4];
	_ =	sdelay $0x3  }
0x36: {  	p1 =	seq.s32 s10, $0x1;
	s10 =	sld [smem:$0x3FB5];
	_ =	sdelay $0x3  }
0x37: {  	[smem:$0x3FB5] =	sst s10  }
0x38: {  	s10 =	sld [smem:$0x3FB6]  }
0x39: {  	_ = 	snop;
	(pc) =	sbr.ind lr, $3  }
0x3a: {  	_ = 	snop  }
0x3b: {  	_ = 	snop  }
0x3c: {  	p2 =	seq.s32 s10, $0x1;
	s10 =	sld [smem:$0x3FB5]  }
0x3d: {  	_ =	shalt  }
0x3e: {  	_ =	shalt  }
0x3f: {  	_ =	shalt  }
0x40: {  	_ =	shalt  }
0x41: {  	_ =	shalt  }
0x42: {  	_ =	shalt  }
0x43: {  	_ =	shalt  }
0x44: {  	_ =	shalt  }
0x45: {  	_ =	shalt  }
0x46: {  	_ =	shalt  }
0x47: {  	_ =	shalt  }
0x48: {  	_ =	shalt  }
0x49: {  	_ =	shalt  }
0x4a: {  	_ =	shalt  }
0x4b: {  	_ =	shalt  }
0x4c: {  	_ =	shalt  }
0x4d: {  	_ =	shalt  }
0x4e: {  	_ =	shalt  }
0x4f: {  	_ =	shalt  }
0x50: {  	_ =	shalt  }
0x51: {  	_ =	shalt  }
0x52: {  	_ =	shalt  }
0x53: {  	_ =	shalt  }
0x54: {  	_ =	shalt  }
0x55: {  	_ =	shalt  }
0x56: {  	_ =	shalt  }
0x57: {  	_ =	shalt  }
0x58: {  	_ =	shalt  }
0x59: {  	_ =	shalt  }
0x5a: {  	_ =	shalt  }
0x5b: {  	_ =	shalt  }
0x5c: {  	_ =	shalt  }
0x5d: {  	_ =	shalt  }
0x5e: {  	_ =	shalt  }
0x5f: {  	_ =	shalt  }
0x60: {  	_ =	shalt  }
0x61: {  	_ =	shalt  }
0x62: {  	_ =	shalt  }
0x63: {  	_ =	shalt  }
0x64: {  	_ =	shalt  }
0x65: {  	_ =	shalt  }
0x66: {  	_ =	shalt  }
0x67: {  	_ =	shalt  }
0x68: {  	_ =	shalt  }
0x69: {  	_ =	shalt  }
0x6a: {  	_ =	shalt  }
0x6b: {  	_ =	shalt  }
0x6c: {  	_ =	shalt  }
0x6d: {  	_ =	shalt  }
0x6e: {  	_ =	shalt  }
0x6f: {  	_ =	shalt  }
0x70: {  	_ =	shalt  }
0x71: {  	_ =	shalt  }
0x72: {  	_ =	shalt  }
0x73: {  	_ =	shalt  }
0x74: {  	_ =	shalt  }
0x75: {  	_ =	shalt  }
0x76: {  	_ =	shalt  }
0x77: {  	_ =	shalt  }
0x78: {  	_ =	shalt  }
0x79: {  	_ =	shalt  }
0x7a: {  	_ =	shalt  }
0x7b: {  	_ =	shalt  }
0x7c: {  	_ =	shalt  }
0x7d: {  	_ =	shalt  }
0x7e: {  	_ =	shalt  }
0x7f: {  	_ =	shalt  }
0x80: {  	_ =	shalt  }
0x81: {  	_ =	shalt  }
0x82: {  	_ =	shalt  }
0x83: {  	_ =	shalt  }
0x84: {  	_ =	shalt  }
0x85: {  	_ =	shalt  }
0x86: {  	_ =	shalt  }
0x87: {  	_ =	shalt  }
.Lfunc_end0:
.L_simem_size_0:
called_computation.2_lowered:
.L_overlay_start_0:
0x88: {  	s2 =	sld [smem:$0x3FD9]  }
0x89: {  	s3 =	sld [smem:$0x3FFE];
	_ =	sdelay $0x1  }
0x8a: {  	s1 =	srdreg.scid  }
0x8b: {  	s0 =	sand.u32 $0x1, s1  }
0x8c: {  	s17 =	sshll.u32 s0, $0xA;
	s2 =	sadd.s32 s3, s2  }
0x8d: {  	s2 =	sadd.s32 s2, s17  }
0x8e: {  	[smem:$0x3FC1] =	sst s2  }
0x8f: {  	_ = 	snop  }
0x90: {  	s2 =	sld [smem:$0x3FD0];
	(tm) =	ssettm $0x1  }
0x91: {  	s18 =	sld [smem:$0x3FFB];
	_ =	sdelay $0x3  }
0x92: {  	_ =	strace s18  }
0x93: {  	s3 =	sld [smem:$0x3FFC];
	_ =	sdelay $0x3  }
0x94: {  	_ =	strace s3  }
0x95: {  	s3 =	sld [smem:$0x3FFD];
	_ =	sdelay $0x3  }
0x96: {  	_ =	strace s3  }
0x97: {  	_ =	strace $0x8FFFFFFF  }
0x98: {  	s19 =	sld [smem:$0x3FDB];
	_ =	sdelay $0x1  }
0x99: {  	s4 =	simm.s32 $_scs_section_size  }
0x9a: {  	s5 =	simm.s32 $_size__tile_overlayer_lowered;
	s6 =	simm.s32 $_tile_overlayer_lowered  }
0x9b: {  	s22 =	simm.s32 $0x1BFF;
	s21 =	sshll.u32 s6, $0x1;
	s3 =	sadd.s32 s4, s19  }
0x9c: {  	s7 =	simm.s32 $0x0;
	s20 =	sshll.u32 s5, $0x1;
	s5 =	sadd.s32 s21, s3  }
0x9d: {  	[timem:s7], [sflag:s22] =	dma.local [hbm:s5], s20  }
0x9e: {  	_ =	swait.ge [sflag:s22], s20  }
0x9f: {  	s4 =	ssub.s32 $0x0, s20;
	[sflag:s22] =	ssyncset.done $0x0  }
0xa0: {  	[sflag:s22] =	ssyncadd.s32 s4;
	_ =	sdelay $0x1  }
0xa1: {  	s23 =	simm.s32 $0x1B8B  }
0xa2: {  	_ =	swait.ge [sflag:s23], $0x1  }
0xa3: {  	[sflag:s23] =	ssyncset.done $0x0  }
0xa4: {  	s25 =	simm.s32 $0x1B8E;
	s24 =	sld [smem:$0x3FFE];
	[sflag:s23] =	ssyncadd.s32 $0xFFFFFFFF  }
0xa5: {  	s26 =	simm.s32 $execute0_lowered;
	[smem:$0x3FD2] =	sst s25  }
0xa6: {  	s5 =	sshll.u32 s26, $0x1;
	_ =	strace $0x8000004C;
	[dreg:$0x1] =	wrdreg $0xFFFFFFFF  }
0xa7: {  	s28 =	simm.s32 $_size_execute0_lowered;
	s3 =	sadd.s32 s3, s5;
	[dreg:$0x0] =	wrdreg $0x0  }
0xa8: {  	s5 =	sshll.u32 s28, $0x1;
	[dreg:$0x2] =	wrdreg s3  }
0xa9: {  	[dreg:$0x3] =	wrdreg s5  }
0xaa: {  	[dreg:$0x4] =	wrdreg $0xC0  }
0xab: {  	_ =	task [dreg:s7], $0x5FFFF  }
0xac: {  	[dreg:$0x1] =	wrdreg $0xFFFFFFFF  }
0xad: {  	[dreg:$0x0] =	wrdreg $0x60  }
0xae: {  	[dreg:$0x2] =	wrdreg s24  }
0xaf: {  	[dreg:$0x3] =	wrdreg s2  }
0xb0: {  	[dreg:$0x4] =	wrdreg $0xA8000  }
0xb1: {  	[dreg:$0x5] =	wrdreg $0x9  }
0xb2: {  	_ =	task.clear_ibuf [dreg:s7], $0x6FFFF;
	_ =	strace $0x9000004C  }
0xb3: {  	s29 =	simm.s32 $0x9;
	_ =	strace $0x8000004E  }
0xb4: {  	_ =	swait.ge [sflag:s29], $0x1  }
0xb5: {  	[sflag:s29] =	ssyncadd.s32 $0xFFFFFFFF  }
0xb6: {  	_ =	strace $0x9000004E  }
0xb7: {  	_ =	sfence  }
0xb8: {  	s30 =	sld [smem:$0x0];
	_ =	sdelay $0x2  }
0xb9: {  	s31 =	sshll.u32 s1, $0xD;
	s1 =	sshrl.u32 s1, $0x2  }
0xba: {  	s3 =	sand.u32 $0x4000, s31;
	s1 =	sadd.s32 s1, s30  }
0xbb: {  	s0 =	sor.u32 s3, s0;
	s1 =	sshll.u32 s1, $0x11  }
0xbc: {  	s0 =	sor.u32 s1, s0  }
0xbd: {  	s0 =	sadd.s32 $0x8F2B, s0  }
0xbe: {  	[sflag:s0] =	ssyncadd.remote.s32 $0x1  }
0xbf: {  	_ =	sfence.sel $0xFFFF  }
0xc0: {  	[dreg:$0x0] =	wrdreg $0xFFFFFFFF;
	(pc) =	sbr.abs _section_cstart, $3  }
0xc1: {  	[dreg:$0x1] =	wrdreg $0xFFFFFFFF  }
0xc2: {  	_ =	task.clear_ibuf [dreg:s7], $0x2FFFF;
	_ =	strace $0x9FFFFFFF  }
0xc3: {  	(tm) =	ssettm $0x7FFFFFFF  }
tec
execute0_lowered:
.L_overlay_start_1:
0x0: {  	(tag) =	ssettag $0x1  }
0x1: {  	s5 =	rddreg [dreg:$0x0]  }
0x2: {  	s12 =	rddreg [dreg:$0x1]  }
0x3: {  	s2 =	rddreg [dreg:$0x2]  }
0x4: {  	s4 =	srdreg.scid;
	s0 =	stileid.u32  }
0x5: {  	s3 =	simm.s32 $0x0;
	s17 =	simm.s32 $0x3;
	s18 =	simm.s32 $0x1400  }
0x6: {  	s21 =	simm.s32 $0xFFFFFFD8;
	s19 =	simm.s32 $0x80;
	s20 =	simm.s32 $0x1  }
0x7: {  	s22 =	simm.s32 $0x4;
	s23 =	simm.s32 $0x2;
	s24 =	simm.s32 $0x1380  }
0x8: {  	s25 =	simm.s32 $0x2700;
	s6 =	sand.u32 $0x1, s4;
	s7 =	smul.u32 $0x2780, s0  }
0x9: {  	[smem:$0x7FF] =	sst s3;
	s4 =	sadd.s32 $0x4A600, s5;
	s26 =	smul.u32 $0x4F000, s0  }
0xa: {  	s13 =	sadd.s32 $0x19400, s5;
	s8 =	smul.u32 $0x27800, s6;
	_ =	strace $0x8000004D  }
0xb: {  	s28 =	sshll.u32 s6, $0x4;
	s6 =	ssub.s32 $0x2, s6;
	[dreg:$0x4] =	wrdreg s21  }
0xc: {  	s21 =	simm.s32 $0x6800;
	s29 =	sor.u32 s0, s28;
	s30 =	sshrl.u32 s26, $0x2  }
0xd: {  	s31 =	sshrl.u32 s6, $0x1;
	s26 =	simm.s32 $0x2780;
	s9 =	smul.u32 $0x2800, s29  }
0xe: {  	s7 =	sadd.s32 s7, s8;
	s15 =	ssub.s32 s6, s31;
	s11 =	smul.u32 $0x500, s29  }
0xf: {  	s14 =	sadd.s32 s7, s5;
	s5 =	sadd.s32 s30, s2;
	s15 =	smax.u32 s15, $0x1  }
0x10: {  	s6 =	sadd.s32 $0x4000, s5;
	s7 =	sadd.s32 $0x8000, s5;
	s8 =	sadd.s32 $0xC000, s5  }
0x11: {  	s16 =	sshrl.u32 s9, $0x3;
	s9 =	sadd.s32 $0x10000, s5;
	s10 =	sadd.s32 s12, s11  }
0x12: {  	s11 =	sadd.s32 s13, s11;
	s14 =	sadd.s32 $0x10EC00, s14;
	s16 =	sadd.s32 $0x280, s16  }
0x13: {  	v0 =	vimm.f32 $0.0e+00;
	s12 =	sadd.s32 s12, s16;
	s13 =	sadd.s32 s13, s16;
	s16 =	simm.s32 $0x2800  }
.LBB2_1:
0x14: {  	s28 =	simm.s32 $0x0;
	s29 =	simm.s32 $0x200  }
.LBB2_2:
0x15: {  	p0 =	sne.s32 s29, $0xFE00;
	[tilespmem:s28+$0x2870] =	vst v0  }
0x16: {  	[tilespmem:s28+$0x2800] =	vst v0  }
0x17: {  	[tilespmem:s28+$0x2810] =	vst v0  }
.Ltmp0:
0x18: {  	[tilespmem:s28+$0x2820] =	vst v0;
	(pc) =	sbr.rel @p0 .LBB2_2-.Ltmp0, $4  }
0x19: {  	[tilespmem:s28+$0x2830] =	vst v0  }
0x1a: {  	[tilespmem:s28+$0x2840] =	vst v0  }
0x1b: {  	[tilespmem:s28+$0x2850] =	vst v0  }
0x1c: {  	[tilespmem:s28+$0x2860] =	vst v0;
	s28 =	sshra.s32 s29, $0x2;
	s29 =	sadd.s32 $0x200, s29  }
0x1d: {  	[tilespmem:s28+$0x2870] =	vst v0  }
0x1e: {  	[tilespmem:s28+$0x2800] =	vst v0  }
0x1f: {  	[tilespmem:s28+$0x2810] =	vst v0  }
0x20: {  	[tilespmem:s28+$0x2820] =	vst v0  }
0x21: {  	[tilespmem:s28+$0x2830] =	vst v0  }
0x22: {  	[tilespmem:s28+$0x2840] =	vst v0  }
0x23: {  	[tilespmem:s28+$0x2850] =	vst v0  }
0x24: {  	[tilespmem:s28+$0x2860] =	vst v0  }
0x25: {  	[spmem:s5] =	stream.linear.scatter [tilespmem:s16], [sflag:$0x3], $0x4000, $0x38;
	[tilespmem:$0x1E400] =	vst v63  }
0x26: {  	_ =	swait.ge [sflag:s17], $0x4000  }
0x27: {  	[sflag:s17] =	ssyncset.done $0x0  }
0x28: {  	[sflag:s17] =	ssyncadd.s32 $0xFFFFC000  }
0x29: {  	[spmem:s6] =	stream.linear.scatter [tilespmem:s16], [sflag:$0x3], $0x4000, $0x38;
	[tilespmem:$0x1E400] =	vst v63  }
0x2a: {  	_ =	swait.ge [sflag:s17], $0x4000  }
0x2b: {  	[sflag:s17] =	ssyncset.done $0x0  }
0x2c: {  	[sflag:s17] =	ssyncadd.s32 $0xFFFFC000  }
0x2d: {  	[spmem:s7] =	stream.linear.scatter [tilespmem:s16], [sflag:$0x3], $0x4000, $0x38;
	[tilespmem:$0x1E400] =	vst v63  }
0x2e: {  	_ =	swait.ge [sflag:s17], $0x4000  }
0x2f: {  	[sflag:s17] =	ssyncset.done $0x0  }
0x30: {  	[sflag:s17] =	ssyncadd.s32 $0xFFFFC000  }
0x31: {  	[spmem:s8] =	stream.linear.scatter [tilespmem:s16], [sflag:$0x3], $0x4000, $0x38;
	[tilespmem:$0x1E400] =	vst v63  }
0x32: {  	_ =	swait.ge [sflag:s17], $0x4000  }
0x33: {  	[sflag:s17] =	ssyncset.done $0x0  }
0x34: {  	[sflag:s17] =	ssyncadd.s32 $0xFFFFC000  }
0x35: {  	[spmem:s9] =	stream.linear.scatter [tilespmem:s16], [sflag:$0x3], $0x3C00, $0x38;
	[tilespmem:$0x1E400] =	vst v63  }
0x36: {  	_ =	swait.ge [sflag:s17], $0x3C00  }
0x37: {  	[sflag:s17] =	ssyncset.done $0x0  }
0x38: {  	s28 =	simm.s32 $0x0;
	[sflag:s17] =	ssyncadd.s32 $0xFFFFC400  }
0x39: {  	[tilespmem:s28], [sflag:$0x3] =	stream.linear.gather [hbm4b:s10+s28], $0x1400, $0x38;
	[tilespmem:$0x1E400] =	vst v63  }
0x3a: {  	_ =	swait.ge [sflag:s17], $0x1400  }
0x3b: {  	[sflag:s17] =	ssyncset.done $0x0  }
0x3c: {  	[sflag:s17] =	ssyncadd.s32 $0xFFFFEC00  }
0x3d: {  	[tilespmem:s18], [sflag:$0x3] =	stream.linear.gather [hbm4b:s11+s28], $0x1400, $0x38;
	[tilespmem:$0x1E400] =	vst v63  }
0x3e: {  	_ =	swait.ge [sflag:s17], $0x1400  }
0x3f: {  	[sflag:s17] =	ssyncset.done $0x0  }
0x40: {  	[sflag:s17] =	ssyncadd.s32 $0xFFFFEC00  }
0x41: {  	[bflag:$0x0] =	sbarrier.arrive $0xFFFF  }
0x42: {  	[tilespmem:s16], [sflag:$0x1] =	stream.indirect.gather [hbm4b:s4+s19], $0x80, s28, s19, $0xb8;
	[tilespmem:$0x1E400] =	vst v63  }
0x43: {  	p0 =	por $0x1, $0x1;
	s29 =	simm.s32 $0x0;
	_ =	swait.ge [sflag:s20], $0x4000  }
0x44: {  	p1 =	por $0x0, $0x0;
	s29 =	simm.s32 @!p0 $0x7FFFD8;
	s28 =	rddreg [dreg:$0x4]  }
0x45: {  	s29 =	sadd.s32 $0x2, s29;
	s28 =	simm.s32 @!p1 $0x0  }
0x46: {  	s29 =	sshll.u32 s29, $0x9;
	s28 =	sadd.s32 $0x2, s28  }
0x47: {  	s29 =	sadd.s32 $0xFFFFFC00, s29;
	[sflag:s20] =	ssyncset.done $0x0;
	s28 =	sshll.u32 s28, $0x7  }
0x48: {  	s29 =	sshra.s32 s29, $0x2;
	[sflag:s20] =	ssyncadd.s32 $0xFFFFC000;
	s28 =	sadd.s32 $0xFFFFFF80, s28  }
0x49: {  	[tilespmem:s21], [sflag:$0x2] =	stream.indirect.gather [hbm4b:s4+s19], $0x80, s28, s19, $0xb8;
	[tilespmem:$0x1E400] =	vst v63  }
0x4a: {  	s29 =	sadd.s32 $0x1400, s29  }
0x4b: {  	[spmem:s2] =	stream.indirect.scatter.add.f32 [tilespmem:s16], [sflag:$0x4], $0x80, s29, s19, $0xb8;
	[tilespmem:$0x1E400] =	vst v63  }
0x4c: {  	_ =	swait.ge [sflag:s22], $0x4000  }
0x4d: {  	[sflag:s22] =	ssyncset.done $0x0  }
0x4e: {  	[sflag:s22] =	ssyncadd.s32 $0xFFFFC000  }
0x4f: {  	s30 =	simm.s32 $0x0;
	p0 =	por $0x1, $0x1;
	_ =	swait.ge [sflag:s23], $0x4000  }
0x50: {  	s30 =	simm.s32 @!p0 $0x7FFFD8;
	p1 =	por $0x1, $0x1;
	[sflag:s23] =	ssyncset.done $0x0  }
0x51: {  	s31 =	simm.s32 @!p1 $0x4;
	s29 =	simm.s32 @!p1 $0x0;
	[sflag:s23] =	ssyncadd.s32 $0xFFFFC000  }
0x52: {  	[tilespmem:s29], [sflag:$0x4] =	stream.linear.gather @!p1 [hbm4b:s12+s29], $0x1400, $0x38;
	[tilespmem:$0x1E400] =	vst v63  }
0x53: {  	s30 =	sadd.s32 $0x2, s30;
	_ =	swait.ge @!p1 [sflag:s31], $0x1400  }
0x54: {  	s30 =	sshll.u32 s30, $0x9;
	[sflag:s31] =	ssyncset.done @!p1 $0x0  }
0x55: {  	s30 =	sshra.s32 s30, $0x2;
	[sflag:s31] =	ssyncadd.s32 @!p1 $0xFFFFEC00  }
0x56: {  	[tilespmem:s16], [sflag:$0x1] =	stream.indirect.gather [hbm4b:s4+s19], $0x80, s30, s19, $0xb8;
	[tilespmem:$0x1E400] =	vst v63  }
0x57: {  	s28 =	sadd.s32 $0x1400, s28  }
0x58: {  	[spmem:s2] =	stream.indirect.scatter.add.f32 [tilespmem:s21], [sflag:$0x4], $0x80, s28, s19, $0xb8;
	[tilespmem:$0x1E400] =	vst v63  }
0x59: {  	_ =	swait.ge [sflag:s22], $0x4000  }
0x5a: {  	[sflag:s22] =	ssyncset.done $0x0  }
0x5b: {  	s30 =	simm.s32 @!p1 $0x3;
	s28 =	simm.s32 @!p1 $0x1400;
	[sflag:s22] =	ssyncadd.s32 $0xFFFFC000  }
0x5c: {  	[tilespmem:s28], [sflag:$0x3] =	stream.linear.gather @!p1 [hbm4b:s13+s29], $0x1400, $0x38;
	[tilespmem:$0x1E400] =	vst v63  }
0x5d: {  	s28 =	simm.s32 $0x2;
	s29 =	simm.s32 $0x1;
	_ =	swait.ge @!p1 [sflag:s30], $0x1400  }
.LBB2_4:
0x5e: {  	[sflag:s30] =	ssyncset.done @!p1 $0x0  }
0x5f: {  	s28 =	sadd.s32 $0x2, s28;
	s31 =	smov.u32 s29;
	[sflag:s30] =	ssyncadd.s32 @!p1 $0xFFFFEC00  }
0x60: {  	s0 =	simm.s32 $0x0;
	p2 =	slt.u32 s31, $0x14;
	_ =	swait.ge [sflag:s20], $0x4000  }
0x61: {  	p1 =	sgt.u32 s31, $0x13;
	s0 =	simm.s32 @!p2 $0x7FFFD8;
	s30 =	rddreg [dreg:$0x4]  }
0x62: {  	s0 =	sadd.s32 s28, s0;
	s30 =	simm.s32 @!p1 $0x0  }
0x63: {  	s0 =	sshll.u32 s0, $0x9;
	s30 =	sadd.s32 s28, s30  }
0x64: {  	[sflag:s20] =	ssyncset.done $0x0;
	s0 =	sadd.s32 $0xFFFFFC00, s0;
	s30 =	sshll.u32 s30, $0x7  }
0x65: {  	[sflag:s20] =	ssyncadd.s32 $0xFFFFC000;
	s0 =	sshra.s32 s0, $0x2;
	s30 =	sadd.s32 $0xFFFFFF80, s30  }
0x66: {  	[tilespmem:s21], [sflag:$0x2] =	stream.indirect.gather [hbm4b:s4+s19], $0x80, s30, s19, $0xb8;
	[tilespmem:$0x1E400] =	vst v63  }
0x67: {  	s0 =	sadd.s32 $0x1400, s0  }
0x68: {  	[spmem:s2] =	stream.indirect.scatter.add.f32 [tilespmem:s16], [sflag:$0x4], $0x80, s0, s19, $0xb8;
	[tilespmem:$0x1E400] =	vst v63  }
0x69: {  	_ =	swait.ge [sflag:s22], $0x4000  }
0x6a: {  	[sflag:s22] =	ssyncset.done $0x0  }
0x6b: {  	[sflag:s22] =	ssyncadd.s32 $0xFFFFC000  }
0x6c: {  	s1 =	simm.s32 $0x0;
	p2 =	slt.u32 s31, $0x13;
	_ =	swait.ge [sflag:s23], $0x4000  }
0x6d: {  	s1 =	simm.s32 @!p2 $0x7FFFD8;
	p1 =	sne.s32 s31, $0x13;
	[sflag:s23] =	ssyncset.done $0x0  }
0x6e: {  	s31 =	simm.s32 @!p1 $0x4;
	s0 =	simm.s32 @!p1 $0x0;
	[sflag:s23] =	ssyncadd.s32 $0xFFFFC000  }
0x6f: {  	[tilespmem:s0], [sflag:$0x4] =	stream.linear.gather @!p1 [hbm4b:s12+s0], $0x1400, $0x38;
	[tilespmem:$0x1E400] =	vst v63  }
0x70: {  	s1 =	sadd.s32 s28, s1;
	_ =	swait.ge @!p1 [sflag:s31], $0x1400  }
0x71: {  	s1 =	sshll.u32 s1, $0x9;
	[sflag:s31] =	ssyncset.done @!p1 $0x0  }
0x72: {  	s29 =	sadd.s32 $0x1, s29;
	s1 =	sshra.s32 s1, $0x2;
	[sflag:s31] =	ssyncadd.s32 @!p1 $0xFFFFEC00  }
0x73: {  	[tilespmem:s16], [sflag:$0x1] =	stream.indirect.gather [hbm4b:s4+s19], $0x80, s1, s19, $0xb8;
	[tilespmem:$0x1E400] =	vst v63  }
0x74: {  	p0 =	sne.s32 s29, $0x27;
	s30 =	sadd.s32 $0x1400, s30  }
0x75: {  	[spmem:s2] =	stream.indirect.scatter.add.f32 [tilespmem:s21], [sflag:$0x4], $0x80, s30, s19, $0xb8;
	[tilespmem:$0x1E400] =	vst v63  }
.Ltmp1:
0x76: {  	_ =	swait.ge [sflag:s22], $0x4000;
	(pc) =	sbr.rel @p0 .LBB2_4-.Ltmp1, $4  }
0x77: {  	[sflag:s22] =	ssyncset.done $0x0  }
0x78: {  	s1 =	simm.s32 @!p1 $0x1400;
	s30 =	simm.s32 @!p1 $0x3;
	[sflag:s22] =	ssyncadd.s32 $0xFFFFC000  }
0x79: {  	[tilespmem:s1], [sflag:$0x3] =	stream.linear.gather @!p1 [hbm4b:s13+s0], $0x1400, $0x38;
	[tilespmem:$0x1E400] =	vst v63  }
0x7a: {  	_ =	swait.ge @!p1 [sflag:s30], $0x1400  }
0x7b: {  	[sflag:s30] =	ssyncset.done @!p1 $0x0  }
0x7c: {  	[sflag:s30] =	ssyncadd.s32 @!p1 $0xFFFFEC00  }
0x7d: {  	_ =	swait.ge [sflag:s20], $0x4000  }
0x7e: {  	[sflag:s20] =	ssyncset.done $0x0  }
0x7f: {  	[sflag:s20] =	ssyncadd.s32 $0xFFFFC000  }
0x80: {  	[tilespmem:s21], [sflag:$0x2] =	stream.indirect.gather [hbm4b:s4+s19], $0x80, s24, s19, $0xb8;
	[tilespmem:$0x1E400] =	vst v63  }
0x81: {  	_ = 	snop  }
0x82: {  	[spmem:s2] =	stream.indirect.scatter.add.f32 [tilespmem:s16], [sflag:$0x3], $0x80, s25, s19, $0xb8;
	[tilespmem:$0x1E400] =	vst v63  }
0x83: {  	_ =	swait.ge [sflag:s17], $0x4000  }
0x84: {  	[sflag:s17] =	ssyncset.done $0x0  }
0x85: {  	[sflag:s17] =	ssyncadd.s32 $0xFFFFC000  }
0x86: {  	_ =	swait.ge [sflag:s23], $0x4000  }
0x87: {  	[sflag:s23] =	ssyncset.done $0x0  }
0x88: {  	[sflag:s23] =	ssyncadd.s32 $0xFFFFC000  }
0x89: {  	[spmem:s2] =	stream.indirect.scatter.add.f32 [tilespmem:s21], [sflag:$0x3], $0x80, s26, s19, $0xb8;
	[tilespmem:$0x1E400] =	vst v63  }
0x8a: {  	s0 =	stileid.u32;
	_ =	swait.ge [sflag:s17], $0x4000  }
0x8b: {  	s1 =	sshrl.u32 s5, $0x3;
	s3 =	sadd.s32 $0x1, s3;
	[sflag:s17] =	ssyncset.done $0x0  }
0x8c: {  	s0 =	sshll.u32 s0, $0x6;
	p0 =	sne.s32 s3, s15;
	[sflag:s17] =	ssyncadd.s32 $0xFFFFC000  }
.Ltmp2:
0x8d: {  	s0 =	sor.u32 $0x1C03, s0;
	[bflag:$0x0] =	sbarrier.arrive $0xFFFF;
	(pc) =	sbr.rel @p0 .LBB2_1-.Ltmp2, $4  }
0x8e: {  	[hbm:s14], [sflag:s0] =	dma.local [spmem:s1], $0x2780  }
0x8f: {  	_ =	swait.ge [sflag:s17], $0x2780  }
0x90: {  	[sflag:s17] =	ssyncset.done $0x0  }
0x91: {  	[sflag:s17] =	ssyncadd.s32 $0xFFFFD880  }
0x92: {  	_ =	sfence.sel $0x180000  }
0x93: {  	[bflag:$0x0] =	sbarrier.arrive $0xFFFF  }
0x94: {  	_ =	strace $0x9000004D  }
0x95: {  	s0 =	stileid.u32;
	[bflag:$0x2] =	sbarrier.arrive $0xFFFF  }
0x96: {  	p0 =	sne.s32 s0, $0x0;
	s0 =	rddreg [dreg:$0x3]  }
0x97: {  	s0 =	sadd.s32 @!p0 $0x100000, s0  }
0x98: {  	[sflag:s0] =	ssyncadd.tile.s32 @!p0 $0x1;
	_ =	shalt  }
.Lfunc_end2:
_tile_overlayer_lowered:
.L_overlay_start_2:
0x99: {  	(tag) =	ssettag $0x2  }
0x9a: {  	s0 =	rddreg [dreg:$0x0];
	s2 =	stileid.u32  }
0x9b: {  	s1 =	rddreg [dreg:$0x1];
	p0 =	sne.s32 s2, $0x0  }
0x9c: {  	s3 =	rddreg [dreg:$0x2];
	[bflag:$0x3] =	sbarrier.arrive $0xFFFF;
	s2 =	simm.s32 @!p0 $0x1C03  }
0x9d: {  	[timem:s3], [sflag:s2] =	dma.local @!p0 [hbm:s0], s1  }
0x9e: {  	s0 =	simm.s32 @!p0 $0x3  }
0x9f: {  	_ =	swait.ge @!p0 [sflag:s0], s1  }
0xa0: {  	s1 =	ssub.s32 @!p0 $0x0, s1;
	[sflag:s0] =	ssyncset.done @!p0 $0x0  }
0xa1: {  	[sflag:s0] =	ssyncadd.s32 @!p0 s1  }
0xa2: {  	[bflag:$0x3] =	sbarrier.arrive $0xFFFF  }
0xa3: {  	_ =	shalt  }

// kernel: kernel.22.cloned.1.call-start
scs
__scs_entry_jumppad:
0x0: {  	(pc) =	sbr.rel $0x88, $3  }
0x1: {  	(tag) =	ssettag $0x0;
	lr =	simm.s32 $0x1  }
0x2: {  	[smem:$0x3F9A] =	sst lr;
	_ =	strace $0xD0000000  }
0x3: {  	_ = 	snop  }
0x4: {  	_ = 	snop  }
0x5: {  	_ = 	snop  }
0x6: {  	_ = 	snop  }
0x7: {  	_ = 	snop  }
__scs_overlays_trampoline_lowered:
0x8: {  	[smem:$0x3FA9] =	sst s0  }
0x9: {  	[smem:$0x3FAA] =	sst s1  }
0xa: {  	[smem:$0x3FAB] =	sst s2  }
0xb: {  	[smem:$0x3FAC] =	sst s3  }
0xc: {  	[smem:$0x3FAD] =	sst s4  }
0xd: {  	[smem:$0x3FAE] =	sst s5  }
0xe: {  	[smem:$0x3FAF] =	sst s6  }
0xf: {  	[smem:$0x3FB0] =	sst s7  }
0x10: {  	[smem:$0x3FB1] =	sst s8  }
0x11: {  	[smem:$0x3FB2] =	sst s9;
	s0 =	simm.s32 @!p0 $0x0  }
0x12: {  	s1 =	sld [smem:$0x3F98];
	s0 =	simm.s32 @p0 $0x1  }
0x13: {  	[smem:$0x3FB3] =	sst s0;
	s0 =	simm.s32 @!p1 $0x0  }
0x14: {  	s2 =	sld [smem:$0x3F97];
	s0 =	simm.s32 @p1 $0x1  }
0x15: {  	[smem:$0x3FB4] =	sst s0;
	s0 =	simm.s32 @!p2 $0x0  }
0x16: {  	s3 =	sld [smem:$0x3FDB];
	s0 =	simm.s32 @p2 $0x1  }
0x17: {  	s4 =	simm.s32 $0x1BF5;
	[smem:$0x3FB6] =	sst s0  }
0x18: {  	s0 =	sld [smem:$0x3F99];
	_ =	swait.ge [sflag:s4], $0x0  }
0x19: {  	s7 =	sld [smem:$0x3F9A]  }
0x1a: {  	s8 =	sadd.s32 $0xFFFFE003, lr  }
0x1b: {  	s9 =	sadd.s32 $0xFFFFFEF7, lr;
	s5 =	simm.s32 $0xFFFFFFFF;
	p2 =	slt.u32 s8, $0xFFFFF086  }
0x1c: {  	p1 =	slt.u32 s9, $0xF7A;
	s5 =	simm.s32 @!p2 $0x0  }
0x1d: {  	s5 =	simm.s32 @p1 $0x1;
	p0 =	seq.s32 s7, s2  }
0x1e: {  	s7 =	smul.u32 @!p0 $0xF7A, s2;
	p2 =	seq.s32 @!p0 s5, $0x0  }
0x1f: {  	s9 =	smul.u32 $0xF7A, s1;
	s8 =	simm.s32 @!p0 $0x1BF5;
	p2 =	por !p2, p0  }
0x20: {  	[sflag:s8] =	ssyncset.s32 @!p0 $0xFFFFF086;
	s6 =	sadd.s32 @!p0 s3, s7;
	s7 =	simm.s32 @!p0 $0x108  }
0x21: {  	s3 =	sadd.s32 s3, s9;
	s6 =	sadd.s32 @!p0 $0x88, s6;
	s7 =	simm.s32 @p2 $0x1082  }
0x22: {  	[simem:s7], [sflag:s8] =	dma.local @!p0 [hbm:s6], $0xF7A  }
0x23: {  	s9 =	sor.u32 $0xD0000000, s2;
	s6 =	simm.s32 $0x108;
	_ =	swait.ge @!p0 [sflag:s8], $0x0  }
0x24: {  	s3 =	sadd.s32 $0x88, s3;
	s6 =	simm.s32 @!p1 $0x1082;
	[sflag:s4] =	ssyncset.s32 $0xFFFFF086  }
0x25: {  	[simem:s6], [sflag:s4] =	dma.local [hbm:s3], $0xF7A  }
0x26: {  	[smem:$0x3F9A] =	sst s1;
	(tag) =	ssettag s2;
	_ =	strace s9  }
0x27: {  	s1 =	sld [smem:$0x3FAA]  }
0x28: {  	s2 =	sld [smem:$0x3FAB]  }
0x29: {  	s4 =	sld [smem:$0x3FAD]  }
0x2a: {  	p0 =	seq.s32 s5, $0x0;
	s5 =	sld [smem:$0x3FAE]  }
0x2b: {  	s6 =	sld [smem:$0x3FAF]  }
0x2c: {  	s7 =	sld [smem:$0x3FB0]  }
0x2d: {  	s3 =	simm.s32 $0x108;
	s8 =	sld [smem:$0x3FB1]  }
0x2e: {  	s3 =	simm.s32 @!p0 $0x1082;
	s9 =	sld [smem:$0x3FB2]  }
0x2f: {  	lr =	sadd.s32 s0, s3;
	s0 =	sld [smem:$0x3FA9]  }
0x30: {  	s3 =	sld [smem:$0x3FAC]  }
0x31: {  	[smem:$0x3FB5] =	sst s10  }
0x32: {  	s10 =	sld [smem:$0x3FB3];
	_ =	sdelay $0x3  }
0x33: {  	p0 =	seq.s32 s10, $0x1;
	s10 =	sld [smem:$0x3FB5];
	_ =	sdelay $0x3  }
0x34: {  	[smem:$0x3FB5] =	sst s10  }
0x35: {  	s10 =	sld [smem:$0x3FB4];
	_ =	sdelay $0x3  }
0x36: {  	p1 =	seq.s32 s10, $0x1;
	s10 =	sld [smem:$0x3FB5];
	_ =	sdelay $0x3  }
0x37: {  	[smem:$0x3FB5] =	sst s10  }
0x38: {  	s10 =	sld [smem:$0x3FB6]  }
0x39: {  	_ = 	snop;
	(pc) =	sbr.ind lr, $3  }
0x3a: {  	_ = 	snop  }
0x3b: {  	_ = 	snop  }
0x3c: {  	p2 =	seq.s32 s10, $0x1;
	s10 =	sld [smem:$0x3FB5]  }
0x3d: {  	_ =	shalt  }
0x3e: {  	_ =	shalt  }
0x3f: {  	_ =	shalt  }
0x40: {  	_ =	shalt  }
0x41: {  	_ =	shalt  }
0x42: {  	_ =	shalt  }
0x43: {  	_ =	shalt  }
0x44: {  	_ =	shalt  }
0x45: {  	_ =	shalt  }
0x46: {  	_ =	shalt  }
0x47: {  	_ =	shalt  }
0x48: {  	_ =	shalt  }
0x49: {  	_ =	shalt  }
0x4a: {  	_ =	shalt  }
0x4b: {  	_ =	shalt  }
0x4c: {  	_ =	shalt  }
0x4d: {  	_ =	shalt  }
0x4e: {  	_ =	shalt  }
0x4f: {  	_ =	shalt  }
0x50: {  	_ =	shalt  }
0x51: {  	_ =	shalt  }
0x52: {  	_ =	shalt  }
0x53: {  	_ =	shalt  }
0x54: {  	_ =	shalt  }
0x55: {  	_ =	shalt  }
0x56: {  	_ =	shalt  }
0x57: {  	_ =	shalt  }
0x58: {  	_ =	shalt  }
0x59: {  	_ =	shalt  }
0x5a: {  	_ =	shalt  }
0x5b: {  	_ =	shalt  }
0x5c: {  	_ =	shalt  }
0x5d: {  	_ =	shalt  }
0x5e: {  	_ =	shalt  }
0x5f: {  	_ =	shalt  }
0x60: {  	_ =	shalt  }
0x61: {  	_ =	shalt  }
0x62: {  	_ =	shalt  }
0x63: {  	_ =	shalt  }
0x64: {  	_ =	shalt  }
0x65: {  	_ =	shalt  }
0x66: {  	_ =	shalt  }
0x67: {  	_ =	shalt  }
0x68: {  	_ =	shalt  }
0x69: {  	_ =	shalt  }
0x6a: {  	_ =	shalt  }
0x6b: {  	_ =	shalt  }
0x6c: {  	_ =	shalt  }
0x6d: {  	_ =	shalt  }
0x6e: {  	_ =	shalt  }
0x6f: {  	_ =	shalt  }
0x70: {  	_ =	shalt  }
0x71: {  	_ =	shalt  }
0x72: {  	_ =	shalt  }
0x73: {  	_ =	shalt  }
0x74: {  	_ =	shalt  }
0x75: {  	_ =	shalt  }
0x76: {  	_ =	shalt  }
0x77: {  	_ =	shalt  }
0x78: {  	_ =	shalt  }
0x79: {  	_ =	shalt  }
0x7a: {  	_ =	shalt  }
0x7b: {  	_ =	shalt  }
0x7c: {  	_ =	shalt  }
0x7d: {  	_ =	shalt  }
0x7e: {  	_ =	shalt  }
0x7f: {  	_ =	shalt  }
0x80: {  	_ =	shalt  }
0x81: {  	_ =	shalt  }
0x82: {  	_ =	shalt  }
0x83: {  	_ =	shalt  }
0x84: {  	_ =	shalt  }
0x85: {  	_ =	shalt  }
0x86: {  	_ =	shalt  }
0x87: {  	_ =	shalt  }
.Lfunc_end0:
.L_simem_size_0:
called_computation.3_lowered:
.L_overlay_start_0:
0x88: {  	s2 =	sld [smem:$0x3FD9]  }
0x89: {  	s3 =	sld [smem:$0x3FFE];
	_ =	sdelay $0x1  }
0x8a: {  	s1 =	srdreg.scid  }
0x8b: {  	s0 =	sand.u32 $0x1, s1  }
0x8c: {  	s17 =	sshll.u32 s0, $0xA;
	s2 =	sadd.s32 s3, s2  }
0x8d: {  	s2 =	sadd.s32 s2, s17  }
0x8e: {  	[smem:$0x3FC1] =	sst s2  }
0x8f: {  	_ = 	snop  }
0x90: {  	s2 =	sld [smem:$0x3FD0];
	(tm) =	ssettm $0x1  }
0x91: {  	s18 =	sld [smem:$0x3FFB];
	_ =	sdelay $0x3  }
0x92: {  	_ =	strace s18  }
0x93: {  	s3 =	sld [smem:$0x3FFC];
	_ =	sdelay $0x3  }
0x94: {  	_ =	strace s3  }
0x95: {  	s3 =	sld [smem:$0x3FFD];
	_ =	sdelay $0x3  }
0x96: {  	_ =	strace s3  }
0x97: {  	_ =	strace $0x8FFFFFFF  }
0x98: {  	s19 =	sld [smem:$0x3FDB];
	_ =	sdelay $0x1  }
0x99: {  	s4 =	simm.s32 $_scs_section_size  }
0x9a: {  	s5 =	simm.s32 $_size__tile_overlayer_lowered;
	s6 =	simm.s32 $_tile_overlayer_lowered  }
0x9b: {  	s22 =	simm.s32 $0x1BFF;
	s21 =	sshll.u32 s6, $0x1;
	s3 =	sadd.s32 s4, s19  }
0x9c: {  	s7 =	simm.s32 $0x0;
	s20 =	sshll.u32 s5, $0x1;
	s5 =	sadd.s32 s21, s3  }
0x9d: {  	[timem:s7], [sflag:s22] =	dma.local [hbm:s5], s20  }
0x9e: {  	_ =	swait.ge [sflag:s22], s20  }
0x9f: {  	s4 =	ssub.s32 $0x0, s20;
	[sflag:s22] =	ssyncset.done $0x0  }
0xa0: {  	[sflag:s22] =	ssyncadd.s32 s4;
	_ =	sdelay $0x1  }
0xa1: {  	s23 =	simm.s32 $0x1B8B  }
0xa2: {  	_ =	swait.ge [sflag:s23], $0x1  }
0xa3: {  	[sflag:s23] =	ssyncset.done $0x0  }
0xa4: {  	s25 =	simm.s32 $0x1B8E;
	s24 =	sld [smem:$0x3FFE];
	[sflag:s23] =	ssyncadd.s32 $0xFFFFFFFF  }
0xa5: {  	s26 =	simm.s32 $execute0_lowered;
	[smem:$0x3FD2] =	sst s25  }
0xa6: {  	s5 =	sshll.u32 s26, $0x1;
	_ =	strace $0x8000004F;
	[dreg:$0x1] =	wrdreg $0xFFFFFFFF  }
0xa7: {  	s28 =	simm.s32 $_size_execute0_lowered;
	s3 =	sadd.s32 s3, s5;
	[dreg:$0x0] =	wrdreg $0x0  }
0xa8: {  	s5 =	sshll.u32 s28, $0x1;
	[dreg:$0x2] =	wrdreg s3  }
0xa9: {  	[dreg:$0x3] =	wrdreg s5  }
0xaa: {  	[dreg:$0x4] =	wrdreg $0xC0  }
0xab: {  	_ =	task [dreg:s7], $0x5FFFF  }
0xac: {  	[dreg:$0x1] =	wrdreg $0xFFFFFFFF  }
0xad: {  	[dreg:$0x0] =	wrdreg $0x60  }
0xae: {  	[dreg:$0x2] =	wrdreg s24  }
0xaf: {  	[dreg:$0x3] =	wrdreg s2  }
0xb0: {  	[dreg:$0x4] =	wrdreg $0xA8000  }
0xb1: {  	[dreg:$0x5] =	wrdreg $0x9  }
0xb2: {  	_ =	task.clear_ibuf [dreg:s7], $0x6FFFF;
	_ =	strace $0x9000004F  }
0xb3: {  	s29 =	simm.s32 $0x9;
	_ =	strace $0x80000051  }
0xb4: {  	_ =	swait.ge [sflag:s29], $0x1  }
0xb5: {  	[sflag:s29] =	ssyncadd.s32 $0xFFFFFFFF  }
0xb6: {  	_ =	strace $0x90000051  }
0xb7: {  	_ =	sfence  }
0xb8: {  	s30 =	sld [smem:$0x0];
	_ =	sdelay $0x2  }
0xb9: {  	s31 =	sshll.u32 s1, $0xD;
	s1 =	sshrl.u32 s1, $0x2  }
0xba: {  	s3 =	sand.u32 $0x4000, s31;
	s1 =	sadd.s32 s1, s30  }
0xbb: {  	s0 =	sor.u32 s3, s0;
	s1 =	sshll.u32 s1, $0x11  }
0xbc: {  	s0 =	sor.u32 s1, s0  }
0xbd: {  	s0 =	sadd.s32 $0x8F2B, s0  }
0xbe: {  	[sflag:s0] =	ssyncadd.remote.s32 $0x1  }
0xbf: {  	_ =	sfence.sel $0xFFFF  }
0xc0: {  	[dreg:$0x0] =	wrdreg $0xFFFFFFFF;
	(pc) =	sbr.abs _section_cstart, $3  }
0xc1: {  	[dreg:$0x1] =	wrdreg $0xFFFFFFFF  }
0xc2: {  	_ =	task.clear_ibuf [dreg:s7], $0x2FFFF;
	_ =	strace $0x9FFFFFFF  }
0xc3: {  	(tm) =	ssettm $0x7FFFFFFF  }
tec
execute0_lowered:
.L_overlay_start_1:
0x0: {  	(tag) =	ssettag $0x1  }
0x1: {  	s5 =	rddreg [dreg:$0x0]  }
0x2: {  	s12 =	rddreg [dreg:$0x1]  }
0x3: {  	s2 =	rddreg [dreg:$0x2]  }
0x4: {  	s4 =	srdreg.scid;
	s0 =	stileid.u32  }
0x5: {  	s3 =	simm.s32 $0x0;
	s17 =	simm.s32 $0x3;
	s18 =	simm.s32 $0x1400  }
0x6: {  	s21 =	simm.s32 $0xFFFFFFD8;
	s19 =	simm.s32 $0x80;
	s20 =	simm.s32 $0x1  }
0x7: {  	s22 =	simm.s32 $0x4;
	s23 =	simm.s32 $0x2;
	s24 =	simm.s32 $0x1380  }
0x8: {  	s25 =	simm.s32 $0x2700;
	s6 =	sand.u32 $0x1, s4;
	s7 =	smul.u32 $0x2780, s0  }
0x9: {  	[smem:$0x7FF] =	sst s3;
	s4 =	sadd.s32 $0x4A600, s5;
	s26 =	smul.u32 $0x4F000, s0  }
0xa: {  	s13 =	sadd.s32 $0x19400, s5;
	s8 =	smul.u32 $0x27800, s6;
	_ =	strace $0x80000050  }
0xb: {  	s28 =	sshll.u32 s6, $0x4;
	s6 =	ssub.s32 $0x2, s6;
	[dreg:$0x4] =	wrdreg s21  }
0xc: {  	s21 =	simm.s32 $0x6800;
	s29 =	sor.u32 s0, s28;
	s30 =	sshrl.u32 s26, $0x2  }
0xd: {  	s31 =	sshrl.u32 s6, $0x1;
	s26 =	simm.s32 $0x2780;
	s9 =	smul.u32 $0x2800, s29  }
0xe: {  	s7 =	sadd.s32 s7, s8;
	s15 =	ssub.s32 s6, s31;
	s11 =	smul.u32 $0x500, s29  }
0xf: {  	s14 =	sadd.s32 s7, s5;
	s5 =	sadd.s32 s30, s2;
	s15 =	smax.u32 s15, $0x1  }
0x10: {  	s6 =	sadd.s32 $0x4000, s5;
	s7 =	sadd.s32 $0x8000, s5;
	s8 =	sadd.s32 $0xC000, s5  }
0x11: {  	s16 =	sshrl.u32 s9, $0x3;
	s9 =	sadd.s32 $0x10000, s5;
	s10 =	sadd.s32 s12, s11  }
0x12: {  	s11 =	sadd.s32 s13, s11;
	s14 =	sadd.s32 $0x10EC00, s14;
	s16 =	sadd.s32 $0x280, s16  }
0x13: {  	v0 =	vimm.f32 $0.0e+00;
	s12 =	sadd.s32 s12, s16;
	s13 =	sadd.s32 s13, s16;
	s16 =	simm.s32 $0x2800  }
.LBB2_1:
0x14: {  	s28 =	simm.s32 $0x0;
	s29 =	simm.s32 $0x200  }
.LBB2_2:
0x15: {  	p0 =	sne.s32 s29, $0xFE00;
	[tilespmem:s28+$0x2870] =	vst v0  }
0x16: {  	[tilespmem:s28+$0x2800] =	vst v0  }
0x17: {  	[tilespmem:s28+$0x2810] =	vst v0  }
.Ltmp0:
0x18: {  	[tilespmem:s28+$0x2820] =	vst v0;
	(pc) =	sbr.rel @p0 .LBB2_2-.Ltmp0, $4  }
0x19: {  	[tilespmem:s28+$0x2830] =	vst v0  }
0x1a: {  	[tilespmem:s28+$0x2840] =	vst v0  }
0x1b: {  	[tilespmem:s28+$0x2850] =	vst v0  }
0x1c: {  	[tilespmem:s28+$0x2860] =	vst v0;
	s28 =	sshra.s32 s29, $0x2;
	s29 =	sadd.s32 $0x200, s29  }
0x1d: {  	[tilespmem:s28+$0x2870] =	vst v0  }
0x1e: {  	[tilespmem:s28+$0x2800] =	vst v0  }
0x1f: {  	[tilespmem:s28+$0x2810] =	vst v0  }
0x20: {  	[tilespmem:s28+$0x2820] =	vst v0  }
0x21: {  	[tilespmem:s28+$0x2830] =	vst v0  }
0x22: {  	[tilespmem:s28+$0x2840] =	vst v0  }
0x23: {  	[tilespmem:s28+$0x2850] =	vst v0  }
0x24: {  	[tilespmem:s28+$0x2860] =	vst v0  }
0x25: {  	[spmem:s5] =	stream.linear.scatter [tilespmem:s16], [sflag:$0x3], $0x4000, $0x38;
	[tilespmem:$0x1E400] =	vst v63  }
0x26: {  	_ =	swait.ge [sflag:s17], $0x4000  }
0x27: {  	[sflag:s17] =	ssyncset.done $0x0  }
0x28: {  	[sflag:s17] =	ssyncadd.s32 $0xFFFFC000  }
0x29: {  	[spmem:s6] =	stream.linear.scatter [tilespmem:s16], [sflag:$0x3], $0x4000, $0x38;
	[tilespmem:$0x1E400] =	vst v63  }
0x2a: {  	_ =	swait.ge [sflag:s17], $0x4000  }
0x2b: {  	[sflag:s17] =	ssyncset.done $0x0  }
0x2c: {  	[sflag:s17] =	ssyncadd.s32 $0xFFFFC000  }
0x2d: {  	[spmem:s7] =	stream.linear.scatter [tilespmem:s16], [sflag:$0x3], $0x4000, $0x38;
	[tilespmem:$0x1E400] =	vst v63  }
0x2e: {  	_ =	swait.ge [sflag:s17], $0x4000  }
0x2f: {  	[sflag:s17] =	ssyncset.done $0x0  }
0x30: {  	[sflag:s17] =	ssyncadd.s32 $0xFFFFC000  }
0x31: {  	[spmem:s8] =	stream.linear.scatter [tilespmem:s16], [sflag:$0x3], $0x4000, $0x38;
	[tilespmem:$0x1E400] =	vst v63  }
0x32: {  	_ =	swait.ge [sflag:s17], $0x4000  }
0x33: {  	[sflag:s17] =	ssyncset.done $0x0  }
0x34: {  	[sflag:s17] =	ssyncadd.s32 $0xFFFFC000  }
0x35: {  	[spmem:s9] =	stream.linear.scatter [tilespmem:s16], [sflag:$0x3], $0x3C00, $0x38;
	[tilespmem:$0x1E400] =	vst v63  }
0x36: {  	_ =	swait.ge [sflag:s17], $0x3C00  }
0x37: {  	[sflag:s17] =	ssyncset.done $0x0  }
0x38: {  	s28 =	simm.s32 $0x0;
	[sflag:s17] =	ssyncadd.s32 $0xFFFFC400  }
0x39: {  	[tilespmem:s28], [sflag:$0x3] =	stream.linear.gather [hbm4b:s10+s28], $0x1400, $0x38;
	[tilespmem:$0x1E400] =	vst v63  }
0x3a: {  	_ =	swait.ge [sflag:s17], $0x1400  }
0x3b: {  	[sflag:s17] =	ssyncset.done $0x0  }
0x3c: {  	[sflag:s17] =	ssyncadd.s32 $0xFFFFEC00  }
0x3d: {  	[tilespmem:s18], [sflag:$0x3] =	stream.linear.gather [hbm4b:s11+s28], $0x1400, $0x38;
	[tilespmem:$0x1E400] =	vst v63  }
0x3e: {  	_ =	swait.ge [sflag:s17], $0x1400  }
0x3f: {  	[sflag:s17] =	ssyncset.done $0x0  }
0x40: {  	[sflag:s17] =	ssyncadd.s32 $0xFFFFEC00  }
0x41: {  	[bflag:$0x0] =	sbarrier.arrive $0xFFFF  }
0x42: {  	[tilespmem:s16], [sflag:$0x1] =	stream.indirect.gather [hbm4b:s4+s19], $0x80, s28, s19, $0xb8;
	[tilespmem:$0x1E400] =	vst v63  }
0x43: {  	p0 =	por $0x1, $0x1;
	s29 =	simm.s32 $0x0;
	_ =	swait.ge [sflag:s20], $0x4000  }
0x44: {  	p1 =	por $0x0, $0x0;
	s29 =	simm.s32 @!p0 $0x7FFFD8;
	s28 =	rddreg [dreg:$0x4]  }
0x45: {  	s29 =	sadd.s32 $0x2, s29;
	s28 =	simm.s32 @!p1 $0x0  }
0x46: {  	s29 =	sshll.u32 s29, $0x9;
	s28 =	sadd.s32 $0x2, s28  }
0x47: {  	s29 =	sadd.s32 $0xFFFFFC00, s29;
	[sflag:s20] =	ssyncset.done $0x0;
	s28 =	sshll.u32 s28, $0x7  }
0x48: {  	s29 =	sshra.s32 s29, $0x2;
	[sflag:s20] =	ssyncadd.s32 $0xFFFFC000;
	s28 =	sadd.s32 $0xFFFFFF80, s28  }
0x49: {  	[tilespmem:s21], [sflag:$0x2] =	stream.indirect.gather [hbm4b:s4+s19], $0x80, s28, s19, $0xb8;
	[tilespmem:$0x1E400] =	vst v63  }
0x4a: {  	s29 =	sadd.s32 $0x1400, s29  }
0x4b: {  	[spmem:s2] =	stream.indirect.scatter.add.f32 [tilespmem:s16], [sflag:$0x4], $0x80, s29, s19, $0xb8;
	[tilespmem:$0x1E400] =	vst v63  }
0x4c: {  	_ =	swait.ge [sflag:s22], $0x4000  }
0x4d: {  	[sflag:s22] =	ssyncset.done $0x0  }
0x4e: {  	[sflag:s22] =	ssyncadd.s32 $0xFFFFC000  }
0x4f: {  	s30 =	simm.s32 $0x0;
	p0 =	por $0x1, $0x1;
	_ =	swait.ge [sflag:s23], $0x4000  }
0x50: {  	s30 =	simm.s32 @!p0 $0x7FFFD8;
	p1 =	por $0x1, $0x1;
	[sflag:s23] =	ssyncset.done $0x0  }
0x51: {  	s31 =	simm.s32 @!p1 $0x4;
	s29 =	simm.s32 @!p1 $0x0;
	[sflag:s23] =	ssyncadd.s32 $0xFFFFC000  }
0x52: {  	[tilespmem:s29], [sflag:$0x4] =	stream.linear.gather @!p1 [hbm4b:s12+s29], $0x1400, $0x38;
	[tilespmem:$0x1E400] =	vst v63  }
0x53: {  	s30 =	sadd.s32 $0x2, s30;
	_ =	swait.ge @!p1 [sflag:s31], $0x1400  }
0x54: {  	s30 =	sshll.u32 s30, $0x9;
	[sflag:s31] =	ssyncset.done @!p1 $0x0  }
0x55: {  	s30 =	sshra.s32 s30, $0x2;
	[sflag:s31] =	ssyncadd.s32 @!p1 $0xFFFFEC00  }
0x56: {  	[tilespmem:s16], [sflag:$0x1] =	stream.indirect.gather [hbm4b:s4+s19], $0x80, s30, s19, $0xb8;
	[tilespmem:$0x1E400] =	vst v63  }
0x57: {  	s28 =	sadd.s32 $0x1400, s28  }
0x58: {  	[spmem:s2] =	stream.indirect.scatter.add.f32 [tilespmem:s21], [sflag:$0x4], $0x80, s28, s19, $0xb8;
	[tilespmem:$0x1E400] =	vst v63  }
0x59: {  	_ =	swait.ge [sflag:s22], $0x4000  }
0x5a: {  	[sflag:s22] =	ssyncset.done $0x0  }
0x5b: {  	s30 =	simm.s32 @!p1 $0x3;
	s28 =	simm.s32 @!p1 $0x1400;
	[sflag:s22] =	ssyncadd.s32 $0xFFFFC000  }
0x5c: {  	[tilespmem:s28], [sflag:$0x3] =	stream.linear.gather @!p1 [hbm4b:s13+s29], $0x1400, $0x38;
	[tilespmem:$0x1E400] =	vst v63  }
0x5d: {  	s28 =	simm.s32 $0x2;
	s29 =	simm.s32 $0x1;
	_ =	swait.ge @!p1 [sflag:s30], $0x1400  }
.LBB2_4:
0x5e: {  	[sflag:s30] =	ssyncset.done @!p1 $0x0  }
0x5f: {  	s28 =	sadd.s32 $0x2, s28;
	s31 =	smov.u32 s29;
	[sflag:s30] =	ssyncadd.s32 @!p1 $0xFFFFEC00  }
0x60: {  	s0 =	simm.s32 $0x0;
	p2 =	slt.u32 s31, $0x14;
	_ =	swait.ge [sflag:s20], $0x4000  }
0x61: {  	p1 =	sgt.u32 s31, $0x13;
	s0 =	simm.s32 @!p2 $0x7FFFD8;
	s30 =	rddreg [dreg:$0x4]  }
0x62: {  	s0 =	sadd.s32 s28, s0;
	s30 =	simm.s32 @!p1 $0x0  }
0x63: {  	s0 =	sshll.u32 s0, $0x9;
	s30 =	sadd.s32 s28, s30  }
0x64: {  	[sflag:s20] =	ssyncset.done $0x0;
	s0 =	sadd.s32 $0xFFFFFC00, s0;
	s30 =	sshll.u32 s30, $0x7  }
0x65: {  	[sflag:s20] =	ssyncadd.s32 $0xFFFFC000;
	s0 =	sshra.s32 s0, $0x2;
	s30 =	sadd.s32 $0xFFFFFF80, s30  }
0x66: {  	[tilespmem:s21], [sflag:$0x2] =	stream.indirect.gather [hbm4b:s4+s19], $0x80, s30, s19, $0xb8;
	[tilespmem:$0x1E400] =	vst v63  }
0x67: {  	s0 =	sadd.s32 $0x1400, s0  }
0x68: {  	[spmem:s2] =	stream.indirect.scatter.add.f32 [tilespmem:s16], [sflag:$0x4], $0x80, s0, s19, $0xb8;
	[tilespmem:$0x1E400] =	vst v63  }
0x69: {  	_ =	swait.ge [sflag:s22], $0x4000  }
0x6a: {  	[sflag:s22] =	ssyncset.done $0x0  }
0x6b: {  	[sflag:s22] =	ssyncadd.s32 $0xFFFFC000  }
0x6c: {  	s1 =	simm.s32 $0x0;
	p2 =	slt.u32 s31, $0x13;
	_ =	swait.ge [sflag:s23], $0x4000  }
0x6d: {  	s1 =	simm.s32 @!p2 $0x7FFFD8;
	p1 =	sne.s32 s31, $0x13;
	[sflag:s23] =	ssyncset.done $0x0  }
0x6e: {  	s31 =	simm.s32 @!p1 $0x4;
	s0 =	simm.s32 @!p1 $0x0;
	[sflag:s23] =	ssyncadd.s32 $0xFFFFC000  }
0x6f: {  	[tilespmem:s0], [sflag:$0x4] =	stream.linear.gather @!p1 [hbm4b:s12+s0], $0x1400, $0x38;
	[tilespmem:$0x1E400] =	vst v63  }
0x70: {  	s1 =	sadd.s32 s28, s1;
	_ =	swait.ge @!p1 [sflag:s31], $0x1400  }
0x71: {  	s1 =	sshll.u32 s1, $0x9;
	[sflag:s31] =	ssyncset.done @!p1 $0x0  }
0x72: {  	s29 =	sadd.s32 $0x1, s29;
	s1 =	sshra.s32 s1, $0x2;
	[sflag:s31] =	ssyncadd.s32 @!p1 $0xFFFFEC00  }
0x73: {  	[tilespmem:s16], [sflag:$0x1] =	stream.indirect.gather [hbm4b:s4+s19], $0x80, s1, s19, $0xb8;
	[tilespmem:$0x1E400] =	vst v63  }
0x74: {  	p0 =	sne.s32 s29, $0x27;
	s30 =	sadd.s32 $0x1400, s30  }
0x75: {  	[spmem:s2] =	stream.indirect.scatter.add.f32 [tilespmem:s21], [sflag:$0x4], $0x80, s30, s19, $0xb8;
	[tilespmem:$0x1E400] =	vst v63  }
.Ltmp1:
0x76: {  	_ =	swait.ge [sflag:s22], $0x4000;
	(pc) =	sbr.rel @p0 .LBB2_4-.Ltmp1, $4  }
0x77: {  	[sflag:s22] =	ssyncset.done $0x0  }
0x78: {  	s1 =	simm.s32 @!p1 $0x1400;
	s30 =	simm.s32 @!p1 $0x3;
	[sflag:s22] =	ssyncadd.s32 $0xFFFFC000  }
0x79: {  	[tilespmem:s1], [sflag:$0x3] =	stream.linear.gather @!p1 [hbm4b:s13+s0], $0x1400, $0x38;
	[tilespmem:$0x1E400] =	vst v63  }
0x7a: {  	_ =	swait.ge @!p1 [sflag:s30], $0x1400  }
0x7b: {  	[sflag:s30] =	ssyncset.done @!p1 $0x0  }
0x7c: {  	[sflag:s30] =	ssyncadd.s32 @!p1 $0xFFFFEC00  }
0x7d: {  	_ =	swait.ge [sflag:s20], $0x4000  }
0x7e: {  	[sflag:s20] =	ssyncset.done $0x0  }
0x7f: {  	[sflag:s20] =	ssyncadd.s32 $0xFFFFC000  }
0x80: {  	[tilespmem:s21], [sflag:$0x2] =	stream.indirect.gather [hbm4b:s4+s19], $0x80, s24, s19, $0xb8;
	[tilespmem:$0x1E400] =	vst v63  }
0x81: {  	_ = 	snop  }
0x82: {  	[spmem:s2] =	stream.indirect.scatter.add.f32 [tilespmem:s16], [sflag:$0x3], $0x80, s25, s19, $0xb8;
	[tilespmem:$0x1E400] =	vst v63  }
0x83: {  	_ =	swait.ge [sflag:s17], $0x4000  }
0x84: {  	[sflag:s17] =	ssyncset.done $0x0  }
0x85: {  	[sflag:s17] =	ssyncadd.s32 $0xFFFFC000  }
0x86: {  	_ =	swait.ge [sflag:s23], $0x4000  }
0x87: {  	[sflag:s23] =	ssyncset.done $0x0  }
0x88: {  	[sflag:s23] =	ssyncadd.s32 $0xFFFFC000  }
0x89: {  	[spmem:s2] =	stream.indirect.scatter.add.f32 [tilespmem:s21], [sflag:$0x3], $0x80, s26, s19, $0xb8;
	[tilespmem:$0x1E400] =	vst v63  }
0x8a: {  	s0 =	stileid.u32;
	_ =	swait.ge [sflag:s17], $0x4000  }
0x8b: {  	s1 =	sshrl.u32 s5, $0x3;
	s3 =	sadd.s32 $0x1, s3;
	[sflag:s17] =	ssyncset.done $0x0  }
0x8c: {  	s0 =	sshll.u32 s0, $0x6;
	p0 =	sne.s32 s3, s15;
	[sflag:s17] =	ssyncadd.s32 $0xFFFFC000  }
.Ltmp2:
0x8d: {  	s0 =	sor.u32 $0x1C03, s0;
	[bflag:$0x0] =	sbarrier.arrive $0xFFFF;
	(pc) =	sbr.rel @p0 .LBB2_1-.Ltmp2, $4  }
0x8e: {  	[hbm:s14], [sflag:s0] =	dma.local [spmem:s1], $0x2780  }
0x8f: {  	_ =	swait.ge [sflag:s17], $0x2780  }
0x90: {  	[sflag:s17] =	ssyncset.done $0x0  }
0x91: {  	[sflag:s17] =	ssyncadd.s32 $0xFFFFD880  }
0x92: {  	_ =	sfence.sel $0x180000  }
0x93: {  	[bflag:$0x0] =	sbarrier.arrive $0xFFFF  }
0x94: {  	_ =	strace $0x90000050  }
0x95: {  	s0 =	stileid.u32;
	[bflag:$0x2] =	sbarrier.arrive $0xFFFF  }
0x96: {  	p0 =	sne.s32 s0, $0x0;
	s0 =	rddreg [dreg:$0x3]  }
0x97: {  	s0 =	sadd.s32 @!p0 $0x100000, s0  }
0x98: {  	[sflag:s0] =	ssyncadd.tile.s32 @!p0 $0x1;
	_ =	shalt  }
.Lfunc_end2:
_tile_overlayer_lowered:
.L_overlay_start_2:
0x99: {  	(tag) =	ssettag $0x2  }
0x9a: {  	s0 =	rddreg [dreg:$0x0];
	s2 =	stileid.u32  }
0x9b: {  	s1 =	rddreg [dreg:$0x1];
	p0 =	sne.s32 s2, $0x0  }
0x9c: {  	s3 =	rddreg [dreg:$0x2];
	[bflag:$0x3] =	sbarrier.arrive $0xFFFF;
	s2 =	simm.s32 @!p0 $0x1C03  }
0x9d: {  	[timem:s3], [sflag:s2] =	dma.local @!p0 [hbm:s0], s1  }
0x9e: {  	s0 =	simm.s32 @!p0 $0x3  }
0x9f: {  	_ =	swait.ge @!p0 [sflag:s0], s1  }
0xa0: {  	s1 =	ssub.s32 @!p0 $0x0, s1;
	[sflag:s0] =	ssyncset.done @!p0 $0x0  }
0xa1: {  	[sflag:s0] =	ssyncadd.s32 @!p0 s1  }
0xa2: {  	[bflag:$0x3] =	sbarrier.arrive $0xFFFF  }
0xa3: {  	_ =	shalt  }

// kernel: kernel.25.cloned.1.call-start
scs
__scs_entry_jumppad:
0x0: {  	(pc) =	sbr.rel $0x88, $3  }
0x1: {  	(tag) =	ssettag $0x0;
	lr =	simm.s32 $0x1  }
0x2: {  	[smem:$0x3F9A] =	sst lr;
	_ =	strace $0xD0000000  }
0x3: {  	_ = 	snop  }
0x4: {  	_ = 	snop  }
0x5: {  	_ = 	snop  }
0x6: {  	_ = 	snop  }
0x7: {  	_ = 	snop  }
__scs_overlays_trampoline_lowered:
0x8: {  	[smem:$0x3FA9] =	sst s0  }
0x9: {  	[smem:$0x3FAA] =	sst s1  }
0xa: {  	[smem:$0x3FAB] =	sst s2  }
0xb: {  	[smem:$0x3FAC] =	sst s3  }
0xc: {  	[smem:$0x3FAD] =	sst s4  }
0xd: {  	[smem:$0x3FAE] =	sst s5  }
0xe: {  	[smem:$0x3FAF] =	sst s6  }
0xf: {  	[smem:$0x3FB0] =	sst s7  }
0x10: {  	[smem:$0x3FB1] =	sst s8  }
0x11: {  	[smem:$0x3FB2] =	sst s9;
	s0 =	simm.s32 @!p0 $0x0  }
0x12: {  	s1 =	sld [smem:$0x3F98];
	s0 =	simm.s32 @p0 $0x1  }
0x13: {  	[smem:$0x3FB3] =	sst s0;
	s0 =	simm.s32 @!p1 $0x0  }
0x14: {  	s2 =	sld [smem:$0x3F97];
	s0 =	simm.s32 @p1 $0x1  }
0x15: {  	[smem:$0x3FB4] =	sst s0;
	s0 =	simm.s32 @!p2 $0x0  }
0x16: {  	s3 =	sld [smem:$0x3FDB];
	s0 =	simm.s32 @p2 $0x1  }
0x17: {  	s4 =	simm.s32 $0x1BF5;
	[smem:$0x3FB6] =	sst s0  }
0x18: {  	s0 =	sld [smem:$0x3F99];
	_ =	swait.ge [sflag:s4], $0x0  }
0x19: {  	s7 =	sld [smem:$0x3F9A]  }
0x1a: {  	s8 =	sadd.s32 $0xFFFFE003, lr  }
0x1b: {  	s9 =	sadd.s32 $0xFFFFFEF7, lr;
	s5 =	simm.s32 $0xFFFFFFFF;
	p2 =	slt.u32 s8, $0xFFFFF086  }
0x1c: {  	p1 =	slt.u32 s9, $0xF7A;
	s5 =	simm.s32 @!p2 $0x0  }
0x1d: {  	s5 =	simm.s32 @p1 $0x1;
	p0 =	seq.s32 s7, s2  }
0x1e: {  	s7 =	smul.u32 @!p0 $0xF7A, s2;
	p2 =	seq.s32 @!p0 s5, $0x0  }
0x1f: {  	s9 =	smul.u32 $0xF7A, s1;
	s8 =	simm.s32 @!p0 $0x1BF5;
	p2 =	por !p2, p0  }
0x20: {  	[sflag:s8] =	ssyncset.s32 @!p0 $0xFFFFF086;
	s6 =	sadd.s32 @!p0 s3, s7;
	s7 =	simm.s32 @!p0 $0x108  }
0x21: {  	s3 =	sadd.s32 s3, s9;
	s6 =	sadd.s32 @!p0 $0x88, s6;
	s7 =	simm.s32 @p2 $0x1082  }
0x22: {  	[simem:s7], [sflag:s8] =	dma.local @!p0 [hbm:s6], $0xF7A  }
0x23: {  	s9 =	sor.u32 $0xD0000000, s2;
	s6 =	simm.s32 $0x108;
	_ =	swait.ge @!p0 [sflag:s8], $0x0  }
0x24: {  	s3 =	sadd.s32 $0x88, s3;
	s6 =	simm.s32 @!p1 $0x1082;
	[sflag:s4] =	ssyncset.s32 $0xFFFFF086  }
0x25: {  	[simem:s6], [sflag:s4] =	dma.local [hbm:s3], $0xF7A  }
0x26: {  	[smem:$0x3F9A] =	sst s1;
	(tag) =	ssettag s2;
	_ =	strace s9  }
0x27: {  	s1 =	sld [smem:$0x3FAA]  }
0x28: {  	s2 =	sld [smem:$0x3FAB]  }
0x29: {  	s4 =	sld [smem:$0x3FAD]  }
0x2a: {  	p0 =	seq.s32 s5, $0x0;
	s5 =	sld [smem:$0x3FAE]  }
0x2b: {  	s6 =	sld [smem:$0x3FAF]  }
0x2c: {  	s7 =	sld [smem:$0x3FB0]  }
0x2d: {  	s3 =	simm.s32 $0x108;
	s8 =	sld [smem:$0x3FB1]  }
0x2e: {  	s3 =	simm.s32 @!p0 $0x1082;
	s9 =	sld [smem:$0x3FB2]  }
0x2f: {  	lr =	sadd.s32 s0, s3;
	s0 =	sld [smem:$0x3FA9]  }
0x30: {  	s3 =	sld [smem:$0x3FAC]  }
0x31: {  	[smem:$0x3FB5] =	sst s10  }
0x32: {  	s10 =	sld [smem:$0x3FB3];
	_ =	sdelay $0x3  }
0x33: {  	p0 =	seq.s32 s10, $0x1;
	s10 =	sld [smem:$0x3FB5];
	_ =	sdelay $0x3  }
0x34: {  	[smem:$0x3FB5] =	sst s10  }
0x35: {  	s10 =	sld [smem:$0x3FB4];
	_ =	sdelay $0x3  }
0x36: {  	p1 =	seq.s32 s10, $0x1;
	s10 =	sld [smem:$0x3FB5];
	_ =	sdelay $0x3  }
0x37: {  	[smem:$0x3FB5] =	sst s10  }
0x38: {  	s10 =	sld [smem:$0x3FB6]  }
0x39: {  	_ = 	snop;
	(pc) =	sbr.ind lr, $3  }
0x3a: {  	_ = 	snop  }
0x3b: {  	_ = 	snop  }
0x3c: {  	p2 =	seq.s32 s10, $0x1;
	s10 =	sld [smem:$0x3FB5]  }
0x3d: {  	_ =	shalt  }
0x3e: {  	_ =	shalt  }
0x3f: {  	_ =	shalt  }
0x40: {  	_ =	shalt  }
0x41: {  	_ =	shalt  }
0x42: {  	_ =	shalt  }
0x43: {  	_ =	shalt  }
0x44: {  	_ =	shalt  }
0x45: {  	_ =	shalt  }
0x46: {  	_ =	shalt  }
0x47: {  	_ =	shalt  }
0x48: {  	_ =	shalt  }
0x49: {  	_ =	shalt  }
0x4a: {  	_ =	shalt  }
0x4b: {  	_ =	shalt  }
0x4c: {  	_ =	shalt  }
0x4d: {  	_ =	shalt  }
0x4e: {  	_ =	shalt  }
0x4f: {  	_ =	shalt  }
0x50: {  	_ =	shalt  }
0x51: {  	_ =	shalt  }
0x52: {  	_ =	shalt  }
0x53: {  	_ =	shalt  }
0x54: {  	_ =	shalt  }
0x55: {  	_ =	shalt  }
0x56: {  	_ =	shalt  }
0x57: {  	_ =	shalt  }
0x58: {  	_ =	shalt  }
0x59: {  	_ =	shalt  }
0x5a: {  	_ =	shalt  }
0x5b: {  	_ =	shalt  }
0x5c: {  	_ =	shalt  }
0x5d: {  	_ =	shalt  }
0x5e: {  	_ =	shalt  }
0x5f: {  	_ =	shalt  }
0x60: {  	_ =	shalt  }
0x61: {  	_ =	shalt  }
0x62: {  	_ =	shalt  }
0x63: {  	_ =	shalt  }
0x64: {  	_ =	shalt  }
0x65: {  	_ =	shalt  }
0x66: {  	_ =	shalt  }
0x67: {  	_ =	shalt  }
0x68: {  	_ =	shalt  }
0x69: {  	_ =	shalt  }
0x6a: {  	_ =	shalt  }
0x6b: {  	_ =	shalt  }
0x6c: {  	_ =	shalt  }
0x6d: {  	_ =	shalt  }
0x6e: {  	_ =	shalt  }
0x6f: {  	_ =	shalt  }
0x70: {  	_ =	shalt  }
0x71: {  	_ =	shalt  }
0x72: {  	_ =	shalt  }
0x73: {  	_ =	shalt  }
0x74: {  	_ =	shalt  }
0x75: {  	_ =	shalt  }
0x76: {  	_ =	shalt  }
0x77: {  	_ =	shalt  }
0x78: {  	_ =	shalt  }
0x79: {  	_ =	shalt  }
0x7a: {  	_ =	shalt  }
0x7b: {  	_ =	shalt  }
0x7c: {  	_ =	shalt  }
0x7d: {  	_ =	shalt  }
0x7e: {  	_ =	shalt  }
0x7f: {  	_ =	shalt  }
0x80: {  	_ =	shalt  }
0x81: {  	_ =	shalt  }
0x82: {  	_ =	shalt  }
0x83: {  	_ =	shalt  }
0x84: {  	_ =	shalt  }
0x85: {  	_ =	shalt  }
0x86: {  	_ =	shalt  }
0x87: {  	_ =	shalt  }
.Lfunc_end0:
.L_simem_size_0:
called_computation.4_lowered:
.L_overlay_start_0:
0x88: {  	s2 =	sld [smem:$0x3FD9]  }
0x89: {  	s3 =	sld [smem:$0x3FFE];
	_ =	sdelay $0x1  }
0x8a: {  	s1 =	srdreg.scid  }
0x8b: {  	s0 =	sand.u32 $0x1, s1  }
0x8c: {  	s17 =	sshll.u32 s0, $0xA;
	s2 =	sadd.s32 s3, s2  }
0x8d: {  	s2 =	sadd.s32 s2, s17  }
0x8e: {  	[smem:$0x3FC1] =	sst s2  }
0x8f: {  	_ = 	snop  }
0x90: {  	s2 =	sld [smem:$0x3FD0];
	(tm) =	ssettm $0x1  }
0x91: {  	s18 =	sld [smem:$0x3FFB];
	_ =	sdelay $0x3  }
0x92: {  	_ =	strace s18  }
0x93: {  	s3 =	sld [smem:$0x3FFC];
	_ =	sdelay $0x3  }
0x94: {  	_ =	strace s3  }
0x95: {  	s3 =	sld [smem:$0x3FFD];
	_ =	sdelay $0x3  }
0x96: {  	_ =	strace s3  }
0x97: {  	_ =	strace $0x8FFFFFFF  }
0x98: {  	s19 =	sld [smem:$0x3FDB];
	_ =	sdelay $0x1  }
0x99: {  	s4 =	simm.s32 $_scs_section_size  }
0x9a: {  	s5 =	simm.s32 $_size__tile_overlayer_lowered;
	s6 =	simm.s32 $_tile_overlayer_lowered  }
0x9b: {  	s22 =	simm.s32 $0x1BFF;
	s21 =	sshll.u32 s6, $0x1;
	s3 =	sadd.s32 s4, s19  }
0x9c: {  	s7 =	simm.s32 $0x0;
	s20 =	sshll.u32 s5, $0x1;
	s5 =	sadd.s32 s21, s3  }
0x9d: {  	[timem:s7], [sflag:s22] =	dma.local [hbm:s5], s20  }
0x9e: {  	_ =	swait.ge [sflag:s22], s20  }
0x9f: {  	s4 =	ssub.s32 $0x0, s20;
	[sflag:s22] =	ssyncset.done $0x0  }
0xa0: {  	[sflag:s22] =	ssyncadd.s32 s4;
	_ =	sdelay $0x1  }
0xa1: {  	s23 =	simm.s32 $0x1B8B  }
0xa2: {  	_ =	swait.ge [sflag:s23], $0x1  }
0xa3: {  	[sflag:s23] =	ssyncset.done $0x0  }
0xa4: {  	s25 =	simm.s32 $0x1B8E;
	s24 =	sld [smem:$0x3FFE];
	[sflag:s23] =	ssyncadd.s32 $0xFFFFFFFF  }
0xa5: {  	s26 =	simm.s32 $execute0_lowered;
	[smem:$0x3FD2] =	sst s25  }
0xa6: {  	s5 =	sshll.u32 s26, $0x1;
	_ =	strace $0x80000052;
	[dreg:$0x1] =	wrdreg $0xFFFFFFFF  }
0xa7: {  	s28 =	simm.s32 $_size_execute0_lowered;
	s3 =	sadd.s32 s3, s5;
	[dreg:$0x0] =	wrdreg $0x0  }
0xa8: {  	s5 =	sshll.u32 s28, $0x1;
	[dreg:$0x2] =	wrdreg s3  }
0xa9: {  	[dreg:$0x3] =	wrdreg s5  }
0xaa: {  	[dreg:$0x4] =	wrdreg $0xC0  }
0xab: {  	_ =	task [dreg:s7], $0x5FFFF  }
0xac: {  	[dreg:$0x1] =	wrdreg $0xFFFFFFFF  }
0xad: {  	[dreg:$0x0] =	wrdreg $0x60  }
0xae: {  	[dreg:$0x2] =	wrdreg s24  }
0xaf: {  	[dreg:$0x3] =	wrdreg s2  }
0xb0: {  	[dreg:$0x4] =	wrdreg $0xA8000  }
0xb1: {  	[dreg:$0x5] =	wrdreg $0x9  }
0xb2: {  	_ =	task.clear_ibuf [dreg:s7], $0x6FFFF;
	_ =	strace $0x90000052  }
0xb3: {  	s29 =	simm.s32 $0x9;
	_ =	strace $0x80000054  }
0xb4: {  	_ =	swait.ge [sflag:s29], $0x1  }
0xb5: {  	[sflag:s29] =	ssyncadd.s32 $0xFFFFFFFF  }
0xb6: {  	_ =	strace $0x90000054  }
0xb7: {  	_ =	sfence  }
0xb8: {  	s30 =	sld [smem:$0x0];
	_ =	sdelay $0x2  }
0xb9: {  	s31 =	sshll.u32 s1, $0xD;
	s1 =	sshrl.u32 s1, $0x2  }
0xba: {  	s3 =	sand.u32 $0x4000, s31;
	s1 =	sadd.s32 s1, s30  }
0xbb: {  	s0 =	sor.u32 s3, s0;
	s1 =	sshll.u32 s1, $0x11  }
0xbc: {  	s0 =	sor.u32 s1, s0  }
0xbd: {  	s0 =	sadd.s32 $0x8F2B, s0  }
0xbe: {  	[sflag:s0] =	ssyncadd.remote.s32 $0x1  }
0xbf: {  	_ =	sfence.sel $0xFFFF  }
0xc0: {  	[dreg:$0x0] =	wrdreg $0xFFFFFFFF;
	(pc) =	sbr.abs _section_cstart, $3  }
0xc1: {  	[dreg:$0x1] =	wrdreg $0xFFFFFFFF  }
0xc2: {  	_ =	task.clear_ibuf [dreg:s7], $0x2FFFF;
	_ =	strace $0x9FFFFFFF  }
0xc3: {  	(tm) =	ssettm $0x7FFFFFFF  }
tec
execute0_lowered:
.L_overlay_start_1:
0x0: {  	(tag) =	ssettag $0x1  }
0x1: {  	s5 =	rddreg [dreg:$0x0]  }
0x2: {  	s12 =	rddreg [dreg:$0x1]  }
0x3: {  	s2 =	rddreg [dreg:$0x2]  }
0x4: {  	s4 =	srdreg.scid;
	s0 =	stileid.u32  }
0x5: {  	s3 =	simm.s32 $0x0;
	s17 =	simm.s32 $0x3;
	s18 =	simm.s32 $0x1400  }
0x6: {  	s21 =	simm.s32 $0xFFFFFFD8;
	s19 =	simm.s32 $0x80;
	s20 =	simm.s32 $0x1  }
0x7: {  	s22 =	simm.s32 $0x4;
	s23 =	simm.s32 $0x2;
	s24 =	simm.s32 $0x1380  }
0x8: {  	s25 =	simm.s32 $0x2700;
	s6 =	sand.u32 $0x1, s4;
	s7 =	smul.u32 $0x2780, s0  }
0x9: {  	[smem:$0x7FF] =	sst s3;
	s4 =	sadd.s32 $0x4A600, s5;
	s26 =	smul.u32 $0x4F000, s0  }
0xa: {  	s13 =	sadd.s32 $0x19400, s5;
	s8 =	smul.u32 $0x27800, s6;
	_ =	strace $0x80000053  }
0xb: {  	s28 =	sshll.u32 s6, $0x4;
	s6 =	ssub.s32 $0x2, s6;
	[dreg:$0x4] =	wrdreg s21  }
0xc: {  	s21 =	simm.s32 $0x6800;
	s29 =	sor.u32 s0, s28;
	s30 =	sshrl.u32 s26, $0x2  }
0xd: {  	s31 =	sshrl.u32 s6, $0x1;
	s26 =	simm.s32 $0x2780;
	s9 =	smul.u32 $0x2800, s29  }
0xe: {  	s7 =	sadd.s32 s7, s8;
	s15 =	ssub.s32 s6, s31;
	s11 =	smul.u32 $0x500, s29  }
0xf: {  	s14 =	sadd.s32 s7, s5;
	s5 =	sadd.s32 s30, s2;
	s15 =	smax.u32 s15, $0x1  }
0x10: {  	s6 =	sadd.s32 $0x4000, s5;
	s7 =	sadd.s32 $0x8000, s5;
	s8 =	sadd.s32 $0xC000, s5  }
0x11: {  	s16 =	sshrl.u32 s9, $0x3;
	s9 =	sadd.s32 $0x10000, s5;
	s10 =	sadd.s32 s12, s11  }
0x12: {  	s11 =	sadd.s32 s13, s11;
	s14 =	sadd.s32 $0x10EC00, s14;
	s16 =	sadd.s32 $0x280, s16  }
0x13: {  	v0 =	vimm.f32 $0.0e+00;
	s12 =	sadd.s32 s12, s16;
	s13 =	sadd.s32 s13, s16;
	s16 =	simm.s32 $0x2800  }
.LBB2_1:
0x14: {  	s28 =	simm.s32 $0x0;
	s29 =	simm.s32 $0x200  }
.LBB2_2:
0x15: {  	p0 =	sne.s32 s29, $0xFE00;
	[tilespmem:s28+$0x2870] =	vst v0  }
0x16: {  	[tilespmem:s28+$0x2800] =	vst v0  }
0x17: {  	[tilespmem:s28+$0x2810] =	vst v0  }
.Ltmp0:
0x18: {  	[tilespmem:s28+$0x2820] =	vst v0;
	(pc) =	sbr.rel @p0 .LBB2_2-.Ltmp0, $4  }
0x19: {  	[tilespmem:s28+$0x2830] =	vst v0  }
0x1a: {  	[tilespmem:s28+$0x2840] =	vst v0  }
0x1b: {  	[tilespmem:s28+$0x2850] =	vst v0  }
0x1c: {  	[tilespmem:s28+$0x2860] =	vst v0;
	s28 =	sshra.s32 s29, $0x2;
	s29 =	sadd.s32 $0x200, s29  }
0x1d: {  	[tilespmem:s28+$0x2870] =	vst v0  }
0x1e: {  	[tilespmem:s28+$0x2800] =	vst v0  }
0x1f: {  	[tilespmem:s28+$0x2810] =	vst v0  }
0x20: {  	[tilespmem:s28+$0x2820] =	vst v0  }
0x21: {  	[tilespmem:s28+$0x2830] =	vst v0  }
0x22: {  	[tilespmem:s28+$0x2840] =	vst v0  }
0x23: {  	[tilespmem:s28+$0x2850] =	vst v0  }
0x24: {  	[tilespmem:s28+$0x2860] =	vst v0  }
0x25: {  	[spmem:s5] =	stream.linear.scatter [tilespmem:s16], [sflag:$0x3], $0x4000, $0x38;
	[tilespmem:$0x1E400] =	vst v63  }
0x26: {  	_ =	swait.ge [sflag:s17], $0x4000  }
0x27: {  	[sflag:s17] =	ssyncset.done $0x0  }
0x28: {  	[sflag:s17] =	ssyncadd.s32 $0xFFFFC000  }
0x29: {  	[spmem:s6] =	stream.linear.scatter [tilespmem:s16], [sflag:$0x3], $0x4000, $0x38;
	[tilespmem:$0x1E400] =	vst v63  }
0x2a: {  	_ =	swait.ge [sflag:s17], $0x4000  }
0x2b: {  	[sflag:s17] =	ssyncset.done $0x0  }
0x2c: {  	[sflag:s17] =	ssyncadd.s32 $0xFFFFC000  }
0x2d: {  	[spmem:s7] =	stream.linear.scatter [tilespmem:s16], [sflag:$0x3], $0x4000, $0x38;
	[tilespmem:$0x1E400] =	vst v63  }
0x2e: {  	_ =	swait.ge [sflag:s17], $0x4000  }
0x2f: {  	[sflag:s17] =	ssyncset.done $0x0  }
0x30: {  	[sflag:s17] =	ssyncadd.s32 $0xFFFFC000  }
0x31: {  	[spmem:s8] =	stream.linear.scatter [tilespmem:s16], [sflag:$0x3], $0x4000, $0x38;
	[tilespmem:$0x1E400] =	vst v63  }
0x32: {  	_ =	swait.ge [sflag:s17], $0x4000  }
0x33: {  	[sflag:s17] =	ssyncset.done $0x0  }
0x34: {  	[sflag:s17] =	ssyncadd.s32 $0xFFFFC000  }
0x35: {  	[spmem:s9] =	stream.linear.scatter [tilespmem:s16], [sflag:$0x3], $0x3C00, $0x38;
	[tilespmem:$0x1E400] =	vst v63  }
0x36: {  	_ =	swait.ge [sflag:s17], $0x3C00  }
0x37: {  	[sflag:s17] =	ssyncset.done $0x0  }
0x38: {  	s28 =	simm.s32 $0x0;
	[sflag:s17] =	ssyncadd.s32 $0xFFFFC400  }
0x39: {  	[tilespmem:s28], [sflag:$0x3] =	stream.linear.gather [hbm4b:s10+s28], $0x1400, $0x38;
	[tilespmem:$0x1E400] =	vst v63  }
0x3a: {  	_ =	swait.ge [sflag:s17], $0x1400  }
0x3b: {  	[sflag:s17] =	ssyncset.done $0x0  }
0x3c: {  	[sflag:s17] =	ssyncadd.s32 $0xFFFFEC00  }
0x3d: {  	[tilespmem:s18], [sflag:$0x3] =	stream.linear.gather [hbm4b:s11+s28], $0x1400, $0x38;
	[tilespmem:$0x1E400] =	vst v63  }
0x3e: {  	_ =	swait.ge [sflag:s17], $0x1400  }
0x3f: {  	[sflag:s17] =	ssyncset.done $0x0  }
0x40: {  	[sflag:s17] =	ssyncadd.s32 $0xFFFFEC00  }
0x41: {  	[bflag:$0x0] =	sbarrier.arrive $0xFFFF  }
0x42: {  	[tilespmem:s16], [sflag:$0x1] =	stream.indirect.gather [hbm4b:s4+s19], $0x80, s28, s19, $0xb8;
	[tilespmem:$0x1E400] =	vst v63  }
0x43: {  	p0 =	por $0x1, $0x1;
	s29 =	simm.s32 $0x0;
	_ =	swait.ge [sflag:s20], $0x4000  }
0x44: {  	p1 =	por $0x0, $0x0;
	s29 =	simm.s32 @!p0 $0x7FFFD8;
	s28 =	rddreg [dreg:$0x4]  }
0x45: {  	s29 =	sadd.s32 $0x2, s29;
	s28 =	simm.s32 @!p1 $0x0  }
0x46: {  	s29 =	sshll.u32 s29, $0x9;
	s28 =	sadd.s32 $0x2, s28  }
0x47: {  	s29 =	sadd.s32 $0xFFFFFC00, s29;
	[sflag:s20] =	ssyncset.done $0x0;
	s28 =	sshll.u32 s28, $0x7  }
0x48: {  	s29 =	sshra.s32 s29, $0x2;
	[sflag:s20] =	ssyncadd.s32 $0xFFFFC000;
	s28 =	sadd.s32 $0xFFFFFF80, s28  }
0x49: {  	[tilespmem:s21], [sflag:$0x2] =	stream.indirect.gather [hbm4b:s4+s19], $0x80, s28, s19, $0xb8;
	[tilespmem:$0x1E400] =	vst v63  }
0x4a: {  	s29 =	sadd.s32 $0x1400, s29  }
0x4b: {  	[spmem:s2] =	stream.indirect.scatter.add.f32 [tilespmem:s16], [sflag:$0x4], $0x80, s29, s19, $0xb8;
	[tilespmem:$0x1E400] =	vst v63  }
0x4c: {  	_ =	swait.ge [sflag:s22], $0x4000  }
0x4d: {  	[sflag:s22] =	ssyncset.done $0x0  }
0x4e: {  	[sflag:s22] =	ssyncadd.s32 $0xFFFFC000  }
0x4f: {  	s30 =	simm.s32 $0x0;
	p0 =	por $0x1, $0x1;
	_ =	swait.ge [sflag:s23], $0x4000  }
0x50: {  	s30 =	simm.s32 @!p0 $0x7FFFD8;
	p1 =	por $0x1, $0x1;
	[sflag:s23] =	ssyncset.done $0x0  }
0x51: {  	s31 =	simm.s32 @!p1 $0x4;
	s29 =	simm.s32 @!p1 $0x0;
	[sflag:s23] =	ssyncadd.s32 $0xFFFFC000  }
0x52: {  	[tilespmem:s29], [sflag:$0x4] =	stream.linear.gather @!p1 [hbm4b:s12+s29], $0x1400, $0x38;
	[tilespmem:$0x1E400] =	vst v63  }
0x53: {  	s30 =	sadd.s32 $0x2, s30;
	_ =	swait.ge @!p1 [sflag:s31], $0x1400  }
0x54: {  	s30 =	sshll.u32 s30, $0x9;
	[sflag:s31] =	ssyncset.done @!p1 $0x0  }
0x55: {  	s30 =	sshra.s32 s30, $0x2;
	[sflag:s31] =	ssyncadd.s32 @!p1 $0xFFFFEC00  }
0x56: {  	[tilespmem:s16], [sflag:$0x1] =	stream.indirect.gather [hbm4b:s4+s19], $0x80, s30, s19, $0xb8;
	[tilespmem:$0x1E400] =	vst v63  }
0x57: {  	s28 =	sadd.s32 $0x1400, s28  }
0x58: {  	[spmem:s2] =	stream.indirect.scatter.add.f32 [tilespmem:s21], [sflag:$0x4], $0x80, s28, s19, $0xb8;
	[tilespmem:$0x1E400] =	vst v63  }
0x59: {  	_ =	swait.ge [sflag:s22], $0x4000  }
0x5a: {  	[sflag:s22] =	ssyncset.done $0x0  }
0x5b: {  	s30 =	simm.s32 @!p1 $0x3;
	s28 =	simm.s32 @!p1 $0x1400;
	[sflag:s22] =	ssyncadd.s32 $0xFFFFC000  }
0x5c: {  	[tilespmem:s28], [sflag:$0x3] =	stream.linear.gather @!p1 [hbm4b:s13+s29], $0x1400, $0x38;
	[tilespmem:$0x1E400] =	vst v63  }
0x5d: {  	s28 =	simm.s32 $0x2;
	s29 =	simm.s32 $0x1;
	_ =	swait.ge @!p1 [sflag:s30], $0x1400  }
.LBB2_4:
0x5e: {  	[sflag:s30] =	ssyncset.done @!p1 $0x0  }
0x5f: {  	s28 =	sadd.s32 $0x2, s28;
	s31 =	smov.u32 s29;
	[sflag:s30] =	ssyncadd.s32 @!p1 $0xFFFFEC00  }
0x60: {  	s0 =	simm.s32 $0x0;
	p2 =	slt.u32 s31, $0x14;
	_ =	swait.ge [sflag:s20], $0x4000  }
0x61: {  	p1 =	sgt.u32 s31, $0x13;
	s0 =	simm.s32 @!p2 $0x7FFFD8;
	s30 =	rddreg [dreg:$0x4]  }
0x62: {  	s0 =	sadd.s32 s28, s0;
	s30 =	simm.s32 @!p1 $0x0  }
0x63: {  	s0 =	sshll.u32 s0, $0x9;
	s30 =	sadd.s32 s28, s30  }
0x64: {  	[sflag:s20] =	ssyncset.done $0x0;
	s0 =	sadd.s32 $0xFFFFFC00, s0;
	s30 =	sshll.u32 s30, $0x7  }
0x65: {  	[sflag:s20] =	ssyncadd.s32 $0xFFFFC000;
	s0 =	sshra.s32 s0, $0x2;
	s30 =	sadd.s32 $0xFFFFFF80, s30  }
0x66: {  	[tilespmem:s21], [sflag:$0x2] =	stream.indirect.gather [hbm4b:s4+s19], $0x80, s30, s19, $0xb8;
	[tilespmem:$0x1E400] =	vst v63  }
0x67: {  	s0 =	sadd.s32 $0x1400, s0  }
0x68: {  	[spmem:s2] =	stream.indirect.scatter.add.f32 [tilespmem:s16], [sflag:$0x4], $0x80, s0, s19, $0xb8;
	[tilespmem:$0x1E400] =	vst v63  }
0x69: {  	_ =	swait.ge [sflag:s22], $0x4000  }
0x6a: {  	[sflag:s22] =	ssyncset.done $0x0  }
0x6b: {  	[sflag:s22] =	ssyncadd.s32 $0xFFFFC000  }
0x6c: {  	s1 =	simm.s32 $0x0;
	p2 =	slt.u32 s31, $0x13;
	_ =	swait.ge [sflag:s23], $0x4000  }
0x6d: {  	s1 =	simm.s32 @!p2 $0x7FFFD8;
	p1 =	sne.s32 s31, $0x13;
	[sflag:s23] =	ssyncset.done $0x0  }
0x6e: {  	s31 =	simm.s32 @!p1 $0x4;
	s0 =	simm.s32 @!p1 $0x0;
	[sflag:s23] =	ssyncadd.s32 $0xFFFFC000  }
0x6f: {  	[tilespmem:s0], [sflag:$0x4] =	stream.linear.gather @!p1 [hbm4b:s12+s0], $0x1400, $0x38;
	[tilespmem:$0x1E400] =	vst v63  }
0x70: {  	s1 =	sadd.s32 s28, s1;
	_ =	swait.ge @!p1 [sflag:s31], $0x1400  }
0x71: {  	s1 =	sshll.u32 s1, $0x9;
	[sflag:s31] =	ssyncset.done @!p1 $0x0  }
0x72: {  	s29 =	sadd.s32 $0x1, s29;
	s1 =	sshra.s32 s1, $0x2;
	[sflag:s31] =	ssyncadd.s32 @!p1 $0xFFFFEC00  }
0x73: {  	[tilespmem:s16], [sflag:$0x1] =	stream.indirect.gather [hbm4b:s4+s19], $0x80, s1, s19, $0xb8;
	[tilespmem:$0x1E400] =	vst v63  }
0x74: {  	p0 =	sne.s32 s29, $0x27;
	s30 =	sadd.s32 $0x1400, s30  }
0x75: {  	[spmem:s2] =	stream.indirect.scatter.add.f32 [tilespmem:s21], [sflag:$0x4], $0x80, s30, s19, $0xb8;
	[tilespmem:$0x1E400] =	vst v63  }
.Ltmp1:
0x76: {  	_ =	swait.ge [sflag:s22], $0x4000;
	(pc) =	sbr.rel @p0 .LBB2_4-.Ltmp1, $4  }
0x77: {  	[sflag:s22] =	ssyncset.done $0x0  }
0x78: {  	s1 =	simm.s32 @!p1 $0x1400;
	s30 =	simm.s32 @!p1 $0x3;
	[sflag:s22] =	ssyncadd.s32 $0xFFFFC000  }
0x79: {  	[tilespmem:s1], [sflag:$0x3] =	stream.linear.gather @!p1 [hbm4b:s13+s0], $0x1400, $0x38;
	[tilespmem:$0x1E400] =	vst v63  }
0x7a: {  	_ =	swait.ge @!p1 [sflag:s30], $0x1400  }
0x7b: {  	[sflag:s30] =	ssyncset.done @!p1 $0x0  }
0x7c: {  	[sflag:s30] =	ssyncadd.s32 @!p1 $0xFFFFEC00  }
0x7d: {  	_ =	swait.ge [sflag:s20], $0x4000  }
0x7e: {  	[sflag:s20] =	ssyncset.done $0x0  }
0x7f: {  	[sflag:s20] =	ssyncadd.s32 $0xFFFFC000  }
0x80: {  	[tilespmem:s21], [sflag:$0x2] =	stream.indirect.gather [hbm4b:s4+s19], $0x80, s24, s19, $0xb8;
	[tilespmem:$0x1E400] =	vst v63  }
0x81: {  	_ = 	snop  }
0x82: {  	[spmem:s2] =	stream.indirect.scatter.add.f32 [tilespmem:s16], [sflag:$0x3], $0x80, s25, s19, $0xb8;
	[tilespmem:$0x1E400] =	vst v63  }
0x83: {  	_ =	swait.ge [sflag:s17], $0x4000  }
0x84: {  	[sflag:s17] =	ssyncset.done $0x0  }
0x85: {  	[sflag:s17] =	ssyncadd.s32 $0xFFFFC000  }
0x86: {  	_ =	swait.ge [sflag:s23], $0x4000  }
0x87: {  	[sflag:s23] =	ssyncset.done $0x0  }
0x88: {  	[sflag:s23] =	ssyncadd.s32 $0xFFFFC000  }
0x89: {  	[spmem:s2] =	stream.indirect.scatter.add.f32 [tilespmem:s21], [sflag:$0x3], $0x80, s26, s19, $0xb8;
	[tilespmem:$0x1E400] =	vst v63  }
0x8a: {  	s0 =	stileid.u32;
	_ =	swait.ge [sflag:s17], $0x4000  }
0x8b: {  	s1 =	sshrl.u32 s5, $0x3;
	s3 =	sadd.s32 $0x1, s3;
	[sflag:s17] =	ssyncset.done $0x0  }
0x8c: {  	s0 =	sshll.u32 s0, $0x6;
	p0 =	sne.s32 s3, s15;
	[sflag:s17] =	ssyncadd.s32 $0xFFFFC000  }
.Ltmp2:
0x8d: {  	s0 =	sor.u32 $0x1C03, s0;
	[bflag:$0x0] =	sbarrier.arrive $0xFFFF;
	(pc) =	sbr.rel @p0 .LBB2_1-.Ltmp2, $4  }
0x8e: {  	[hbm:s14], [sflag:s0] =	dma.local [spmem:s1], $0x2780  }
0x8f: {  	_ =	swait.ge [sflag:s17], $0x2780  }
0x90: {  	[sflag:s17] =	ssyncset.done $0x0  }
0x91: {  	[sflag:s17] =	ssyncadd.s32 $0xFFFFD880  }
0x92: {  	_ =	sfence.sel $0x180000  }
0x93: {  	[bflag:$0x0] =	sbarrier.arrive $0xFFFF  }
0x94: {  	_ =	strace $0x90000053  }
0x95: {  	s0 =	stileid.u32;
	[bflag:$0x2] =	sbarrier.arrive $0xFFFF  }
0x96: {  	p0 =	sne.s32 s0, $0x0;
	s0 =	rddreg [dreg:$0x3]  }
0x97: {  	s0 =	sadd.s32 @!p0 $0x100000, s0  }
0x98: {  	[sflag:s0] =	ssyncadd.tile.s32 @!p0 $0x1;
	_ =	shalt  }
.Lfunc_end2:
_tile_overlayer_lowered:
.L_overlay_start_2:
0x99: {  	(tag) =	ssettag $0x2  }
0x9a: {  	s0 =	rddreg [dreg:$0x0];
	s2 =	stileid.u32  }
0x9b: {  	s1 =	rddreg [dreg:$0x1];
	p0 =	sne.s32 s2, $0x0  }
0x9c: {  	s3 =	rddreg [dreg:$0x2];
	[bflag:$0x3] =	sbarrier.arrive $0xFFFF;
	s2 =	simm.s32 @!p0 $0x1C03  }
0x9d: {  	[timem:s3], [sflag:s2] =	dma.local @!p0 [hbm:s0], s1  }
0x9e: {  	s0 =	simm.s32 @!p0 $0x3  }
0x9f: {  	_ =	swait.ge @!p0 [sflag:s0], s1  }
0xa0: {  	s1 =	ssub.s32 @!p0 $0x0, s1;
	[sflag:s0] =	ssyncset.done @!p0 $0x0  }
0xa1: {  	[sflag:s0] =	ssyncadd.s32 @!p0 s1  }
0xa2: {  	[bflag:$0x3] =	sbarrier.arrive $0xFFFF  }
0xa3: {  	_ =	shalt  }

</sc_bundles>
